<compile_context>
chip_gen: v7x
topology: tpu7x:2x2x1
jax: 0.10.2.dev20260603
libtpu: 0.0.44.dev20260713+nightly
codegen_flags: <defaults>
</compile_context>

<pallas_src>
import functools

import jax
import jax.numpy as jnp
from jax import lax
from jax.experimental import pallas as pl
from jax.experimental.pallas import tpu as pltpu
from jax.experimental.pallas import tpu_sc as plsc

B = 16384
D = 1536
V = 32
L = 16
NC = 2
NS = 16
NW = NC * NS
B_PER_W = B // NW
CHUNK = 16
NCHUNK = B_PER_W // CHUNK


def _gather_body(rep_hbm, idx_hbm, out_hbm, idx_v, bufs, gsem, ssem):
    sid = lax.axis_index("s")
    wid = sid * NC + lax.axis_index("c")
    base = wid * B_PER_W

    pltpu.sync_copy(idx_hbm.at[pl.ds(base, B_PER_W)], idx_v)
    rebase = jnp.broadcast_to(wid * V, (L,)).astype(jnp.int32)
    for k in range(B_PER_W // L):
        idx_v[pl.ds(k * L, L)] = idx_v[pl.ds(k * L, L)] + rebase

    def idx_slice(g):
        return idx_v.at[pl.ds(g * CHUNK, CHUNK)]

    def out_slice(g):
        return out_hbm.at[pl.ds(base + g * CHUNK, CHUNK)]

    pltpu.async_copy(rep_hbm.at[idx_slice(0)], bufs.at[0], gsem)
    pltpu.async_copy(rep_hbm.at[idx_slice(1)], bufs.at[1], gsem)

    for g in range(NCHUNK):
        cur = g % 3
        pltpu.make_async_copy(rep_hbm.at[idx_slice(g)], bufs.at[cur], gsem).wait()
        if g >= 1:
            pltpu.make_async_copy(bufs.at[(g - 1) % 3], out_slice(g - 1), ssem).wait()
        if g + 2 < NCHUNK:
            pltpu.async_copy(rep_hbm.at[idx_slice(g + 2)], bufs.at[(g + 2) % 3], gsem)
        pltpu.async_copy(bufs.at[cur], out_slice(g), ssem)

    pltpu.make_async_copy(bufs.at[(NCHUNK - 1) % 3], out_slice(NCHUNK - 1), ssem).wait()


def kernel(b, cat_ids):
    cat_ids = cat_ids.astype(jnp.int32)
    rep = jnp.tile(b, (NW, 1))
    mesh = plsc.VectorSubcoreMesh(core_axis_name="c", subcore_axis_name="s")
    run = functools.partial(
        pl.kernel,
        mesh=mesh,
        compiler_params=pltpu.CompilerParams(needs_layout_passes=False),
        out_type=jax.ShapeDtypeStruct((B, D), jnp.float32),
        scratch_types=[
            pltpu.VMEM((B_PER_W,), jnp.int32),
            pltpu.VMEM((3, CHUNK, D), jnp.float32),
            pltpu.SemaphoreType.DMA,
            pltpu.SemaphoreType.DMA,
        ],
    )(_gather_body)
    return run(rep, cat_ids)

# --- scband reference (transcript-rebuilt; emitter-appended) ---
"""Pipeline reference for scband-select-bwrapper-87359634800888 (READ-ONLY COPY).

The authoritative reference and input builder live on the scoring server;
editing this copy changes nothing except your own understanding.
"""

import jax, jax.numpy as jnp
import numpy as np


def setup_inputs(seed: int = 0) -> dict:
    key = jax.random.key(seed)
    kb, ki = jax.random.split(key)
    b = jax.random.normal(kb, (32, 1536), dtype=jnp.float32)
    cat_ids = jax.random.randint(ki, (16384,), 0, 32, dtype=jnp.int64)
    return {"b": b, "cat_ids": cat_ids}


def reference(b, cat_ids):
    # Faithful translation of self.b[cat_ids] -- row gather from b.
    return jnp.take(b, cat_ids, axis=0)

if __name__ == "__main__":
    import jax
    _d = setup_inputs()
    print(jax.jit(kernel)(*tuple(_d.values())))

</pallas_src>

<mosaic_0001>
#map = affine_map<(d0, d1) -> (0, 0)>
#map1 = affine_map<(d0, d1) -> (0)>
module attributes {stable_mosaic.version = 14 : i64} {
  func.func @_gather_body(%arg0: i32, %arg1: i32, %arg2: memref<1024x1536xf32, #tpu.memory_space<hbm>>, %arg3: memref<16384xi32, #tpu.memory_space<hbm>>, %arg4: memref<16384x1536xf32, #tpu.memory_space<hbm>>, %arg5: memref<512xi32, #tpu.memory_space<vmem>>, %arg6: memref<3x16x1536xf32, #tpu.memory_space<vmem>>, %arg7: memref<!tpu.dma_semaphore, #tpu.memory_space<semaphore_mem>>, %arg8: memref<!tpu.dma_semaphore, #tpu.memory_space<semaphore_mem>>) attributes {dimension_semantics = [#tpu.dimension_semantics<core_parallel>, #tpu.dimension_semantics<subcore_parallel>], iteration_bounds = array<i64: 2, 16>, scalar_prefetch = 0 : i64, scratch_operands = 4 : i64, tpu.core_type = #tpu.core_type<sc_vector_subcore>, window_params = [{transform_indices = #map}, {transform_indices = #map1}, {transform_indices = #map}]} {
    %mul3A = arith.constant 2 : i32
    %mul3A_0 = arith.muli %arg1, %mul3A : i32
    %add3A = arith.addi %mul3A_0, %arg0 : i32
    %mul3A_1 = arith.constant 512 : i32
    %mul3A_2 = arith.muli %add3A, %mul3A_1 : i32
    "tpu.region"() ({
      %run_scoped3A = tpu.sem_alloc : memref<!tpu.dma_semaphore, #tpu.memory_space<semaphore_mem>>
      %dma_start3A_1761 = tpu.memref_slice %arg3[%mul3A_2] : memref<16384xi32, #tpu.memory_space<hbm>> -> memref<512xi32, #tpu.memory_space<hbm>>
      %dma_start3A_1762 = tpu.memref_slice %arg3[%mul3A_2] : memref<16384xi32, #tpu.memory_space<hbm>> -> memref<512xi32, #tpu.memory_space<hbm>>
      tpu.enqueue_dma source(%dma_start3A_1762 : memref<512xi32, #tpu.memory_space<hbm>>) target(%arg5 : memref<512xi32, #tpu.memory_space<vmem>>) target_semaphore(%run_scoped3A : memref<!tpu.dma_semaphore, #tpu.memory_space<semaphore_mem>>)
      %dma_wait3A_1763 = tpu.memref_slice %arg3[%mul3A_2] : memref<16384xi32, #tpu.memory_space<hbm>> -> memref<512xi32, #tpu.memory_space<hbm>>
      %dma_wait3A_1764 = tpu.memref_slice %arg3[%mul3A_2] : memref<16384xi32, #tpu.memory_space<hbm>> -> memref<512xi32, #tpu.memory_space<hbm>>
      tpu.wait_dma2 semaphore(%run_scoped3A : memref<!tpu.dma_semaphore, #tpu.memory_space<semaphore_mem>>) src(%dma_wait3A_1764 : memref<512xi32, #tpu.memory_space<hbm>>) dst(%arg5 : memref<512xi32, #tpu.memory_space<vmem>>)
      tpu.yield
    }) : () -> ()
    %mul3A_3 = arith.constant 32 : i32
    %mul3A_4 = arith.muli %add3A, %mul3A_3 : i32
    %broadcast_in_dim3A = vector.broadcast %mul3A_4 : i32 to vector<16xi32>
    %get3A = arith.constant 0 : index
    %get3A_5 = tpu.vector_load %arg5[%get3A] {strides = array<i32>} : memref<512xi32, #tpu.memory_space<vmem>>, vector<16xi32>,
    %add3A_6 = arith.addi %get3A_5, %broadcast_in_dim3A : vector<16xi32>
    %swap3A = arith.constant 0 : index
    %swap3A_7 = tpu.vector_load %arg5[%swap3A] {strides = array<i32>} : memref<512xi32, #tpu.memory_space<vmem>>, vector<16xi32>,
    tpu.vector_store %arg5[%swap3A], %add3A_6 {strides = array<i32>} : memref<512xi32, #tpu.memory_space<vmem>>, vector<16xi32>,
    %get3A_8 = arith.constant 16 : index
    %get3A_9 = tpu.vector_load %arg5[%get3A_8] {strides = array<i32>} : memref<512xi32, #tpu.memory_space<vmem>>, vector<16xi32>,
    %add3A_10 = arith.addi %get3A_9, %broadcast_in_dim3A : vector<16xi32>
    %swap3A_11 = arith.constant 16 : index
    %swap3A_12 = tpu.vector_load %arg5[%swap3A_11] {strides = array<i32>} : memref<512xi32, #tpu.memory_space<vmem>>, vector<16xi32>,
    tpu.vector_store %arg5[%swap3A_11], %add3A_10 {strides = array<i32>} : memref<512xi32, #tpu.memory_space<vmem>>, vector<16xi32>,
    %get3A_13 = arith.constant 32 : index
    %get3A_14 = tpu.vector_load %arg5[%get3A_13] {strides = array<i32>} : memref<512xi32, #tpu.memory_space<vmem>>, vector<16xi32>,
    %add3A_15 = arith.addi %get3A_14, %broadcast_in_dim3A : vector<16xi32>
    %swap3A_16 = arith.constant 32 : index
    %swap3A_17 = tpu.vector_load %arg5[%swap3A_16] {strides = array<i32>} : memref<512xi32, #tpu.memory_space<vmem>>, vector<16xi32>,
    tpu.vector_store %arg5[%swap3A_16], %add3A_15 {strides = array<i32>} : memref<512xi32, #tpu.memory_space<vmem>>, vector<16xi32>,
    %get3A_18 = arith.constant 48 : index
    %get3A_19 = tpu.vector_load %arg5[%get3A_18] {strides = array<i32>} : memref<512xi32, #tpu.memory_space<vmem>>, vector<16xi32>,
    %add3A_20 = arith.addi %get3A_19, %broadcast_in_dim3A : vector<16xi32>
    %swap3A_21 = arith.constant 48 : index
    %swap3A_22 = tpu.vector_load %arg5[%swap3A_21] {strides = array<i32>} : memref<512xi32, #tpu.memory_space<vmem>>, vector<16xi32>,
    tpu.vector_store %arg5[%swap3A_21], %add3A_20 {strides = array<i32>} : memref<512xi32, #tpu.memory_space<vmem>>, vector<16xi32>,
    %get3A_23 = arith.constant 64 : index
    %get3A_24 = tpu.vector_load %arg5[%get3A_23] {strides = array<i32>} : memref<512xi32, #tpu.memory_space<vmem>>, vector<16xi32>,
    %add3A_25 = arith.addi %get3A_24, %broadcast_in_dim3A : vector<16xi32>
    %swap3A_26 = arith.constant 64 : index
    %swap3A_27 = tpu.vector_load %arg5[%swap3A_26] {strides = array<i32>} : memref<512xi32, #tpu.memory_space<vmem>>, vector<16xi32>,
    tpu.vector_store %arg5[%swap3A_26], %add3A_25 {strides = array<i32>} : memref<512xi32, #tpu.memory_space<vmem>>, vector<16xi32>,
    %get3A_28 = arith.constant 80 : index
    %get3A_29 = tpu.vector_load %arg5[%get3A_28] {strides = array<i32>} : memref<512xi32, #tpu.memory_space<vmem>>, vector<16xi32>,
    %add3A_30 = arith.addi %get3A_29, %broadcast_in_dim3A : vector<16xi32>
    %swap3A_31 = arith.constant 80 : index
    %swap3A_32 = tpu.vector_load %arg5[%swap3A_31] {strides = array<i32>} : memref<512xi32, #tpu.memory_space<vmem>>, vector<16xi32>,
    tpu.vector_store %arg5[%swap3A_31], %add3A_30 {strides = array<i32>} : memref<512xi32, #tpu.memory_space<vmem>>, vector<16xi32>,
    %get3A_33 = arith.constant 96 : index
    %get3A_34 = tpu.vector_load %arg5[%get3A_33] {strides = array<i32>} : memref<512xi32, #tpu.memory_space<vmem>>, vector<16xi32>,
    %add3A_35 = arith.addi %get3A_34, %broadcast_in_dim3A : vector<16xi32>
    %swap3A_36 = arith.constant 96 : index
    %swap3A_37 = tpu.vector_load %arg5[%swap3A_36] {strides = array<i32>} : memref<512xi32, #tpu.memory_space<vmem>>, vector<16xi32>,
    tpu.vector_store %arg5[%swap3A_36], %add3A_35 {strides = array<i32>} : memref<512xi32, #tpu.memory_space<vmem>>, vector<16xi32>,
    %get3A_38 = arith.constant 112 : index
    %get3A_39 = tpu.vector_load %arg5[%get3A_38] {strides = array<i32>} : memref<512xi32, #tpu.memory_space<vmem>>, vector<16xi32>,
    %add3A_40 = arith.addi %get3A_39, %broadcast_in_dim3A : vector<16xi32>
    %swap3A_41 = arith.constant 112 : index
    %swap3A_42 = tpu.vector_load %arg5[%swap3A_41] {strides = array<i32>} : memref<512xi32, #tpu.memory_space<vmem>>, vector<16xi32>,
    tpu.vector_store %arg5[%swap3A_41], %add3A_40 {strides = array<i32>} : memref<512xi32, #tpu.memory_space<vmem>>, vector<16xi32>,
    %get3A_43 = arith.constant 128 : index
    %get3A_44 = tpu.vector_load %arg5[%get3A_43] {strides = array<i32>} : memref<512xi32, #tpu.memory_space<vmem>>, vector<16xi32>,
    %add3A_45 = arith.addi %get3A_44, %broadcast_in_dim3A : vector<16xi32>
    %swap3A_46 = arith.constant 128 : index
    %swap3A_47 = tpu.vector_load %arg5[%swap3A_46] {strides = array<i32>} : memref<512xi32, #tpu.memory_space<vmem>>, vector<16xi32>,
    tpu.vector_store %arg5[%swap3A_46], %add3A_45 {strides = array<i32>} : memref<512xi32, #tpu.memory_space<vmem>>, vector<16xi32>,
    %get3A_48 = arith.constant 144 : index
    %get3A_49 = tpu.vector_load %arg5[%get3A_48] {strides = array<i32>} : memref<512xi32, #tpu.memory_space<vmem>>, vector<16xi32>,
    %add3A_50 = arith.addi %get3A_49, %broadcast_in_dim3A : vector<16xi32>
    %swap3A_51 = arith.constant 144 : index
    %swap3A_52 = tpu.vector_load %arg5[%swap3A_51] {strides = array<i32>} : memref<512xi32, #tpu.memory_space<vmem>>, vector<16xi32>,
    tpu.vector_store %arg5[%swap3A_51], %add3A_50 {strides = array<i32>} : memref<512xi32, #tpu.memory_space<vmem>>, vector<16xi32>,
    %get3A_53 = arith.constant 160 : index
    %get3A_54 = tpu.vector_load %arg5[%get3A_53] {strides = array<i32>} : memref<512xi32, #tpu.memory_space<vmem>>, vector<16xi32>,
    %add3A_55 = arith.addi %get3A_54, %broadcast_in_dim3A : vector<16xi32>
    %swap3A_56 = arith.constant 160 : index
    %swap3A_57 = tpu.vector_load %arg5[%swap3A_56] {strides = array<i32>} : memref<512xi32, #tpu.memory_space<vmem>>, vector<16xi32>,
    tpu.vector_store %arg5[%swap3A_56], %add3A_55 {strides = array<i32>} : memref<512xi32, #tpu.memory_space<vmem>>, vector<16xi32>,
    %get3A_58 = arith.constant 176 : index
    %get3A_59 = tpu.vector_load %arg5[%get3A_58] {strides = array<i32>} : memref<512xi32, #tpu.memory_space<vmem>>, vector<16xi32>,
    %add3A_60 = arith.addi %get3A_59, %broadcast_in_dim3A : vector<16xi32>
    %swap3A_61 = arith.constant 176 : index
    %swap3A_62 = tpu.vector_load %arg5[%swap3A_61] {strides = array<i32>} : memref<512xi32, #tpu.memory_space<vmem>>, vector<16xi32>,
    tpu.vector_store %arg5[%swap3A_61], %add3A_60 {strides = array<i32>} : memref<512xi32, #tpu.memory_space<vmem>>, vector<16xi32>,
    %get3A_63 = arith.constant 192 : index
    %get3A_64 = tpu.vector_load %arg5[%get3A_63] {strides = array<i32>} : memref<512xi32, #tpu.memory_space<vmem>>, vector<16xi32>,
    %add3A_65 = arith.addi %get3A_64, %broadcast_in_dim3A : vector<16xi32>
    %swap3A_66 = arith.constant 192 : index
    %swap3A_67 = tpu.vector_load %arg5[%swap3A_66] {strides = array<i32>} : memref<512xi32, #tpu.memory_space<vmem>>, vector<16xi32>,
    tpu.vector_store %arg5[%swap3A_66], %add3A_65 {strides = array<i32>} : memref<512xi32, #tpu.memory_space<vmem>>, vector<16xi32>,
    %get3A_68 = arith.constant 208 : index
    %get3A_69 = tpu.vector_load %arg5[%get3A_68] {strides = array<i32>} : memref<512xi32, #tpu.memory_space<vmem>>, vector<16xi32>,
    %add3A_70 = arith.addi %get3A_69, %broadcast_in_dim3A : vector<16xi32>
    %swap3A_71 = arith.constant 208 : index
    %swap3A_72 = tpu.vector_load %arg5[%swap3A_71] {strides = array<i32>} : memref<512xi32, #tpu.memory_space<vmem>>, vector<16xi32>,
    tpu.vector_store %arg5[%swap3A_71], %add3A_70 {strides = array<i32>} : memref<512xi32, #tpu.memory_space<vmem>>, vector<16xi32>,
    %get3A_73 = arith.constant 224 : index
    %get3A_74 = tpu.vector_load %arg5[%get3A_73] {strides = array<i32>} : memref<512xi32, #tpu.memory_space<vmem>>, vector<16xi32>,
    %add3A_75 = arith.addi %get3A_74, %broadcast_in_dim3A : vector<16xi32>
    %swap3A_76 = arith.constant 224 : index
    %swap3A_77 = tpu.vector_load %arg5[%swap3A_76] {strides = array<i32>} : memref<512xi32, #tpu.memory_space<vmem>>, vector<16xi32>,
    tpu.vector_store %arg5[%swap3A_76], %add3A_75 {strides = array<i32>} : memref<512xi32, #tpu.memory_space<vmem>>, vector<16xi32>,
    %get3A_78 = arith.constant 240 : index
    %get3A_79 = tpu.vector_load %arg5[%get3A_78] {strides = array<i32>} : memref<512xi32, #tpu.memory_space<vmem>>, vector<16xi32>,
    %add3A_80 = arith.addi %get3A_79, %broadcast_in_dim3A : vector<16xi32>
    %swap3A_81 = arith.constant 240 : index
    %swap3A_82 = tpu.vector_load %arg5[%swap3A_81] {strides = array<i32>} : memref<512xi32, #tpu.memory_space<vmem>>, vector<16xi32>,
    tpu.vector_store %arg5[%swap3A_81], %add3A_80 {strides = array<i32>} : memref<512xi32, #tpu.memory_space<vmem>>, vector<16xi32>,
    %get3A_83 = arith.constant 256 : index
    %get3A_84 = tpu.vector_load %arg5[%get3A_83] {strides = array<i32>} : memref<512xi32, #tpu.memory_space<vmem>>, vector<16xi32>,
    %add3A_85 = arith.addi %get3A_84, %broadcast_in_dim3A : vector<16xi32>
    %swap3A_86 = arith.constant 256 : index
    %swap3A_87 = tpu.vector_load %arg5[%swap3A_86] {strides = array<i32>} : memref<512xi32, #tpu.memory_space<vmem>>, vector<16xi32>,
    tpu.vector_store %arg5[%swap3A_86], %add3A_85 {strides = array<i32>} : memref<512xi32, #tpu.memory_space<vmem>>, vector<16xi32>,
    %get3A_88 = arith.constant 272 : index
    %get3A_89 = tpu.vector_load %arg5[%get3A_88] {strides = array<i32>} : memref<512xi32, #tpu.memory_space<vmem>>, vector<16xi32>,
    %add3A_90 = arith.addi %get3A_89, %broadcast_in_dim3A : vector<16xi32>
    %swap3A_91 = arith.constant 272 : index
    %swap3A_92 = tpu.vector_load %arg5[%swap3A_91] {strides = array<i32>} : memref<512xi32, #tpu.memory_space<vmem>>, vector<16xi32>,
    tpu.vector_store %arg5[%swap3A_91], %add3A_90 {strides = array<i32>} : memref<512xi32, #tpu.memory_space<vmem>>, vector<16xi32>,
    %get3A_93 = arith.constant 288 : index
    %get3A_94 = tpu.vector_load %arg5[%get3A_93] {strides = array<i32>} : memref<512xi32, #tpu.memory_space<vmem>>, vector<16xi32>,
    %add3A_95 = arith.addi %get3A_94, %broadcast_in_dim3A : vector<16xi32>
    %swap3A_96 = arith.constant 288 : index
    %swap3A_97 = tpu.vector_load %arg5[%swap3A_96] {strides = array<i32>} : memref<512xi32, #tpu.memory_space<vmem>>, vector<16xi32>,
    tpu.vector_store %arg5[%swap3A_96], %add3A_95 {strides = array<i32>} : memref<512xi32, #tpu.memory_space<vmem>>, vector<16xi32>,
    %get3A_98 = arith.constant 304 : index
    %get3A_99 = tpu.vector_load %arg5[%get3A_98] {strides = array<i32>} : memref<512xi32, #tpu.memory_space<vmem>>, vector<16xi32>,
    %add3A_100 = arith.addi %get3A_99, %broadcast_in_dim3A : vector<16xi32>
    %swap3A_101 = arith.constant 304 : index
    %swap3A_102 = tpu.vector_load %arg5[%swap3A_101] {strides = array<i32>} : memref<512xi32, #tpu.memory_space<vmem>>, vector<16xi32>,
    tpu.vector_store %arg5[%swap3A_101], %add3A_100 {strides = array<i32>} : memref<512xi32, #tpu.memory_space<vmem>>, vector<16xi32>,
    %get3A_103 = arith.constant 320 : index
    %get3A_104 = tpu.vector_load %arg5[%get3A_103] {strides = array<i32>} : memref<512xi32, #tpu.memory_space<vmem>>, vector<16xi32>,
    %add3A_105 = arith.addi %get3A_104, %broadcast_in_dim3A : vector<16xi32>
    %swap3A_106 = arith.constant 320 : index
    %swap3A_107 = tpu.vector_load %arg5[%swap3A_106] {strides = array<i32>} : memref<512xi32, #tpu.memory_space<vmem>>, vector<16xi32>,
    tpu.vector_store %arg5[%swap3A_106], %add3A_105 {strides = array<i32>} : memref<512xi32, #tpu.memory_space<vmem>>, vector<16xi32>,
    %get3A_108 = arith.constant 336 : index
    %get3A_109 = tpu.vector_load %arg5[%get3A_108] {strides = array<i32>} : memref<512xi32, #tpu.memory_space<vmem>>, vector<16xi32>,
    %add3A_110 = arith.addi %get3A_109, %broadcast_in_dim3A : vector<16xi32>
    %swap3A_111 = arith.constant 336 : index
    %swap3A_112 = tpu.vector_load %arg5[%swap3A_111] {strides = array<i32>} : memref<512xi32, #tpu.memory_space<vmem>>, vector<16xi32>,
    tpu.vector_store %arg5[%swap3A_111], %add3A_110 {strides = array<i32>} : memref<512xi32, #tpu.memory_space<vmem>>, vector<16xi32>,
    %get3A_113 = arith.constant 352 : index
    %get3A_114 = tpu.vector_load %arg5[%get3A_113] {strides = array<i32>} : memref<512xi32, #tpu.memory_space<vmem>>, vector<16xi32>,
    %add3A_115 = arith.addi %get3A_114, %broadcast_in_dim3A : vector<16xi32>
    %swap3A_116 = arith.constant 352 : index
    %swap3A_117 = tpu.vector_load %arg5[%swap3A_116] {strides = array<i32>} : memref<512xi32, #tpu.memory_space<vmem>>, vector<16xi32>,
    tpu.vector_store %arg5[%swap3A_116], %add3A_115 {strides = array<i32>} : memref<512xi32, #tpu.memory_space<vmem>>, vector<16xi32>,
    %get3A_118 = arith.constant 368 : index
    %get3A_119 = tpu.vector_load %arg5[%get3A_118] {strides = array<i32>} : memref<512xi32, #tpu.memory_space<vmem>>, vector<16xi32>,
    %add3A_120 = arith.addi %get3A_119, %broadcast_in_dim3A : vector<16xi32>
    %swap3A_121 = arith.constant 368 : index
    %swap3A_122 = tpu.vector_load %arg5[%swap3A_121] {strides = array<i32>} : memref<512xi32, #tpu.memory_space<vmem>>, vector<16xi32>,
    tpu.vector_store %arg5[%swap3A_121], %add3A_120 {strides = array<i32>} : memref<512xi32, #tpu.memory_space<vmem>>, vector<16xi32>,
    %get3A_123 = arith.constant 384 : index
    %get3A_124 = tpu.vector_load %arg5[%get3A_123] {strides = array<i32>} : memref<512xi32, #tpu.memory_space<vmem>>, vector<16xi32>,
    %add3A_125 = arith.addi %get3A_124, %broadcast_in_dim3A : vector<16xi32>
    %swap3A_126 = arith.constant 384 : index
    %swap3A_127 = tpu.vector_load %arg5[%swap3A_126] {strides = array<i32>} : memref<512xi32, #tpu.memory_space<vmem>>, vector<16xi32>,
    tpu.vector_store %arg5[%swap3A_126], %add3A_125 {strides = array<i32>} : memref<512xi32, #tpu.memory_space<vmem>>, vector<16xi32>,
    %get3A_128 = arith.constant 400 : index
    %get3A_129 = tpu.vector_load %arg5[%get3A_128] {strides = array<i32>} : memref<512xi32, #tpu.memory_space<vmem>>, vector<16xi32>,
    %add3A_130 = arith.addi %get3A_129, %broadcast_in_dim3A : vector<16xi32>
    %swap3A_131 = arith.constant 400 : index
    %swap3A_132 = tpu.vector_load %arg5[%swap3A_131] {strides = array<i32>} : memref<512xi32, #tpu.memory_space<vmem>>, vector<16xi32>,
    tpu.vector_store %arg5[%swap3A_131], %add3A_130 {strides = array<i32>} : memref<512xi32, #tpu.memory_space<vmem>>, vector<16xi32>,
    %get3A_133 = arith.constant 416 : index
    %get3A_134 = tpu.vector_load %arg5[%get3A_133] {strides = array<i32>} : memref<512xi32, #tpu.memory_space<vmem>>, vector<16xi32>,
    %add3A_135 = arith.addi %get3A_134, %broadcast_in_dim3A : vector<16xi32>
    %swap3A_136 = arith.constant 416 : index
    %swap3A_137 = tpu.vector_load %arg5[%swap3A_136] {strides = array<i32>} : memref<512xi32, #tpu.memory_space<vmem>>, vector<16xi32>,
    tpu.vector_store %arg5[%swap3A_136], %add3A_135 {strides = array<i32>} : memref<512xi32, #tpu.memory_space<vmem>>, vector<16xi32>,
    %get3A_138 = arith.constant 432 : index
    %get3A_139 = tpu.vector_load %arg5[%get3A_138] {strides = array<i32>} : memref<512xi32, #tpu.memory_space<vmem>>, vector<16xi32>,
    %add3A_140 = arith.addi %get3A_139, %broadcast_in_dim3A : vector<16xi32>
    %swap3A_141 = arith.constant 432 : index
    %swap3A_142 = tpu.vector_load %arg5[%swap3A_141] {strides = array<i32>} : memref<512xi32, #tpu.memory_space<vmem>>, vector<16xi32>,
    tpu.vector_store %arg5[%swap3A_141], %add3A_140 {strides = array<i32>} : memref<512xi32, #tpu.memory_space<vmem>>, vector<16xi32>,
    %get3A_143 = arith.constant 448 : index
    %get3A_144 = tpu.vector_load %arg5[%get3A_143] {strides = array<i32>} : memref<512xi32, #tpu.memory_space<vmem>>, vector<16xi32>,
    %add3A_145 = arith.addi %get3A_144, %broadcast_in_dim3A : vector<16xi32>
    %swap3A_146 = arith.constant 448 : index
    %swap3A_147 = tpu.vector_load %arg5[%swap3A_146] {strides = array<i32>} : memref<512xi32, #tpu.memory_space<vmem>>, vector<16xi32>,
    tpu.vector_store %arg5[%swap3A_146], %add3A_145 {strides = array<i32>} : memref<512xi32, #tpu.memory_space<vmem>>, vector<16xi32>,
    %get3A_148 = arith.constant 464 : index
    %get3A_149 = tpu.vector_load %arg5[%get3A_148] {strides = array<i32>} : memref<512xi32, #tpu.memory_space<vmem>>, vector<16xi32>,
    %add3A_150 = arith.addi %get3A_149, %broadcast_in_dim3A : vector<16xi32>
    %swap3A_151 = arith.constant 464 : index
    %swap3A_152 = tpu.vector_load %arg5[%swap3A_151] {strides = array<i32>} : memref<512xi32, #tpu.memory_space<vmem>>, vector<16xi32>,
    tpu.vector_store %arg5[%swap3A_151], %add3A_150 {strides = array<i32>} : memref<512xi32, #tpu.memory_space<vmem>>, vector<16xi32>,
    %get3A_153 = arith.constant 480 : index
    %get3A_154 = tpu.vector_load %arg5[%get3A_153] {strides = array<i32>} : memref<512xi32, #tpu.memory_space<vmem>>, vector<16xi32>,
    %add3A_155 = arith.addi %get3A_154, %broadcast_in_dim3A : vector<16xi32>
    %swap3A_156 = arith.constant 480 : index
    %swap3A_157 = tpu.vector_load %arg5[%swap3A_156] {strides = array<i32>} : memref<512xi32, #tpu.memory_space<vmem>>, vector<16xi32>,
    tpu.vector_store %arg5[%swap3A_156], %add3A_155 {strides = array<i32>} : memref<512xi32, #tpu.memory_space<vmem>>, vector<16xi32>,
    %get3A_158 = arith.constant 496 : index
    %get3A_159 = tpu.vector_load %arg5[%get3A_158] {strides = array<i32>} : memref<512xi32, #tpu.memory_space<vmem>>, vector<16xi32>,
    %add3A_160 = arith.addi %get3A_159, %broadcast_in_dim3A : vector<16xi32>
    %swap3A_161 = arith.constant 496 : index
    %swap3A_162 = tpu.vector_load %arg5[%swap3A_161] {strides = array<i32>} : memref<512xi32, #tpu.memory_space<vmem>>, vector<16xi32>,
    tpu.vector_store %arg5[%swap3A_161], %add3A_160 {strides = array<i32>} : memref<512xi32, #tpu.memory_space<vmem>>, vector<16xi32>,
    %dma_start3A = arith.constant 0 : i32
    %dma_start3A_163 = arith.constant 0 : i32
    %dma_start3A_164 = arith.constant 0 : i32
    %dma_start3A_165 = tpu.memref_slice %arg6[%dma_start3A, %dma_start3A_163, %dma_start3A_164] : memref<3x16x1536xf32, #tpu.memory_space<vmem>> -> memref<1x16x1536xf32, #tpu.memory_space<vmem>>
    %dma_start3A_166 = tpu.memref_squeeze %dma_start3A_165 : memref<1x16x1536xf32, #tpu.memory_space<vmem>> -> memref<16x1536xf32, #tpu.memory_space<vmem>>
    %dma_start3A_167 = arith.constant 0 : i32
    %dma_start3A_168 = tpu.memref_slice %arg5[%dma_start3A_167] : memref<512xi32, #tpu.memory_space<vmem>> -> memref<16xi32, #tpu.memory_space<vmem>>
    %dma_start3A_169 = arith.constant 0 : i32
    %dma_start3A_170 = arith.constant 0 : i32
    %dma_start3A_171 = tpu.memref_slice %arg2[%dma_start3A_169, %dma_start3A_170] : memref<1024x1536xf32, #tpu.memory_space<hbm>> -> memref<1024x1536xf32, #tpu.memory_space<hbm>>
    tpu.enqueue_indirect_dma source(%dma_start3A_171 : memref<1024x1536xf32, #tpu.memory_space<hbm>>) target(%dma_start3A_166 : memref<16x1536xf32, #tpu.memory_space<vmem>>) offsets(%dma_start3A_168 : memref<16xi32, #tpu.memory_space<vmem>>) semaphore(%arg7 : memref<!tpu.dma_semaphore, #tpu.memory_space<semaphore_mem>>)
    %dma_start3A_172 = arith.constant 1 : i32
    %dma_start3A_173 = arith.constant 0 : i32
    %dma_start3A_174 = arith.constant 0 : i32
    %dma_start3A_175 = tpu.memref_slice %arg6[%dma_start3A_172, %dma_start3A_173, %dma_start3A_174] : memref<3x16x1536xf32, #tpu.memory_space<vmem>> -> memref<1x16x1536xf32, #tpu.memory_space<vmem>>
    %dma_start3A_176 = tpu.memref_squeeze %dma_start3A_175 : memref<1x16x1536xf32, #tpu.memory_space<vmem>> -> memref<16x1536xf32, #tpu.memory_space<vmem>>
    %dma_start3A_177 = arith.constant 16 : i32
    %dma_start3A_178 = tpu.memref_slice %arg5[%dma_start3A_177] : memref<512xi32, #tpu.memory_space<vmem>> -> memref<16xi32, #tpu.memory_space<vmem>>
    %dma_start3A_179 = arith.constant 0 : i32
    %dma_start3A_180 = arith.constant 0 : i32
    %dma_start3A_181 = tpu.memref_slice %arg2[%dma_start3A_179, %dma_start3A_180] : memref<1024x1536xf32, #tpu.memory_space<hbm>> -> memref<1024x1536xf32, #tpu.memory_space<hbm>>
    tpu.enqueue_indirect_dma source(%dma_start3A_181 : memref<1024x1536xf32, #tpu.memory_space<hbm>>) target(%dma_start3A_176 : memref<16x1536xf32, #tpu.memory_space<vmem>>) offsets(%dma_start3A_178 : memref<16xi32, #tpu.memory_space<vmem>>) semaphore(%arg7 : memref<!tpu.dma_semaphore, #tpu.memory_space<semaphore_mem>>)
    %dma_wait3A = arith.constant 0 : i32
    %dma_wait3A_182 = arith.constant 0 : i32
    %dma_wait3A_183 = arith.constant 0 : i32
    %dma_wait3A_184 = tpu.memref_slice %arg6[%dma_wait3A, %dma_wait3A_182, %dma_wait3A_183] : memref<3x16x1536xf32, #tpu.memory_space<vmem>> -> memref<1x16x1536xf32, #tpu.memory_space<vmem>>
    %dma_wait3A_185 = tpu.memref_squeeze %dma_wait3A_184 : memref<1x16x1536xf32, #tpu.memory_space<vmem>> -> memref<16x1536xf32, #tpu.memory_space<vmem>>
    %dma_wait3A_186 = arith.constant 0 : i32
    %dma_wait3A_187 = tpu.memref_slice %arg5[%dma_wait3A_186] : memref<512xi32, #tpu.memory_space<vmem>> -> memref<16xi32, #tpu.memory_space<vmem>>
    %dma_wait3A_188 = arith.constant 0 : i32
    %dma_wait3A_189 = arith.constant 0 : i32
    %dma_wait3A_190 = tpu.memref_slice %arg2[%dma_wait3A_188, %dma_wait3A_189] : memref<1024x1536xf32, #tpu.memory_space<hbm>> -> memref<1024x1536xf32, #tpu.memory_space<hbm>>
    tpu.wait_indirect_dma semaphore(%arg7 : memref<!tpu.dma_semaphore, #tpu.memory_space<semaphore_mem>>) src(%dma_wait3A_190 : memref<1024x1536xf32, #tpu.memory_space<hbm>>) dst(%dma_wait3A_185 : memref<16x1536xf32, #tpu.memory_space<vmem>>)
    %dma_start3A_191 = arith.constant 2 : i32
    %dma_start3A_192 = arith.constant 0 : i32
    %dma_start3A_193 = arith.constant 0 : i32
    %dma_start3A_194 = tpu.memref_slice %arg6[%dma_start3A_191, %dma_start3A_192, %dma_start3A_193] : memref<3x16x1536xf32, #tpu.memory_space<vmem>> -> memref<1x16x1536xf32, #tpu.memory_space<vmem>>
    %dma_start3A_195 = tpu.memref_squeeze %dma_start3A_194 : memref<1x16x1536xf32, #tpu.memory_space<vmem>> -> memref<16x1536xf32, #tpu.memory_space<vmem>>
    %dma_start3A_196 = arith.constant 32 : i32
    %dma_start3A_197 = tpu.memref_slice %arg5[%dma_start3A_196] : memref<512xi32, #tpu.memory_space<vmem>> -> memref<16xi32, #tpu.memory_space<vmem>>
    %dma_start3A_198 = arith.constant 0 : i32
    %dma_start3A_199 = arith.constant 0 : i32
    %dma_start3A_200 = tpu.memref_slice %arg2[%dma_start3A_198, %dma_start3A_199] : memref<1024x1536xf32, #tpu.memory_space<hbm>> -> memref<1024x1536xf32, #tpu.memory_space<hbm>>
    tpu.enqueue_indirect_dma source(%dma_start3A_200 : memref<1024x1536xf32, #tpu.memory_space<hbm>>) target(%dma_start3A_195 : memref<16x1536xf32, #tpu.memory_space<vmem>>) offsets(%dma_start3A_197 : memref<16xi32, #tpu.memory_space<vmem>>) semaphore(%arg7 : memref<!tpu.dma_semaphore, #tpu.memory_space<semaphore_mem>>)
    %add3A_201 = arith.constant 0 : i32
    %add3A_202 = arith.addi %mul3A_2, %add3A_201 : i32
    %dma_start3A_203 = arith.constant 0 : i32
    %dma_start3A_204 = arith.constant 0 : i32
    %dma_start3A_205 = arith.constant 0 : i32
    %dma_start3A_206 = tpu.memref_slice %arg6[%dma_start3A_203, %dma_start3A_204, %dma_start3A_205] : memref<3x16x1536xf32, #tpu.memory_space<vmem>> -> memref<1x16x1536xf32, #tpu.memory_space<vmem>>
    %dma_start3A_207 = tpu.memref_squeeze %dma_start3A_206 : memref<1x16x1536xf32, #tpu.memory_space<vmem>> -> memref<16x1536xf32, #tpu.memory_space<vmem>>
    %dma_start3A_208 = arith.constant 0 : i32
    %dma_start3A_209 = tpu.memref_slice %arg4[%add3A_202, %dma_start3A_208] : memref<16384x1536xf32, #tpu.memory_space<hbm>> -> memref<16x1536xf32, #tpu.memory_space<hbm>>
    %dma_start3A_210 = arith.constant 0 : i32
    %dma_start3A_211 = tpu.memref_slice %arg4[%add3A_202, %dma_start3A_210] : memref<16384x1536xf32, #tpu.memory_space<hbm>> -> memref<16x1536xf32, #tpu.memory_space<hbm>>
    %dma_start3A_212 = arith.constant 0 : i32
    %dma_start3A_213 = arith.constant 0 : i32
    %dma_start3A_214 = tpu.memref_slice %arg6[%dma_start3A_203, %dma_start3A_212, %dma_start3A_213] : memref<3x16x1536xf32, #tpu.memory_space<vmem>> -> memref<1x16x1536xf32, #tpu.memory_space<vmem>>
    %dma_start3A_215 = tpu.memref_squeeze %dma_start3A_214 : memref<1x16x1536xf32, #tpu.memory_space<vmem>> -> memref<16x1536xf32, #tpu.memory_space<vmem>>
    tpu.enqueue_dma source(%dma_start3A_215 : memref<16x1536xf32, #tpu.memory_space<vmem>>) target(%dma_start3A_211 : memref<16x1536xf32, #tpu.memory_space<hbm>>) target_semaphore(%arg8 : memref<!tpu.dma_semaphore, #tpu.memory_space<semaphore_mem>>)
    %dma_wait3A_216 = arith.constant 1 : i32
    %dma_wait3A_217 = arith.constant 0 : i32
    %dma_wait3A_218 = arith.constant 0 : i32
    %dma_wait3A_219 = tpu.memref_slice %arg6[%dma_wait3A_216, %dma_wait3A_217, %dma_wait3A_218] : memref<3x16x1536xf32, #tpu.memory_space<vmem>> -> memref<1x16x1536xf32, #tpu.memory_space<vmem>>
    %dma_wait3A_220 = tpu.memref_squeeze %dma_wait3A_219 : memref<1x16x1536xf32, #tpu.memory_space<vmem>> -> memref<16x1536xf32, #tpu.memory_space<vmem>>
    %dma_wait3A_221 = arith.constant 16 : i32
    %dma_wait3A_222 = tpu.memref_slice %arg5[%dma_wait3A_221] : memref<512xi32, #tpu.memory_space<vmem>> -> memref<16xi32, #tpu.memory_space<vmem>>
    %dma_wait3A_223 = arith.constant 0 : i32
    %dma_wait3A_224 = arith.constant 0 : i32
    %dma_wait3A_225 = tpu.memref_slice %arg2[%dma_wait3A_223, %dma_wait3A_224] : memref<1024x1536xf32, #tpu.memory_space<hbm>> -> memref<1024x1536xf32, #tpu.memory_space<hbm>>
    tpu.wait_indirect_dma semaphore(%arg7 : memref<!tpu.dma_semaphore, #tpu.memory_space<semaphore_mem>>) src(%dma_wait3A_225 : memref<1024x1536xf32, #tpu.memory_space<hbm>>) dst(%dma_wait3A_220 : memref<16x1536xf32, #tpu.memory_space<vmem>>)
    %add3A_226 = arith.constant 0 : i32
    %add3A_227 = arith.addi %mul3A_2, %add3A_226 : i32
    %dma_wait3A_228 = arith.constant 0 : i32
    %dma_wait3A_229 = arith.constant 0 : i32
    %dma_wait3A_230 = arith.constant 0 : i32
    %dma_wait3A_231 = tpu.memref_slice %arg6[%dma_wait3A_228, %dma_wait3A_229, %dma_wait3A_230] : memref<3x16x1536xf32, #tpu.memory_space<vmem>> -> memref<1x16x1536xf32, #tpu.memory_space<vmem>>
    %dma_wait3A_232 = tpu.memref_squeeze %dma_wait3A_231 : memref<1x16x1536xf32, #tpu.memory_space<vmem>> -> memref<16x1536xf32, #tpu.memory_space<vmem>>
    %dma_wait3A_233 = arith.constant 0 : i32
    %dma_wait3A_234 = tpu.memref_slice %arg4[%add3A_227, %dma_wait3A_233] : memref<16384x1536xf32, #tpu.memory_space<hbm>> -> memref<16x1536xf32, #tpu.memory_space<hbm>>
    %dma_wait3A_235 = arith.constant 0 : i32
    %dma_wait3A_236 = tpu.memref_slice %arg4[%add3A_227, %dma_wait3A_235] : memref<16384x1536xf32, #tpu.memory_space<hbm>> -> memref<16x1536xf32, #tpu.memory_space<hbm>>
    %dma_wait3A_237 = arith.constant 0 : i32
    %dma_wait3A_238 = arith.constant 0 : i32
    %dma_wait3A_239 = tpu.memref_slice %arg6[%dma_wait3A_228, %dma_wait3A_237, %dma_wait3A_238] : memref<3x16x1536xf32, #tpu.memory_space<vmem>> -> memref<1x16x1536xf32, #tpu.memory_space<vmem>>
    %dma_wait3A_240 = tpu.memref_squeeze %dma_wait3A_239 : memref<1x16x1536xf32, #tpu.memory_space<vmem>> -> memref<16x1536xf32, #tpu.memory_space<vmem>>
    tpu.wait_dma2 semaphore(%arg8 : memref<!tpu.dma_semaphore, #tpu.memory_space<semaphore_mem>>) src(%dma_wait3A_240 : memref<16x1536xf32, #tpu.memory_space<vmem>>) dst(%dma_wait3A_236 : memref<16x1536xf32, #tpu.memory_space<hbm>>)
    %dma_start3A_241 = arith.constant 0 : i32
    %dma_start3A_242 = arith.constant 0 : i32
    %dma_start3A_243 = arith.constant 0 : i32
    %dma_start3A_244 = tpu.memref_slice %arg6[%dma_start3A_241, %dma_start3A_242, %dma_start3A_243] : memref<3x16x1536xf32, #tpu.memory_space<vmem>> -> memref<1x16x1536xf32, #tpu.memory_space<vmem>>
    %dma_start3A_245 = tpu.memref_squeeze %dma_start3A_244 : memref<1x16x1536xf32, #tpu.memory_space<vmem>> -> memref<16x1536xf32, #tpu.memory_space<vmem>>
    %dma_start3A_246 = arith.constant 48 : i32
    %dma_start3A_247 = tpu.memref_slice %arg5[%dma_start3A_246] : memref<512xi32, #tpu.memory_space<vmem>> -> memref<16xi32, #tpu.memory_space<vmem>>
    %dma_start3A_248 = arith.constant 0 : i32
    %dma_start3A_249 = arith.constant 0 : i32
    %dma_start3A_250 = tpu.memref_slice %arg2[%dma_start3A_248, %dma_start3A_249] : memref<1024x1536xf32, #tpu.memory_space<hbm>> -> memref<1024x1536xf32, #tpu.memory_space<hbm>>
    tpu.enqueue_indirect_dma source(%dma_start3A_250 : memref<1024x1536xf32, #tpu.memory_space<hbm>>) target(%dma_start3A_245 : memref<16x1536xf32, #tpu.memory_space<vmem>>) offsets(%dma_start3A_247 : memref<16xi32, #tpu.memory_space<vmem>>) semaphore(%arg7 : memref<!tpu.dma_semaphore, #tpu.memory_space<semaphore_mem>>)
    %add3A_251 = arith.constant 16 : i32
    %add3A_252 = arith.addi %mul3A_2, %add3A_251 : i32
    %dma_start3A_253 = arith.constant 1 : i32
    %dma_start3A_254 = arith.constant 0 : i32
    %dma_start3A_255 = arith.constant 0 : i32
    %dma_start3A_256 = tpu.memref_slice %arg6[%dma_start3A_253, %dma_start3A_254, %dma_start3A_255] : memref<3x16x1536xf32, #tpu.memory_space<vmem>> -> memref<1x16x1536xf32, #tpu.memory_space<vmem>>
    %dma_start3A_257 = tpu.memref_squeeze %dma_start3A_256 : memref<1x16x1536xf32, #tpu.memory_space<vmem>> -> memref<16x1536xf32, #tpu.memory_space<vmem>>
    %dma_start3A_258 = arith.constant 0 : i32
    %dma_start3A_259 = tpu.memref_slice %arg4[%add3A_252, %dma_start3A_258] : memref<16384x1536xf32, #tpu.memory_space<hbm>> -> memref<16x1536xf32, #tpu.memory_space<hbm>>
    %dma_start3A_260 = arith.constant 0 : i32
    %dma_start3A_261 = tpu.memref_slice %arg4[%add3A_252, %dma_start3A_260] : memref<16384x1536xf32, #tpu.memory_space<hbm>> -> memref<16x1536xf32, #tpu.memory_space<hbm>>
    %dma_start3A_262 = arith.constant 0 : i32
    %dma_start3A_263 = arith.constant 0 : i32
    %dma_start3A_264 = tpu.memref_slice %arg6[%dma_start3A_253, %dma_start3A_262, %dma_start3A_263] : memref<3x16x1536xf32, #tpu.memory_space<vmem>> -> memref<1x16x1536xf32, #tpu.memory_space<vmem>>
    %dma_start3A_265 = tpu.memref_squeeze %dma_start3A_264 : memref<1x16x1536xf32, #tpu.memory_space<vmem>> -> memref<16x1536xf32, #tpu.memory_space<vmem>>
    tpu.enqueue_dma source(%dma_start3A_265 : memref<16x1536xf32, #tpu.memory_space<vmem>>) target(%dma_start3A_261 : memref<16x1536xf32, #tpu.memory_space<hbm>>) target_semaphore(%arg8 : memref<!tpu.dma_semaphore, #tpu.memory_space<semaphore_mem>>)
    %dma_wait3A_266 = arith.constant 2 : i32
    %dma_wait3A_267 = arith.constant 0 : i32
    %dma_wait3A_268 = arith.constant 0 : i32
    %dma_wait3A_269 = tpu.memref_slice %arg6[%dma_wait3A_266, %dma_wait3A_267, %dma_wait3A_268] : memref<3x16x1536xf32, #tpu.memory_space<vmem>> -> memref<1x16x1536xf32, #tpu.memory_space<vmem>>
    %dma_wait3A_270 = tpu.memref_squeeze %dma_wait3A_269 : memref<1x16x1536xf32, #tpu.memory_space<vmem>> -> memref<16x1536xf32, #tpu.memory_space<vmem>>
    %dma_wait3A_271 = arith.constant 32 : i32
    %dma_wait3A_272 = tpu.memref_slice %arg5[%dma_wait3A_271] : memref<512xi32, #tpu.memory_space<vmem>> -> memref<16xi32, #tpu.memory_space<vmem>>
    %dma_wait3A_273 = arith.constant 0 : i32
    %dma_wait3A_274 = arith.constant 0 : i32
    %dma_wait3A_275 = tpu.memref_slice %arg2[%dma_wait3A_273, %dma_wait3A_274] : memref<1024x1536xf32, #tpu.memory_space<hbm>> -> memref<1024x1536xf32, #tpu.memory_space<hbm>>
    tpu.wait_indirect_dma semaphore(%arg7 : memref<!tpu.dma_semaphore, #tpu.memory_space<semaphore_mem>>) src(%dma_wait3A_275 : memref<1024x1536xf32, #tpu.memory_space<hbm>>) dst(%dma_wait3A_270 : memref<16x1536xf32, #tpu.memory_space<vmem>>)
    %add3A_276 = arith.constant 16 : i32
    %add3A_277 = arith.addi %mul3A_2, %add3A_276 : i32
    %dma_wait3A_278 = arith.constant 1 : i32
    %dma_wait3A_279 = arith.constant 0 : i32
    %dma_wait3A_280 = arith.constant 0 : i32
    %dma_wait3A_281 = tpu.memref_slice %arg6[%dma_wait3A_278, %dma_wait3A_279, %dma_wait3A_280] : memref<3x16x1536xf32, #tpu.memory_space<vmem>> -> memref<1x16x1536xf32, #tpu.memory_space<vmem>>
    %dma_wait3A_282 = tpu.memref_squeeze %dma_wait3A_281 : memref<1x16x1536xf32, #tpu.memory_space<vmem>> -> memref<16x1536xf32, #tpu.memory_space<vmem>>
    %dma_wait3A_283 = arith.constant 0 : i32
    %dma_wait3A_284 = tpu.memref_slice %arg4[%add3A_277, %dma_wait3A_283] : memref<16384x1536xf32, #tpu.memory_space<hbm>> -> memref<16x1536xf32, #tpu.memory_space<hbm>>
    %dma_wait3A_285 = arith.constant 0 : i32
    %dma_wait3A_286 = tpu.memref_slice %arg4[%add3A_277, %dma_wait3A_285] : memref<16384x1536xf32, #tpu.memory_space<hbm>> -> memref<16x1536xf32, #tpu.memory_space<hbm>>
    %dma_wait3A_287 = arith.constant 0 : i32
    %dma_wait3A_288 = arith.constant 0 : i32
    %dma_wait3A_289 = tpu.memref_slice %arg6[%dma_wait3A_278, %dma_wait3A_287, %dma_wait3A_288] : memref<3x16x1536xf32, #tpu.memory_space<vmem>> -> memref<1x16x1536xf32, #tpu.memory_space<vmem>>
    %dma_wait3A_290 = tpu.memref_squeeze %dma_wait3A_289 : memref<1x16x1536xf32, #tpu.memory_space<vmem>> -> memref<16x1536xf32, #tpu.memory_space<vmem>>
    tpu.wait_dma2 semaphore(%arg8 : memref<!tpu.dma_semaphore, #tpu.memory_space<semaphore_mem>>) src(%dma_wait3A_290 : memref<16x1536xf32, #tpu.memory_space<vmem>>) dst(%dma_wait3A_286 : memref<16x1536xf32, #tpu.memory_space<hbm>>)
    %dma_start3A_291 = arith.constant 1 : i32
    %dma_start3A_292 = arith.constant 0 : i32
    %dma_start3A_293 = arith.constant 0 : i32
    %dma_start3A_294 = tpu.memref_slice %arg6[%dma_start3A_291, %dma_start3A_292, %dma_start3A_293] : memref<3x16x1536xf32, #tpu.memory_space<vmem>> -> memref<1x16x1536xf32, #tpu.memory_space<vmem>>
    %dma_start3A_295 = tpu.memref_squeeze %dma_start3A_294 : memref<1x16x1536xf32, #tpu.memory_space<vmem>> -> memref<16x1536xf32, #tpu.memory_space<vmem>>
    %dma_start3A_296 = arith.constant 64 : i32
    %dma_start3A_297 = tpu.memref_slice %arg5[%dma_start3A_296] : memref<512xi32, #tpu.memory_space<vmem>> -> memref<16xi32, #tpu.memory_space<vmem>>
    %dma_start3A_298 = arith.constant 0 : i32
    %dma_start3A_299 = arith.constant 0 : i32
    %dma_start3A_300 = tpu.memref_slice %arg2[%dma_start3A_298, %dma_start3A_299] : memref<1024x1536xf32, #tpu.memory_space<hbm>> -> memref<1024x1536xf32, #tpu.memory_space<hbm>>
    tpu.enqueue_indirect_dma source(%dma_start3A_300 : memref<1024x1536xf32, #tpu.memory_space<hbm>>) target(%dma_start3A_295 : memref<16x1536xf32, #tpu.memory_space<vmem>>) offsets(%dma_start3A_297 : memref<16xi32, #tpu.memory_space<vmem>>) semaphore(%arg7 : memref<!tpu.dma_semaphore, #tpu.memory_space<semaphore_mem>>)
    %add3A_301 = arith.constant 32 : i32
    %add3A_302 = arith.addi %mul3A_2, %add3A_301 : i32
    %dma_start3A_303 = arith.constant 2 : i32
    %dma_start3A_304 = arith.constant 0 : i32
    %dma_start3A_305 = arith.constant 0 : i32
    %dma_start3A_306 = tpu.memref_slice %arg6[%dma_start3A_303, %dma_start3A_304, %dma_start3A_305] : memref<3x16x1536xf32, #tpu.memory_space<vmem>> -> memref<1x16x1536xf32, #tpu.memory_space<vmem>>
    %dma_start3A_307 = tpu.memref_squeeze %dma_start3A_306 : memref<1x16x1536xf32, #tpu.memory_space<vmem>> -> memref<16x1536xf32, #tpu.memory_space<vmem>>
    %dma_start3A_308 = arith.constant 0 : i32
    %dma_start3A_309 = tpu.memref_slice %arg4[%add3A_302, %dma_start3A_308] : memref<16384x1536xf32, #tpu.memory_space<hbm>> -> memref<16x1536xf32, #tpu.memory_space<hbm>>
    %dma_start3A_310 = arith.constant 0 : i32
    %dma_start3A_311 = tpu.memref_slice %arg4[%add3A_302, %dma_start3A_310] : memref<16384x1536xf32, #tpu.memory_space<hbm>> -> memref<16x1536xf32, #tpu.memory_space<hbm>>
    %dma_start3A_312 = arith.constant 0 : i32
    %dma_start3A_313 = arith.constant 0 : i32
    %dma_start3A_314 = tpu.memref_slice %arg6[%dma_start3A_303, %dma_start3A_312, %dma_start3A_313] : memref<3x16x1536xf32, #tpu.memory_space<vmem>> -> memref<1x16x1536xf32, #tpu.memory_space<vmem>>
    %dma_start3A_315 = tpu.memref_squeeze %dma_start3A_314 : memref<1x16x1536xf32, #tpu.memory_space<vmem>> -> memref<16x1536xf32, #tpu.memory_space<vmem>>
    tpu.enqueue_dma source(%dma_start3A_315 : memref<16x1536xf32, #tpu.memory_space<vmem>>) target(%dma_start3A_311 : memref<16x1536xf32, #tpu.memory_space<hbm>>) target_semaphore(%arg8 : memref<!tpu.dma_semaphore, #tpu.memory_space<semaphore_mem>>)
    %dma_wait3A_316 = arith.constant 0 : i32
    %dma_wait3A_317 = arith.constant 0 : i32
    %dma_wait3A_318 = arith.constant 0 : i32
    %dma_wait3A_319 = tpu.memref_slice %arg6[%dma_wait3A_316, %dma_wait3A_317, %dma_wait3A_318] : memref<3x16x1536xf32, #tpu.memory_space<vmem>> -> memref<1x16x1536xf32, #tpu.memory_space<vmem>>
    %dma_wait3A_320 = tpu.memref_squeeze %dma_wait3A_319 : memref<1x16x1536xf32, #tpu.memory_space<vmem>> -> memref<16x1536xf32, #tpu.memory_space<vmem>>
    %dma_wait3A_321 = arith.constant 48 : i32
    %dma_wait3A_322 = tpu.memref_slice %arg5[%dma_wait3A_321] : memref<512xi32, #tpu.memory_space<vmem>> -> memref<16xi32, #tpu.memory_space<vmem>>
    %dma_wait3A_323 = arith.constant 0 : i32
    %dma_wait3A_324 = arith.constant 0 : i32
    %dma_wait3A_325 = tpu.memref_slice %arg2[%dma_wait3A_323, %dma_wait3A_324] : memref<1024x1536xf32, #tpu.memory_space<hbm>> -> memref<1024x1536xf32, #tpu.memory_space<hbm>>
    tpu.wait_indirect_dma semaphore(%arg7 : memref<!tpu.dma_semaphore, #tpu.memory_space<semaphore_mem>>) src(%dma_wait3A_325 : memref<1024x1536xf32, #tpu.memory_space<hbm>>) dst(%dma_wait3A_320 : memref<16x1536xf32, #tpu.memory_space<vmem>>)
    %add3A_326 = arith.constant 32 : i32
    %add3A_327 = arith.addi %mul3A_2, %add3A_326 : i32
    %dma_wait3A_328 = arith.constant 2 : i32
    %dma_wait3A_329 = arith.constant 0 : i32
    %dma_wait3A_330 = arith.constant 0 : i32
    %dma_wait3A_331 = tpu.memref_slice %arg6[%dma_wait3A_328, %dma_wait3A_329, %dma_wait3A_330] : memref<3x16x1536xf32, #tpu.memory_space<vmem>> -> memref<1x16x1536xf32, #tpu.memory_space<vmem>>
    %dma_wait3A_332 = tpu.memref_squeeze %dma_wait3A_331 : memref<1x16x1536xf32, #tpu.memory_space<vmem>> -> memref<16x1536xf32, #tpu.memory_space<vmem>>
    %dma_wait3A_333 = arith.constant 0 : i32
    %dma_wait3A_334 = tpu.memref_slice %arg4[%add3A_327, %dma_wait3A_333] : memref<16384x1536xf32, #tpu.memory_space<hbm>> -> memref<16x1536xf32, #tpu.memory_space<hbm>>
    %dma_wait3A_335 = arith.constant 0 : i32
    %dma_wait3A_336 = tpu.memref_slice %arg4[%add3A_327, %dma_wait3A_335] : memref<16384x1536xf32, #tpu.memory_space<hbm>> -> memref<16x1536xf32, #tpu.memory_space<hbm>>
    %dma_wait3A_337 = arith.constant 0 : i32
    %dma_wait3A_338 = arith.constant 0 : i32
    %dma_wait3A_339 = tpu.memref_slice %arg6[%dma_wait3A_328, %dma_wait3A_337, %dma_wait3A_338] : memref<3x16x1536xf32, #tpu.memory_space<vmem>> -> memref<1x16x1536xf32, #tpu.memory_space<vmem>>
    %dma_wait3A_340 = tpu.memref_squeeze %dma_wait3A_339 : memref<1x16x1536xf32, #tpu.memory_space<vmem>> -> memref<16x1536xf32, #tpu.memory_space<vmem>>
    tpu.wait_dma2 semaphore(%arg8 : memref<!tpu.dma_semaphore, #tpu.memory_space<semaphore_mem>>) src(%dma_wait3A_340 : memref<16x1536xf32, #tpu.memory_space<vmem>>) dst(%dma_wait3A_336 : memref<16x1536xf32, #tpu.memory_space<hbm>>)
    %dma_start3A_341 = arith.constant 2 : i32
    %dma_start3A_342 = arith.constant 0 : i32
    %dma_start3A_343 = arith.constant 0 : i32
    %dma_start3A_344 = tpu.memref_slice %arg6[%dma_start3A_341, %dma_start3A_342, %dma_start3A_343] : memref<3x16x1536xf32, #tpu.memory_space<vmem>> -> memref<1x16x1536xf32, #tpu.memory_space<vmem>>
    %dma_start3A_345 = tpu.memref_squeeze %dma_start3A_344 : memref<1x16x1536xf32, #tpu.memory_space<vmem>> -> memref<16x1536xf32, #tpu.memory_space<vmem>>
    %dma_start3A_346 = arith.constant 80 : i32
    %dma_start3A_347 = tpu.memref_slice %arg5[%dma_start3A_346] : memref<512xi32, #tpu.memory_space<vmem>> -> memref<16xi32, #tpu.memory_space<vmem>>
    %dma_start3A_348 = arith.constant 0 : i32
    %dma_start3A_349 = arith.constant 0 : i32
    %dma_start3A_350 = tpu.memref_slice %arg2[%dma_start3A_348, %dma_start3A_349] : memref<1024x1536xf32, #tpu.memory_space<hbm>> -> memref<1024x1536xf32, #tpu.memory_space<hbm>>
    tpu.enqueue_indirect_dma source(%dma_start3A_350 : memref<1024x1536xf32, #tpu.memory_space<hbm>>) target(%dma_start3A_345 : memref<16x1536xf32, #tpu.memory_space<vmem>>) offsets(%dma_start3A_347 : memref<16xi32, #tpu.memory_space<vmem>>) semaphore(%arg7 : memref<!tpu.dma_semaphore, #tpu.memory_space<semaphore_mem>>)
    %add3A_351 = arith.constant 48 : i32
    %add3A_352 = arith.addi %mul3A_2, %add3A_351 : i32
    %dma_start3A_353 = arith.constant 0 : i32
    %dma_start3A_354 = arith.constant 0 : i32
    %dma_start3A_355 = arith.constant 0 : i32
    %dma_start3A_356 = tpu.memref_slice %arg6[%dma_start3A_353, %dma_start3A_354, %dma_start3A_355] : memref<3x16x1536xf32, #tpu.memory_space<vmem>> -> memref<1x16x1536xf32, #tpu.memory_space<vmem>>
    %dma_start3A_357 = tpu.memref_squeeze %dma_start3A_356 : memref<1x16x1536xf32, #tpu.memory_space<vmem>> -> memref<16x1536xf32, #tpu.memory_space<vmem>>
    %dma_start3A_358 = arith.constant 0 : i32
    %dma_start3A_359 = tpu.memref_slice %arg4[%add3A_352, %dma_start3A_358] : memref<16384x1536xf32, #tpu.memory_space<hbm>> -> memref<16x1536xf32, #tpu.memory_space<hbm>>
    %dma_start3A_360 = arith.constant 0 : i32
    %dma_start3A_361 = tpu.memref_slice %arg4[%add3A_352, %dma_start3A_360] : memref<16384x1536xf32, #tpu.memory_space<hbm>> -> memref<16x1536xf32, #tpu.memory_space<hbm>>
    %dma_start3A_362 = arith.constant 0 : i32
    %dma_start3A_363 = arith.constant 0 : i32
    %dma_start3A_364 = tpu.memref_slice %arg6[%dma_start3A_353, %dma_start3A_362, %dma_start3A_363] : memref<3x16x1536xf32, #tpu.memory_space<vmem>> -> memref<1x16x1536xf32, #tpu.memory_space<vmem>>
    %dma_start3A_365 = tpu.memref_squeeze %dma_start3A_364 : memref<1x16x1536xf32, #tpu.memory_space<vmem>> -> memref<16x1536xf32, #tpu.memory_space<vmem>>
    tpu.enqueue_dma source(%dma_start3A_365 : memref<16x1536xf32, #tpu.memory_space<vmem>>) target(%dma_start3A_361 : memref<16x1536xf32, #tpu.memory_space<hbm>>) target_semaphore(%arg8 : memref<!tpu.dma_semaphore, #tpu.memory_space<semaphore_mem>>)
    %dma_wait3A_366 = arith.constant 1 : i32
    %dma_wait3A_367 = arith.constant 0 : i32
    %dma_wait3A_368 = arith.constant 0 : i32
    %dma_wait3A_369 = tpu.memref_slice %arg6[%dma_wait3A_366, %dma_wait3A_367, %dma_wait3A_368] : memref<3x16x1536xf32, #tpu.memory_space<vmem>> -> memref<1x16x1536xf32, #tpu.memory_space<vmem>>
    %dma_wait3A_370 = tpu.memref_squeeze %dma_wait3A_369 : memref<1x16x1536xf32, #tpu.memory_space<vmem>> -> memref<16x1536xf32, #tpu.memory_space<vmem>>
    %dma_wait3A_371 = arith.constant 64 : i32
    %dma_wait3A_372 = tpu.memref_slice %arg5[%dma_wait3A_371] : memref<512xi32, #tpu.memory_space<vmem>> -> memref<16xi32, #tpu.memory_space<vmem>>
    %dma_wait3A_373 = arith.constant 0 : i32
    %dma_wait3A_374 = arith.constant 0 : i32
    %dma_wait3A_375 = tpu.memref_slice %arg2[%dma_wait3A_373, %dma_wait3A_374] : memref<1024x1536xf32, #tpu.memory_space<hbm>> -> memref<1024x1536xf32, #tpu.memory_space<hbm>>
    tpu.wait_indirect_dma semaphore(%arg7 : memref<!tpu.dma_semaphore, #tpu.memory_space<semaphore_mem>>) src(%dma_wait3A_375 : memref<1024x1536xf32, #tpu.memory_space<hbm>>) dst(%dma_wait3A_370 : memref<16x1536xf32, #tpu.memory_space<vmem>>)
    %add3A_376 = arith.constant 48 : i32
    %add3A_377 = arith.addi %mul3A_2, %add3A_376 : i32
    %dma_wait3A_378 = arith.constant 0 : i32
    %dma_wait3A_379 = arith.constant 0 : i32
    %dma_wait3A_380 = arith.constant 0 : i32
    %dma_wait3A_381 = tpu.memref_slice %arg6[%dma_wait3A_378, %dma_wait3A_379, %dma_wait3A_380] : memref<3x16x1536xf32, #tpu.memory_space<vmem>> -> memref<1x16x1536xf32, #tpu.memory_space<vmem>>
    %dma_wait3A_382 = tpu.memref_squeeze %dma_wait3A_381 : memref<1x16x1536xf32, #tpu.memory_space<vmem>> -> memref<16x1536xf32, #tpu.memory_space<vmem>>
    %dma_wait3A_383 = arith.constant 0 : i32
    %dma_wait3A_384 = tpu.memref_slice %arg4[%add3A_377, %dma_wait3A_383] : memref<16384x1536xf32, #tpu.memory_space<hbm>> -> memref<16x1536xf32, #tpu.memory_space<hbm>>
    %dma_wait3A_385 = arith.constant 0 : i32
    %dma_wait3A_386 = tpu.memref_slice %arg4[%add3A_377, %dma_wait3A_385] : memref<16384x1536xf32, #tpu.memory_space<hbm>> -> memref<16x1536xf32, #tpu.memory_space<hbm>>
    %dma_wait3A_387 = arith.constant 0 : i32
    %dma_wait3A_388 = arith.constant 0 : i32
    %dma_wait3A_389 = tpu.memref_slice %arg6[%dma_wait3A_378, %dma_wait3A_387, %dma_wait3A_388] : memref<3x16x1536xf32, #tpu.memory_space<vmem>> -> memref<1x16x1536xf32, #tpu.memory_space<vmem>>
    %dma_wait3A_390 = tpu.memref_squeeze %dma_wait3A_389 : memref<1x16x1536xf32, #tpu.memory_space<vmem>> -> memref<16x1536xf32, #tpu.memory_space<vmem>>
    tpu.wait_dma2 semaphore(%arg8 : memref<!tpu.dma_semaphore, #tpu.memory_space<semaphore_mem>>) src(%dma_wait3A_390 : memref<16x1536xf32, #tpu.memory_space<vmem>>) dst(%dma_wait3A_386 : memref<16x1536xf32, #tpu.memory_space<hbm>>)
    %dma_start3A_391 = arith.constant 0 : i32
    %dma_start3A_392 = arith.constant 0 : i32
    %dma_start3A_393 = arith.constant 0 : i32
    %dma_start3A_394 = tpu.memref_slice %arg6[%dma_start3A_391, %dma_start3A_392, %dma_start3A_393] : memref<3x16x1536xf32, #tpu.memory_space<vmem>> -> memref<1x16x1536xf32, #tpu.memory_space<vmem>>
    %dma_start3A_395 = tpu.memref_squeeze %dma_start3A_394 : memref<1x16x1536xf32, #tpu.memory_space<vmem>> -> memref<16x1536xf32, #tpu.memory_space<vmem>>
    %dma_start3A_396 = arith.constant 96 : i32
    %dma_start3A_397 = tpu.memref_slice %arg5[%dma_start3A_396] : memref<512xi32, #tpu.memory_space<vmem>> -> memref<16xi32, #tpu.memory_space<vmem>>
    %dma_start3A_398 = arith.constant 0 : i32
    %dma_start3A_399 = arith.constant 0 : i32
    %dma_start3A_400 = tpu.memref_slice %arg2[%dma_start3A_398, %dma_start3A_399] : memref<1024x1536xf32, #tpu.memory_space<hbm>> -> memref<1024x1536xf32, #tpu.memory_space<hbm>>
    tpu.enqueue_indirect_dma source(%dma_start3A_400 : memref<1024x1536xf32, #tpu.memory_space<hbm>>) target(%dma_start3A_395 : memref<16x1536xf32, #tpu.memory_space<vmem>>) offsets(%dma_start3A_397 : memref<16xi32, #tpu.memory_space<vmem>>) semaphore(%arg7 : memref<!tpu.dma_semaphore, #tpu.memory_space<semaphore_mem>>)
    %add3A_401 = arith.constant 64 : i32
    %add3A_402 = arith.addi %mul3A_2, %add3A_401 : i32
    %dma_start3A_403 = arith.constant 1 : i32
    %dma_start3A_404 = arith.constant 0 : i32
    %dma_start3A_405 = arith.constant 0 : i32
    %dma_start3A_406 = tpu.memref_slice %arg6[%dma_start3A_403, %dma_start3A_404, %dma_start3A_405] : memref<3x16x1536xf32, #tpu.memory_space<vmem>> -> memref<1x16x1536xf32, #tpu.memory_space<vmem>>
    %dma_start3A_407 = tpu.memref_squeeze %dma_start3A_406 : memref<1x16x1536xf32, #tpu.memory_space<vmem>> -> memref<16x1536xf32, #tpu.memory_space<vmem>>
    %dma_start3A_408 = arith.constant 0 : i32
    %dma_start3A_409 = tpu.memref_slice %arg4[%add3A_402, %dma_start3A_408] : memref<16384x1536xf32, #tpu.memory_space<hbm>> -> memref<16x1536xf32, #tpu.memory_space<hbm>>
    %dma_start3A_410 = arith.constant 0 : i32
    %dma_start3A_411 = tpu.memref_slice %arg4[%add3A_402, %dma_start3A_410] : memref<16384x1536xf32, #tpu.memory_space<hbm>> -> memref<16x1536xf32, #tpu.memory_space<hbm>>
    %dma_start3A_412 = arith.constant 0 : i32
    %dma_start3A_413 = arith.constant 0 : i32
    %dma_start3A_414 = tpu.memref_slice %arg6[%dma_start3A_403, %dma_start3A_412, %dma_start3A_413] : memref<3x16x1536xf32, #tpu.memory_space<vmem>> -> memref<1x16x1536xf32, #tpu.memory_space<vmem>>
    %dma_start3A_415 = tpu.memref_squeeze %dma_start3A_414 : memref<1x16x1536xf32, #tpu.memory_space<vmem>> -> memref<16x1536xf32, #tpu.memory_space<vmem>>
    tpu.enqueue_dma source(%dma_start3A_415 : memref<16x1536xf32, #tpu.memory_space<vmem>>) target(%dma_start3A_411 : memref<16x1536xf32, #tpu.memory_space<hbm>>) target_semaphore(%arg8 : memref<!tpu.dma_semaphore, #tpu.memory_space<semaphore_mem>>)
    %dma_wait3A_416 = arith.constant 2 : i32
    %dma_wait3A_417 = arith.constant 0 : i32
    %dma_wait3A_418 = arith.constant 0 : i32
    %dma_wait3A_419 = tpu.memref_slice %arg6[%dma_wait3A_416, %dma_wait3A_417, %dma_wait3A_418] : memref<3x16x1536xf32, #tpu.memory_space<vmem>> -> memref<1x16x1536xf32, #tpu.memory_space<vmem>>
    %dma_wait3A_420 = tpu.memref_squeeze %dma_wait3A_419 : memref<1x16x1536xf32, #tpu.memory_space<vmem>> -> memref<16x1536xf32, #tpu.memory_space<vmem>>
    %dma_wait3A_421 = arith.constant 80 : i32
    %dma_wait3A_422 = tpu.memref_slice %arg5[%dma_wait3A_421] : memref<512xi32, #tpu.memory_space<vmem>> -> memref<16xi32, #tpu.memory_space<vmem>>
    %dma_wait3A_423 = arith.constant 0 : i32
    %dma_wait3A_424 = arith.constant 0 : i32
    %dma_wait3A_425 = tpu.memref_slice %arg2[%dma_wait3A_423, %dma_wait3A_424] : memref<1024x1536xf32, #tpu.memory_space<hbm>> -> memref<1024x1536xf32, #tpu.memory_space<hbm>>
    tpu.wait_indirect_dma semaphore(%arg7 : memref<!tpu.dma_semaphore, #tpu.memory_space<semaphore_mem>>) src(%dma_wait3A_425 : memref<1024x1536xf32, #tpu.memory_space<hbm>>) dst(%dma_wait3A_420 : memref<16x1536xf32, #tpu.memory_space<vmem>>)
    %add3A_426 = arith.constant 64 : i32
    %add3A_427 = arith.addi %mul3A_2, %add3A_426 : i32
    %dma_wait3A_428 = arith.constant 1 : i32
    %dma_wait3A_429 = arith.constant 0 : i32
    %dma_wait3A_430 = arith.constant 0 : i32
    %dma_wait3A_431 = tpu.memref_slice %arg6[%dma_wait3A_428, %dma_wait3A_429, %dma_wait3A_430] : memref<3x16x1536xf32, #tpu.memory_space<vmem>> -> memref<1x16x1536xf32, #tpu.memory_space<vmem>>
    %dma_wait3A_432 = tpu.memref_squeeze %dma_wait3A_431 : memref<1x16x1536xf32, #tpu.memory_space<vmem>> -> memref<16x1536xf32, #tpu.memory_space<vmem>>
    %dma_wait3A_433 = arith.constant 0 : i32
    %dma_wait3A_434 = tpu.memref_slice %arg4[%add3A_427, %dma_wait3A_433] : memref<16384x1536xf32, #tpu.memory_space<hbm>> -> memref<16x1536xf32, #tpu.memory_space<hbm>>
    %dma_wait3A_435 = arith.constant 0 : i32
    %dma_wait3A_436 = tpu.memref_slice %arg4[%add3A_427, %dma_wait3A_435] : memref<16384x1536xf32, #tpu.memory_space<hbm>> -> memref<16x1536xf32, #tpu.memory_space<hbm>>
    %dma_wait3A_437 = arith.constant 0 : i32
    %dma_wait3A_438 = arith.constant 0 : i32
    %dma_wait3A_439 = tpu.memref_slice %arg6[%dma_wait3A_428, %dma_wait3A_437, %dma_wait3A_438] : memref<3x16x1536xf32, #tpu.memory_space<vmem>> -> memref<1x16x1536xf32, #tpu.memory_space<vmem>>
    %dma_wait3A_440 = tpu.memref_squeeze %dma_wait3A_439 : memref<1x16x1536xf32, #tpu.memory_space<vmem>> -> memref<16x1536xf32, #tpu.memory_space<vmem>>
    tpu.wait_dma2 semaphore(%arg8 : memref<!tpu.dma_semaphore, #tpu.memory_space<semaphore_mem>>) src(%dma_wait3A_440 : memref<16x1536xf32, #tpu.memory_space<vmem>>) dst(%dma_wait3A_436 : memref<16x1536xf32, #tpu.memory_space<hbm>>)
    %dma_start3A_441 = arith.constant 1 : i32
    %dma_start3A_442 = arith.constant 0 : i32
    %dma_start3A_443 = arith.constant 0 : i32
    %dma_start3A_444 = tpu.memref_slice %arg6[%dma_start3A_441, %dma_start3A_442, %dma_start3A_443] : memref<3x16x1536xf32, #tpu.memory_space<vmem>> -> memref<1x16x1536xf32, #tpu.memory_space<vmem>>
    %dma_start3A_445 = tpu.memref_squeeze %dma_start3A_444 : memref<1x16x1536xf32, #tpu.memory_space<vmem>> -> memref<16x1536xf32, #tpu.memory_space<vmem>>
    %dma_start3A_446 = arith.constant 112 : i32
    %dma_start3A_447 = tpu.memref_slice %arg5[%dma_start3A_446] : memref<512xi32, #tpu.memory_space<vmem>> -> memref<16xi32, #tpu.memory_space<vmem>>
    %dma_start3A_448 = arith.constant 0 : i32
    %dma_start3A_449 = arith.constant 0 : i32
    %dma_start3A_450 = tpu.memref_slice %arg2[%dma_start3A_448, %dma_start3A_449] : memref<1024x1536xf32, #tpu.memory_space<hbm>> -> memref<1024x1536xf32, #tpu.memory_space<hbm>>
    tpu.enqueue_indirect_dma source(%dma_start3A_450 : memref<1024x1536xf32, #tpu.memory_space<hbm>>) target(%dma_start3A_445 : memref<16x1536xf32, #tpu.memory_space<vmem>>) offsets(%dma_start3A_447 : memref<16xi32, #tpu.memory_space<vmem>>) semaphore(%arg7 : memref<!tpu.dma_semaphore, #tpu.memory_space<semaphore_mem>>)
    %add3A_451 = arith.constant 80 : i32
    %add3A_452 = arith.addi %mul3A_2, %add3A_451 : i32
    %dma_start3A_453 = arith.constant 2 : i32
    %dma_start3A_454 = arith.constant 0 : i32
    %dma_start3A_455 = arith.constant 0 : i32
    %dma_start3A_456 = tpu.memref_slice %arg6[%dma_start3A_453, %dma_start3A_454, %dma_start3A_455] : memref<3x16x1536xf32, #tpu.memory_space<vmem>> -> memref<1x16x1536xf32, #tpu.memory_space<vmem>>
    %dma_start3A_457 = tpu.memref_squeeze %dma_start3A_456 : memref<1x16x1536xf32, #tpu.memory_space<vmem>> -> memref<16x1536xf32, #tpu.memory_space<vmem>>
    %dma_start3A_458 = arith.constant 0 : i32
    %dma_start3A_459 = tpu.memref_slice %arg4[%add3A_452, %dma_start3A_458] : memref<16384x1536xf32, #tpu.memory_space<hbm>> -> memref<16x1536xf32, #tpu.memory_space<hbm>>
    %dma_start3A_460 = arith.constant 0 : i32
    %dma_start3A_461 = tpu.memref_slice %arg4[%add3A_452, %dma_start3A_460] : memref<16384x1536xf32, #tpu.memory_space<hbm>> -> memref<16x1536xf32, #tpu.memory_space<hbm>>
    %dma_start3A_462 = arith.constant 0 : i32
    %dma_start3A_463 = arith.constant 0 : i32
    %dma_start3A_464 = tpu.memref_slice %arg6[%dma_start3A_453, %dma_start3A_462, %dma_start3A_463] : memref<3x16x1536xf32, #tpu.memory_space<vmem>> -> memref<1x16x1536xf32, #tpu.memory_space<vmem>>
    %dma_start3A_465 = tpu.memref_squeeze %dma_start3A_464 : memref<1x16x1536xf32, #tpu.memory_space<vmem>> -> memref<16x1536xf32, #tpu.memory_space<vmem>>
    tpu.enqueue_dma source(%dma_start3A_465 : memref<16x1536xf32, #tpu.memory_space<vmem>>) target(%dma_start3A_461 : memref<16x1536xf32, #tpu.memory_space<hbm>>) target_semaphore(%arg8 : memref<!tpu.dma_semaphore, #tpu.memory_space<semaphore_mem>>)
    %dma_wait3A_466 = arith.constant 0 : i32
    %dma_wait3A_467 = arith.constant 0 : i32
    %dma_wait3A_468 = arith.constant 0 : i32
    %dma_wait3A_469 = tpu.memref_slice %arg6[%dma_wait3A_466, %dma_wait3A_467, %dma_wait3A_468] : memref<3x16x1536xf32, #tpu.memory_space<vmem>> -> memref<1x16x1536xf32, #tpu.memory_space<vmem>>
    %dma_wait3A_470 = tpu.memref_squeeze %dma_wait3A_469 : memref<1x16x1536xf32, #tpu.memory_space<vmem>> -> memref<16x1536xf32, #tpu.memory_space<vmem>>
    %dma_wait3A_471 = arith.constant 96 : i32
    %dma_wait3A_472 = tpu.memref_slice %arg5[%dma_wait3A_471] : memref<512xi32, #tpu.memory_space<vmem>> -> memref<16xi32, #tpu.memory_space<vmem>>
    %dma_wait3A_473 = arith.constant 0 : i32
    %dma_wait3A_474 = arith.constant 0 : i32
    %dma_wait3A_475 = tpu.memref_slice %arg2[%dma_wait3A_473, %dma_wait3A_474] : memref<1024x1536xf32, #tpu.memory_space<hbm>> -> memref<1024x1536xf32, #tpu.memory_space<hbm>>
    tpu.wait_indirect_dma semaphore(%arg7 : memref<!tpu.dma_semaphore, #tpu.memory_space<semaphore_mem>>) src(%dma_wait3A_475 : memref<1024x1536xf32, #tpu.memory_space<hbm>>) dst(%dma_wait3A_470 : memref<16x1536xf32, #tpu.memory_space<vmem>>)
    %add3A_476 = arith.constant 80 : i32
    %add3A_477 = arith.addi %mul3A_2, %add3A_476 : i32
    %dma_wait3A_478 = arith.constant 2 : i32
    %dma_wait3A_479 = arith.constant 0 : i32
    %dma_wait3A_480 = arith.constant 0 : i32
    %dma_wait3A_481 = tpu.memref_slice %arg6[%dma_wait3A_478, %dma_wait3A_479, %dma_wait3A_480] : memref<3x16x1536xf32, #tpu.memory_space<vmem>> -> memref<1x16x1536xf32, #tpu.memory_space<vmem>>
    %dma_wait3A_482 = tpu.memref_squeeze %dma_wait3A_481 : memref<1x16x1536xf32, #tpu.memory_space<vmem>> -> memref<16x1536xf32, #tpu.memory_space<vmem>>
    %dma_wait3A_483 = arith.constant 0 : i32
    %dma_wait3A_484 = tpu.memref_slice %arg4[%add3A_477, %dma_wait3A_483] : memref<16384x1536xf32, #tpu.memory_space<hbm>> -> memref<16x1536xf32, #tpu.memory_space<hbm>>
    %dma_wait3A_485 = arith.constant 0 : i32
    %dma_wait3A_486 = tpu.memref_slice %arg4[%add3A_477, %dma_wait3A_485] : memref<16384x1536xf32, #tpu.memory_space<hbm>> -> memref<16x1536xf32, #tpu.memory_space<hbm>>
    %dma_wait3A_487 = arith.constant 0 : i32
    %dma_wait3A_488 = arith.constant 0 : i32
    %dma_wait3A_489 = tpu.memref_slice %arg6[%dma_wait3A_478, %dma_wait3A_487, %dma_wait3A_488] : memref<3x16x1536xf32, #tpu.memory_space<vmem>> -> memref<1x16x1536xf32, #tpu.memory_space<vmem>>
    %dma_wait3A_490 = tpu.memref_squeeze %dma_wait3A_489 : memref<1x16x1536xf32, #tpu.memory_space<vmem>> -> memref<16x1536xf32, #tpu.memory_space<vmem>>
    tpu.wait_dma2 semaphore(%arg8 : memref<!tpu.dma_semaphore, #tpu.memory_space<semaphore_mem>>) src(%dma_wait3A_490 : memref<16x1536xf32, #tpu.memory_space<vmem>>) dst(%dma_wait3A_486 : memref<16x1536xf32, #tpu.memory_space<hbm>>)
    %dma_start3A_491 = arith.constant 2 : i32
    %dma_start3A_492 = arith.constant 0 : i32
    %dma_start3A_493 = arith.constant 0 : i32
    %dma_start3A_494 = tpu.memref_slice %arg6[%dma_start3A_491, %dma_start3A_492, %dma_start3A_493] : memref<3x16x1536xf32, #tpu.memory_space<vmem>> -> memref<1x16x1536xf32, #tpu.memory_space<vmem>>
    %dma_start3A_495 = tpu.memref_squeeze %dma_start3A_494 : memref<1x16x1536xf32, #tpu.memory_space<vmem>> -> memref<16x1536xf32, #tpu.memory_space<vmem>>
    %dma_start3A_496 = arith.constant 128 : i32
    %dma_start3A_497 = tpu.memref_slice %arg5[%dma_start3A_496] : memref<512xi32, #tpu.memory_space<vmem>> -> memref<16xi32, #tpu.memory_space<vmem>>
    %dma_start3A_498 = arith.constant 0 : i32
    %dma_start3A_499 = arith.constant 0 : i32
    %dma_start3A_500 = tpu.memref_slice %arg2[%dma_start3A_498, %dma_start3A_499] : memref<1024x1536xf32, #tpu.memory_space<hbm>> -> memref<1024x1536xf32, #tpu.memory_space<hbm>>
    tpu.enqueue_indirect_dma source(%dma_start3A_500 : memref<1024x1536xf32, #tpu.memory_space<hbm>>) target(%dma_start3A_495 : memref<16x1536xf32, #tpu.memory_space<vmem>>) offsets(%dma_start3A_497 : memref<16xi32, #tpu.memory_space<vmem>>) semaphore(%arg7 : memref<!tpu.dma_semaphore, #tpu.memory_space<semaphore_mem>>)
    %add3A_501 = arith.constant 96 : i32
    %add3A_502 = arith.addi %mul3A_2, %add3A_501 : i32
    %dma_start3A_503 = arith.constant 0 : i32
    %dma_start3A_504 = arith.constant 0 : i32
    %dma_start3A_505 = arith.constant 0 : i32
    %dma_start3A_506 = tpu.memref_slice %arg6[%dma_start3A_503, %dma_start3A_504, %dma_start3A_505] : memref<3x16x1536xf32, #tpu.memory_space<vmem>> -> memref<1x16x1536xf32, #tpu.memory_space<vmem>>
    %dma_start3A_507 = tpu.memref_squeeze %dma_start3A_506 : memref<1x16x1536xf32, #tpu.memory_space<vmem>> -> memref<16x1536xf32, #tpu.memory_space<vmem>>
    %dma_start3A_508 = arith.constant 0 : i32
    %dma_start3A_509 = tpu.memref_slice %arg4[%add3A_502, %dma_start3A_508] : memref<16384x1536xf32, #tpu.memory_space<hbm>> -> memref<16x1536xf32, #tpu.memory_space<hbm>>
    %dma_start3A_510 = arith.constant 0 : i32
    %dma_start3A_511 = tpu.memref_slice %arg4[%add3A_502, %dma_start3A_510] : memref<16384x1536xf32, #tpu.memory_space<hbm>> -> memref<16x1536xf32, #tpu.memory_space<hbm>>
    %dma_start3A_512 = arith.constant 0 : i32
    %dma_start3A_513 = arith.constant 0 : i32
    %dma_start3A_514 = tpu.memref_slice %arg6[%dma_start3A_503, %dma_start3A_512, %dma_start3A_513] : memref<3x16x1536xf32, #tpu.memory_space<vmem>> -> memref<1x16x1536xf32, #tpu.memory_space<vmem>>
    %dma_start3A_515 = tpu.memref_squeeze %dma_start3A_514 : memref<1x16x1536xf32, #tpu.memory_space<vmem>> -> memref<16x1536xf32, #tpu.memory_space<vmem>>
    tpu.enqueue_dma source(%dma_start3A_515 : memref<16x1536xf32, #tpu.memory_space<vmem>>) target(%dma_start3A_511 : memref<16x1536xf32, #tpu.memory_space<hbm>>) target_semaphore(%arg8 : memref<!tpu.dma_semaphore, #tpu.memory_space<semaphore_mem>>)
    %dma_wait3A_516 = arith.constant 1 : i32
    %dma_wait3A_517 = arith.constant 0 : i32
    %dma_wait3A_518 = arith.constant 0 : i32
    %dma_wait3A_519 = tpu.memref_slice %arg6[%dma_wait3A_516, %dma_wait3A_517, %dma_wait3A_518] : memref<3x16x1536xf32, #tpu.memory_space<vmem>> -> memref<1x16x1536xf32, #tpu.memory_space<vmem>>
    %dma_wait3A_520 = tpu.memref_squeeze %dma_wait3A_519 : memref<1x16x1536xf32, #tpu.memory_space<vmem>> -> memref<16x1536xf32, #tpu.memory_space<vmem>>
    %dma_wait3A_521 = arith.constant 112 : i32
    %dma_wait3A_522 = tpu.memref_slice %arg5[%dma_wait3A_521] : memref<512xi32, #tpu.memory_space<vmem>> -> memref<16xi32, #tpu.memory_space<vmem>>
    %dma_wait3A_523 = arith.constant 0 : i32
    %dma_wait3A_524 = arith.constant 0 : i32
    %dma_wait3A_525 = tpu.memref_slice %arg2[%dma_wait3A_523, %dma_wait3A_524] : memref<1024x1536xf32, #tpu.memory_space<hbm>> -> memref<1024x1536xf32, #tpu.memory_space<hbm>>
    tpu.wait_indirect_dma semaphore(%arg7 : memref<!tpu.dma_semaphore, #tpu.memory_space<semaphore_mem>>) src(%dma_wait3A_525 : memref<1024x1536xf32, #tpu.memory_space<hbm>>) dst(%dma_wait3A_520 : memref<16x1536xf32, #tpu.memory_space<vmem>>)
    %add3A_526 = arith.constant 96 : i32
    %add3A_527 = arith.addi %mul3A_2, %add3A_526 : i32
    %dma_wait3A_528 = arith.constant 0 : i32
    %dma_wait3A_529 = arith.constant 0 : i32
    %dma_wait3A_530 = arith.constant 0 : i32
    %dma_wait3A_531 = tpu.memref_slice %arg6[%dma_wait3A_528, %dma_wait3A_529, %dma_wait3A_530] : memref<3x16x1536xf32, #tpu.memory_space<vmem>> -> memref<1x16x1536xf32, #tpu.memory_space<vmem>>
    %dma_wait3A_532 = tpu.memref_squeeze %dma_wait3A_531 : memref<1x16x1536xf32, #tpu.memory_space<vmem>> -> memref<16x1536xf32, #tpu.memory_space<vmem>>
    %dma_wait3A_533 = arith.constant 0 : i32
    %dma_wait3A_534 = tpu.memref_slice %arg4[%add3A_527, %dma_wait3A_533] : memref<16384x1536xf32, #tpu.memory_space<hbm>> -> memref<16x1536xf32, #tpu.memory_space<hbm>>
    %dma_wait3A_535 = arith.constant 0 : i32
    %dma_wait3A_536 = tpu.memref_slice %arg4[%add3A_527, %dma_wait3A_535] : memref<16384x1536xf32, #tpu.memory_space<hbm>> -> memref<16x1536xf32, #tpu.memory_space<hbm>>
    %dma_wait3A_537 = arith.constant 0 : i32
    %dma_wait3A_538 = arith.constant 0 : i32
    %dma_wait3A_539 = tpu.memref_slice %arg6[%dma_wait3A_528, %dma_wait3A_537, %dma_wait3A_538] : memref<3x16x1536xf32, #tpu.memory_space<vmem>> -> memref<1x16x1536xf32, #tpu.memory_space<vmem>>
    %dma_wait3A_540 = tpu.memref_squeeze %dma_wait3A_539 : memref<1x16x1536xf32, #tpu.memory_space<vmem>> -> memref<16x1536xf32, #tpu.memory_space<vmem>>
    tpu.wait_dma2 semaphore(%arg8 : memref<!tpu.dma_semaphore, #tpu.memory_space<semaphore_mem>>) src(%dma_wait3A_540 : memref<16x1536xf32, #tpu.memory_space<vmem>>) dst(%dma_wait3A_536 : memref<16x1536xf32, #tpu.memory_space<hbm>>)
    %dma_start3A_541 = arith.constant 0 : i32
    %dma_start3A_542 = arith.constant 0 : i32
    %dma_start3A_543 = arith.constant 0 : i32
    %dma_start3A_544 = tpu.memref_slice %arg6[%dma_start3A_541, %dma_start3A_542, %dma_start3A_543] : memref<3x16x1536xf32, #tpu.memory_space<vmem>> -> memref<1x16x1536xf32, #tpu.memory_space<vmem>>
    %dma_start3A_545 = tpu.memref_squeeze %dma_start3A_544 : memref<1x16x1536xf32, #tpu.memory_space<vmem>> -> memref<16x1536xf32, #tpu.memory_space<vmem>>
    %dma_start3A_546 = arith.constant 144 : i32
    %dma_start3A_547 = tpu.memref_slice %arg5[%dma_start3A_546] : memref<512xi32, #tpu.memory_space<vmem>> -> memref<16xi32, #tpu.memory_space<vmem>>
    %dma_start3A_548 = arith.constant 0 : i32
    %dma_start3A_549 = arith.constant 0 : i32
    %dma_start3A_550 = tpu.memref_slice %arg2[%dma_start3A_548, %dma_start3A_549] : memref<1024x1536xf32, #tpu.memory_space<hbm>> -> memref<1024x1536xf32, #tpu.memory_space<hbm>>
    tpu.enqueue_indirect_dma source(%dma_start3A_550 : memref<1024x1536xf32, #tpu.memory_space<hbm>>) target(%dma_start3A_545 : memref<16x1536xf32, #tpu.memory_space<vmem>>) offsets(%dma_start3A_547 : memref<16xi32, #tpu.memory_space<vmem>>) semaphore(%arg7 : memref<!tpu.dma_semaphore, #tpu.memory_space<semaphore_mem>>)
    %add3A_551 = arith.constant 112 : i32
    %add3A_552 = arith.addi %mul3A_2, %add3A_551 : i32
    %dma_start3A_553 = arith.constant 1 : i32
    %dma_start3A_554 = arith.constant 0 : i32
    %dma_start3A_555 = arith.constant 0 : i32
    %dma_start3A_556 = tpu.memref_slice %arg6[%dma_start3A_553, %dma_start3A_554, %dma_start3A_555] : memref<3x16x1536xf32, #tpu.memory_space<vmem>> -> memref<1x16x1536xf32, #tpu.memory_space<vmem>>
    %dma_start3A_557 = tpu.memref_squeeze %dma_start3A_556 : memref<1x16x1536xf32, #tpu.memory_space<vmem>> -> memref<16x1536xf32, #tpu.memory_space<vmem>>
    %dma_start3A_558 = arith.constant 0 : i32
    %dma_start3A_559 = tpu.memref_slice %arg4[%add3A_552, %dma_start3A_558] : memref<16384x1536xf32, #tpu.memory_space<hbm>> -> memref<16x1536xf32, #tpu.memory_space<hbm>>
    %dma_start3A_560 = arith.constant 0 : i32
    %dma_start3A_561 = tpu.memref_slice %arg4[%add3A_552, %dma_start3A_560] : memref<16384x1536xf32, #tpu.memory_space<hbm>> -> memref<16x1536xf32, #tpu.memory_space<hbm>>
    %dma_start3A_562 = arith.constant 0 : i32
    %dma_start3A_563 = arith.constant 0 : i32
    %dma_start3A_564 = tpu.memref_slice %arg6[%dma_start3A_553, %dma_start3A_562, %dma_start3A_563] : memref<3x16x1536xf32, #tpu.memory_space<vmem>> -> memref<1x16x1536xf32, #tpu.memory_space<vmem>>
    %dma_start3A_565 = tpu.memref_squeeze %dma_start3A_564 : memref<1x16x1536xf32, #tpu.memory_space<vmem>> -> memref<16x1536xf32, #tpu.memory_space<vmem>>
    tpu.enqueue_dma source(%dma_start3A_565 : memref<16x1536xf32, #tpu.memory_space<vmem>>) target(%dma_start3A_561 : memref<16x1536xf32, #tpu.memory_space<hbm>>) target_semaphore(%arg8 : memref<!tpu.dma_semaphore, #tpu.memory_space<semaphore_mem>>)
    %dma_wait3A_566 = arith.constant 2 : i32
    %dma_wait3A_567 = arith.constant 0 : i32
    %dma_wait3A_568 = arith.constant 0 : i32
    %dma_wait3A_569 = tpu.memref_slice %arg6[%dma_wait3A_566, %dma_wait3A_567, %dma_wait3A_568] : memref<3x16x1536xf32, #tpu.memory_space<vmem>> -> memref<1x16x1536xf32, #tpu.memory_space<vmem>>
    %dma_wait3A_570 = tpu.memref_squeeze %dma_wait3A_569 : memref<1x16x1536xf32, #tpu.memory_space<vmem>> -> memref<16x1536xf32, #tpu.memory_space<vmem>>
    %dma_wait3A_571 = arith.constant 128 : i32
    %dma_wait3A_572 = tpu.memref_slice %arg5[%dma_wait3A_571] : memref<512xi32, #tpu.memory_space<vmem>> -> memref<16xi32, #tpu.memory_space<vmem>>
    %dma_wait3A_573 = arith.constant 0 : i32
    %dma_wait3A_574 = arith.constant 0 : i32
    %dma_wait3A_575 = tpu.memref_slice %arg2[%dma_wait3A_573, %dma_wait3A_574] : memref<1024x1536xf32, #tpu.memory_space<hbm>> -> memref<1024x1536xf32, #tpu.memory_space<hbm>>
    tpu.wait_indirect_dma semaphore(%arg7 : memref<!tpu.dma_semaphore, #tpu.memory_space<semaphore_mem>>) src(%dma_wait3A_575 : memref<1024x1536xf32, #tpu.memory_space<hbm>>) dst(%dma_wait3A_570 : memref<16x1536xf32, #tpu.memory_space<vmem>>)
    %add3A_576 = arith.constant 112 : i32
    %add3A_577 = arith.addi %mul3A_2, %add3A_576 : i32
    %dma_wait3A_578 = arith.constant 1 : i32
    %dma_wait3A_579 = arith.constant 0 : i32
    %dma_wait3A_580 = arith.constant 0 : i32
    %dma_wait3A_581 = tpu.memref_slice %arg6[%dma_wait3A_578, %dma_wait3A_579, %dma_wait3A_580] : memref<3x16x1536xf32, #tpu.memory_space<vmem>> -> memref<1x16x1536xf32, #tpu.memory_space<vmem>>
    %dma_wait3A_582 = tpu.memref_squeeze %dma_wait3A_581 : memref<1x16x1536xf32, #tpu.memory_space<vmem>> -> memref<16x1536xf32, #tpu.memory_space<vmem>>
    %dma_wait3A_583 = arith.constant 0 : i32
    %dma_wait3A_584 = tpu.memref_slice %arg4[%add3A_577, %dma_wait3A_583] : memref<16384x1536xf32, #tpu.memory_space<hbm>> -> memref<16x1536xf32, #tpu.memory_space<hbm>>
    %dma_wait3A_585 = arith.constant 0 : i32
    %dma_wait3A_586 = tpu.memref_slice %arg4[%add3A_577, %dma_wait3A_585] : memref<16384x1536xf32, #tpu.memory_space<hbm>> -> memref<16x1536xf32, #tpu.memory_space<hbm>>
    %dma_wait3A_587 = arith.constant 0 : i32
    %dma_wait3A_588 = arith.constant 0 : i32
    %dma_wait3A_589 = tpu.memref_slice %arg6[%dma_wait3A_578, %dma_wait3A_587, %dma_wait3A_588] : memref<3x16x1536xf32, #tpu.memory_space<vmem>> -> memref<1x16x1536xf32, #tpu.memory_space<vmem>>
    %dma_wait3A_590 = tpu.memref_squeeze %dma_wait3A_589 : memref<1x16x1536xf32, #tpu.memory_space<vmem>> -> memref<16x1536xf32, #tpu.memory_space<vmem>>
    tpu.wait_dma2 semaphore(%arg8 : memref<!tpu.dma_semaphore, #tpu.memory_space<semaphore_mem>>) src(%dma_wait3A_590 : memref<16x1536xf32, #tpu.memory_space<vmem>>) dst(%dma_wait3A_586 : memref<16x1536xf32, #tpu.memory_space<hbm>>)
    %dma_start3A_591 = arith.constant 1 : i32
    %dma_start3A_592 = arith.constant 0 : i32
    %dma_start3A_593 = arith.constant 0 : i32
    %dma_start3A_594 = tpu.memref_slice %arg6[%dma_start3A_591, %dma_start3A_592, %dma_start3A_593] : memref<3x16x1536xf32, #tpu.memory_space<vmem>> -> memref<1x16x1536xf32, #tpu.memory_space<vmem>>
    %dma_start3A_595 = tpu.memref_squeeze %dma_start3A_594 : memref<1x16x1536xf32, #tpu.memory_space<vmem>> -> memref<16x1536xf32, #tpu.memory_space<vmem>>
    %dma_start3A_596 = arith.constant 160 : i32
    %dma_start3A_597 = tpu.memref_slice %arg5[%dma_start3A_596] : memref<512xi32, #tpu.memory_space<vmem>> -> memref<16xi32, #tpu.memory_space<vmem>>
    %dma_start3A_598 = arith.constant 0 : i32
    %dma_start3A_599 = arith.constant 0 : i32
    %dma_start3A_600 = tpu.memref_slice %arg2[%dma_start3A_598, %dma_start3A_599] : memref<1024x1536xf32, #tpu.memory_space<hbm>> -> memref<1024x1536xf32, #tpu.memory_space<hbm>>
    tpu.enqueue_indirect_dma source(%dma_start3A_600 : memref<1024x1536xf32, #tpu.memory_space<hbm>>) target(%dma_start3A_595 : memref<16x1536xf32, #tpu.memory_space<vmem>>) offsets(%dma_start3A_597 : memref<16xi32, #tpu.memory_space<vmem>>) semaphore(%arg7 : memref<!tpu.dma_semaphore, #tpu.memory_space<semaphore_mem>>)
    %add3A_601 = arith.constant 128 : i32
    %add3A_602 = arith.addi %mul3A_2, %add3A_601 : i32
    %dma_start3A_603 = arith.constant 2 : i32
    %dma_start3A_604 = arith.constant 0 : i32
    %dma_start3A_605 = arith.constant 0 : i32
    %dma_start3A_606 = tpu.memref_slice %arg6[%dma_start3A_603, %dma_start3A_604, %dma_start3A_605] : memref<3x16x1536xf32, #tpu.memory_space<vmem>> -> memref<1x16x1536xf32, #tpu.memory_space<vmem>>
    %dma_start3A_607 = tpu.memref_squeeze %dma_start3A_606 : memref<1x16x1536xf32, #tpu.memory_space<vmem>> -> memref<16x1536xf32, #tpu.memory_space<vmem>>
    %dma_start3A_608 = arith.constant 0 : i32
    %dma_start3A_609 = tpu.memref_slice %arg4[%add3A_602, %dma_start3A_608] : memref<16384x1536xf32, #tpu.memory_space<hbm>> -> memref<16x1536xf32, #tpu.memory_space<hbm>>
    %dma_start3A_610 = arith.constant 0 : i32
    %dma_start3A_611 = tpu.memref_slice %arg4[%add3A_602, %dma_start3A_610] : memref<16384x1536xf32, #tpu.memory_space<hbm>> -> memref<16x1536xf32, #tpu.memory_space<hbm>>
    %dma_start3A_612 = arith.constant 0 : i32
    %dma_start3A_613 = arith.constant 0 : i32
    %dma_start3A_614 = tpu.memref_slice %arg6[%dma_start3A_603, %dma_start3A_612, %dma_start3A_613] : memref<3x16x1536xf32, #tpu.memory_space<vmem>> -> memref<1x16x1536xf32, #tpu.memory_space<vmem>>
    %dma_start3A_615 = tpu.memref_squeeze %dma_start3A_614 : memref<1x16x1536xf32, #tpu.memory_space<vmem>> -> memref<16x1536xf32, #tpu.memory_space<vmem>>
    tpu.enqueue_dma source(%dma_start3A_615 : memref<16x1536xf32, #tpu.memory_space<vmem>>) target(%dma_start3A_611 : memref<16x1536xf32, #tpu.memory_space<hbm>>) target_semaphore(%arg8 : memref<!tpu.dma_semaphore, #tpu.memory_space<semaphore_mem>>)
    %dma_wait3A_616 = arith.constant 0 : i32
    %dma_wait3A_617 = arith.constant 0 : i32
    %dma_wait3A_618 = arith.constant 0 : i32
    %dma_wait3A_619 = tpu.memref_slice %arg6[%dma_wait3A_616, %dma_wait3A_617, %dma_wait3A_618] : memref<3x16x1536xf32, #tpu.memory_space<vmem>> -> memref<1x16x1536xf32, #tpu.memory_space<vmem>>
    %dma_wait3A_620 = tpu.memref_squeeze %dma_wait3A_619 : memref<1x16x1536xf32, #tpu.memory_space<vmem>> -> memref<16x1536xf32, #tpu.memory_space<vmem>>
    %dma_wait3A_621 = arith.constant 144 : i32
    %dma_wait3A_622 = tpu.memref_slice %arg5[%dma_wait3A_621] : memref<512xi32, #tpu.memory_space<vmem>> -> memref<16xi32, #tpu.memory_space<vmem>>
    %dma_wait3A_623 = arith.constant 0 : i32
    %dma_wait3A_624 = arith.constant 0 : i32
    %dma_wait3A_625 = tpu.memref_slice %arg2[%dma_wait3A_623, %dma_wait3A_624] : memref<1024x1536xf32, #tpu.memory_space<hbm>> -> memref<1024x1536xf32, #tpu.memory_space<hbm>>
    tpu.wait_indirect_dma semaphore(%arg7 : memref<!tpu.dma_semaphore, #tpu.memory_space<semaphore_mem>>) src(%dma_wait3A_625 : memref<1024x1536xf32, #tpu.memory_space<hbm>>) dst(%dma_wait3A_620 : memref<16x1536xf32, #tpu.memory_space<vmem>>)
    %add3A_626 = arith.constant 128 : i32
    %add3A_627 = arith.addi %mul3A_2, %add3A_626 : i32
    %dma_wait3A_628 = arith.constant 2 : i32
    %dma_wait3A_629 = arith.constant 0 : i32
    %dma_wait3A_630 = arith.constant 0 : i32
    %dma_wait3A_631 = tpu.memref_slice %arg6[%dma_wait3A_628, %dma_wait3A_629, %dma_wait3A_630] : memref<3x16x1536xf32, #tpu.memory_space<vmem>> -> memref<1x16x1536xf32, #tpu.memory_space<vmem>>
    %dma_wait3A_632 = tpu.memref_squeeze %dma_wait3A_631 : memref<1x16x1536xf32, #tpu.memory_space<vmem>> -> memref<16x1536xf32, #tpu.memory_space<vmem>>
    %dma_wait3A_633 = arith.constant 0 : i32
    %dma_wait3A_634 = tpu.memref_slice %arg4[%add3A_627, %dma_wait3A_633] : memref<16384x1536xf32, #tpu.memory_space<hbm>> -> memref<16x1536xf32, #tpu.memory_space<hbm>>
    %dma_wait3A_635 = arith.constant 0 : i32
    %dma_wait3A_636 = tpu.memref_slice %arg4[%add3A_627, %dma_wait3A_635] : memref<16384x1536xf32, #tpu.memory_space<hbm>> -> memref<16x1536xf32, #tpu.memory_space<hbm>>
    %dma_wait3A_637 = arith.constant 0 : i32
    %dma_wait3A_638 = arith.constant 0 : i32
    %dma_wait3A_639 = tpu.memref_slice %arg6[%dma_wait3A_628, %dma_wait3A_637, %dma_wait3A_638] : memref<3x16x1536xf32, #tpu.memory_space<vmem>> -> memref<1x16x1536xf32, #tpu.memory_space<vmem>>
    %dma_wait3A_640 = tpu.memref_squeeze %dma_wait3A_639 : memref<1x16x1536xf32, #tpu.memory_space<vmem>> -> memref<16x1536xf32, #tpu.memory_space<vmem>>
    tpu.wait_dma2 semaphore(%arg8 : memref<!tpu.dma_semaphore, #tpu.memory_space<semaphore_mem>>) src(%dma_wait3A_640 : memref<16x1536xf32, #tpu.memory_space<vmem>>) dst(%dma_wait3A_636 : memref<16x1536xf32, #tpu.memory_space<hbm>>)
    %dma_start3A_641 = arith.constant 2 : i32
    %dma_start3A_642 = arith.constant 0 : i32
    %dma_start3A_643 = arith.constant 0 : i32
    %dma_start3A_644 = tpu.memref_slice %arg6[%dma_start3A_641, %dma_start3A_642, %dma_start3A_643] : memref<3x16x1536xf32, #tpu.memory_space<vmem>> -> memref<1x16x1536xf32, #tpu.memory_space<vmem>>
    %dma_start3A_645 = tpu.memref_squeeze %dma_start3A_644 : memref<1x16x1536xf32, #tpu.memory_space<vmem>> -> memref<16x1536xf32, #tpu.memory_space<vmem>>
    %dma_start3A_646 = arith.constant 176 : i32
    %dma_start3A_647 = tpu.memref_slice %arg5[%dma_start3A_646] : memref<512xi32, #tpu.memory_space<vmem>> -> memref<16xi32, #tpu.memory_space<vmem>>
    %dma_start3A_648 = arith.constant 0 : i32
    %dma_start3A_649 = arith.constant 0 : i32
    %dma_start3A_650 = tpu.memref_slice %arg2[%dma_start3A_648, %dma_start3A_649] : memref<1024x1536xf32, #tpu.memory_space<hbm>> -> memref<1024x1536xf32, #tpu.memory_space<hbm>>
    tpu.enqueue_indirect_dma source(%dma_start3A_650 : memref<1024x1536xf32, #tpu.memory_space<hbm>>) target(%dma_start3A_645 : memref<16x1536xf32, #tpu.memory_space<vmem>>) offsets(%dma_start3A_647 : memref<16xi32, #tpu.memory_space<vmem>>) semaphore(%arg7 : memref<!tpu.dma_semaphore, #tpu.memory_space<semaphore_mem>>)
    %add3A_651 = arith.constant 144 : i32
    %add3A_652 = arith.addi %mul3A_2, %add3A_651 : i32
    %dma_start3A_653 = arith.constant 0 : i32
    %dma_start3A_654 = arith.constant 0 : i32
    %dma_start3A_655 = arith.constant 0 : i32
    %dma_start3A_656 = tpu.memref_slice %arg6[%dma_start3A_653, %dma_start3A_654, %dma_start3A_655] : memref<3x16x1536xf32, #tpu.memory_space<vmem>> -> memref<1x16x1536xf32, #tpu.memory_space<vmem>>
    %dma_start3A_657 = tpu.memref_squeeze %dma_start3A_656 : memref<1x16x1536xf32, #tpu.memory_space<vmem>> -> memref<16x1536xf32, #tpu.memory_space<vmem>>
    %dma_start3A_658 = arith.constant 0 : i32
    %dma_start3A_659 = tpu.memref_slice %arg4[%add3A_652, %dma_start3A_658] : memref<16384x1536xf32, #tpu.memory_space<hbm>> -> memref<16x1536xf32, #tpu.memory_space<hbm>>
    %dma_start3A_660 = arith.constant 0 : i32
    %dma_start3A_661 = tpu.memref_slice %arg4[%add3A_652, %dma_start3A_660] : memref<16384x1536xf32, #tpu.memory_space<hbm>> -> memref<16x1536xf32, #tpu.memory_space<hbm>>
    %dma_start3A_662 = arith.constant 0 : i32
    %dma_start3A_663 = arith.constant 0 : i32
    %dma_start3A_664 = tpu.memref_slice %arg6[%dma_start3A_653, %dma_start3A_662, %dma_start3A_663] : memref<3x16x1536xf32, #tpu.memory_space<vmem>> -> memref<1x16x1536xf32, #tpu.memory_space<vmem>>
    %dma_start3A_665 = tpu.memref_squeeze %dma_start3A_664 : memref<1x16x1536xf32, #tpu.memory_space<vmem>> -> memref<16x1536xf32, #tpu.memory_space<vmem>>
    tpu.enqueue_dma source(%dma_start3A_665 : memref<16x1536xf32, #tpu.memory_space<vmem>>) target(%dma_start3A_661 : memref<16x1536xf32, #tpu.memory_space<hbm>>) target_semaphore(%arg8 : memref<!tpu.dma_semaphore, #tpu.memory_space<semaphore_mem>>)
    %dma_wait3A_666 = arith.constant 1 : i32
    %dma_wait3A_667 = arith.constant 0 : i32
    %dma_wait3A_668 = arith.constant 0 : i32
    %dma_wait3A_669 = tpu.memref_slice %arg6[%dma_wait3A_666, %dma_wait3A_667, %dma_wait3A_668] : memref<3x16x1536xf32, #tpu.memory_space<vmem>> -> memref<1x16x1536xf32, #tpu.memory_space<vmem>>
    %dma_wait3A_670 = tpu.memref_squeeze %dma_wait3A_669 : memref<1x16x1536xf32, #tpu.memory_space<vmem>> -> memref<16x1536xf32, #tpu.memory_space<vmem>>
    %dma_wait3A_671 = arith.constant 160 : i32
    %dma_wait3A_672 = tpu.memref_slice %arg5[%dma_wait3A_671] : memref<512xi32, #tpu.memory_space<vmem>> -> memref<16xi32, #tpu.memory_space<vmem>>
    %dma_wait3A_673 = arith.constant 0 : i32
    %dma_wait3A_674 = arith.constant 0 : i32
    %dma_wait3A_675 = tpu.memref_slice %arg2[%dma_wait3A_673, %dma_wait3A_674] : memref<1024x1536xf32, #tpu.memory_space<hbm>> -> memref<1024x1536xf32, #tpu.memory_space<hbm>>
    tpu.wait_indirect_dma semaphore(%arg7 : memref<!tpu.dma_semaphore, #tpu.memory_space<semaphore_mem>>) src(%dma_wait3A_675 : memref<1024x1536xf32, #tpu.memory_space<hbm>>) dst(%dma_wait3A_670 : memref<16x1536xf32, #tpu.memory_space<vmem>>)
    %add3A_676 = arith.constant 144 : i32
    %add3A_677 = arith.addi %mul3A_2, %add3A_676 : i32
    %dma_wait3A_678 = arith.constant 0 : i32
    %dma_wait3A_679 = arith.constant 0 : i32
    %dma_wait3A_680 = arith.constant 0 : i32
    %dma_wait3A_681 = tpu.memref_slice %arg6[%dma_wait3A_678, %dma_wait3A_679, %dma_wait3A_680] : memref<3x16x1536xf32, #tpu.memory_space<vmem>> -> memref<1x16x1536xf32, #tpu.memory_space<vmem>>
    %dma_wait3A_682 = tpu.memref_squeeze %dma_wait3A_681 : memref<1x16x1536xf32, #tpu.memory_space<vmem>> -> memref<16x1536xf32, #tpu.memory_space<vmem>>
    %dma_wait3A_683 = arith.constant 0 : i32
    %dma_wait3A_684 = tpu.memref_slice %arg4[%add3A_677, %dma_wait3A_683] : memref<16384x1536xf32, #tpu.memory_space<hbm>> -> memref<16x1536xf32, #tpu.memory_space<hbm>>
    %dma_wait3A_685 = arith.constant 0 : i32
    %dma_wait3A_686 = tpu.memref_slice %arg4[%add3A_677, %dma_wait3A_685] : memref<16384x1536xf32, #tpu.memory_space<hbm>> -> memref<16x1536xf32, #tpu.memory_space<hbm>>
    %dma_wait3A_687 = arith.constant 0 : i32
    %dma_wait3A_688 = arith.constant 0 : i32
    %dma_wait3A_689 = tpu.memref_slice %arg6[%dma_wait3A_678, %dma_wait3A_687, %dma_wait3A_688] : memref<3x16x1536xf32, #tpu.memory_space<vmem>> -> memref<1x16x1536xf32, #tpu.memory_space<vmem>>
    %dma_wait3A_690 = tpu.memref_squeeze %dma_wait3A_689 : memref<1x16x1536xf32, #tpu.memory_space<vmem>> -> memref<16x1536xf32, #tpu.memory_space<vmem>>
    tpu.wait_dma2 semaphore(%arg8 : memref<!tpu.dma_semaphore, #tpu.memory_space<semaphore_mem>>) src(%dma_wait3A_690 : memref<16x1536xf32, #tpu.memory_space<vmem>>) dst(%dma_wait3A_686 : memref<16x1536xf32, #tpu.memory_space<hbm>>)
    %dma_start3A_691 = arith.constant 0 : i32
    %dma_start3A_692 = arith.constant 0 : i32
    %dma_start3A_693 = arith.constant 0 : i32
    %dma_start3A_694 = tpu.memref_slice %arg6[%dma_start3A_691, %dma_start3A_692, %dma_start3A_693] : memref<3x16x1536xf32, #tpu.memory_space<vmem>> -> memref<1x16x1536xf32, #tpu.memory_space<vmem>>
    %dma_start3A_695 = tpu.memref_squeeze %dma_start3A_694 : memref<1x16x1536xf32, #tpu.memory_space<vmem>> -> memref<16x1536xf32, #tpu.memory_space<vmem>>
    %dma_start3A_696 = arith.constant 192 : i32
    %dma_start3A_697 = tpu.memref_slice %arg5[%dma_start3A_696] : memref<512xi32, #tpu.memory_space<vmem>> -> memref<16xi32, #tpu.memory_space<vmem>>
    %dma_start3A_698 = arith.constant 0 : i32
    %dma_start3A_699 = arith.constant 0 : i32
    %dma_start3A_700 = tpu.memref_slice %arg2[%dma_start3A_698, %dma_start3A_699] : memref<1024x1536xf32, #tpu.memory_space<hbm>> -> memref<1024x1536xf32, #tpu.memory_space<hbm>>
    tpu.enqueue_indirect_dma source(%dma_start3A_700 : memref<1024x1536xf32, #tpu.memory_space<hbm>>) target(%dma_start3A_695 : memref<16x1536xf32, #tpu.memory_space<vmem>>) offsets(%dma_start3A_697 : memref<16xi32, #tpu.memory_space<vmem>>) semaphore(%arg7 : memref<!tpu.dma_semaphore, #tpu.memory_space<semaphore_mem>>)
    %add3A_701 = arith.constant 160 : i32
    %add3A_702 = arith.addi %mul3A_2, %add3A_701 : i32
    %dma_start3A_703 = arith.constant 1 : i32
    %dma_start3A_704 = arith.constant 0 : i32
    %dma_start3A_705 = arith.constant 0 : i32
    %dma_start3A_706 = tpu.memref_slice %arg6[%dma_start3A_703, %dma_start3A_704, %dma_start3A_705] : memref<3x16x1536xf32, #tpu.memory_space<vmem>> -> memref<1x16x1536xf32, #tpu.memory_space<vmem>>
    %dma_start3A_707 = tpu.memref_squeeze %dma_start3A_706 : memref<1x16x1536xf32, #tpu.memory_space<vmem>> -> memref<16x1536xf32, #tpu.memory_space<vmem>>
    %dma_start3A_708 = arith.constant 0 : i32
    %dma_start3A_709 = tpu.memref_slice %arg4[%add3A_702, %dma_start3A_708] : memref<16384x1536xf32, #tpu.memory_space<hbm>> -> memref<16x1536xf32, #tpu.memory_space<hbm>>
    %dma_start3A_710 = arith.constant 0 : i32
    %dma_start3A_711 = tpu.memref_slice %arg4[%add3A_702, %dma_start3A_710] : memref<16384x1536xf32, #tpu.memory_space<hbm>> -> memref<16x1536xf32, #tpu.memory_space<hbm>>
    %dma_start3A_712 = arith.constant 0 : i32
    %dma_start3A_713 = arith.constant 0 : i32
    %dma_start3A_714 = tpu.memref_slice %arg6[%dma_start3A_703, %dma_start3A_712, %dma_start3A_713] : memref<3x16x1536xf32, #tpu.memory_space<vmem>> -> memref<1x16x1536xf32, #tpu.memory_space<vmem>>
    %dma_start3A_715 = tpu.memref_squeeze %dma_start3A_714 : memref<1x16x1536xf32, #tpu.memory_space<vmem>> -> memref<16x1536xf32, #tpu.memory_space<vmem>>
    tpu.enqueue_dma source(%dma_start3A_715 : memref<16x1536xf32, #tpu.memory_space<vmem>>) target(%dma_start3A_711 : memref<16x1536xf32, #tpu.memory_space<hbm>>) target_semaphore(%arg8 : memref<!tpu.dma_semaphore, #tpu.memory_space<semaphore_mem>>)
    %dma_wait3A_716 = arith.constant 2 : i32
    %dma_wait3A_717 = arith.constant 0 : i32
    %dma_wait3A_718 = arith.constant 0 : i32
    %dma_wait3A_719 = tpu.memref_slice %arg6[%dma_wait3A_716, %dma_wait3A_717, %dma_wait3A_718] : memref<3x16x1536xf32, #tpu.memory_space<vmem>> -> memref<1x16x1536xf32, #tpu.memory_space<vmem>>
    %dma_wait3A_720 = tpu.memref_squeeze %dma_wait3A_719 : memref<1x16x1536xf32, #tpu.memory_space<vmem>> -> memref<16x1536xf32, #tpu.memory_space<vmem>>
    %dma_wait3A_721 = arith.constant 176 : i32
    %dma_wait3A_722 = tpu.memref_slice %arg5[%dma_wait3A_721] : memref<512xi32, #tpu.memory_space<vmem>> -> memref<16xi32, #tpu.memory_space<vmem>>
    %dma_wait3A_723 = arith.constant 0 : i32
    %dma_wait3A_724 = arith.constant 0 : i32
    %dma_wait3A_725 = tpu.memref_slice %arg2[%dma_wait3A_723, %dma_wait3A_724] : memref<1024x1536xf32, #tpu.memory_space<hbm>> -> memref<1024x1536xf32, #tpu.memory_space<hbm>>
    tpu.wait_indirect_dma semaphore(%arg7 : memref<!tpu.dma_semaphore, #tpu.memory_space<semaphore_mem>>) src(%dma_wait3A_725 : memref<1024x1536xf32, #tpu.memory_space<hbm>>) dst(%dma_wait3A_720 : memref<16x1536xf32, #tpu.memory_space<vmem>>)
    %add3A_726 = arith.constant 160 : i32
    %add3A_727 = arith.addi %mul3A_2, %add3A_726 : i32
    %dma_wait3A_728 = arith.constant 1 : i32
    %dma_wait3A_729 = arith.constant 0 : i32
    %dma_wait3A_730 = arith.constant 0 : i32
    %dma_wait3A_731 = tpu.memref_slice %arg6[%dma_wait3A_728, %dma_wait3A_729, %dma_wait3A_730] : memref<3x16x1536xf32, #tpu.memory_space<vmem>> -> memref<1x16x1536xf32, #tpu.memory_space<vmem>>
    %dma_wait3A_732 = tpu.memref_squeeze %dma_wait3A_731 : memref<1x16x1536xf32, #tpu.memory_space<vmem>> -> memref<16x1536xf32, #tpu.memory_space<vmem>>
    %dma_wait3A_733 = arith.constant 0 : i32
    %dma_wait3A_734 = tpu.memref_slice %arg4[%add3A_727, %dma_wait3A_733] : memref<16384x1536xf32, #tpu.memory_space<hbm>> -> memref<16x1536xf32, #tpu.memory_space<hbm>>
    %dma_wait3A_735 = arith.constant 0 : i32
    %dma_wait3A_736 = tpu.memref_slice %arg4[%add3A_727, %dma_wait3A_735] : memref<16384x1536xf32, #tpu.memory_space<hbm>> -> memref<16x1536xf32, #tpu.memory_space<hbm>>
    %dma_wait3A_737 = arith.constant 0 : i32
    %dma_wait3A_738 = arith.constant 0 : i32
    %dma_wait3A_739 = tpu.memref_slice %arg6[%dma_wait3A_728, %dma_wait3A_737, %dma_wait3A_738] : memref<3x16x1536xf32, #tpu.memory_space<vmem>> -> memref<1x16x1536xf32, #tpu.memory_space<vmem>>
    %dma_wait3A_740 = tpu.memref_squeeze %dma_wait3A_739 : memref<1x16x1536xf32, #tpu.memory_space<vmem>> -> memref<16x1536xf32, #tpu.memory_space<vmem>>
    tpu.wait_dma2 semaphore(%arg8 : memref<!tpu.dma_semaphore, #tpu.memory_space<semaphore_mem>>) src(%dma_wait3A_740 : memref<16x1536xf32, #tpu.memory_space<vmem>>) dst(%dma_wait3A_736 : memref<16x1536xf32, #tpu.memory_space<hbm>>)
    %dma_start3A_741 = arith.constant 1 : i32
    %dma_start3A_742 = arith.constant 0 : i32
    %dma_start3A_743 = arith.constant 0 : i32
    %dma_start3A_744 = tpu.memref_slice %arg6[%dma_start3A_741, %dma_start3A_742, %dma_start3A_743] : memref<3x16x1536xf32, #tpu.memory_space<vmem>> -> memref<1x16x1536xf32, #tpu.memory_space<vmem>>
    %dma_start3A_745 = tpu.memref_squeeze %dma_start3A_744 : memref<1x16x1536xf32, #tpu.memory_space<vmem>> -> memref<16x1536xf32, #tpu.memory_space<vmem>>
    %dma_start3A_746 = arith.constant 208 : i32
    %dma_start3A_747 = tpu.memref_slice %arg5[%dma_start3A_746] : memref<512xi32, #tpu.memory_space<vmem>> -> memref<16xi32, #tpu.memory_space<vmem>>
    %dma_start3A_748 = arith.constant 0 : i32
    %dma_start3A_749 = arith.constant 0 : i32
    %dma_start3A_750 = tpu.memref_slice %arg2[%dma_start3A_748, %dma_start3A_749] : memref<1024x1536xf32, #tpu.memory_space<hbm>> -> memref<1024x1536xf32, #tpu.memory_space<hbm>>
    tpu.enqueue_indirect_dma source(%dma_start3A_750 : memref<1024x1536xf32, #tpu.memory_space<hbm>>) target(%dma_start3A_745 : memref<16x1536xf32, #tpu.memory_space<vmem>>) offsets(%dma_start3A_747 : memref<16xi32, #tpu.memory_space<vmem>>) semaphore(%arg7 : memref<!tpu.dma_semaphore, #tpu.memory_space<semaphore_mem>>)
    %add3A_751 = arith.constant 176 : i32
    %add3A_752 = arith.addi %mul3A_2, %add3A_751 : i32
    %dma_start3A_753 = arith.constant 2 : i32
    %dma_start3A_754 = arith.constant 0 : i32
    %dma_start3A_755 = arith.constant 0 : i32
    %dma_start3A_756 = tpu.memref_slice %arg6[%dma_start3A_753, %dma_start3A_754, %dma_start3A_755] : memref<3x16x1536xf32, #tpu.memory_space<vmem>> -> memref<1x16x1536xf32, #tpu.memory_space<vmem>>
    %dma_start3A_757 = tpu.memref_squeeze %dma_start3A_756 : memref<1x16x1536xf32, #tpu.memory_space<vmem>> -> memref<16x1536xf32, #tpu.memory_space<vmem>>
    %dma_start3A_758 = arith.constant 0 : i32
    %dma_start3A_759 = tpu.memref_slice %arg4[%add3A_752, %dma_start3A_758] : memref<16384x1536xf32, #tpu.memory_space<hbm>> -> memref<16x1536xf32, #tpu.memory_space<hbm>>
    %dma_start3A_760 = arith.constant 0 : i32
    %dma_start3A_761 = tpu.memref_slice %arg4[%add3A_752, %dma_start3A_760] : memref<16384x1536xf32, #tpu.memory_space<hbm>> -> memref<16x1536xf32, #tpu.memory_space<hbm>>
    %dma_start3A_762 = arith.constant 0 : i32
    %dma_start3A_763 = arith.constant 0 : i32
    %dma_start3A_764 = tpu.memref_slice %arg6[%dma_start3A_753, %dma_start3A_762, %dma_start3A_763] : memref<3x16x1536xf32, #tpu.memory_space<vmem>> -> memref<1x16x1536xf32, #tpu.memory_space<vmem>>
    %dma_start3A_765 = tpu.memref_squeeze %dma_start3A_764 : memref<1x16x1536xf32, #tpu.memory_space<vmem>> -> memref<16x1536xf32, #tpu.memory_space<vmem>>
    tpu.enqueue_dma source(%dma_start3A_765 : memref<16x1536xf32, #tpu.memory_space<vmem>>) target(%dma_start3A_761 : memref<16x1536xf32, #tpu.memory_space<hbm>>) target_semaphore(%arg8 : memref<!tpu.dma_semaphore, #tpu.memory_space<semaphore_mem>>)
    %dma_wait3A_766 = arith.constant 0 : i32
    %dma_wait3A_767 = arith.constant 0 : i32
    %dma_wait3A_768 = arith.constant 0 : i32
    %dma_wait3A_769 = tpu.memref_slice %arg6[%dma_wait3A_766, %dma_wait3A_767, %dma_wait3A_768] : memref<3x16x1536xf32, #tpu.memory_space<vmem>> -> memref<1x16x1536xf32, #tpu.memory_space<vmem>>
    %dma_wait3A_770 = tpu.memref_squeeze %dma_wait3A_769 : memref<1x16x1536xf32, #tpu.memory_space<vmem>> -> memref<16x1536xf32, #tpu.memory_space<vmem>>
    %dma_wait3A_771 = arith.constant 192 : i32
    %dma_wait3A_772 = tpu.memref_slice %arg5[%dma_wait3A_771] : memref<512xi32, #tpu.memory_space<vmem>> -> memref<16xi32, #tpu.memory_space<vmem>>
    %dma_wait3A_773 = arith.constant 0 : i32
    %dma_wait3A_774 = arith.constant 0 : i32
    %dma_wait3A_775 = tpu.memref_slice %arg2[%dma_wait3A_773, %dma_wait3A_774] : memref<1024x1536xf32, #tpu.memory_space<hbm>> -> memref<1024x1536xf32, #tpu.memory_space<hbm>>
    tpu.wait_indirect_dma semaphore(%arg7 : memref<!tpu.dma_semaphore, #tpu.memory_space<semaphore_mem>>) src(%dma_wait3A_775 : memref<1024x1536xf32, #tpu.memory_space<hbm>>) dst(%dma_wait3A_770 : memref<16x1536xf32, #tpu.memory_space<vmem>>)
    %add3A_776 = arith.constant 176 : i32
    %add3A_777 = arith.addi %mul3A_2, %add3A_776 : i32
    %dma_wait3A_778 = arith.constant 2 : i32
    %dma_wait3A_779 = arith.constant 0 : i32
    %dma_wait3A_780 = arith.constant 0 : i32
    %dma_wait3A_781 = tpu.memref_slice %arg6[%dma_wait3A_778, %dma_wait3A_779, %dma_wait3A_780] : memref<3x16x1536xf32, #tpu.memory_space<vmem>> -> memref<1x16x1536xf32, #tpu.memory_space<vmem>>
    %dma_wait3A_782 = tpu.memref_squeeze %dma_wait3A_781 : memref<1x16x1536xf32, #tpu.memory_space<vmem>> -> memref<16x1536xf32, #tpu.memory_space<vmem>>
    %dma_wait3A_783 = arith.constant 0 : i32
    %dma_wait3A_784 = tpu.memref_slice %arg4[%add3A_777, %dma_wait3A_783] : memref<16384x1536xf32, #tpu.memory_space<hbm>> -> memref<16x1536xf32, #tpu.memory_space<hbm>>
    %dma_wait3A_785 = arith.constant 0 : i32
    %dma_wait3A_786 = tpu.memref_slice %arg4[%add3A_777, %dma_wait3A_785] : memref<16384x1536xf32, #tpu.memory_space<hbm>> -> memref<16x1536xf32, #tpu.memory_space<hbm>>
    %dma_wait3A_787 = arith.constant 0 : i32
    %dma_wait3A_788 = arith.constant 0 : i32
    %dma_wait3A_789 = tpu.memref_slice %arg6[%dma_wait3A_778, %dma_wait3A_787, %dma_wait3A_788] : memref<3x16x1536xf32, #tpu.memory_space<vmem>> -> memref<1x16x1536xf32, #tpu.memory_space<vmem>>
    %dma_wait3A_790 = tpu.memref_squeeze %dma_wait3A_789 : memref<1x16x1536xf32, #tpu.memory_space<vmem>> -> memref<16x1536xf32, #tpu.memory_space<vmem>>
    tpu.wait_dma2 semaphore(%arg8 : memref<!tpu.dma_semaphore, #tpu.memory_space<semaphore_mem>>) src(%dma_wait3A_790 : memref<16x1536xf32, #tpu.memory_space<vmem>>) dst(%dma_wait3A_786 : memref<16x1536xf32, #tpu.memory_space<hbm>>)
    %dma_start3A_791 = arith.constant 2 : i32
    %dma_start3A_792 = arith.constant 0 : i32
    %dma_start3A_793 = arith.constant 0 : i32
    %dma_start3A_794 = tpu.memref_slice %arg6[%dma_start3A_791, %dma_start3A_792, %dma_start3A_793] : memref<3x16x1536xf32, #tpu.memory_space<vmem>> -> memref<1x16x1536xf32, #tpu.memory_space<vmem>>
    %dma_start3A_795 = tpu.memref_squeeze %dma_start3A_794 : memref<1x16x1536xf32, #tpu.memory_space<vmem>> -> memref<16x1536xf32, #tpu.memory_space<vmem>>
    %dma_start3A_796 = arith.constant 224 : i32
    %dma_start3A_797 = tpu.memref_slice %arg5[%dma_start3A_796] : memref<512xi32, #tpu.memory_space<vmem>> -> memref<16xi32, #tpu.memory_space<vmem>>
    %dma_start3A_798 = arith.constant 0 : i32
    %dma_start3A_799 = arith.constant 0 : i32
    %dma_start3A_800 = tpu.memref_slice %arg2[%dma_start3A_798, %dma_start3A_799] : memref<1024x1536xf32, #tpu.memory_space<hbm>> -> memref<1024x1536xf32, #tpu.memory_space<hbm>>
    tpu.enqueue_indirect_dma source(%dma_start3A_800 : memref<1024x1536xf32, #tpu.memory_space<hbm>>) target(%dma_start3A_795 : memref<16x1536xf32, #tpu.memory_space<vmem>>) offsets(%dma_start3A_797 : memref<16xi32, #tpu.memory_space<vmem>>) semaphore(%arg7 : memref<!tpu.dma_semaphore, #tpu.memory_space<semaphore_mem>>)
    %add3A_801 = arith.constant 192 : i32
    %add3A_802 = arith.addi %mul3A_2, %add3A_801 : i32
    %dma_start3A_803 = arith.constant 0 : i32
    %dma_start3A_804 = arith.constant 0 : i32
    %dma_start3A_805 = arith.constant 0 : i32
    %dma_start3A_806 = tpu.memref_slice %arg6[%dma_start3A_803, %dma_start3A_804, %dma_start3A_805] : memref<3x16x1536xf32, #tpu.memory_space<vmem>> -> memref<1x16x1536xf32, #tpu.memory_space<vmem>>
    %dma_start3A_807 = tpu.memref_squeeze %dma_start3A_806 : memref<1x16x1536xf32, #tpu.memory_space<vmem>> -> memref<16x1536xf32, #tpu.memory_space<vmem>>
    %dma_start3A_808 = arith.constant 0 : i32
    %dma_start3A_809 = tpu.memref_slice %arg4[%add3A_802, %dma_start3A_808] : memref<16384x1536xf32, #tpu.memory_space<hbm>> -> memref<16x1536xf32, #tpu.memory_space<hbm>>
    %dma_start3A_810 = arith.constant 0 : i32
    %dma_start3A_811 = tpu.memref_slice %arg4[%add3A_802, %dma_start3A_810] : memref<16384x1536xf32, #tpu.memory_space<hbm>> -> memref<16x1536xf32, #tpu.memory_space<hbm>>
    %dma_start3A_812 = arith.constant 0 : i32
    %dma_start3A_813 = arith.constant 0 : i32
    %dma_start3A_814 = tpu.memref_slice %arg6[%dma_start3A_803, %dma_start3A_812, %dma_start3A_813] : memref<3x16x1536xf32, #tpu.memory_space<vmem>> -> memref<1x16x1536xf32, #tpu.memory_space<vmem>>
    %dma_start3A_815 = tpu.memref_squeeze %dma_start3A_814 : memref<1x16x1536xf32, #tpu.memory_space<vmem>> -> memref<16x1536xf32, #tpu.memory_space<vmem>>
    tpu.enqueue_dma source(%dma_start3A_815 : memref<16x1536xf32, #tpu.memory_space<vmem>>) target(%dma_start3A_811 : memref<16x1536xf32, #tpu.memory_space<hbm>>) target_semaphore(%arg8 : memref<!tpu.dma_semaphore, #tpu.memory_space<semaphore_mem>>)
    %dma_wait3A_816 = arith.constant 1 : i32
    %dma_wait3A_817 = arith.constant 0 : i32
    %dma_wait3A_818 = arith.constant 0 : i32
    %dma_wait3A_819 = tpu.memref_slice %arg6[%dma_wait3A_816, %dma_wait3A_817, %dma_wait3A_818] : memref<3x16x1536xf32, #tpu.memory_space<vmem>> -> memref<1x16x1536xf32, #tpu.memory_space<vmem>>
    %dma_wait3A_820 = tpu.memref_squeeze %dma_wait3A_819 : memref<1x16x1536xf32, #tpu.memory_space<vmem>> -> memref<16x1536xf32, #tpu.memory_space<vmem>>
    %dma_wait3A_821 = arith.constant 208 : i32
    %dma_wait3A_822 = tpu.memref_slice %arg5[%dma_wait3A_821] : memref<512xi32, #tpu.memory_space<vmem>> -> memref<16xi32, #tpu.memory_space<vmem>>
    %dma_wait3A_823 = arith.constant 0 : i32
    %dma_wait3A_824 = arith.constant 0 : i32
    %dma_wait3A_825 = tpu.memref_slice %arg2[%dma_wait3A_823, %dma_wait3A_824] : memref<1024x1536xf32, #tpu.memory_space<hbm>> -> memref<1024x1536xf32, #tpu.memory_space<hbm>>
    tpu.wait_indirect_dma semaphore(%arg7 : memref<!tpu.dma_semaphore, #tpu.memory_space<semaphore_mem>>) src(%dma_wait3A_825 : memref<1024x1536xf32, #tpu.memory_space<hbm>>) dst(%dma_wait3A_820 : memref<16x1536xf32, #tpu.memory_space<vmem>>)
    %add3A_826 = arith.constant 192 : i32
    %add3A_827 = arith.addi %mul3A_2, %add3A_826 : i32
    %dma_wait3A_828 = arith.constant 0 : i32
    %dma_wait3A_829 = arith.constant 0 : i32
    %dma_wait3A_830 = arith.constant 0 : i32
    %dma_wait3A_831 = tpu.memref_slice %arg6[%dma_wait3A_828, %dma_wait3A_829, %dma_wait3A_830] : memref<3x16x1536xf32, #tpu.memory_space<vmem>> -> memref<1x16x1536xf32, #tpu.memory_space<vmem>>
    %dma_wait3A_832 = tpu.memref_squeeze %dma_wait3A_831 : memref<1x16x1536xf32, #tpu.memory_space<vmem>> -> memref<16x1536xf32, #tpu.memory_space<vmem>>
    %dma_wait3A_833 = arith.constant 0 : i32
    %dma_wait3A_834 = tpu.memref_slice %arg4[%add3A_827, %dma_wait3A_833] : memref<16384x1536xf32, #tpu.memory_space<hbm>> -> memref<16x1536xf32, #tpu.memory_space<hbm>>
    %dma_wait3A_835 = arith.constant 0 : i32
    %dma_wait3A_836 = tpu.memref_slice %arg4[%add3A_827, %dma_wait3A_835] : memref<16384x1536xf32, #tpu.memory_space<hbm>> -> memref<16x1536xf32, #tpu.memory_space<hbm>>
    %dma_wait3A_837 = arith.constant 0 : i32
    %dma_wait3A_838 = arith.constant 0 : i32
    %dma_wait3A_839 = tpu.memref_slice %arg6[%dma_wait3A_828, %dma_wait3A_837, %dma_wait3A_838] : memref<3x16x1536xf32, #tpu.memory_space<vmem>> -> memref<1x16x1536xf32, #tpu.memory_space<vmem>>
    %dma_wait3A_840 = tpu.memref_squeeze %dma_wait3A_839 : memref<1x16x1536xf32, #tpu.memory_space<vmem>> -> memref<16x1536xf32, #tpu.memory_space<vmem>>
    tpu.wait_dma2 semaphore(%arg8 : memref<!tpu.dma_semaphore, #tpu.memory_space<semaphore_mem>>) src(%dma_wait3A_840 : memref<16x1536xf32, #tpu.memory_space<vmem>>) dst(%dma_wait3A_836 : memref<16x1536xf32, #tpu.memory_space<hbm>>)
    %dma_start3A_841 = arith.constant 0 : i32
    %dma_start3A_842 = arith.constant 0 : i32
    %dma_start3A_843 = arith.constant 0 : i32
    %dma_start3A_844 = tpu.memref_slice %arg6[%dma_start3A_841, %dma_start3A_842, %dma_start3A_843] : memref<3x16x1536xf32, #tpu.memory_space<vmem>> -> memref<1x16x1536xf32, #tpu.memory_space<vmem>>
    %dma_start3A_845 = tpu.memref_squeeze %dma_start3A_844 : memref<1x16x1536xf32, #tpu.memory_space<vmem>> -> memref<16x1536xf32, #tpu.memory_space<vmem>>
    %dma_start3A_846 = arith.constant 240 : i32
    %dma_start3A_847 = tpu.memref_slice %arg5[%dma_start3A_846] : memref<512xi32, #tpu.memory_space<vmem>> -> memref<16xi32, #tpu.memory_space<vmem>>
    %dma_start3A_848 = arith.constant 0 : i32
    %dma_start3A_849 = arith.constant 0 : i32
    %dma_start3A_850 = tpu.memref_slice %arg2[%dma_start3A_848, %dma_start3A_849] : memref<1024x1536xf32, #tpu.memory_space<hbm>> -> memref<1024x1536xf32, #tpu.memory_space<hbm>>
    tpu.enqueue_indirect_dma source(%dma_start3A_850 : memref<1024x1536xf32, #tpu.memory_space<hbm>>) target(%dma_start3A_845 : memref<16x1536xf32, #tpu.memory_space<vmem>>) offsets(%dma_start3A_847 : memref<16xi32, #tpu.memory_space<vmem>>) semaphore(%arg7 : memref<!tpu.dma_semaphore, #tpu.memory_space<semaphore_mem>>)
    %add3A_851 = arith.constant 208 : i32
    %add3A_852 = arith.addi %mul3A_2, %add3A_851 : i32
    %dma_start3A_853 = arith.constant 1 : i32
    %dma_start3A_854 = arith.constant 0 : i32
    %dma_start3A_855 = arith.constant 0 : i32
    %dma_start3A_856 = tpu.memref_slice %arg6[%dma_start3A_853, %dma_start3A_854, %dma_start3A_855] : memref<3x16x1536xf32, #tpu.memory_space<vmem>> -> memref<1x16x1536xf32, #tpu.memory_space<vmem>>
    %dma_start3A_857 = tpu.memref_squeeze %dma_start3A_856 : memref<1x16x1536xf32, #tpu.memory_space<vmem>> -> memref<16x1536xf32, #tpu.memory_space<vmem>>
    %dma_start3A_858 = arith.constant 0 : i32
    %dma_start3A_859 = tpu.memref_slice %arg4[%add3A_852, %dma_start3A_858] : memref<16384x1536xf32, #tpu.memory_space<hbm>> -> memref<16x1536xf32, #tpu.memory_space<hbm>>
    %dma_start3A_860 = arith.constant 0 : i32
    %dma_start3A_861 = tpu.memref_slice %arg4[%add3A_852, %dma_start3A_860] : memref<16384x1536xf32, #tpu.memory_space<hbm>> -> memref<16x1536xf32, #tpu.memory_space<hbm>>
    %dma_start3A_862 = arith.constant 0 : i32
    %dma_start3A_863 = arith.constant 0 : i32
    %dma_start3A_864 = tpu.memref_slice %arg6[%dma_start3A_853, %dma_start3A_862, %dma_start3A_863] : memref<3x16x1536xf32, #tpu.memory_space<vmem>> -> memref<1x16x1536xf32, #tpu.memory_space<vmem>>
    %dma_start3A_865 = tpu.memref_squeeze %dma_start3A_864 : memref<1x16x1536xf32, #tpu.memory_space<vmem>> -> memref<16x1536xf32, #tpu.memory_space<vmem>>
    tpu.enqueue_dma source(%dma_start3A_865 : memref<16x1536xf32, #tpu.memory_space<vmem>>) target(%dma_start3A_861 : memref<16x1536xf32, #tpu.memory_space<hbm>>) target_semaphore(%arg8 : memref<!tpu.dma_semaphore, #tpu.memory_space<semaphore_mem>>)
    %dma_wait3A_866 = arith.constant 2 : i32
    %dma_wait3A_867 = arith.constant 0 : i32
    %dma_wait3A_868 = arith.constant 0 : i32
    %dma_wait3A_869 = tpu.memref_slice %arg6[%dma_wait3A_866, %dma_wait3A_867, %dma_wait3A_868] : memref<3x16x1536xf32, #tpu.memory_space<vmem>> -> memref<1x16x1536xf32, #tpu.memory_space<vmem>>
    %dma_wait3A_870 = tpu.memref_squeeze %dma_wait3A_869 : memref<1x16x1536xf32, #tpu.memory_space<vmem>> -> memref<16x1536xf32, #tpu.memory_space<vmem>>
    %dma_wait3A_871 = arith.constant 224 : i32
    %dma_wait3A_872 = tpu.memref_slice %arg5[%dma_wait3A_871] : memref<512xi32, #tpu.memory_space<vmem>> -> memref<16xi32, #tpu.memory_space<vmem>>
    %dma_wait3A_873 = arith.constant 0 : i32
    %dma_wait3A_874 = arith.constant 0 : i32
    %dma_wait3A_875 = tpu.memref_slice %arg2[%dma_wait3A_873, %dma_wait3A_874] : memref<1024x1536xf32, #tpu.memory_space<hbm>> -> memref<1024x1536xf32, #tpu.memory_space<hbm>>
    tpu.wait_indirect_dma semaphore(%arg7 : memref<!tpu.dma_semaphore, #tpu.memory_space<semaphore_mem>>) src(%dma_wait3A_875 : memref<1024x1536xf32, #tpu.memory_space<hbm>>) dst(%dma_wait3A_870 : memref<16x1536xf32, #tpu.memory_space<vmem>>)
    %add3A_876 = arith.constant 208 : i32
    %add3A_877 = arith.addi %mul3A_2, %add3A_876 : i32
    %dma_wait3A_878 = arith.constant 1 : i32
    %dma_wait3A_879 = arith.constant 0 : i32
    %dma_wait3A_880 = arith.constant 0 : i32
    %dma_wait3A_881 = tpu.memref_slice %arg6[%dma_wait3A_878, %dma_wait3A_879, %dma_wait3A_880] : memref<3x16x1536xf32, #tpu.memory_space<vmem>> -> memref<1x16x1536xf32, #tpu.memory_space<vmem>>
    %dma_wait3A_882 = tpu.memref_squeeze %dma_wait3A_881 : memref<1x16x1536xf32, #tpu.memory_space<vmem>> -> memref<16x1536xf32, #tpu.memory_space<vmem>>
    %dma_wait3A_883 = arith.constant 0 : i32
    %dma_wait3A_884 = tpu.memref_slice %arg4[%add3A_877, %dma_wait3A_883] : memref<16384x1536xf32, #tpu.memory_space<hbm>> -> memref<16x1536xf32, #tpu.memory_space<hbm>>
    %dma_wait3A_885 = arith.constant 0 : i32
    %dma_wait3A_886 = tpu.memref_slice %arg4[%add3A_877, %dma_wait3A_885] : memref<16384x1536xf32, #tpu.memory_space<hbm>> -> memref<16x1536xf32, #tpu.memory_space<hbm>>
    %dma_wait3A_887 = arith.constant 0 : i32
    %dma_wait3A_888 = arith.constant 0 : i32
    %dma_wait3A_889 = tpu.memref_slice %arg6[%dma_wait3A_878, %dma_wait3A_887, %dma_wait3A_888] : memref<3x16x1536xf32, #tpu.memory_space<vmem>> -> memref<1x16x1536xf32, #tpu.memory_space<vmem>>
    %dma_wait3A_890 = tpu.memref_squeeze %dma_wait3A_889 : memref<1x16x1536xf32, #tpu.memory_space<vmem>> -> memref<16x1536xf32, #tpu.memory_space<vmem>>
    tpu.wait_dma2 semaphore(%arg8 : memref<!tpu.dma_semaphore, #tpu.memory_space<semaphore_mem>>) src(%dma_wait3A_890 : memref<16x1536xf32, #tpu.memory_space<vmem>>) dst(%dma_wait3A_886 : memref<16x1536xf32, #tpu.memory_space<hbm>>)
    %dma_start3A_891 = arith.constant 1 : i32
    %dma_start3A_892 = arith.constant 0 : i32
    %dma_start3A_893 = arith.constant 0 : i32
    %dma_start3A_894 = tpu.memref_slice %arg6[%dma_start3A_891, %dma_start3A_892, %dma_start3A_893] : memref<3x16x1536xf32, #tpu.memory_space<vmem>> -> memref<1x16x1536xf32, #tpu.memory_space<vmem>>
    %dma_start3A_895 = tpu.memref_squeeze %dma_start3A_894 : memref<1x16x1536xf32, #tpu.memory_space<vmem>> -> memref<16x1536xf32, #tpu.memory_space<vmem>>
    %dma_start3A_896 = arith.constant 256 : i32
    %dma_start3A_897 = tpu.memref_slice %arg5[%dma_start3A_896] : memref<512xi32, #tpu.memory_space<vmem>> -> memref<16xi32, #tpu.memory_space<vmem>>
    %dma_start3A_898 = arith.constant 0 : i32
    %dma_start3A_899 = arith.constant 0 : i32
    %dma_start3A_900 = tpu.memref_slice %arg2[%dma_start3A_898, %dma_start3A_899] : memref<1024x1536xf32, #tpu.memory_space<hbm>> -> memref<1024x1536xf32, #tpu.memory_space<hbm>>
    tpu.enqueue_indirect_dma source(%dma_start3A_900 : memref<1024x1536xf32, #tpu.memory_space<hbm>>) target(%dma_start3A_895 : memref<16x1536xf32, #tpu.memory_space<vmem>>) offsets(%dma_start3A_897 : memref<16xi32, #tpu.memory_space<vmem>>) semaphore(%arg7 : memref<!tpu.dma_semaphore, #tpu.memory_space<semaphore_mem>>)
    %add3A_901 = arith.constant 224 : i32
    %add3A_902 = arith.addi %mul3A_2, %add3A_901 : i32
    %dma_start3A_903 = arith.constant 2 : i32
    %dma_start3A_904 = arith.constant 0 : i32
    %dma_start3A_905 = arith.constant 0 : i32
    %dma_start3A_906 = tpu.memref_slice %arg6[%dma_start3A_903, %dma_start3A_904, %dma_start3A_905] : memref<3x16x1536xf32, #tpu.memory_space<vmem>> -> memref<1x16x1536xf32, #tpu.memory_space<vmem>>
    %dma_start3A_907 = tpu.memref_squeeze %dma_start3A_906 : memref<1x16x1536xf32, #tpu.memory_space<vmem>> -> memref<16x1536xf32, #tpu.memory_space<vmem>>
    %dma_start3A_908 = arith.constant 0 : i32
    %dma_start3A_909 = tpu.memref_slice %arg4[%add3A_902, %dma_start3A_908] : memref<16384x1536xf32, #tpu.memory_space<hbm>> -> memref<16x1536xf32, #tpu.memory_space<hbm>>
    %dma_start3A_910 = arith.constant 0 : i32
    %dma_start3A_911 = tpu.memref_slice %arg4[%add3A_902, %dma_start3A_910] : memref<16384x1536xf32, #tpu.memory_space<hbm>> -> memref<16x1536xf32, #tpu.memory_space<hbm>>
    %dma_start3A_912 = arith.constant 0 : i32
    %dma_start3A_913 = arith.constant 0 : i32
    %dma_start3A_914 = tpu.memref_slice %arg6[%dma_start3A_903, %dma_start3A_912, %dma_start3A_913] : memref<3x16x1536xf32, #tpu.memory_space<vmem>> -> memref<1x16x1536xf32, #tpu.memory_space<vmem>>
    %dma_start3A_915 = tpu.memref_squeeze %dma_start3A_914 : memref<1x16x1536xf32, #tpu.memory_space<vmem>> -> memref<16x1536xf32, #tpu.memory_space<vmem>>
    tpu.enqueue_dma source(%dma_start3A_915 : memref<16x1536xf32, #tpu.memory_space<vmem>>) target(%dma_start3A_911 : memref<16x1536xf32, #tpu.memory_space<hbm>>) target_semaphore(%arg8 : memref<!tpu.dma_semaphore, #tpu.memory_space<semaphore_mem>>)
    %dma_wait3A_916 = arith.constant 0 : i32
    %dma_wait3A_917 = arith.constant 0 : i32
    %dma_wait3A_918 = arith.constant 0 : i32
    %dma_wait3A_919 = tpu.memref_slice %arg6[%dma_wait3A_916, %dma_wait3A_917, %dma_wait3A_918] : memref<3x16x1536xf32, #tpu.memory_space<vmem>> -> memref<1x16x1536xf32, #tpu.memory_space<vmem>>
    %dma_wait3A_920 = tpu.memref_squeeze %dma_wait3A_919 : memref<1x16x1536xf32, #tpu.memory_space<vmem>> -> memref<16x1536xf32, #tpu.memory_space<vmem>>
    %dma_wait3A_921 = arith.constant 240 : i32
    %dma_wait3A_922 = tpu.memref_slice %arg5[%dma_wait3A_921] : memref<512xi32, #tpu.memory_space<vmem>> -> memref<16xi32, #tpu.memory_space<vmem>>
    %dma_wait3A_923 = arith.constant 0 : i32
    %dma_wait3A_924 = arith.constant 0 : i32
    %dma_wait3A_925 = tpu.memref_slice %arg2[%dma_wait3A_923, %dma_wait3A_924] : memref<1024x1536xf32, #tpu.memory_space<hbm>> -> memref<1024x1536xf32, #tpu.memory_space<hbm>>
    tpu.wait_indirect_dma semaphore(%arg7 : memref<!tpu.dma_semaphore, #tpu.memory_space<semaphore_mem>>) src(%dma_wait3A_925 : memref<1024x1536xf32, #tpu.memory_space<hbm>>) dst(%dma_wait3A_920 : memref<16x1536xf32, #tpu.memory_space<vmem>>)
    %add3A_926 = arith.constant 224 : i32
    %add3A_927 = arith.addi %mul3A_2, %add3A_926 : i32
    %dma_wait3A_928 = arith.constant 2 : i32
    %dma_wait3A_929 = arith.constant 0 : i32
    %dma_wait3A_930 = arith.constant 0 : i32
    %dma_wait3A_931 = tpu.memref_slice %arg6[%dma_wait3A_928, %dma_wait3A_929, %dma_wait3A_930] : memref<3x16x1536xf32, #tpu.memory_space<vmem>> -> memref<1x16x1536xf32, #tpu.memory_space<vmem>>
    %dma_wait3A_932 = tpu.memref_squeeze %dma_wait3A_931 : memref<1x16x1536xf32, #tpu.memory_space<vmem>> -> memref<16x1536xf32, #tpu.memory_space<vmem>>
    %dma_wait3A_933 = arith.constant 0 : i32
    %dma_wait3A_934 = tpu.memref_slice %arg4[%add3A_927, %dma_wait3A_933] : memref<16384x1536xf32, #tpu.memory_space<hbm>> -> memref<16x1536xf32, #tpu.memory_space<hbm>>
    %dma_wait3A_935 = arith.constant 0 : i32
    %dma_wait3A_936 = tpu.memref_slice %arg4[%add3A_927, %dma_wait3A_935] : memref<16384x1536xf32, #tpu.memory_space<hbm>> -> memref<16x1536xf32, #tpu.memory_space<hbm>>
    %dma_wait3A_937 = arith.constant 0 : i32
    %dma_wait3A_938 = arith.constant 0 : i32
    %dma_wait3A_939 = tpu.memref_slice %arg6[%dma_wait3A_928, %dma_wait3A_937, %dma_wait3A_938] : memref<3x16x1536xf32, #tpu.memory_space<vmem>> -> memref<1x16x1536xf32, #tpu.memory_space<vmem>>
    %dma_wait3A_940 = tpu.memref_squeeze %dma_wait3A_939 : memref<1x16x1536xf32, #tpu.memory_space<vmem>> -> memref<16x1536xf32, #tpu.memory_space<vmem>>
    tpu.wait_dma2 semaphore(%arg8 : memref<!tpu.dma_semaphore, #tpu.memory_space<semaphore_mem>>) src(%dma_wait3A_940 : memref<16x1536xf32, #tpu.memory_space<vmem>>) dst(%dma_wait3A_936 : memref<16x1536xf32, #tpu.memory_space<hbm>>)
    %dma_start3A_941 = arith.constant 2 : i32
    %dma_start3A_942 = arith.constant 0 : i32
    %dma_start3A_943 = arith.constant 0 : i32
    %dma_start3A_944 = tpu.memref_slice %arg6[%dma_start3A_941, %dma_start3A_942, %dma_start3A_943] : memref<3x16x1536xf32, #tpu.memory_space<vmem>> -> memref<1x16x1536xf32, #tpu.memory_space<vmem>>
    %dma_start3A_945 = tpu.memref_squeeze %dma_start3A_944 : memref<1x16x1536xf32, #tpu.memory_space<vmem>> -> memref<16x1536xf32, #tpu.memory_space<vmem>>
    %dma_start3A_946 = arith.constant 272 : i32
    %dma_start3A_947 = tpu.memref_slice %arg5[%dma_start3A_946] : memref<512xi32, #tpu.memory_space<vmem>> -> memref<16xi32, #tpu.memory_space<vmem>>
    %dma_start3A_948 = arith.constant 0 : i32
    %dma_start3A_949 = arith.constant 0 : i32
    %dma_start3A_950 = tpu.memref_slice %arg2[%dma_start3A_948, %dma_start3A_949] : memref<1024x1536xf32, #tpu.memory_space<hbm>> -> memref<1024x1536xf32, #tpu.memory_space<hbm>>
    tpu.enqueue_indirect_dma source(%dma_start3A_950 : memref<1024x1536xf32, #tpu.memory_space<hbm>>) target(%dma_start3A_945 : memref<16x1536xf32, #tpu.memory_space<vmem>>) offsets(%dma_start3A_947 : memref<16xi32, #tpu.memory_space<vmem>>) semaphore(%arg7 : memref<!tpu.dma_semaphore, #tpu.memory_space<semaphore_mem>>)
    %add3A_951 = arith.constant 240 : i32
    %add3A_952 = arith.addi %mul3A_2, %add3A_951 : i32
    %dma_start3A_953 = arith.constant 0 : i32
    %dma_start3A_954 = arith.constant 0 : i32
    %dma_start3A_955 = arith.constant 0 : i32
    %dma_start3A_956 = tpu.memref_slice %arg6[%dma_start3A_953, %dma_start3A_954, %dma_start3A_955] : memref<3x16x1536xf32, #tpu.memory_space<vmem>> -> memref<1x16x1536xf32, #tpu.memory_space<vmem>>
    %dma_start3A_957 = tpu.memref_squeeze %dma_start3A_956 : memref<1x16x1536xf32, #tpu.memory_space<vmem>> -> memref<16x1536xf32, #tpu.memory_space<vmem>>
    %dma_start3A_958 = arith.constant 0 : i32
    %dma_start3A_959 = tpu.memref_slice %arg4[%add3A_952, %dma_start3A_958] : memref<16384x1536xf32, #tpu.memory_space<hbm>> -> memref<16x1536xf32, #tpu.memory_space<hbm>>
    %dma_start3A_960 = arith.constant 0 : i32
    %dma_start3A_961 = tpu.memref_slice %arg4[%add3A_952, %dma_start3A_960] : memref<16384x1536xf32, #tpu.memory_space<hbm>> -> memref<16x1536xf32, #tpu.memory_space<hbm>>
    %dma_start3A_962 = arith.constant 0 : i32
    %dma_start3A_963 = arith.constant 0 : i32
    %dma_start3A_964 = tpu.memref_slice %arg6[%dma_start3A_953, %dma_start3A_962, %dma_start3A_963] : memref<3x16x1536xf32, #tpu.memory_space<vmem>> -> memref<1x16x1536xf32, #tpu.memory_space<vmem>>
    %dma_start3A_965 = tpu.memref_squeeze %dma_start3A_964 : memref<1x16x1536xf32, #tpu.memory_space<vmem>> -> memref<16x1536xf32, #tpu.memory_space<vmem>>
    tpu.enqueue_dma source(%dma_start3A_965 : memref<16x1536xf32, #tpu.memory_space<vmem>>) target(%dma_start3A_961 : memref<16x1536xf32, #tpu.memory_space<hbm>>) target_semaphore(%arg8 : memref<!tpu.dma_semaphore, #tpu.memory_space<semaphore_mem>>)
    %dma_wait3A_966 = arith.constant 1 : i32
    %dma_wait3A_967 = arith.constant 0 : i32
    %dma_wait3A_968 = arith.constant 0 : i32
    %dma_wait3A_969 = tpu.memref_slice %arg6[%dma_wait3A_966, %dma_wait3A_967, %dma_wait3A_968] : memref<3x16x1536xf32, #tpu.memory_space<vmem>> -> memref<1x16x1536xf32, #tpu.memory_space<vmem>>
    %dma_wait3A_970 = tpu.memref_squeeze %dma_wait3A_969 : memref<1x16x1536xf32, #tpu.memory_space<vmem>> -> memref<16x1536xf32, #tpu.memory_space<vmem>>
    %dma_wait3A_971 = arith.constant 256 : i32
    %dma_wait3A_972 = tpu.memref_slice %arg5[%dma_wait3A_971] : memref<512xi32, #tpu.memory_space<vmem>> -> memref<16xi32, #tpu.memory_space<vmem>>
    %dma_wait3A_973 = arith.constant 0 : i32
    %dma_wait3A_974 = arith.constant 0 : i32
    %dma_wait3A_975 = tpu.memref_slice %arg2[%dma_wait3A_973, %dma_wait3A_974] : memref<1024x1536xf32, #tpu.memory_space<hbm>> -> memref<1024x1536xf32, #tpu.memory_space<hbm>>
    tpu.wait_indirect_dma semaphore(%arg7 : memref<!tpu.dma_semaphore, #tpu.memory_space<semaphore_mem>>) src(%dma_wait3A_975 : memref<1024x1536xf32, #tpu.memory_space<hbm>>) dst(%dma_wait3A_970 : memref<16x1536xf32, #tpu.memory_space<vmem>>)
    %add3A_976 = arith.constant 240 : i32
    %add3A_977 = arith.addi %mul3A_2, %add3A_976 : i32
    %dma_wait3A_978 = arith.constant 0 : i32
    %dma_wait3A_979 = arith.constant 0 : i32
    %dma_wait3A_980 = arith.constant 0 : i32
    %dma_wait3A_981 = tpu.memref_slice %arg6[%dma_wait3A_978, %dma_wait3A_979, %dma_wait3A_980] : memref<3x16x1536xf32, #tpu.memory_space<vmem>> -> memref<1x16x1536xf32, #tpu.memory_space<vmem>>
    %dma_wait3A_982 = tpu.memref_squeeze %dma_wait3A_981 : memref<1x16x1536xf32, #tpu.memory_space<vmem>> -> memref<16x1536xf32, #tpu.memory_space<vmem>>
    %dma_wait3A_983 = arith.constant 0 : i32
    %dma_wait3A_984 = tpu.memref_slice %arg4[%add3A_977, %dma_wait3A_983] : memref<16384x1536xf32, #tpu.memory_space<hbm>> -> memref<16x1536xf32, #tpu.memory_space<hbm>>
    %dma_wait3A_985 = arith.constant 0 : i32
    %dma_wait3A_986 = tpu.memref_slice %arg4[%add3A_977, %dma_wait3A_985] : memref<16384x1536xf32, #tpu.memory_space<hbm>> -> memref<16x1536xf32, #tpu.memory_space<hbm>>
    %dma_wait3A_987 = arith.constant 0 : i32
    %dma_wait3A_988 = arith.constant 0 : i32
    %dma_wait3A_989 = tpu.memref_slice %arg6[%dma_wait3A_978, %dma_wait3A_987, %dma_wait3A_988] : memref<3x16x1536xf32, #tpu.memory_space<vmem>> -> memref<1x16x1536xf32, #tpu.memory_space<vmem>>
    %dma_wait3A_990 = tpu.memref_squeeze %dma_wait3A_989 : memref<1x16x1536xf32, #tpu.memory_space<vmem>> -> memref<16x1536xf32, #tpu.memory_space<vmem>>
    tpu.wait_dma2 semaphore(%arg8 : memref<!tpu.dma_semaphore, #tpu.memory_space<semaphore_mem>>) src(%dma_wait3A_990 : memref<16x1536xf32, #tpu.memory_space<vmem>>) dst(%dma_wait3A_986 : memref<16x1536xf32, #tpu.memory_space<hbm>>)
    %dma_start3A_991 = arith.constant 0 : i32
    %dma_start3A_992 = arith.constant 0 : i32
    %dma_start3A_993 = arith.constant 0 : i32
    %dma_start3A_994 = tpu.memref_slice %arg6[%dma_start3A_991, %dma_start3A_992, %dma_start3A_993] : memref<3x16x1536xf32, #tpu.memory_space<vmem>> -> memref<1x16x1536xf32, #tpu.memory_space<vmem>>
    %dma_start3A_995 = tpu.memref_squeeze %dma_start3A_994 : memref<1x16x1536xf32, #tpu.memory_space<vmem>> -> memref<16x1536xf32, #tpu.memory_space<vmem>>
    %dma_start3A_996 = arith.constant 288 : i32
    %dma_start3A_997 = tpu.memref_slice %arg5[%dma_start3A_996] : memref<512xi32, #tpu.memory_space<vmem>> -> memref<16xi32, #tpu.memory_space<vmem>>
    %dma_start3A_998 = arith.constant 0 : i32
    %dma_start3A_999 = arith.constant 0 : i32
    %dma_start3A_1000 = tpu.memref_slice %arg2[%dma_start3A_998, %dma_start3A_999] : memref<1024x1536xf32, #tpu.memory_space<hbm>> -> memref<1024x1536xf32, #tpu.memory_space<hbm>>
    tpu.enqueue_indirect_dma source(%dma_start3A_1000 : memref<1024x1536xf32, #tpu.memory_space<hbm>>) target(%dma_start3A_995 : memref<16x1536xf32, #tpu.memory_space<vmem>>) offsets(%dma_start3A_997 : memref<16xi32, #tpu.memory_space<vmem>>) semaphore(%arg7 : memref<!tpu.dma_semaphore, #tpu.memory_space<semaphore_mem>>)
    %add3A_1001 = arith.constant 256 : i32
    %add3A_1002 = arith.addi %mul3A_2, %add3A_1001 : i32
    %dma_start3A_1003 = arith.constant 1 : i32
    %dma_start3A_1004 = arith.constant 0 : i32
    %dma_start3A_1005 = arith.constant 0 : i32
    %dma_start3A_1006 = tpu.memref_slice %arg6[%dma_start3A_1003, %dma_start3A_1004, %dma_start3A_1005] : memref<3x16x1536xf32, #tpu.memory_space<vmem>> -> memref<1x16x1536xf32, #tpu.memory_space<vmem>>
    %dma_start3A_1007 = tpu.memref_squeeze %dma_start3A_1006 : memref<1x16x1536xf32, #tpu.memory_space<vmem>> -> memref<16x1536xf32, #tpu.memory_space<vmem>>
    %dma_start3A_1008 = arith.constant 0 : i32
    %dma_start3A_1009 = tpu.memref_slice %arg4[%add3A_1002, %dma_start3A_1008] : memref<16384x1536xf32, #tpu.memory_space<hbm>> -> memref<16x1536xf32, #tpu.memory_space<hbm>>
    %dma_start3A_1010 = arith.constant 0 : i32
    %dma_start3A_1011 = tpu.memref_slice %arg4[%add3A_1002, %dma_start3A_1010] : memref<16384x1536xf32, #tpu.memory_space<hbm>> -> memref<16x1536xf32, #tpu.memory_space<hbm>>
    %dma_start3A_1012 = arith.constant 0 : i32
    %dma_start3A_1013 = arith.constant 0 : i32
    %dma_start3A_1014 = tpu.memref_slice %arg6[%dma_start3A_1003, %dma_start3A_1012, %dma_start3A_1013] : memref<3x16x1536xf32, #tpu.memory_space<vmem>> -> memref<1x16x1536xf32, #tpu.memory_space<vmem>>
    %dma_start3A_1015 = tpu.memref_squeeze %dma_start3A_1014 : memref<1x16x1536xf32, #tpu.memory_space<vmem>> -> memref<16x1536xf32, #tpu.memory_space<vmem>>
    tpu.enqueue_dma source(%dma_start3A_1015 : memref<16x1536xf32, #tpu.memory_space<vmem>>) target(%dma_start3A_1011 : memref<16x1536xf32, #tpu.memory_space<hbm>>) target_semaphore(%arg8 : memref<!tpu.dma_semaphore, #tpu.memory_space<semaphore_mem>>)
    %dma_wait3A_1016 = arith.constant 2 : i32
    %dma_wait3A_1017 = arith.constant 0 : i32
    %dma_wait3A_1018 = arith.constant 0 : i32
    %dma_wait3A_1019 = tpu.memref_slice %arg6[%dma_wait3A_1016, %dma_wait3A_1017, %dma_wait3A_1018] : memref<3x16x1536xf32, #tpu.memory_space<vmem>> -> memref<1x16x1536xf32, #tpu.memory_space<vmem>>
    %dma_wait3A_1020 = tpu.memref_squeeze %dma_wait3A_1019 : memref<1x16x1536xf32, #tpu.memory_space<vmem>> -> memref<16x1536xf32, #tpu.memory_space<vmem>>
    %dma_wait3A_1021 = arith.constant 272 : i32
    %dma_wait3A_1022 = tpu.memref_slice %arg5[%dma_wait3A_1021] : memref<512xi32, #tpu.memory_space<vmem>> -> memref<16xi32, #tpu.memory_space<vmem>>
    %dma_wait3A_1023 = arith.constant 0 : i32
    %dma_wait3A_1024 = arith.constant 0 : i32
    %dma_wait3A_1025 = tpu.memref_slice %arg2[%dma_wait3A_1023, %dma_wait3A_1024] : memref<1024x1536xf32, #tpu.memory_space<hbm>> -> memref<1024x1536xf32, #tpu.memory_space<hbm>>
    tpu.wait_indirect_dma semaphore(%arg7 : memref<!tpu.dma_semaphore, #tpu.memory_space<semaphore_mem>>) src(%dma_wait3A_1025 : memref<1024x1536xf32, #tpu.memory_space<hbm>>) dst(%dma_wait3A_1020 : memref<16x1536xf32, #tpu.memory_space<vmem>>)
    %add3A_1026 = arith.constant 256 : i32
    %add3A_1027 = arith.addi %mul3A_2, %add3A_1026 : i32
    %dma_wait3A_1028 = arith.constant 1 : i32
    %dma_wait3A_1029 = arith.constant 0 : i32
    %dma_wait3A_1030 = arith.constant 0 : i32
    %dma_wait3A_1031 = tpu.memref_slice %arg6[%dma_wait3A_1028, %dma_wait3A_1029, %dma_wait3A_1030] : memref<3x16x1536xf32, #tpu.memory_space<vmem>> -> memref<1x16x1536xf32, #tpu.memory_space<vmem>>
    %dma_wait3A_1032 = tpu.memref_squeeze %dma_wait3A_1031 : memref<1x16x1536xf32, #tpu.memory_space<vmem>> -> memref<16x1536xf32, #tpu.memory_space<vmem>>
    %dma_wait3A_1033 = arith.constant 0 : i32
    %dma_wait3A_1034 = tpu.memref_slice %arg4[%add3A_1027, %dma_wait3A_1033] : memref<16384x1536xf32, #tpu.memory_space<hbm>> -> memref<16x1536xf32, #tpu.memory_space<hbm>>
    %dma_wait3A_1035 = arith.constant 0 : i32
    %dma_wait3A_1036 = tpu.memref_slice %arg4[%add3A_1027, %dma_wait3A_1035] : memref<16384x1536xf32, #tpu.memory_space<hbm>> -> memref<16x1536xf32, #tpu.memory_space<hbm>>
    %dma_wait3A_1037 = arith.constant 0 : i32
    %dma_wait3A_1038 = arith.constant 0 : i32
    %dma_wait3A_1039 = tpu.memref_slice %arg6[%dma_wait3A_1028, %dma_wait3A_1037, %dma_wait3A_1038] : memref<3x16x1536xf32, #tpu.memory_space<vmem>> -> memref<1x16x1536xf32, #tpu.memory_space<vmem>>
    %dma_wait3A_1040 = tpu.memref_squeeze %dma_wait3A_1039 : memref<1x16x1536xf32, #tpu.memory_space<vmem>> -> memref<16x1536xf32, #tpu.memory_space<vmem>>
    tpu.wait_dma2 semaphore(%arg8 : memref<!tpu.dma_semaphore, #tpu.memory_space<semaphore_mem>>) src(%dma_wait3A_1040 : memref<16x1536xf32, #tpu.memory_space<vmem>>) dst(%dma_wait3A_1036 : memref<16x1536xf32, #tpu.memory_space<hbm>>)
    %dma_start3A_1041 = arith.constant 1 : i32
    %dma_start3A_1042 = arith.constant 0 : i32
    %dma_start3A_1043 = arith.constant 0 : i32
    %dma_start3A_1044 = tpu.memref_slice %arg6[%dma_start3A_1041, %dma_start3A_1042, %dma_start3A_1043] : memref<3x16x1536xf32, #tpu.memory_space<vmem>> -> memref<1x16x1536xf32, #tpu.memory_space<vmem>>
    %dma_start3A_1045 = tpu.memref_squeeze %dma_start3A_1044 : memref<1x16x1536xf32, #tpu.memory_space<vmem>> -> memref<16x1536xf32, #tpu.memory_space<vmem>>
    %dma_start3A_1046 = arith.constant 304 : i32
    %dma_start3A_1047 = tpu.memref_slice %arg5[%dma_start3A_1046] : memref<512xi32, #tpu.memory_space<vmem>> -> memref<16xi32, #tpu.memory_space<vmem>>
    %dma_start3A_1048 = arith.constant 0 : i32
    %dma_start3A_1049 = arith.constant 0 : i32
    %dma_start3A_1050 = tpu.memref_slice %arg2[%dma_start3A_1048, %dma_start3A_1049] : memref<1024x1536xf32, #tpu.memory_space<hbm>> -> memref<1024x1536xf32, #tpu.memory_space<hbm>>
    tpu.enqueue_indirect_dma source(%dma_start3A_1050 : memref<1024x1536xf32, #tpu.memory_space<hbm>>) target(%dma_start3A_1045 : memref<16x1536xf32, #tpu.memory_space<vmem>>) offsets(%dma_start3A_1047 : memref<16xi32, #tpu.memory_space<vmem>>) semaphore(%arg7 : memref<!tpu.dma_semaphore, #tpu.memory_space<semaphore_mem>>)
    %add3A_1051 = arith.constant 272 : i32
    %add3A_1052 = arith.addi %mul3A_2, %add3A_1051 : i32
    %dma_start3A_1053 = arith.constant 2 : i32
    %dma_start3A_1054 = arith.constant 0 : i32
    %dma_start3A_1055 = arith.constant 0 : i32
    %dma_start3A_1056 = tpu.memref_slice %arg6[%dma_start3A_1053, %dma_start3A_1054, %dma_start3A_1055] : memref<3x16x1536xf32, #tpu.memory_space<vmem>> -> memref<1x16x1536xf32, #tpu.memory_space<vmem>>
    %dma_start3A_1057 = tpu.memref_squeeze %dma_start3A_1056 : memref<1x16x1536xf32, #tpu.memory_space<vmem>> -> memref<16x1536xf32, #tpu.memory_space<vmem>>
    %dma_start3A_1058 = arith.constant 0 : i32
    %dma_start3A_1059 = tpu.memref_slice %arg4[%add3A_1052, %dma_start3A_1058] : memref<16384x1536xf32, #tpu.memory_space<hbm>> -> memref<16x1536xf32, #tpu.memory_space<hbm>>
    %dma_start3A_1060 = arith.constant 0 : i32
    %dma_start3A_1061 = tpu.memref_slice %arg4[%add3A_1052, %dma_start3A_1060] : memref<16384x1536xf32, #tpu.memory_space<hbm>> -> memref<16x1536xf32, #tpu.memory_space<hbm>>
    %dma_start3A_1062 = arith.constant 0 : i32
    %dma_start3A_1063 = arith.constant 0 : i32
    %dma_start3A_1064 = tpu.memref_slice %arg6[%dma_start3A_1053, %dma_start3A_1062, %dma_start3A_1063] : memref<3x16x1536xf32, #tpu.memory_space<vmem>> -> memref<1x16x1536xf32, #tpu.memory_space<vmem>>
    %dma_start3A_1065 = tpu.memref_squeeze %dma_start3A_1064 : memref<1x16x1536xf32, #tpu.memory_space<vmem>> -> memref<16x1536xf32, #tpu.memory_space<vmem>>
    tpu.enqueue_dma source(%dma_start3A_1065 : memref<16x1536xf32, #tpu.memory_space<vmem>>) target(%dma_start3A_1061 : memref<16x1536xf32, #tpu.memory_space<hbm>>) target_semaphore(%arg8 : memref<!tpu.dma_semaphore, #tpu.memory_space<semaphore_mem>>)
    %dma_wait3A_1066 = arith.constant 0 : i32
    %dma_wait3A_1067 = arith.constant 0 : i32
    %dma_wait3A_1068 = arith.constant 0 : i32
    %dma_wait3A_1069 = tpu.memref_slice %arg6[%dma_wait3A_1066, %dma_wait3A_1067, %dma_wait3A_1068] : memref<3x16x1536xf32, #tpu.memory_space<vmem>> -> memref<1x16x1536xf32, #tpu.memory_space<vmem>>
    %dma_wait3A_1070 = tpu.memref_squeeze %dma_wait3A_1069 : memref<1x16x1536xf32, #tpu.memory_space<vmem>> -> memref<16x1536xf32, #tpu.memory_space<vmem>>
    %dma_wait3A_1071 = arith.constant 288 : i32
    %dma_wait3A_1072 = tpu.memref_slice %arg5[%dma_wait3A_1071] : memref<512xi32, #tpu.memory_space<vmem>> -> memref<16xi32, #tpu.memory_space<vmem>>
    %dma_wait3A_1073 = arith.constant 0 : i32
    %dma_wait3A_1074 = arith.constant 0 : i32
    %dma_wait3A_1075 = tpu.memref_slice %arg2[%dma_wait3A_1073, %dma_wait3A_1074] : memref<1024x1536xf32, #tpu.memory_space<hbm>> -> memref<1024x1536xf32, #tpu.memory_space<hbm>>
    tpu.wait_indirect_dma semaphore(%arg7 : memref<!tpu.dma_semaphore, #tpu.memory_space<semaphore_mem>>) src(%dma_wait3A_1075 : memref<1024x1536xf32, #tpu.memory_space<hbm>>) dst(%dma_wait3A_1070 : memref<16x1536xf32, #tpu.memory_space<vmem>>)
    %add3A_1076 = arith.constant 272 : i32
    %add3A_1077 = arith.addi %mul3A_2, %add3A_1076 : i32
    %dma_wait3A_1078 = arith.constant 2 : i32
    %dma_wait3A_1079 = arith.constant 0 : i32
    %dma_wait3A_1080 = arith.constant 0 : i32
    %dma_wait3A_1081 = tpu.memref_slice %arg6[%dma_wait3A_1078, %dma_wait3A_1079, %dma_wait3A_1080] : memref<3x16x1536xf32, #tpu.memory_space<vmem>> -> memref<1x16x1536xf32, #tpu.memory_space<vmem>>
    %dma_wait3A_1082 = tpu.memref_squeeze %dma_wait3A_1081 : memref<1x16x1536xf32, #tpu.memory_space<vmem>> -> memref<16x1536xf32, #tpu.memory_space<vmem>>
    %dma_wait3A_1083 = arith.constant 0 : i32
    %dma_wait3A_1084 = tpu.memref_slice %arg4[%add3A_1077, %dma_wait3A_1083] : memref<16384x1536xf32, #tpu.memory_space<hbm>> -> memref<16x1536xf32, #tpu.memory_space<hbm>>
    %dma_wait3A_1085 = arith.constant 0 : i32
    %dma_wait3A_1086 = tpu.memref_slice %arg4[%add3A_1077, %dma_wait3A_1085] : memref<16384x1536xf32, #tpu.memory_space<hbm>> -> memref<16x1536xf32, #tpu.memory_space<hbm>>
    %dma_wait3A_1087 = arith.constant 0 : i32
    %dma_wait3A_1088 = arith.constant 0 : i32
    %dma_wait3A_1089 = tpu.memref_slice %arg6[%dma_wait3A_1078, %dma_wait3A_1087, %dma_wait3A_1088] : memref<3x16x1536xf32, #tpu.memory_space<vmem>> -> memref<1x16x1536xf32, #tpu.memory_space<vmem>>
    %dma_wait3A_1090 = tpu.memref_squeeze %dma_wait3A_1089 : memref<1x16x1536xf32, #tpu.memory_space<vmem>> -> memref<16x1536xf32, #tpu.memory_space<vmem>>
    tpu.wait_dma2 semaphore(%arg8 : memref<!tpu.dma_semaphore, #tpu.memory_space<semaphore_mem>>) src(%dma_wait3A_1090 : memref<16x1536xf32, #tpu.memory_space<vmem>>) dst(%dma_wait3A_1086 : memref<16x1536xf32, #tpu.memory_space<hbm>>)
    %dma_start3A_1091 = arith.constant 2 : i32
    %dma_start3A_1092 = arith.constant 0 : i32
    %dma_start3A_1093 = arith.constant 0 : i32
    %dma_start3A_1094 = tpu.memref_slice %arg6[%dma_start3A_1091, %dma_start3A_1092, %dma_start3A_1093] : memref<3x16x1536xf32, #tpu.memory_space<vmem>> -> memref<1x16x1536xf32, #tpu.memory_space<vmem>>
    %dma_start3A_1095 = tpu.memref_squeeze %dma_start3A_1094 : memref<1x16x1536xf32, #tpu.memory_space<vmem>> -> memref<16x1536xf32, #tpu.memory_space<vmem>>
    %dma_start3A_1096 = arith.constant 320 : i32
    %dma_start3A_1097 = tpu.memref_slice %arg5[%dma_start3A_1096] : memref<512xi32, #tpu.memory_space<vmem>> -> memref<16xi32, #tpu.memory_space<vmem>>
    %dma_start3A_1098 = arith.constant 0 : i32
    %dma_start3A_1099 = arith.constant 0 : i32
    %dma_start3A_1100 = tpu.memref_slice %arg2[%dma_start3A_1098, %dma_start3A_1099] : memref<1024x1536xf32, #tpu.memory_space<hbm>> -> memref<1024x1536xf32, #tpu.memory_space<hbm>>
    tpu.enqueue_indirect_dma source(%dma_start3A_1100 : memref<1024x1536xf32, #tpu.memory_space<hbm>>) target(%dma_start3A_1095 : memref<16x1536xf32, #tpu.memory_space<vmem>>) offsets(%dma_start3A_1097 : memref<16xi32, #tpu.memory_space<vmem>>) semaphore(%arg7 : memref<!tpu.dma_semaphore, #tpu.memory_space<semaphore_mem>>)
    %add3A_1101 = arith.constant 288 : i32
    %add3A_1102 = arith.addi %mul3A_2, %add3A_1101 : i32
    %dma_start3A_1103 = arith.constant 0 : i32
    %dma_start3A_1104 = arith.constant 0 : i32
    %dma_start3A_1105 = arith.constant 0 : i32
    %dma_start3A_1106 = tpu.memref_slice %arg6[%dma_start3A_1103, %dma_start3A_1104, %dma_start3A_1105] : memref<3x16x1536xf32, #tpu.memory_space<vmem>> -> memref<1x16x1536xf32, #tpu.memory_space<vmem>>
    %dma_start3A_1107 = tpu.memref_squeeze %dma_start3A_1106 : memref<1x16x1536xf32, #tpu.memory_space<vmem>> -> memref<16x1536xf32, #tpu.memory_space<vmem>>
    %dma_start3A_1108 = arith.constant 0 : i32
    %dma_start3A_1109 = tpu.memref_slice %arg4[%add3A_1102, %dma_start3A_1108] : memref<16384x1536xf32, #tpu.memory_space<hbm>> -> memref<16x1536xf32, #tpu.memory_space<hbm>>
    %dma_start3A_1110 = arith.constant 0 : i32
    %dma_start3A_1111 = tpu.memref_slice %arg4[%add3A_1102, %dma_start3A_1110] : memref<16384x1536xf32, #tpu.memory_space<hbm>> -> memref<16x1536xf32, #tpu.memory_space<hbm>>
    %dma_start3A_1112 = arith.constant 0 : i32
    %dma_start3A_1113 = arith.constant 0 : i32
    %dma_start3A_1114 = tpu.memref_slice %arg6[%dma_start3A_1103, %dma_start3A_1112, %dma_start3A_1113] : memref<3x16x1536xf32, #tpu.memory_space<vmem>> -> memref<1x16x1536xf32, #tpu.memory_space<vmem>>
    %dma_start3A_1115 = tpu.memref_squeeze %dma_start3A_1114 : memref<1x16x1536xf32, #tpu.memory_space<vmem>> -> memref<16x1536xf32, #tpu.memory_space<vmem>>
    tpu.enqueue_dma source(%dma_start3A_1115 : memref<16x1536xf32, #tpu.memory_space<vmem>>) target(%dma_start3A_1111 : memref<16x1536xf32, #tpu.memory_space<hbm>>) target_semaphore(%arg8 : memref<!tpu.dma_semaphore, #tpu.memory_space<semaphore_mem>>)
    %dma_wait3A_1116 = arith.constant 1 : i32
    %dma_wait3A_1117 = arith.constant 0 : i32
    %dma_wait3A_1118 = arith.constant 0 : i32
    %dma_wait3A_1119 = tpu.memref_slice %arg6[%dma_wait3A_1116, %dma_wait3A_1117, %dma_wait3A_1118] : memref<3x16x1536xf32, #tpu.memory_space<vmem>> -> memref<1x16x1536xf32, #tpu.memory_space<vmem>>
    %dma_wait3A_1120 = tpu.memref_squeeze %dma_wait3A_1119 : memref<1x16x1536xf32, #tpu.memory_space<vmem>> -> memref<16x1536xf32, #tpu.memory_space<vmem>>
    %dma_wait3A_1121 = arith.constant 304 : i32
    %dma_wait3A_1122 = tpu.memref_slice %arg5[%dma_wait3A_1121] : memref<512xi32, #tpu.memory_space<vmem>> -> memref<16xi32, #tpu.memory_space<vmem>>
    %dma_wait3A_1123 = arith.constant 0 : i32
    %dma_wait3A_1124 = arith.constant 0 : i32
    %dma_wait3A_1125 = tpu.memref_slice %arg2[%dma_wait3A_1123, %dma_wait3A_1124] : memref<1024x1536xf32, #tpu.memory_space<hbm>> -> memref<1024x1536xf32, #tpu.memory_space<hbm>>
    tpu.wait_indirect_dma semaphore(%arg7 : memref<!tpu.dma_semaphore, #tpu.memory_space<semaphore_mem>>) src(%dma_wait3A_1125 : memref<1024x1536xf32, #tpu.memory_space<hbm>>) dst(%dma_wait3A_1120 : memref<16x1536xf32, #tpu.memory_space<vmem>>)
    %add3A_1126 = arith.constant 288 : i32
    %add3A_1127 = arith.addi %mul3A_2, %add3A_1126 : i32
    %dma_wait3A_1128 = arith.constant 0 : i32
    %dma_wait3A_1129 = arith.constant 0 : i32
    %dma_wait3A_1130 = arith.constant 0 : i32
    %dma_wait3A_1131 = tpu.memref_slice %arg6[%dma_wait3A_1128, %dma_wait3A_1129, %dma_wait3A_1130] : memref<3x16x1536xf32, #tpu.memory_space<vmem>> -> memref<1x16x1536xf32, #tpu.memory_space<vmem>>
    %dma_wait3A_1132 = tpu.memref_squeeze %dma_wait3A_1131 : memref<1x16x1536xf32, #tpu.memory_space<vmem>> -> memref<16x1536xf32, #tpu.memory_space<vmem>>
    %dma_wait3A_1133 = arith.constant 0 : i32
    %dma_wait3A_1134 = tpu.memref_slice %arg4[%add3A_1127, %dma_wait3A_1133] : memref<16384x1536xf32, #tpu.memory_space<hbm>> -> memref<16x1536xf32, #tpu.memory_space<hbm>>
    %dma_wait3A_1135 = arith.constant 0 : i32
    %dma_wait3A_1136 = tpu.memref_slice %arg4[%add3A_1127, %dma_wait3A_1135] : memref<16384x1536xf32, #tpu.memory_space<hbm>> -> memref<16x1536xf32, #tpu.memory_space<hbm>>
    %dma_wait3A_1137 = arith.constant 0 : i32
    %dma_wait3A_1138 = arith.constant 0 : i32
    %dma_wait3A_1139 = tpu.memref_slice %arg6[%dma_wait3A_1128, %dma_wait3A_1137, %dma_wait3A_1138] : memref<3x16x1536xf32, #tpu.memory_space<vmem>> -> memref<1x16x1536xf32, #tpu.memory_space<vmem>>
    %dma_wait3A_1140 = tpu.memref_squeeze %dma_wait3A_1139 : memref<1x16x1536xf32, #tpu.memory_space<vmem>> -> memref<16x1536xf32, #tpu.memory_space<vmem>>
    tpu.wait_dma2 semaphore(%arg8 : memref<!tpu.dma_semaphore, #tpu.memory_space<semaphore_mem>>) src(%dma_wait3A_1140 : memref<16x1536xf32, #tpu.memory_space<vmem>>) dst(%dma_wait3A_1136 : memref<16x1536xf32, #tpu.memory_space<hbm>>)
    %dma_start3A_1141 = arith.constant 0 : i32
    %dma_start3A_1142 = arith.constant 0 : i32
    %dma_start3A_1143 = arith.constant 0 : i32
    %dma_start3A_1144 = tpu.memref_slice %arg6[%dma_start3A_1141, %dma_start3A_1142, %dma_start3A_1143] : memref<3x16x1536xf32, #tpu.memory_space<vmem>> -> memref<1x16x1536xf32, #tpu.memory_space<vmem>>
    %dma_start3A_1145 = tpu.memref_squeeze %dma_start3A_1144 : memref<1x16x1536xf32, #tpu.memory_space<vmem>> -> memref<16x1536xf32, #tpu.memory_space<vmem>>
    %dma_start3A_1146 = arith.constant 336 : i32
    %dma_start3A_1147 = tpu.memref_slice %arg5[%dma_start3A_1146] : memref<512xi32, #tpu.memory_space<vmem>> -> memref<16xi32, #tpu.memory_space<vmem>>
    %dma_start3A_1148 = arith.constant 0 : i32
    %dma_start3A_1149 = arith.constant 0 : i32
    %dma_start3A_1150 = tpu.memref_slice %arg2[%dma_start3A_1148, %dma_start3A_1149] : memref<1024x1536xf32, #tpu.memory_space<hbm>> -> memref<1024x1536xf32, #tpu.memory_space<hbm>>
    tpu.enqueue_indirect_dma source(%dma_start3A_1150 : memref<1024x1536xf32, #tpu.memory_space<hbm>>) target(%dma_start3A_1145 : memref<16x1536xf32, #tpu.memory_space<vmem>>) offsets(%dma_start3A_1147 : memref<16xi32, #tpu.memory_space<vmem>>) semaphore(%arg7 : memref<!tpu.dma_semaphore, #tpu.memory_space<semaphore_mem>>)
    %add3A_1151 = arith.constant 304 : i32
    %add3A_1152 = arith.addi %mul3A_2, %add3A_1151 : i32
    %dma_start3A_1153 = arith.constant 1 : i32
    %dma_start3A_1154 = arith.constant 0 : i32
    %dma_start3A_1155 = arith.constant 0 : i32
    %dma_start3A_1156 = tpu.memref_slice %arg6[%dma_start3A_1153, %dma_start3A_1154, %dma_start3A_1155] : memref<3x16x1536xf32, #tpu.memory_space<vmem>> -> memref<1x16x1536xf32, #tpu.memory_space<vmem>>
    %dma_start3A_1157 = tpu.memref_squeeze %dma_start3A_1156 : memref<1x16x1536xf32, #tpu.memory_space<vmem>> -> memref<16x1536xf32, #tpu.memory_space<vmem>>
    %dma_start3A_1158 = arith.constant 0 : i32
    %dma_start3A_1159 = tpu.memref_slice %arg4[%add3A_1152, %dma_start3A_1158] : memref<16384x1536xf32, #tpu.memory_space<hbm>> -> memref<16x1536xf32, #tpu.memory_space<hbm>>
    %dma_start3A_1160 = arith.constant 0 : i32
    %dma_start3A_1161 = tpu.memref_slice %arg4[%add3A_1152, %dma_start3A_1160] : memref<16384x1536xf32, #tpu.memory_space<hbm>> -> memref<16x1536xf32, #tpu.memory_space<hbm>>
    %dma_start3A_1162 = arith.constant 0 : i32
    %dma_start3A_1163 = arith.constant 0 : i32
    %dma_start3A_1164 = tpu.memref_slice %arg6[%dma_start3A_1153, %dma_start3A_1162, %dma_start3A_1163] : memref<3x16x1536xf32, #tpu.memory_space<vmem>> -> memref<1x16x1536xf32, #tpu.memory_space<vmem>>
    %dma_start3A_1165 = tpu.memref_squeeze %dma_start3A_1164 : memref<1x16x1536xf32, #tpu.memory_space<vmem>> -> memref<16x1536xf32, #tpu.memory_space<vmem>>
    tpu.enqueue_dma source(%dma_start3A_1165 : memref<16x1536xf32, #tpu.memory_space<vmem>>) target(%dma_start3A_1161 : memref<16x1536xf32, #tpu.memory_space<hbm>>) target_semaphore(%arg8 : memref<!tpu.dma_semaphore, #tpu.memory_space<semaphore_mem>>)
    %dma_wait3A_1166 = arith.constant 2 : i32
    %dma_wait3A_1167 = arith.constant 0 : i32
    %dma_wait3A_1168 = arith.constant 0 : i32
    %dma_wait3A_1169 = tpu.memref_slice %arg6[%dma_wait3A_1166, %dma_wait3A_1167, %dma_wait3A_1168] : memref<3x16x1536xf32, #tpu.memory_space<vmem>> -> memref<1x16x1536xf32, #tpu.memory_space<vmem>>
    %dma_wait3A_1170 = tpu.memref_squeeze %dma_wait3A_1169 : memref<1x16x1536xf32, #tpu.memory_space<vmem>> -> memref<16x1536xf32, #tpu.memory_space<vmem>>
    %dma_wait3A_1171 = arith.constant 320 : i32
    %dma_wait3A_1172 = tpu.memref_slice %arg5[%dma_wait3A_1171] : memref<512xi32, #tpu.memory_space<vmem>> -> memref<16xi32, #tpu.memory_space<vmem>>
    %dma_wait3A_1173 = arith.constant 0 : i32
    %dma_wait3A_1174 = arith.constant 0 : i32
    %dma_wait3A_1175 = tpu.memref_slice %arg2[%dma_wait3A_1173, %dma_wait3A_1174] : memref<1024x1536xf32, #tpu.memory_space<hbm>> -> memref<1024x1536xf32, #tpu.memory_space<hbm>>
    tpu.wait_indirect_dma semaphore(%arg7 : memref<!tpu.dma_semaphore, #tpu.memory_space<semaphore_mem>>) src(%dma_wait3A_1175 : memref<1024x1536xf32, #tpu.memory_space<hbm>>) dst(%dma_wait3A_1170 : memref<16x1536xf32, #tpu.memory_space<vmem>>)
    %add3A_1176 = arith.constant 304 : i32
    %add3A_1177 = arith.addi %mul3A_2, %add3A_1176 : i32
    %dma_wait3A_1178 = arith.constant 1 : i32
    %dma_wait3A_1179 = arith.constant 0 : i32
    %dma_wait3A_1180 = arith.constant 0 : i32
    %dma_wait3A_1181 = tpu.memref_slice %arg6[%dma_wait3A_1178, %dma_wait3A_1179, %dma_wait3A_1180] : memref<3x16x1536xf32, #tpu.memory_space<vmem>> -> memref<1x16x1536xf32, #tpu.memory_space<vmem>>
    %dma_wait3A_1182 = tpu.memref_squeeze %dma_wait3A_1181 : memref<1x16x1536xf32, #tpu.memory_space<vmem>> -> memref<16x1536xf32, #tpu.memory_space<vmem>>
    %dma_wait3A_1183 = arith.constant 0 : i32
    %dma_wait3A_1184 = tpu.memref_slice %arg4[%add3A_1177, %dma_wait3A_1183] : memref<16384x1536xf32, #tpu.memory_space<hbm>> -> memref<16x1536xf32, #tpu.memory_space<hbm>>
    %dma_wait3A_1185 = arith.constant 0 : i32
    %dma_wait3A_1186 = tpu.memref_slice %arg4[%add3A_1177, %dma_wait3A_1185] : memref<16384x1536xf32, #tpu.memory_space<hbm>> -> memref<16x1536xf32, #tpu.memory_space<hbm>>
    %dma_wait3A_1187 = arith.constant 0 : i32
    %dma_wait3A_1188 = arith.constant 0 : i32
    %dma_wait3A_1189 = tpu.memref_slice %arg6[%dma_wait3A_1178, %dma_wait3A_1187, %dma_wait3A_1188] : memref<3x16x1536xf32, #tpu.memory_space<vmem>> -> memref<1x16x1536xf32, #tpu.memory_space<vmem>>
    %dma_wait3A_1190 = tpu.memref_squeeze %dma_wait3A_1189 : memref<1x16x1536xf32, #tpu.memory_space<vmem>> -> memref<16x1536xf32, #tpu.memory_space<vmem>>
    tpu.wait_dma2 semaphore(%arg8 : memref<!tpu.dma_semaphore, #tpu.memory_space<semaphore_mem>>) src(%dma_wait3A_1190 : memref<16x1536xf32, #tpu.memory_space<vmem>>) dst(%dma_wait3A_1186 : memref<16x1536xf32, #tpu.memory_space<hbm>>)
    %dma_start3A_1191 = arith.constant 1 : i32
    %dma_start3A_1192 = arith.constant 0 : i32
    %dma_start3A_1193 = arith.constant 0 : i32
    %dma_start3A_1194 = tpu.memref_slice %arg6[%dma_start3A_1191, %dma_start3A_1192, %dma_start3A_1193] : memref<3x16x1536xf32, #tpu.memory_space<vmem>> -> memref<1x16x1536xf32, #tpu.memory_space<vmem>>
    %dma_start3A_1195 = tpu.memref_squeeze %dma_start3A_1194 : memref<1x16x1536xf32, #tpu.memory_space<vmem>> -> memref<16x1536xf32, #tpu.memory_space<vmem>>
    %dma_start3A_1196 = arith.constant 352 : i32
    %dma_start3A_1197 = tpu.memref_slice %arg5[%dma_start3A_1196] : memref<512xi32, #tpu.memory_space<vmem>> -> memref<16xi32, #tpu.memory_space<vmem>>
    %dma_start3A_1198 = arith.constant 0 : i32
    %dma_start3A_1199 = arith.constant 0 : i32
    %dma_start3A_1200 = tpu.memref_slice %arg2[%dma_start3A_1198, %dma_start3A_1199] : memref<1024x1536xf32, #tpu.memory_space<hbm>> -> memref<1024x1536xf32, #tpu.memory_space<hbm>>
    tpu.enqueue_indirect_dma source(%dma_start3A_1200 : memref<1024x1536xf32, #tpu.memory_space<hbm>>) target(%dma_start3A_1195 : memref<16x1536xf32, #tpu.memory_space<vmem>>) offsets(%dma_start3A_1197 : memref<16xi32, #tpu.memory_space<vmem>>) semaphore(%arg7 : memref<!tpu.dma_semaphore, #tpu.memory_space<semaphore_mem>>)
    %add3A_1201 = arith.constant 320 : i32
    %add3A_1202 = arith.addi %mul3A_2, %add3A_1201 : i32
    %dma_start3A_1203 = arith.constant 2 : i32
    %dma_start3A_1204 = arith.constant 0 : i32
    %dma_start3A_1205 = arith.constant 0 : i32
    %dma_start3A_1206 = tpu.memref_slice %arg6[%dma_start3A_1203, %dma_start3A_1204, %dma_start3A_1205] : memref<3x16x1536xf32, #tpu.memory_space<vmem>> -> memref<1x16x1536xf32, #tpu.memory_space<vmem>>
    %dma_start3A_1207 = tpu.memref_squeeze %dma_start3A_1206 : memref<1x16x1536xf32, #tpu.memory_space<vmem>> -> memref<16x1536xf32, #tpu.memory_space<vmem>>
    %dma_start3A_1208 = arith.constant 0 : i32
    %dma_start3A_1209 = tpu.memref_slice %arg4[%add3A_1202, %dma_start3A_1208] : memref<16384x1536xf32, #tpu.memory_space<hbm>> -> memref<16x1536xf32, #tpu.memory_space<hbm>>
    %dma_start3A_1210 = arith.constant 0 : i32
    %dma_start3A_1211 = tpu.memref_slice %arg4[%add3A_1202, %dma_start3A_1210] : memref<16384x1536xf32, #tpu.memory_space<hbm>> -> memref<16x1536xf32, #tpu.memory_space<hbm>>
    %dma_start3A_1212 = arith.constant 0 : i32
    %dma_start3A_1213 = arith.constant 0 : i32
    %dma_start3A_1214 = tpu.memref_slice %arg6[%dma_start3A_1203, %dma_start3A_1212, %dma_start3A_1213] : memref<3x16x1536xf32, #tpu.memory_space<vmem>> -> memref<1x16x1536xf32, #tpu.memory_space<vmem>>
    %dma_start3A_1215 = tpu.memref_squeeze %dma_start3A_1214 : memref<1x16x1536xf32, #tpu.memory_space<vmem>> -> memref<16x1536xf32, #tpu.memory_space<vmem>>
    tpu.enqueue_dma source(%dma_start3A_1215 : memref<16x1536xf32, #tpu.memory_space<vmem>>) target(%dma_start3A_1211 : memref<16x1536xf32, #tpu.memory_space<hbm>>) target_semaphore(%arg8 : memref<!tpu.dma_semaphore, #tpu.memory_space<semaphore_mem>>)
    %dma_wait3A_1216 = arith.constant 0 : i32
    %dma_wait3A_1217 = arith.constant 0 : i32
    %dma_wait3A_1218 = arith.constant 0 : i32
    %dma_wait3A_1219 = tpu.memref_slice %arg6[%dma_wait3A_1216, %dma_wait3A_1217, %dma_wait3A_1218] : memref<3x16x1536xf32, #tpu.memory_space<vmem>> -> memref<1x16x1536xf32, #tpu.memory_space<vmem>>
    %dma_wait3A_1220 = tpu.memref_squeeze %dma_wait3A_1219 : memref<1x16x1536xf32, #tpu.memory_space<vmem>> -> memref<16x1536xf32, #tpu.memory_space<vmem>>
    %dma_wait3A_1221 = arith.constant 336 : i32
    %dma_wait3A_1222 = tpu.memref_slice %arg5[%dma_wait3A_1221] : memref<512xi32, #tpu.memory_space<vmem>> -> memref<16xi32, #tpu.memory_space<vmem>>
    %dma_wait3A_1223 = arith.constant 0 : i32
    %dma_wait3A_1224 = arith.constant 0 : i32
    %dma_wait3A_1225 = tpu.memref_slice %arg2[%dma_wait3A_1223, %dma_wait3A_1224] : memref<1024x1536xf32, #tpu.memory_space<hbm>> -> memref<1024x1536xf32, #tpu.memory_space<hbm>>
    tpu.wait_indirect_dma semaphore(%arg7 : memref<!tpu.dma_semaphore, #tpu.memory_space<semaphore_mem>>) src(%dma_wait3A_1225 : memref<1024x1536xf32, #tpu.memory_space<hbm>>) dst(%dma_wait3A_1220 : memref<16x1536xf32, #tpu.memory_space<vmem>>)
    %add3A_1226 = arith.constant 320 : i32
    %add3A_1227 = arith.addi %mul3A_2, %add3A_1226 : i32
    %dma_wait3A_1228 = arith.constant 2 : i32
    %dma_wait3A_1229 = arith.constant 0 : i32
    %dma_wait3A_1230 = arith.constant 0 : i32
    %dma_wait3A_1231 = tpu.memref_slice %arg6[%dma_wait3A_1228, %dma_wait3A_1229, %dma_wait3A_1230] : memref<3x16x1536xf32, #tpu.memory_space<vmem>> -> memref<1x16x1536xf32, #tpu.memory_space<vmem>>
    %dma_wait3A_1232 = tpu.memref_squeeze %dma_wait3A_1231 : memref<1x16x1536xf32, #tpu.memory_space<vmem>> -> memref<16x1536xf32, #tpu.memory_space<vmem>>
    %dma_wait3A_1233 = arith.constant 0 : i32
    %dma_wait3A_1234 = tpu.memref_slice %arg4[%add3A_1227, %dma_wait3A_1233] : memref<16384x1536xf32, #tpu.memory_space<hbm>> -> memref<16x1536xf32, #tpu.memory_space<hbm>>
    %dma_wait3A_1235 = arith.constant 0 : i32
    %dma_wait3A_1236 = tpu.memref_slice %arg4[%add3A_1227, %dma_wait3A_1235] : memref<16384x1536xf32, #tpu.memory_space<hbm>> -> memref<16x1536xf32, #tpu.memory_space<hbm>>
    %dma_wait3A_1237 = arith.constant 0 : i32
    %dma_wait3A_1238 = arith.constant 0 : i32
    %dma_wait3A_1239 = tpu.memref_slice %arg6[%dma_wait3A_1228, %dma_wait3A_1237, %dma_wait3A_1238] : memref<3x16x1536xf32, #tpu.memory_space<vmem>> -> memref<1x16x1536xf32, #tpu.memory_space<vmem>>
    %dma_wait3A_1240 = tpu.memref_squeeze %dma_wait3A_1239 : memref<1x16x1536xf32, #tpu.memory_space<vmem>> -> memref<16x1536xf32, #tpu.memory_space<vmem>>
    tpu.wait_dma2 semaphore(%arg8 : memref<!tpu.dma_semaphore, #tpu.memory_space<semaphore_mem>>) src(%dma_wait3A_1240 : memref<16x1536xf32, #tpu.memory_space<vmem>>) dst(%dma_wait3A_1236 : memref<16x1536xf32, #tpu.memory_space<hbm>>)
    %dma_start3A_1241 = arith.constant 2 : i32
    %dma_start3A_1242 = arith.constant 0 : i32
    %dma_start3A_1243 = arith.constant 0 : i32
    %dma_start3A_1244 = tpu.memref_slice %arg6[%dma_start3A_1241, %dma_start3A_1242, %dma_start3A_1243] : memref<3x16x1536xf32, #tpu.memory_space<vmem>> -> memref<1x16x1536xf32, #tpu.memory_space<vmem>>
    %dma_start3A_1245 = tpu.memref_squeeze %dma_start3A_1244 : memref<1x16x1536xf32, #tpu.memory_space<vmem>> -> memref<16x1536xf32, #tpu.memory_space<vmem>>
    %dma_start3A_1246 = arith.constant 368 : i32
    %dma_start3A_1247 = tpu.memref_slice %arg5[%dma_start3A_1246] : memref<512xi32, #tpu.memory_space<vmem>> -> memref<16xi32, #tpu.memory_space<vmem>>
    %dma_start3A_1248 = arith.constant 0 : i32
    %dma_start3A_1249 = arith.constant 0 : i32
    %dma_start3A_1250 = tpu.memref_slice %arg2[%dma_start3A_1248, %dma_start3A_1249] : memref<1024x1536xf32, #tpu.memory_space<hbm>> -> memref<1024x1536xf32, #tpu.memory_space<hbm>>
    tpu.enqueue_indirect_dma source(%dma_start3A_1250 : memref<1024x1536xf32, #tpu.memory_space<hbm>>) target(%dma_start3A_1245 : memref<16x1536xf32, #tpu.memory_space<vmem>>) offsets(%dma_start3A_1247 : memref<16xi32, #tpu.memory_space<vmem>>) semaphore(%arg7 : memref<!tpu.dma_semaphore, #tpu.memory_space<semaphore_mem>>)
    %add3A_1251 = arith.constant 336 : i32
    %add3A_1252 = arith.addi %mul3A_2, %add3A_1251 : i32
    %dma_start3A_1253 = arith.constant 0 : i32
    %dma_start3A_1254 = arith.constant 0 : i32
    %dma_start3A_1255 = arith.constant 0 : i32
    %dma_start3A_1256 = tpu.memref_slice %arg6[%dma_start3A_1253, %dma_start3A_1254, %dma_start3A_1255] : memref<3x16x1536xf32, #tpu.memory_space<vmem>> -> memref<1x16x1536xf32, #tpu.memory_space<vmem>>
    %dma_start3A_1257 = tpu.memref_squeeze %dma_start3A_1256 : memref<1x16x1536xf32, #tpu.memory_space<vmem>> -> memref<16x1536xf32, #tpu.memory_space<vmem>>
    %dma_start3A_1258 = arith.constant 0 : i32
    %dma_start3A_1259 = tpu.memref_slice %arg4[%add3A_1252, %dma_start3A_1258] : memref<16384x1536xf32, #tpu.memory_space<hbm>> -> memref<16x1536xf32, #tpu.memory_space<hbm>>
    %dma_start3A_1260 = arith.constant 0 : i32
    %dma_start3A_1261 = tpu.memref_slice %arg4[%add3A_1252, %dma_start3A_1260] : memref<16384x1536xf32, #tpu.memory_space<hbm>> -> memref<16x1536xf32, #tpu.memory_space<hbm>>
    %dma_start3A_1262 = arith.constant 0 : i32
    %dma_start3A_1263 = arith.constant 0 : i32
    %dma_start3A_1264 = tpu.memref_slice %arg6[%dma_start3A_1253, %dma_start3A_1262, %dma_start3A_1263] : memref<3x16x1536xf32, #tpu.memory_space<vmem>> -> memref<1x16x1536xf32, #tpu.memory_space<vmem>>
    %dma_start3A_1265 = tpu.memref_squeeze %dma_start3A_1264 : memref<1x16x1536xf32, #tpu.memory_space<vmem>> -> memref<16x1536xf32, #tpu.memory_space<vmem>>
    tpu.enqueue_dma source(%dma_start3A_1265 : memref<16x1536xf32, #tpu.memory_space<vmem>>) target(%dma_start3A_1261 : memref<16x1536xf32, #tpu.memory_space<hbm>>) target_semaphore(%arg8 : memref<!tpu.dma_semaphore, #tpu.memory_space<semaphore_mem>>)
    %dma_wait3A_1266 = arith.constant 1 : i32
    %dma_wait3A_1267 = arith.constant 0 : i32
    %dma_wait3A_1268 = arith.constant 0 : i32
    %dma_wait3A_1269 = tpu.memref_slice %arg6[%dma_wait3A_1266, %dma_wait3A_1267, %dma_wait3A_1268] : memref<3x16x1536xf32, #tpu.memory_space<vmem>> -> memref<1x16x1536xf32, #tpu.memory_space<vmem>>
    %dma_wait3A_1270 = tpu.memref_squeeze %dma_wait3A_1269 : memref<1x16x1536xf32, #tpu.memory_space<vmem>> -> memref<16x1536xf32, #tpu.memory_space<vmem>>
    %dma_wait3A_1271 = arith.constant 352 : i32
    %dma_wait3A_1272 = tpu.memref_slice %arg5[%dma_wait3A_1271] : memref<512xi32, #tpu.memory_space<vmem>> -> memref<16xi32, #tpu.memory_space<vmem>>
    %dma_wait3A_1273 = arith.constant 0 : i32
    %dma_wait3A_1274 = arith.constant 0 : i32
    %dma_wait3A_1275 = tpu.memref_slice %arg2[%dma_wait3A_1273, %dma_wait3A_1274] : memref<1024x1536xf32, #tpu.memory_space<hbm>> -> memref<1024x1536xf32, #tpu.memory_space<hbm>>
    tpu.wait_indirect_dma semaphore(%arg7 : memref<!tpu.dma_semaphore, #tpu.memory_space<semaphore_mem>>) src(%dma_wait3A_1275 : memref<1024x1536xf32, #tpu.memory_space<hbm>>) dst(%dma_wait3A_1270 : memref<16x1536xf32, #tpu.memory_space<vmem>>)
    %add3A_1276 = arith.constant 336 : i32
    %add3A_1277 = arith.addi %mul3A_2, %add3A_1276 : i32
    %dma_wait3A_1278 = arith.constant 0 : i32
    %dma_wait3A_1279 = arith.constant 0 : i32
    %dma_wait3A_1280 = arith.constant 0 : i32
    %dma_wait3A_1281 = tpu.memref_slice %arg6[%dma_wait3A_1278, %dma_wait3A_1279, %dma_wait3A_1280] : memref<3x16x1536xf32, #tpu.memory_space<vmem>> -> memref<1x16x1536xf32, #tpu.memory_space<vmem>>
    %dma_wait3A_1282 = tpu.memref_squeeze %dma_wait3A_1281 : memref<1x16x1536xf32, #tpu.memory_space<vmem>> -> memref<16x1536xf32, #tpu.memory_space<vmem>>
    %dma_wait3A_1283 = arith.constant 0 : i32
    %dma_wait3A_1284 = tpu.memref_slice %arg4[%add3A_1277, %dma_wait3A_1283] : memref<16384x1536xf32, #tpu.memory_space<hbm>> -> memref<16x1536xf32, #tpu.memory_space<hbm>>
    %dma_wait3A_1285 = arith.constant 0 : i32
    %dma_wait3A_1286 = tpu.memref_slice %arg4[%add3A_1277, %dma_wait3A_1285] : memref<16384x1536xf32, #tpu.memory_space<hbm>> -> memref<16x1536xf32, #tpu.memory_space<hbm>>
    %dma_wait3A_1287 = arith.constant 0 : i32
    %dma_wait3A_1288 = arith.constant 0 : i32
    %dma_wait3A_1289 = tpu.memref_slice %arg6[%dma_wait3A_1278, %dma_wait3A_1287, %dma_wait3A_1288] : memref<3x16x1536xf32, #tpu.memory_space<vmem>> -> memref<1x16x1536xf32, #tpu.memory_space<vmem>>
    %dma_wait3A_1290 = tpu.memref_squeeze %dma_wait3A_1289 : memref<1x16x1536xf32, #tpu.memory_space<vmem>> -> memref<16x1536xf32, #tpu.memory_space<vmem>>
    tpu.wait_dma2 semaphore(%arg8 : memref<!tpu.dma_semaphore, #tpu.memory_space<semaphore_mem>>) src(%dma_wait3A_1290 : memref<16x1536xf32, #tpu.memory_space<vmem>>) dst(%dma_wait3A_1286 : memref<16x1536xf32, #tpu.memory_space<hbm>>)
    %dma_start3A_1291 = arith.constant 0 : i32
    %dma_start3A_1292 = arith.constant 0 : i32
    %dma_start3A_1293 = arith.constant 0 : i32
    %dma_start3A_1294 = tpu.memref_slice %arg6[%dma_start3A_1291, %dma_start3A_1292, %dma_start3A_1293] : memref<3x16x1536xf32, #tpu.memory_space<vmem>> -> memref<1x16x1536xf32, #tpu.memory_space<vmem>>
    %dma_start3A_1295 = tpu.memref_squeeze %dma_start3A_1294 : memref<1x16x1536xf32, #tpu.memory_space<vmem>> -> memref<16x1536xf32, #tpu.memory_space<vmem>>
    %dma_start3A_1296 = arith.constant 384 : i32
    %dma_start3A_1297 = tpu.memref_slice %arg5[%dma_start3A_1296] : memref<512xi32, #tpu.memory_space<vmem>> -> memref<16xi32, #tpu.memory_space<vmem>>
    %dma_start3A_1298 = arith.constant 0 : i32
    %dma_start3A_1299 = arith.constant 0 : i32
    %dma_start3A_1300 = tpu.memref_slice %arg2[%dma_start3A_1298, %dma_start3A_1299] : memref<1024x1536xf32, #tpu.memory_space<hbm>> -> memref<1024x1536xf32, #tpu.memory_space<hbm>>
    tpu.enqueue_indirect_dma source(%dma_start3A_1300 : memref<1024x1536xf32, #tpu.memory_space<hbm>>) target(%dma_start3A_1295 : memref<16x1536xf32, #tpu.memory_space<vmem>>) offsets(%dma_start3A_1297 : memref<16xi32, #tpu.memory_space<vmem>>) semaphore(%arg7 : memref<!tpu.dma_semaphore, #tpu.memory_space<semaphore_mem>>)
    %add3A_1301 = arith.constant 352 : i32
    %add3A_1302 = arith.addi %mul3A_2, %add3A_1301 : i32
    %dma_start3A_1303 = arith.constant 1 : i32
    %dma_start3A_1304 = arith.constant 0 : i32
    %dma_start3A_1305 = arith.constant 0 : i32
    %dma_start3A_1306 = tpu.memref_slice %arg6[%dma_start3A_1303, %dma_start3A_1304, %dma_start3A_1305] : memref<3x16x1536xf32, #tpu.memory_space<vmem>> -> memref<1x16x1536xf32, #tpu.memory_space<vmem>>
    %dma_start3A_1307 = tpu.memref_squeeze %dma_start3A_1306 : memref<1x16x1536xf32, #tpu.memory_space<vmem>> -> memref<16x1536xf32, #tpu.memory_space<vmem>>
    %dma_start3A_1308 = arith.constant 0 : i32
    %dma_start3A_1309 = tpu.memref_slice %arg4[%add3A_1302, %dma_start3A_1308] : memref<16384x1536xf32, #tpu.memory_space<hbm>> -> memref<16x1536xf32, #tpu.memory_space<hbm>>
    %dma_start3A_1310 = arith.constant 0 : i32
    %dma_start3A_1311 = tpu.memref_slice %arg4[%add3A_1302, %dma_start3A_1310] : memref<16384x1536xf32, #tpu.memory_space<hbm>> -> memref<16x1536xf32, #tpu.memory_space<hbm>>
    %dma_start3A_1312 = arith.constant 0 : i32
    %dma_start3A_1313 = arith.constant 0 : i32
    %dma_start3A_1314 = tpu.memref_slice %arg6[%dma_start3A_1303, %dma_start3A_1312, %dma_start3A_1313] : memref<3x16x1536xf32, #tpu.memory_space<vmem>> -> memref<1x16x1536xf32, #tpu.memory_space<vmem>>
    %dma_start3A_1315 = tpu.memref_squeeze %dma_start3A_1314 : memref<1x16x1536xf32, #tpu.memory_space<vmem>> -> memref<16x1536xf32, #tpu.memory_space<vmem>>
    tpu.enqueue_dma source(%dma_start3A_1315 : memref<16x1536xf32, #tpu.memory_space<vmem>>) target(%dma_start3A_1311 : memref<16x1536xf32, #tpu.memory_space<hbm>>) target_semaphore(%arg8 : memref<!tpu.dma_semaphore, #tpu.memory_space<semaphore_mem>>)
    %dma_wait3A_1316 = arith.constant 2 : i32
    %dma_wait3A_1317 = arith.constant 0 : i32
    %dma_wait3A_1318 = arith.constant 0 : i32
    %dma_wait3A_1319 = tpu.memref_slice %arg6[%dma_wait3A_1316, %dma_wait3A_1317, %dma_wait3A_1318] : memref<3x16x1536xf32, #tpu.memory_space<vmem>> -> memref<1x16x1536xf32, #tpu.memory_space<vmem>>
    %dma_wait3A_1320 = tpu.memref_squeeze %dma_wait3A_1319 : memref<1x16x1536xf32, #tpu.memory_space<vmem>> -> memref<16x1536xf32, #tpu.memory_space<vmem>>
    %dma_wait3A_1321 = arith.constant 368 : i32
    %dma_wait3A_1322 = tpu.memref_slice %arg5[%dma_wait3A_1321] : memref<512xi32, #tpu.memory_space<vmem>> -> memref<16xi32, #tpu.memory_space<vmem>>
    %dma_wait3A_1323 = arith.constant 0 : i32
    %dma_wait3A_1324 = arith.constant 0 : i32
    %dma_wait3A_1325 = tpu.memref_slice %arg2[%dma_wait3A_1323, %dma_wait3A_1324] : memref<1024x1536xf32, #tpu.memory_space<hbm>> -> memref<1024x1536xf32, #tpu.memory_space<hbm>>
    tpu.wait_indirect_dma semaphore(%arg7 : memref<!tpu.dma_semaphore, #tpu.memory_space<semaphore_mem>>) src(%dma_wait3A_1325 : memref<1024x1536xf32, #tpu.memory_space<hbm>>) dst(%dma_wait3A_1320 : memref<16x1536xf32, #tpu.memory_space<vmem>>)
    %add3A_1326 = arith.constant 352 : i32
    %add3A_1327 = arith.addi %mul3A_2, %add3A_1326 : i32
    %dma_wait3A_1328 = arith.constant 1 : i32
    %dma_wait3A_1329 = arith.constant 0 : i32
    %dma_wait3A_1330 = arith.constant 0 : i32
    %dma_wait3A_1331 = tpu.memref_slice %arg6[%dma_wait3A_1328, %dma_wait3A_1329, %dma_wait3A_1330] : memref<3x16x1536xf32, #tpu.memory_space<vmem>> -> memref<1x16x1536xf32, #tpu.memory_space<vmem>>
    %dma_wait3A_1332 = tpu.memref_squeeze %dma_wait3A_1331 : memref<1x16x1536xf32, #tpu.memory_space<vmem>> -> memref<16x1536xf32, #tpu.memory_space<vmem>>
    %dma_wait3A_1333 = arith.constant 0 : i32
    %dma_wait3A_1334 = tpu.memref_slice %arg4[%add3A_1327, %dma_wait3A_1333] : memref<16384x1536xf32, #tpu.memory_space<hbm>> -> memref<16x1536xf32, #tpu.memory_space<hbm>>
    %dma_wait3A_1335 = arith.constant 0 : i32
    %dma_wait3A_1336 = tpu.memref_slice %arg4[%add3A_1327, %dma_wait3A_1335] : memref<16384x1536xf32, #tpu.memory_space<hbm>> -> memref<16x1536xf32, #tpu.memory_space<hbm>>
    %dma_wait3A_1337 = arith.constant 0 : i32
    %dma_wait3A_1338 = arith.constant 0 : i32
    %dma_wait3A_1339 = tpu.memref_slice %arg6[%dma_wait3A_1328, %dma_wait3A_1337, %dma_wait3A_1338] : memref<3x16x1536xf32, #tpu.memory_space<vmem>> -> memref<1x16x1536xf32, #tpu.memory_space<vmem>>
    %dma_wait3A_1340 = tpu.memref_squeeze %dma_wait3A_1339 : memref<1x16x1536xf32, #tpu.memory_space<vmem>> -> memref<16x1536xf32, #tpu.memory_space<vmem>>
    tpu.wait_dma2 semaphore(%arg8 : memref<!tpu.dma_semaphore, #tpu.memory_space<semaphore_mem>>) src(%dma_wait3A_1340 : memref<16x1536xf32, #tpu.memory_space<vmem>>) dst(%dma_wait3A_1336 : memref<16x1536xf32, #tpu.memory_space<hbm>>)
    %dma_start3A_1341 = arith.constant 1 : i32
    %dma_start3A_1342 = arith.constant 0 : i32
    %dma_start3A_1343 = arith.constant 0 : i32
    %dma_start3A_1344 = tpu.memref_slice %arg6[%dma_start3A_1341, %dma_start3A_1342, %dma_start3A_1343] : memref<3x16x1536xf32, #tpu.memory_space<vmem>> -> memref<1x16x1536xf32, #tpu.memory_space<vmem>>
    %dma_start3A_1345 = tpu.memref_squeeze %dma_start3A_1344 : memref<1x16x1536xf32, #tpu.memory_space<vmem>> -> memref<16x1536xf32, #tpu.memory_space<vmem>>
    %dma_start3A_1346 = arith.constant 400 : i32
    %dma_start3A_1347 = tpu.memref_slice %arg5[%dma_start3A_1346] : memref<512xi32, #tpu.memory_space<vmem>> -> memref<16xi32, #tpu.memory_space<vmem>>
    %dma_start3A_1348 = arith.constant 0 : i32
    %dma_start3A_1349 = arith.constant 0 : i32
    %dma_start3A_1350 = tpu.memref_slice %arg2[%dma_start3A_1348, %dma_start3A_1349] : memref<1024x1536xf32, #tpu.memory_space<hbm>> -> memref<1024x1536xf32, #tpu.memory_space<hbm>>
    tpu.enqueue_indirect_dma source(%dma_start3A_1350 : memref<1024x1536xf32, #tpu.memory_space<hbm>>) target(%dma_start3A_1345 : memref<16x1536xf32, #tpu.memory_space<vmem>>) offsets(%dma_start3A_1347 : memref<16xi32, #tpu.memory_space<vmem>>) semaphore(%arg7 : memref<!tpu.dma_semaphore, #tpu.memory_space<semaphore_mem>>)
    %add3A_1351 = arith.constant 368 : i32
    %add3A_1352 = arith.addi %mul3A_2, %add3A_1351 : i32
    %dma_start3A_1353 = arith.constant 2 : i32
    %dma_start3A_1354 = arith.constant 0 : i32
    %dma_start3A_1355 = arith.constant 0 : i32
    %dma_start3A_1356 = tpu.memref_slice %arg6[%dma_start3A_1353, %dma_start3A_1354, %dma_start3A_1355] : memref<3x16x1536xf32, #tpu.memory_space<vmem>> -> memref<1x16x1536xf32, #tpu.memory_space<vmem>>
    %dma_start3A_1357 = tpu.memref_squeeze %dma_start3A_1356 : memref<1x16x1536xf32, #tpu.memory_space<vmem>> -> memref<16x1536xf32, #tpu.memory_space<vmem>>
    %dma_start3A_1358 = arith.constant 0 : i32
    %dma_start3A_1359 = tpu.memref_slice %arg4[%add3A_1352, %dma_start3A_1358] : memref<16384x1536xf32, #tpu.memory_space<hbm>> -> memref<16x1536xf32, #tpu.memory_space<hbm>>
    %dma_start3A_1360 = arith.constant 0 : i32
    %dma_start3A_1361 = tpu.memref_slice %arg4[%add3A_1352, %dma_start3A_1360] : memref<16384x1536xf32, #tpu.memory_space<hbm>> -> memref<16x1536xf32, #tpu.memory_space<hbm>>
    %dma_start3A_1362 = arith.constant 0 : i32
    %dma_start3A_1363 = arith.constant 0 : i32
    %dma_start3A_1364 = tpu.memref_slice %arg6[%dma_start3A_1353, %dma_start3A_1362, %dma_start3A_1363] : memref<3x16x1536xf32, #tpu.memory_space<vmem>> -> memref<1x16x1536xf32, #tpu.memory_space<vmem>>
    %dma_start3A_1365 = tpu.memref_squeeze %dma_start3A_1364 : memref<1x16x1536xf32, #tpu.memory_space<vmem>> -> memref<16x1536xf32, #tpu.memory_space<vmem>>
    tpu.enqueue_dma source(%dma_start3A_1365 : memref<16x1536xf32, #tpu.memory_space<vmem>>) target(%dma_start3A_1361 : memref<16x1536xf32, #tpu.memory_space<hbm>>) target_semaphore(%arg8 : memref<!tpu.dma_semaphore, #tpu.memory_space<semaphore_mem>>)
    %dma_wait3A_1366 = arith.constant 0 : i32
    %dma_wait3A_1367 = arith.constant 0 : i32
    %dma_wait3A_1368 = arith.constant 0 : i32
    %dma_wait3A_1369 = tpu.memref_slice %arg6[%dma_wait3A_1366, %dma_wait3A_1367, %dma_wait3A_1368] : memref<3x16x1536xf32, #tpu.memory_space<vmem>> -> memref<1x16x1536xf32, #tpu.memory_space<vmem>>
    %dma_wait3A_1370 = tpu.memref_squeeze %dma_wait3A_1369 : memref<1x16x1536xf32, #tpu.memory_space<vmem>> -> memref<16x1536xf32, #tpu.memory_space<vmem>>
    %dma_wait3A_1371 = arith.constant 384 : i32
    %dma_wait3A_1372 = tpu.memref_slice %arg5[%dma_wait3A_1371] : memref<512xi32, #tpu.memory_space<vmem>> -> memref<16xi32, #tpu.memory_space<vmem>>
    %dma_wait3A_1373 = arith.constant 0 : i32
    %dma_wait3A_1374 = arith.constant 0 : i32
    %dma_wait3A_1375 = tpu.memref_slice %arg2[%dma_wait3A_1373, %dma_wait3A_1374] : memref<1024x1536xf32, #tpu.memory_space<hbm>> -> memref<1024x1536xf32, #tpu.memory_space<hbm>>
    tpu.wait_indirect_dma semaphore(%arg7 : memref<!tpu.dma_semaphore, #tpu.memory_space<semaphore_mem>>) src(%dma_wait3A_1375 : memref<1024x1536xf32, #tpu.memory_space<hbm>>) dst(%dma_wait3A_1370 : memref<16x1536xf32, #tpu.memory_space<vmem>>)
    %add3A_1376 = arith.constant 368 : i32
    %add3A_1377 = arith.addi %mul3A_2, %add3A_1376 : i32
    %dma_wait3A_1378 = arith.constant 2 : i32
    %dma_wait3A_1379 = arith.constant 0 : i32
    %dma_wait3A_1380 = arith.constant 0 : i32
    %dma_wait3A_1381 = tpu.memref_slice %arg6[%dma_wait3A_1378, %dma_wait3A_1379, %dma_wait3A_1380] : memref<3x16x1536xf32, #tpu.memory_space<vmem>> -> memref<1x16x1536xf32, #tpu.memory_space<vmem>>
    %dma_wait3A_1382 = tpu.memref_squeeze %dma_wait3A_1381 : memref<1x16x1536xf32, #tpu.memory_space<vmem>> -> memref<16x1536xf32, #tpu.memory_space<vmem>>
    %dma_wait3A_1383 = arith.constant 0 : i32
    %dma_wait3A_1384 = tpu.memref_slice %arg4[%add3A_1377, %dma_wait3A_1383] : memref<16384x1536xf32, #tpu.memory_space<hbm>> -> memref<16x1536xf32, #tpu.memory_space<hbm>>
    %dma_wait3A_1385 = arith.constant 0 : i32
    %dma_wait3A_1386 = tpu.memref_slice %arg4[%add3A_1377, %dma_wait3A_1385] : memref<16384x1536xf32, #tpu.memory_space<hbm>> -> memref<16x1536xf32, #tpu.memory_space<hbm>>
    %dma_wait3A_1387 = arith.constant 0 : i32
    %dma_wait3A_1388 = arith.constant 0 : i32
    %dma_wait3A_1389 = tpu.memref_slice %arg6[%dma_wait3A_1378, %dma_wait3A_1387, %dma_wait3A_1388] : memref<3x16x1536xf32, #tpu.memory_space<vmem>> -> memref<1x16x1536xf32, #tpu.memory_space<vmem>>
    %dma_wait3A_1390 = tpu.memref_squeeze %dma_wait3A_1389 : memref<1x16x1536xf32, #tpu.memory_space<vmem>> -> memref<16x1536xf32, #tpu.memory_space<vmem>>
    tpu.wait_dma2 semaphore(%arg8 : memref<!tpu.dma_semaphore, #tpu.memory_space<semaphore_mem>>) src(%dma_wait3A_1390 : memref<16x1536xf32, #tpu.memory_space<vmem>>) dst(%dma_wait3A_1386 : memref<16x1536xf32, #tpu.memory_space<hbm>>)
    %dma_start3A_1391 = arith.constant 2 : i32
    %dma_start3A_1392 = arith.constant 0 : i32
    %dma_start3A_1393 = arith.constant 0 : i32
    %dma_start3A_1394 = tpu.memref_slice %arg6[%dma_start3A_1391, %dma_start3A_1392, %dma_start3A_1393] : memref<3x16x1536xf32, #tpu.memory_space<vmem>> -> memref<1x16x1536xf32, #tpu.memory_space<vmem>>
    %dma_start3A_1395 = tpu.memref_squeeze %dma_start3A_1394 : memref<1x16x1536xf32, #tpu.memory_space<vmem>> -> memref<16x1536xf32, #tpu.memory_space<vmem>>
    %dma_start3A_1396 = arith.constant 416 : i32
    %dma_start3A_1397 = tpu.memref_slice %arg5[%dma_start3A_1396] : memref<512xi32, #tpu.memory_space<vmem>> -> memref<16xi32, #tpu.memory_space<vmem>>
    %dma_start3A_1398 = arith.constant 0 : i32
    %dma_start3A_1399 = arith.constant 0 : i32
    %dma_start3A_1400 = tpu.memref_slice %arg2[%dma_start3A_1398, %dma_start3A_1399] : memref<1024x1536xf32, #tpu.memory_space<hbm>> -> memref<1024x1536xf32, #tpu.memory_space<hbm>>
    tpu.enqueue_indirect_dma source(%dma_start3A_1400 : memref<1024x1536xf32, #tpu.memory_space<hbm>>) target(%dma_start3A_1395 : memref<16x1536xf32, #tpu.memory_space<vmem>>) offsets(%dma_start3A_1397 : memref<16xi32, #tpu.memory_space<vmem>>) semaphore(%arg7 : memref<!tpu.dma_semaphore, #tpu.memory_space<semaphore_mem>>)
    %add3A_1401 = arith.constant 384 : i32
    %add3A_1402 = arith.addi %mul3A_2, %add3A_1401 : i32
    %dma_start3A_1403 = arith.constant 0 : i32
    %dma_start3A_1404 = arith.constant 0 : i32
    %dma_start3A_1405 = arith.constant 0 : i32
    %dma_start3A_1406 = tpu.memref_slice %arg6[%dma_start3A_1403, %dma_start3A_1404, %dma_start3A_1405] : memref<3x16x1536xf32, #tpu.memory_space<vmem>> -> memref<1x16x1536xf32, #tpu.memory_space<vmem>>
    %dma_start3A_1407 = tpu.memref_squeeze %dma_start3A_1406 : memref<1x16x1536xf32, #tpu.memory_space<vmem>> -> memref<16x1536xf32, #tpu.memory_space<vmem>>
    %dma_start3A_1408 = arith.constant 0 : i32
    %dma_start3A_1409 = tpu.memref_slice %arg4[%add3A_1402, %dma_start3A_1408] : memref<16384x1536xf32, #tpu.memory_space<hbm>> -> memref<16x1536xf32, #tpu.memory_space<hbm>>
    %dma_start3A_1410 = arith.constant 0 : i32
    %dma_start3A_1411 = tpu.memref_slice %arg4[%add3A_1402, %dma_start3A_1410] : memref<16384x1536xf32, #tpu.memory_space<hbm>> -> memref<16x1536xf32, #tpu.memory_space<hbm>>
    %dma_start3A_1412 = arith.constant 0 : i32
    %dma_start3A_1413 = arith.constant 0 : i32
    %dma_start3A_1414 = tpu.memref_slice %arg6[%dma_start3A_1403, %dma_start3A_1412, %dma_start3A_1413] : memref<3x16x1536xf32, #tpu.memory_space<vmem>> -> memref<1x16x1536xf32, #tpu.memory_space<vmem>>
    %dma_start3A_1415 = tpu.memref_squeeze %dma_start3A_1414 : memref<1x16x1536xf32, #tpu.memory_space<vmem>> -> memref<16x1536xf32, #tpu.memory_space<vmem>>
    tpu.enqueue_dma source(%dma_start3A_1415 : memref<16x1536xf32, #tpu.memory_space<vmem>>) target(%dma_start3A_1411 : memref<16x1536xf32, #tpu.memory_space<hbm>>) target_semaphore(%arg8 : memref<!tpu.dma_semaphore, #tpu.memory_space<semaphore_mem>>)
    %dma_wait3A_1416 = arith.constant 1 : i32
    %dma_wait3A_1417 = arith.constant 0 : i32
    %dma_wait3A_1418 = arith.constant 0 : i32
    %dma_wait3A_1419 = tpu.memref_slice %arg6[%dma_wait3A_1416, %dma_wait3A_1417, %dma_wait3A_1418] : memref<3x16x1536xf32, #tpu.memory_space<vmem>> -> memref<1x16x1536xf32, #tpu.memory_space<vmem>>
    %dma_wait3A_1420 = tpu.memref_squeeze %dma_wait3A_1419 : memref<1x16x1536xf32, #tpu.memory_space<vmem>> -> memref<16x1536xf32, #tpu.memory_space<vmem>>
    %dma_wait3A_1421 = arith.constant 400 : i32
    %dma_wait3A_1422 = tpu.memref_slice %arg5[%dma_wait3A_1421] : memref<512xi32, #tpu.memory_space<vmem>> -> memref<16xi32, #tpu.memory_space<vmem>>
    %dma_wait3A_1423 = arith.constant 0 : i32
    %dma_wait3A_1424 = arith.constant 0 : i32
    %dma_wait3A_1425 = tpu.memref_slice %arg2[%dma_wait3A_1423, %dma_wait3A_1424] : memref<1024x1536xf32, #tpu.memory_space<hbm>> -> memref<1024x1536xf32, #tpu.memory_space<hbm>>
    tpu.wait_indirect_dma semaphore(%arg7 : memref<!tpu.dma_semaphore, #tpu.memory_space<semaphore_mem>>) src(%dma_wait3A_1425 : memref<1024x1536xf32, #tpu.memory_space<hbm>>) dst(%dma_wait3A_1420 : memref<16x1536xf32, #tpu.memory_space<vmem>>)
    %add3A_1426 = arith.constant 384 : i32
    %add3A_1427 = arith.addi %mul3A_2, %add3A_1426 : i32
    %dma_wait3A_1428 = arith.constant 0 : i32
    %dma_wait3A_1429 = arith.constant 0 : i32
    %dma_wait3A_1430 = arith.constant 0 : i32
    %dma_wait3A_1431 = tpu.memref_slice %arg6[%dma_wait3A_1428, %dma_wait3A_1429, %dma_wait3A_1430] : memref<3x16x1536xf32, #tpu.memory_space<vmem>> -> memref<1x16x1536xf32, #tpu.memory_space<vmem>>
    %dma_wait3A_1432 = tpu.memref_squeeze %dma_wait3A_1431 : memref<1x16x1536xf32, #tpu.memory_space<vmem>> -> memref<16x1536xf32, #tpu.memory_space<vmem>>
    %dma_wait3A_1433 = arith.constant 0 : i32
    %dma_wait3A_1434 = tpu.memref_slice %arg4[%add3A_1427, %dma_wait3A_1433] : memref<16384x1536xf32, #tpu.memory_space<hbm>> -> memref<16x1536xf32, #tpu.memory_space<hbm>>
    %dma_wait3A_1435 = arith.constant 0 : i32
    %dma_wait3A_1436 = tpu.memref_slice %arg4[%add3A_1427, %dma_wait3A_1435] : memref<16384x1536xf32, #tpu.memory_space<hbm>> -> memref<16x1536xf32, #tpu.memory_space<hbm>>
    %dma_wait3A_1437 = arith.constant 0 : i32
    %dma_wait3A_1438 = arith.constant 0 : i32
    %dma_wait3A_1439 = tpu.memref_slice %arg6[%dma_wait3A_1428, %dma_wait3A_1437, %dma_wait3A_1438] : memref<3x16x1536xf32, #tpu.memory_space<vmem>> -> memref<1x16x1536xf32, #tpu.memory_space<vmem>>
    %dma_wait3A_1440 = tpu.memref_squeeze %dma_wait3A_1439 : memref<1x16x1536xf32, #tpu.memory_space<vmem>> -> memref<16x1536xf32, #tpu.memory_space<vmem>>
    tpu.wait_dma2 semaphore(%arg8 : memref<!tpu.dma_semaphore, #tpu.memory_space<semaphore_mem>>) src(%dma_wait3A_1440 : memref<16x1536xf32, #tpu.memory_space<vmem>>) dst(%dma_wait3A_1436 : memref<16x1536xf32, #tpu.memory_space<hbm>>)
    %dma_start3A_1441 = arith.constant 0 : i32
    %dma_start3A_1442 = arith.constant 0 : i32
    %dma_start3A_1443 = arith.constant 0 : i32
    %dma_start3A_1444 = tpu.memref_slice %arg6[%dma_start3A_1441, %dma_start3A_1442, %dma_start3A_1443] : memref<3x16x1536xf32, #tpu.memory_space<vmem>> -> memref<1x16x1536xf32, #tpu.memory_space<vmem>>
    %dma_start3A_1445 = tpu.memref_squeeze %dma_start3A_1444 : memref<1x16x1536xf32, #tpu.memory_space<vmem>> -> memref<16x1536xf32, #tpu.memory_space<vmem>>
    %dma_start3A_1446 = arith.constant 432 : i32
    %dma_start3A_1447 = tpu.memref_slice %arg5[%dma_start3A_1446] : memref<512xi32, #tpu.memory_space<vmem>> -> memref<16xi32, #tpu.memory_space<vmem>>
    %dma_start3A_1448 = arith.constant 0 : i32
    %dma_start3A_1449 = arith.constant 0 : i32
    %dma_start3A_1450 = tpu.memref_slice %arg2[%dma_start3A_1448, %dma_start3A_1449] : memref<1024x1536xf32, #tpu.memory_space<hbm>> -> memref<1024x1536xf32, #tpu.memory_space<hbm>>
    tpu.enqueue_indirect_dma source(%dma_start3A_1450 : memref<1024x1536xf32, #tpu.memory_space<hbm>>) target(%dma_start3A_1445 : memref<16x1536xf32, #tpu.memory_space<vmem>>) offsets(%dma_start3A_1447 : memref<16xi32, #tpu.memory_space<vmem>>) semaphore(%arg7 : memref<!tpu.dma_semaphore, #tpu.memory_space<semaphore_mem>>)
    %add3A_1451 = arith.constant 400 : i32
    %add3A_1452 = arith.addi %mul3A_2, %add3A_1451 : i32
    %dma_start3A_1453 = arith.constant 1 : i32
    %dma_start3A_1454 = arith.constant 0 : i32
    %dma_start3A_1455 = arith.constant 0 : i32
    %dma_start3A_1456 = tpu.memref_slice %arg6[%dma_start3A_1453, %dma_start3A_1454, %dma_start3A_1455] : memref<3x16x1536xf32, #tpu.memory_space<vmem>> -> memref<1x16x1536xf32, #tpu.memory_space<vmem>>
    %dma_start3A_1457 = tpu.memref_squeeze %dma_start3A_1456 : memref<1x16x1536xf32, #tpu.memory_space<vmem>> -> memref<16x1536xf32, #tpu.memory_space<vmem>>
    %dma_start3A_1458 = arith.constant 0 : i32
    %dma_start3A_1459 = tpu.memref_slice %arg4[%add3A_1452, %dma_start3A_1458] : memref<16384x1536xf32, #tpu.memory_space<hbm>> -> memref<16x1536xf32, #tpu.memory_space<hbm>>
    %dma_start3A_1460 = arith.constant 0 : i32
    %dma_start3A_1461 = tpu.memref_slice %arg4[%add3A_1452, %dma_start3A_1460] : memref<16384x1536xf32, #tpu.memory_space<hbm>> -> memref<16x1536xf32, #tpu.memory_space<hbm>>
    %dma_start3A_1462 = arith.constant 0 : i32
    %dma_start3A_1463 = arith.constant 0 : i32
    %dma_start3A_1464 = tpu.memref_slice %arg6[%dma_start3A_1453, %dma_start3A_1462, %dma_start3A_1463] : memref<3x16x1536xf32, #tpu.memory_space<vmem>> -> memref<1x16x1536xf32, #tpu.memory_space<vmem>>
    %dma_start3A_1465 = tpu.memref_squeeze %dma_start3A_1464 : memref<1x16x1536xf32, #tpu.memory_space<vmem>> -> memref<16x1536xf32, #tpu.memory_space<vmem>>
    tpu.enqueue_dma source(%dma_start3A_1465 : memref<16x1536xf32, #tpu.memory_space<vmem>>) target(%dma_start3A_1461 : memref<16x1536xf32, #tpu.memory_space<hbm>>) target_semaphore(%arg8 : memref<!tpu.dma_semaphore, #tpu.memory_space<semaphore_mem>>)
    %dma_wait3A_1466 = arith.constant 2 : i32
    %dma_wait3A_1467 = arith.constant 0 : i32
    %dma_wait3A_1468 = arith.constant 0 : i32
    %dma_wait3A_1469 = tpu.memref_slice %arg6[%dma_wait3A_1466, %dma_wait3A_1467, %dma_wait3A_1468] : memref<3x16x1536xf32, #tpu.memory_space<vmem>> -> memref<1x16x1536xf32, #tpu.memory_space<vmem>>
    %dma_wait3A_1470 = tpu.memref_squeeze %dma_wait3A_1469 : memref<1x16x1536xf32, #tpu.memory_space<vmem>> -> memref<16x1536xf32, #tpu.memory_space<vmem>>
    %dma_wait3A_1471 = arith.constant 416 : i32
    %dma_wait3A_1472 = tpu.memref_slice %arg5[%dma_wait3A_1471] : memref<512xi32, #tpu.memory_space<vmem>> -> memref<16xi32, #tpu.memory_space<vmem>>
    %dma_wait3A_1473 = arith.constant 0 : i32
    %dma_wait3A_1474 = arith.constant 0 : i32
    %dma_wait3A_1475 = tpu.memref_slice %arg2[%dma_wait3A_1473, %dma_wait3A_1474] : memref<1024x1536xf32, #tpu.memory_space<hbm>> -> memref<1024x1536xf32, #tpu.memory_space<hbm>>
    tpu.wait_indirect_dma semaphore(%arg7 : memref<!tpu.dma_semaphore, #tpu.memory_space<semaphore_mem>>) src(%dma_wait3A_1475 : memref<1024x1536xf32, #tpu.memory_space<hbm>>) dst(%dma_wait3A_1470 : memref<16x1536xf32, #tpu.memory_space<vmem>>)
    %add3A_1476 = arith.constant 400 : i32
    %add3A_1477 = arith.addi %mul3A_2, %add3A_1476 : i32
    %dma_wait3A_1478 = arith.constant 1 : i32
    %dma_wait3A_1479 = arith.constant 0 : i32
    %dma_wait3A_1480 = arith.constant 0 : i32
    %dma_wait3A_1481 = tpu.memref_slice %arg6[%dma_wait3A_1478, %dma_wait3A_1479, %dma_wait3A_1480] : memref<3x16x1536xf32, #tpu.memory_space<vmem>> -> memref<1x16x1536xf32, #tpu.memory_space<vmem>>
    %dma_wait3A_1482 = tpu.memref_squeeze %dma_wait3A_1481 : memref<1x16x1536xf32, #tpu.memory_space<vmem>> -> memref<16x1536xf32, #tpu.memory_space<vmem>>
    %dma_wait3A_1483 = arith.constant 0 : i32
    %dma_wait3A_1484 = tpu.memref_slice %arg4[%add3A_1477, %dma_wait3A_1483] : memref<16384x1536xf32, #tpu.memory_space<hbm>> -> memref<16x1536xf32, #tpu.memory_space<hbm>>
    %dma_wait3A_1485 = arith.constant 0 : i32
    %dma_wait3A_1486 = tpu.memref_slice %arg4[%add3A_1477, %dma_wait3A_1485] : memref<16384x1536xf32, #tpu.memory_space<hbm>> -> memref<16x1536xf32, #tpu.memory_space<hbm>>
    %dma_wait3A_1487 = arith.constant 0 : i32
    %dma_wait3A_1488 = arith.constant 0 : i32
    %dma_wait3A_1489 = tpu.memref_slice %arg6[%dma_wait3A_1478, %dma_wait3A_1487, %dma_wait3A_1488] : memref<3x16x1536xf32, #tpu.memory_space<vmem>> -> memref<1x16x1536xf32, #tpu.memory_space<vmem>>
    %dma_wait3A_1490 = tpu.memref_squeeze %dma_wait3A_1489 : memref<1x16x1536xf32, #tpu.memory_space<vmem>> -> memref<16x1536xf32, #tpu.memory_space<vmem>>
    tpu.wait_dma2 semaphore(%arg8 : memref<!tpu.dma_semaphore, #tpu.memory_space<semaphore_mem>>) src(%dma_wait3A_1490 : memref<16x1536xf32, #tpu.memory_space<vmem>>) dst(%dma_wait3A_1486 : memref<16x1536xf32, #tpu.memory_space<hbm>>)
    %dma_start3A_1491 = arith.constant 1 : i32
    %dma_start3A_1492 = arith.constant 0 : i32
    %dma_start3A_1493 = arith.constant 0 : i32
    %dma_start3A_1494 = tpu.memref_slice %arg6[%dma_start3A_1491, %dma_start3A_1492, %dma_start3A_1493] : memref<3x16x1536xf32, #tpu.memory_space<vmem>> -> memref<1x16x1536xf32, #tpu.memory_space<vmem>>
    %dma_start3A_1495 = tpu.memref_squeeze %dma_start3A_1494 : memref<1x16x1536xf32, #tpu.memory_space<vmem>> -> memref<16x1536xf32, #tpu.memory_space<vmem>>
    %dma_start3A_1496 = arith.constant 448 : i32
    %dma_start3A_1497 = tpu.memref_slice %arg5[%dma_start3A_1496] : memref<512xi32, #tpu.memory_space<vmem>> -> memref<16xi32, #tpu.memory_space<vmem>>
    %dma_start3A_1498 = arith.constant 0 : i32
    %dma_start3A_1499 = arith.constant 0 : i32
    %dma_start3A_1500 = tpu.memref_slice %arg2[%dma_start3A_1498, %dma_start3A_1499] : memref<1024x1536xf32, #tpu.memory_space<hbm>> -> memref<1024x1536xf32, #tpu.memory_space<hbm>>
    tpu.enqueue_indirect_dma source(%dma_start3A_1500 : memref<1024x1536xf32, #tpu.memory_space<hbm>>) target(%dma_start3A_1495 : memref<16x1536xf32, #tpu.memory_space<vmem>>) offsets(%dma_start3A_1497 : memref<16xi32, #tpu.memory_space<vmem>>) semaphore(%arg7 : memref<!tpu.dma_semaphore, #tpu.memory_space<semaphore_mem>>)
    %add3A_1501 = arith.constant 416 : i32
    %add3A_1502 = arith.addi %mul3A_2, %add3A_1501 : i32
    %dma_start3A_1503 = arith.constant 2 : i32
    %dma_start3A_1504 = arith.constant 0 : i32
    %dma_start3A_1505 = arith.constant 0 : i32
    %dma_start3A_1506 = tpu.memref_slice %arg6[%dma_start3A_1503, %dma_start3A_1504, %dma_start3A_1505] : memref<3x16x1536xf32, #tpu.memory_space<vmem>> -> memref<1x16x1536xf32, #tpu.memory_space<vmem>>
    %dma_start3A_1507 = tpu.memref_squeeze %dma_start3A_1506 : memref<1x16x1536xf32, #tpu.memory_space<vmem>> -> memref<16x1536xf32, #tpu.memory_space<vmem>>
    %dma_start3A_1508 = arith.constant 0 : i32
    %dma_start3A_1509 = tpu.memref_slice %arg4[%add3A_1502, %dma_start3A_1508] : memref<16384x1536xf32, #tpu.memory_space<hbm>> -> memref<16x1536xf32, #tpu.memory_space<hbm>>
    %dma_start3A_1510 = arith.constant 0 : i32
    %dma_start3A_1511 = tpu.memref_slice %arg4[%add3A_1502, %dma_start3A_1510] : memref<16384x1536xf32, #tpu.memory_space<hbm>> -> memref<16x1536xf32, #tpu.memory_space<hbm>>
    %dma_start3A_1512 = arith.constant 0 : i32
    %dma_start3A_1513 = arith.constant 0 : i32
    %dma_start3A_1514 = tpu.memref_slice %arg6[%dma_start3A_1503, %dma_start3A_1512, %dma_start3A_1513] : memref<3x16x1536xf32, #tpu.memory_space<vmem>> -> memref<1x16x1536xf32, #tpu.memory_space<vmem>>
    %dma_start3A_1515 = tpu.memref_squeeze %dma_start3A_1514 : memref<1x16x1536xf32, #tpu.memory_space<vmem>> -> memref<16x1536xf32, #tpu.memory_space<vmem>>
    tpu.enqueue_dma source(%dma_start3A_1515 : memref<16x1536xf32, #tpu.memory_space<vmem>>) target(%dma_start3A_1511 : memref<16x1536xf32, #tpu.memory_space<hbm>>) target_semaphore(%arg8 : memref<!tpu.dma_semaphore, #tpu.memory_space<semaphore_mem>>)
    %dma_wait3A_1516 = arith.constant 0 : i32
    %dma_wait3A_1517 = arith.constant 0 : i32
    %dma_wait3A_1518 = arith.constant 0 : i32
    %dma_wait3A_1519 = tpu.memref_slice %arg6[%dma_wait3A_1516, %dma_wait3A_1517, %dma_wait3A_1518] : memref<3x16x1536xf32, #tpu.memory_space<vmem>> -> memref<1x16x1536xf32, #tpu.memory_space<vmem>>
    %dma_wait3A_1520 = tpu.memref_squeeze %dma_wait3A_1519 : memref<1x16x1536xf32, #tpu.memory_space<vmem>> -> memref<16x1536xf32, #tpu.memory_space<vmem>>
    %dma_wait3A_1521 = arith.constant 432 : i32
    %dma_wait3A_1522 = tpu.memref_slice %arg5[%dma_wait3A_1521] : memref<512xi32, #tpu.memory_space<vmem>> -> memref<16xi32, #tpu.memory_space<vmem>>
    %dma_wait3A_1523 = arith.constant 0 : i32
    %dma_wait3A_1524 = arith.constant 0 : i32
    %dma_wait3A_1525 = tpu.memref_slice %arg2[%dma_wait3A_1523, %dma_wait3A_1524] : memref<1024x1536xf32, #tpu.memory_space<hbm>> -> memref<1024x1536xf32, #tpu.memory_space<hbm>>
    tpu.wait_indirect_dma semaphore(%arg7 : memref<!tpu.dma_semaphore, #tpu.memory_space<semaphore_mem>>) src(%dma_wait3A_1525 : memref<1024x1536xf32, #tpu.memory_space<hbm>>) dst(%dma_wait3A_1520 : memref<16x1536xf32, #tpu.memory_space<vmem>>)
    %add3A_1526 = arith.constant 416 : i32
    %add3A_1527 = arith.addi %mul3A_2, %add3A_1526 : i32
    %dma_wait3A_1528 = arith.constant 2 : i32
    %dma_wait3A_1529 = arith.constant 0 : i32
    %dma_wait3A_1530 = arith.constant 0 : i32
    %dma_wait3A_1531 = tpu.memref_slice %arg6[%dma_wait3A_1528, %dma_wait3A_1529, %dma_wait3A_1530] : memref<3x16x1536xf32, #tpu.memory_space<vmem>> -> memref<1x16x1536xf32, #tpu.memory_space<vmem>>
    %dma_wait3A_1532 = tpu.memref_squeeze %dma_wait3A_1531 : memref<1x16x1536xf32, #tpu.memory_space<vmem>> -> memref<16x1536xf32, #tpu.memory_space<vmem>>
    %dma_wait3A_1533 = arith.constant 0 : i32
    %dma_wait3A_1534 = tpu.memref_slice %arg4[%add3A_1527, %dma_wait3A_1533] : memref<16384x1536xf32, #tpu.memory_space<hbm>> -> memref<16x1536xf32, #tpu.memory_space<hbm>>
    %dma_wait3A_1535 = arith.constant 0 : i32
    %dma_wait3A_1536 = tpu.memref_slice %arg4[%add3A_1527, %dma_wait3A_1535] : memref<16384x1536xf32, #tpu.memory_space<hbm>> -> memref<16x1536xf32, #tpu.memory_space<hbm>>
    %dma_wait3A_1537 = arith.constant 0 : i32
    %dma_wait3A_1538 = arith.constant 0 : i32
    %dma_wait3A_1539 = tpu.memref_slice %arg6[%dma_wait3A_1528, %dma_wait3A_1537, %dma_wait3A_1538] : memref<3x16x1536xf32, #tpu.memory_space<vmem>> -> memref<1x16x1536xf32, #tpu.memory_space<vmem>>
    %dma_wait3A_1540 = tpu.memref_squeeze %dma_wait3A_1539 : memref<1x16x1536xf32, #tpu.memory_space<vmem>> -> memref<16x1536xf32, #tpu.memory_space<vmem>>
    tpu.wait_dma2 semaphore(%arg8 : memref<!tpu.dma_semaphore, #tpu.memory_space<semaphore_mem>>) src(%dma_wait3A_1540 : memref<16x1536xf32, #tpu.memory_space<vmem>>) dst(%dma_wait3A_1536 : memref<16x1536xf32, #tpu.memory_space<hbm>>)
    %dma_start3A_1541 = arith.constant 2 : i32
    %dma_start3A_1542 = arith.constant 0 : i32
    %dma_start3A_1543 = arith.constant 0 : i32
    %dma_start3A_1544 = tpu.memref_slice %arg6[%dma_start3A_1541, %dma_start3A_1542, %dma_start3A_1543] : memref<3x16x1536xf32, #tpu.memory_space<vmem>> -> memref<1x16x1536xf32, #tpu.memory_space<vmem>>
    %dma_start3A_1545 = tpu.memref_squeeze %dma_start3A_1544 : memref<1x16x1536xf32, #tpu.memory_space<vmem>> -> memref<16x1536xf32, #tpu.memory_space<vmem>>
    %dma_start3A_1546 = arith.constant 464 : i32
    %dma_start3A_1547 = tpu.memref_slice %arg5[%dma_start3A_1546] : memref<512xi32, #tpu.memory_space<vmem>> -> memref<16xi32, #tpu.memory_space<vmem>>
    %dma_start3A_1548 = arith.constant 0 : i32
    %dma_start3A_1549 = arith.constant 0 : i32
    %dma_start3A_1550 = tpu.memref_slice %arg2[%dma_start3A_1548, %dma_start3A_1549] : memref<1024x1536xf32, #tpu.memory_space<hbm>> -> memref<1024x1536xf32, #tpu.memory_space<hbm>>
    tpu.enqueue_indirect_dma source(%dma_start3A_1550 : memref<1024x1536xf32, #tpu.memory_space<hbm>>) target(%dma_start3A_1545 : memref<16x1536xf32, #tpu.memory_space<vmem>>) offsets(%dma_start3A_1547 : memref<16xi32, #tpu.memory_space<vmem>>) semaphore(%arg7 : memref<!tpu.dma_semaphore, #tpu.memory_space<semaphore_mem>>)
    %add3A_1551 = arith.constant 432 : i32
    %add3A_1552 = arith.addi %mul3A_2, %add3A_1551 : i32
    %dma_start3A_1553 = arith.constant 0 : i32
    %dma_start3A_1554 = arith.constant 0 : i32
    %dma_start3A_1555 = arith.constant 0 : i32
    %dma_start3A_1556 = tpu.memref_slice %arg6[%dma_start3A_1553, %dma_start3A_1554, %dma_start3A_1555] : memref<3x16x1536xf32, #tpu.memory_space<vmem>> -> memref<1x16x1536xf32, #tpu.memory_space<vmem>>
    %dma_start3A_1557 = tpu.memref_squeeze %dma_start3A_1556 : memref<1x16x1536xf32, #tpu.memory_space<vmem>> -> memref<16x1536xf32, #tpu.memory_space<vmem>>
    %dma_start3A_1558 = arith.constant 0 : i32
    %dma_start3A_1559 = tpu.memref_slice %arg4[%add3A_1552, %dma_start3A_1558] : memref<16384x1536xf32, #tpu.memory_space<hbm>> -> memref<16x1536xf32, #tpu.memory_space<hbm>>
    %dma_start3A_1560 = arith.constant 0 : i32
    %dma_start3A_1561 = tpu.memref_slice %arg4[%add3A_1552, %dma_start3A_1560] : memref<16384x1536xf32, #tpu.memory_space<hbm>> -> memref<16x1536xf32, #tpu.memory_space<hbm>>
    %dma_start3A_1562 = arith.constant 0 : i32
    %dma_start3A_1563 = arith.constant 0 : i32
    %dma_start3A_1564 = tpu.memref_slice %arg6[%dma_start3A_1553, %dma_start3A_1562, %dma_start3A_1563] : memref<3x16x1536xf32, #tpu.memory_space<vmem>> -> memref<1x16x1536xf32, #tpu.memory_space<vmem>>
    %dma_start3A_1565 = tpu.memref_squeeze %dma_start3A_1564 : memref<1x16x1536xf32, #tpu.memory_space<vmem>> -> memref<16x1536xf32, #tpu.memory_space<vmem>>
    tpu.enqueue_dma source(%dma_start3A_1565 : memref<16x1536xf32, #tpu.memory_space<vmem>>) target(%dma_start3A_1561 : memref<16x1536xf32, #tpu.memory_space<hbm>>) target_semaphore(%arg8 : memref<!tpu.dma_semaphore, #tpu.memory_space<semaphore_mem>>)
    %dma_wait3A_1566 = arith.constant 1 : i32
    %dma_wait3A_1567 = arith.constant 0 : i32
    %dma_wait3A_1568 = arith.constant 0 : i32
    %dma_wait3A_1569 = tpu.memref_slice %arg6[%dma_wait3A_1566, %dma_wait3A_1567, %dma_wait3A_1568] : memref<3x16x1536xf32, #tpu.memory_space<vmem>> -> memref<1x16x1536xf32, #tpu.memory_space<vmem>>
    %dma_wait3A_1570 = tpu.memref_squeeze %dma_wait3A_1569 : memref<1x16x1536xf32, #tpu.memory_space<vmem>> -> memref<16x1536xf32, #tpu.memory_space<vmem>>
    %dma_wait3A_1571 = arith.constant 448 : i32
    %dma_wait3A_1572 = tpu.memref_slice %arg5[%dma_wait3A_1571] : memref<512xi32, #tpu.memory_space<vmem>> -> memref<16xi32, #tpu.memory_space<vmem>>
    %dma_wait3A_1573 = arith.constant 0 : i32
    %dma_wait3A_1574 = arith.constant 0 : i32
    %dma_wait3A_1575 = tpu.memref_slice %arg2[%dma_wait3A_1573, %dma_wait3A_1574] : memref<1024x1536xf32, #tpu.memory_space<hbm>> -> memref<1024x1536xf32, #tpu.memory_space<hbm>>
    tpu.wait_indirect_dma semaphore(%arg7 : memref<!tpu.dma_semaphore, #tpu.memory_space<semaphore_mem>>) src(%dma_wait3A_1575 : memref<1024x1536xf32, #tpu.memory_space<hbm>>) dst(%dma_wait3A_1570 : memref<16x1536xf32, #tpu.memory_space<vmem>>)
    %add3A_1576 = arith.constant 432 : i32
    %add3A_1577 = arith.addi %mul3A_2, %add3A_1576 : i32
    %dma_wait3A_1578 = arith.constant 0 : i32
    %dma_wait3A_1579 = arith.constant 0 : i32
    %dma_wait3A_1580 = arith.constant 0 : i32
    %dma_wait3A_1581 = tpu.memref_slice %arg6[%dma_wait3A_1578, %dma_wait3A_1579, %dma_wait3A_1580] : memref<3x16x1536xf32, #tpu.memory_space<vmem>> -> memref<1x16x1536xf32, #tpu.memory_space<vmem>>
    %dma_wait3A_1582 = tpu.memref_squeeze %dma_wait3A_1581 : memref<1x16x1536xf32, #tpu.memory_space<vmem>> -> memref<16x1536xf32, #tpu.memory_space<vmem>>
    %dma_wait3A_1583 = arith.constant 0 : i32
    %dma_wait3A_1584 = tpu.memref_slice %arg4[%add3A_1577, %dma_wait3A_1583] : memref<16384x1536xf32, #tpu.memory_space<hbm>> -> memref<16x1536xf32, #tpu.memory_space<hbm>>
    %dma_wait3A_1585 = arith.constant 0 : i32
    %dma_wait3A_1586 = tpu.memref_slice %arg4[%add3A_1577, %dma_wait3A_1585] : memref<16384x1536xf32, #tpu.memory_space<hbm>> -> memref<16x1536xf32, #tpu.memory_space<hbm>>
    %dma_wait3A_1587 = arith.constant 0 : i32
    %dma_wait3A_1588 = arith.constant 0 : i32
    %dma_wait3A_1589 = tpu.memref_slice %arg6[%dma_wait3A_1578, %dma_wait3A_1587, %dma_wait3A_1588] : memref<3x16x1536xf32, #tpu.memory_space<vmem>> -> memref<1x16x1536xf32, #tpu.memory_space<vmem>>
    %dma_wait3A_1590 = tpu.memref_squeeze %dma_wait3A_1589 : memref<1x16x1536xf32, #tpu.memory_space<vmem>> -> memref<16x1536xf32, #tpu.memory_space<vmem>>
    tpu.wait_dma2 semaphore(%arg8 : memref<!tpu.dma_semaphore, #tpu.memory_space<semaphore_mem>>) src(%dma_wait3A_1590 : memref<16x1536xf32, #tpu.memory_space<vmem>>) dst(%dma_wait3A_1586 : memref<16x1536xf32, #tpu.memory_space<hbm>>)
    %dma_start3A_1591 = arith.constant 0 : i32
    %dma_start3A_1592 = arith.constant 0 : i32
    %dma_start3A_1593 = arith.constant 0 : i32
    %dma_start3A_1594 = tpu.memref_slice %arg6[%dma_start3A_1591, %dma_start3A_1592, %dma_start3A_1593] : memref<3x16x1536xf32, #tpu.memory_space<vmem>> -> memref<1x16x1536xf32, #tpu.memory_space<vmem>>
    %dma_start3A_1595 = tpu.memref_squeeze %dma_start3A_1594 : memref<1x16x1536xf32, #tpu.memory_space<vmem>> -> memref<16x1536xf32, #tpu.memory_space<vmem>>
    %dma_start3A_1596 = arith.constant 480 : i32
    %dma_start3A_1597 = tpu.memref_slice %arg5[%dma_start3A_1596] : memref<512xi32, #tpu.memory_space<vmem>> -> memref<16xi32, #tpu.memory_space<vmem>>
    %dma_start3A_1598 = arith.constant 0 : i32
    %dma_start3A_1599 = arith.constant 0 : i32
    %dma_start3A_1600 = tpu.memref_slice %arg2[%dma_start3A_1598, %dma_start3A_1599] : memref<1024x1536xf32, #tpu.memory_space<hbm>> -> memref<1024x1536xf32, #tpu.memory_space<hbm>>
    tpu.enqueue_indirect_dma source(%dma_start3A_1600 : memref<1024x1536xf32, #tpu.memory_space<hbm>>) target(%dma_start3A_1595 : memref<16x1536xf32, #tpu.memory_space<vmem>>) offsets(%dma_start3A_1597 : memref<16xi32, #tpu.memory_space<vmem>>) semaphore(%arg7 : memref<!tpu.dma_semaphore, #tpu.memory_space<semaphore_mem>>)
    %add3A_1601 = arith.constant 448 : i32
    %add3A_1602 = arith.addi %mul3A_2, %add3A_1601 : i32
    %dma_start3A_1603 = arith.constant 1 : i32
    %dma_start3A_1604 = arith.constant 0 : i32
    %dma_start3A_1605 = arith.constant 0 : i32
    %dma_start3A_1606 = tpu.memref_slice %arg6[%dma_start3A_1603, %dma_start3A_1604, %dma_start3A_1605] : memref<3x16x1536xf32, #tpu.memory_space<vmem>> -> memref<1x16x1536xf32, #tpu.memory_space<vmem>>
    %dma_start3A_1607 = tpu.memref_squeeze %dma_start3A_1606 : memref<1x16x1536xf32, #tpu.memory_space<vmem>> -> memref<16x1536xf32, #tpu.memory_space<vmem>>
    %dma_start3A_1608 = arith.constant 0 : i32
    %dma_start3A_1609 = tpu.memref_slice %arg4[%add3A_1602, %dma_start3A_1608] : memref<16384x1536xf32, #tpu.memory_space<hbm>> -> memref<16x1536xf32, #tpu.memory_space<hbm>>
    %dma_start3A_1610 = arith.constant 0 : i32
    %dma_start3A_1611 = tpu.memref_slice %arg4[%add3A_1602, %dma_start3A_1610] : memref<16384x1536xf32, #tpu.memory_space<hbm>> -> memref<16x1536xf32, #tpu.memory_space<hbm>>
    %dma_start3A_1612 = arith.constant 0 : i32
    %dma_start3A_1613 = arith.constant 0 : i32
    %dma_start3A_1614 = tpu.memref_slice %arg6[%dma_start3A_1603, %dma_start3A_1612, %dma_start3A_1613] : memref<3x16x1536xf32, #tpu.memory_space<vmem>> -> memref<1x16x1536xf32, #tpu.memory_space<vmem>>
    %dma_start3A_1615 = tpu.memref_squeeze %dma_start3A_1614 : memref<1x16x1536xf32, #tpu.memory_space<vmem>> -> memref<16x1536xf32, #tpu.memory_space<vmem>>
    tpu.enqueue_dma source(%dma_start3A_1615 : memref<16x1536xf32, #tpu.memory_space<vmem>>) target(%dma_start3A_1611 : memref<16x1536xf32, #tpu.memory_space<hbm>>) target_semaphore(%arg8 : memref<!tpu.dma_semaphore, #tpu.memory_space<semaphore_mem>>)
    %dma_wait3A_1616 = arith.constant 2 : i32
    %dma_wait3A_1617 = arith.constant 0 : i32
    %dma_wait3A_1618 = arith.constant 0 : i32
    %dma_wait3A_1619 = tpu.memref_slice %arg6[%dma_wait3A_1616, %dma_wait3A_1617, %dma_wait3A_1618] : memref<3x16x1536xf32, #tpu.memory_space<vmem>> -> memref<1x16x1536xf32, #tpu.memory_space<vmem>>
    %dma_wait3A_1620 = tpu.memref_squeeze %dma_wait3A_1619 : memref<1x16x1536xf32, #tpu.memory_space<vmem>> -> memref<16x1536xf32, #tpu.memory_space<vmem>>
    %dma_wait3A_1621 = arith.constant 464 : i32
    %dma_wait3A_1622 = tpu.memref_slice %arg5[%dma_wait3A_1621] : memref<512xi32, #tpu.memory_space<vmem>> -> memref<16xi32, #tpu.memory_space<vmem>>
    %dma_wait3A_1623 = arith.constant 0 : i32
    %dma_wait3A_1624 = arith.constant 0 : i32
    %dma_wait3A_1625 = tpu.memref_slice %arg2[%dma_wait3A_1623, %dma_wait3A_1624] : memref<1024x1536xf32, #tpu.memory_space<hbm>> -> memref<1024x1536xf32, #tpu.memory_space<hbm>>
    tpu.wait_indirect_dma semaphore(%arg7 : memref<!tpu.dma_semaphore, #tpu.memory_space<semaphore_mem>>) src(%dma_wait3A_1625 : memref<1024x1536xf32, #tpu.memory_space<hbm>>) dst(%dma_wait3A_1620 : memref<16x1536xf32, #tpu.memory_space<vmem>>)
    %add3A_1626 = arith.constant 448 : i32
    %add3A_1627 = arith.addi %mul3A_2, %add3A_1626 : i32
    %dma_wait3A_1628 = arith.constant 1 : i32
    %dma_wait3A_1629 = arith.constant 0 : i32
    %dma_wait3A_1630 = arith.constant 0 : i32
    %dma_wait3A_1631 = tpu.memref_slice %arg6[%dma_wait3A_1628, %dma_wait3A_1629, %dma_wait3A_1630] : memref<3x16x1536xf32, #tpu.memory_space<vmem>> -> memref<1x16x1536xf32, #tpu.memory_space<vmem>>
    %dma_wait3A_1632 = tpu.memref_squeeze %dma_wait3A_1631 : memref<1x16x1536xf32, #tpu.memory_space<vmem>> -> memref<16x1536xf32, #tpu.memory_space<vmem>>
    %dma_wait3A_1633 = arith.constant 0 : i32
    %dma_wait3A_1634 = tpu.memref_slice %arg4[%add3A_1627, %dma_wait3A_1633] : memref<16384x1536xf32, #tpu.memory_space<hbm>> -> memref<16x1536xf32, #tpu.memory_space<hbm>>
    %dma_wait3A_1635 = arith.constant 0 : i32
    %dma_wait3A_1636 = tpu.memref_slice %arg4[%add3A_1627, %dma_wait3A_1635] : memref<16384x1536xf32, #tpu.memory_space<hbm>> -> memref<16x1536xf32, #tpu.memory_space<hbm>>
    %dma_wait3A_1637 = arith.constant 0 : i32
    %dma_wait3A_1638 = arith.constant 0 : i32
    %dma_wait3A_1639 = tpu.memref_slice %arg6[%dma_wait3A_1628, %dma_wait3A_1637, %dma_wait3A_1638] : memref<3x16x1536xf32, #tpu.memory_space<vmem>> -> memref<1x16x1536xf32, #tpu.memory_space<vmem>>
    %dma_wait3A_1640 = tpu.memref_squeeze %dma_wait3A_1639 : memref<1x16x1536xf32, #tpu.memory_space<vmem>> -> memref<16x1536xf32, #tpu.memory_space<vmem>>
    tpu.wait_dma2 semaphore(%arg8 : memref<!tpu.dma_semaphore, #tpu.memory_space<semaphore_mem>>) src(%dma_wait3A_1640 : memref<16x1536xf32, #tpu.memory_space<vmem>>) dst(%dma_wait3A_1636 : memref<16x1536xf32, #tpu.memory_space<hbm>>)
    %dma_start3A_1641 = arith.constant 1 : i32
    %dma_start3A_1642 = arith.constant 0 : i32
    %dma_start3A_1643 = arith.constant 0 : i32
    %dma_start3A_1644 = tpu.memref_slice %arg6[%dma_start3A_1641, %dma_start3A_1642, %dma_start3A_1643] : memref<3x16x1536xf32, #tpu.memory_space<vmem>> -> memref<1x16x1536xf32, #tpu.memory_space<vmem>>
    %dma_start3A_1645 = tpu.memref_squeeze %dma_start3A_1644 : memref<1x16x1536xf32, #tpu.memory_space<vmem>> -> memref<16x1536xf32, #tpu.memory_space<vmem>>
    %dma_start3A_1646 = arith.constant 496 : i32
    %dma_start3A_1647 = tpu.memref_slice %arg5[%dma_start3A_1646] : memref<512xi32, #tpu.memory_space<vmem>> -> memref<16xi32, #tpu.memory_space<vmem>>
    %dma_start3A_1648 = arith.constant 0 : i32
    %dma_start3A_1649 = arith.constant 0 : i32
    %dma_start3A_1650 = tpu.memref_slice %arg2[%dma_start3A_1648, %dma_start3A_1649] : memref<1024x1536xf32, #tpu.memory_space<hbm>> -> memref<1024x1536xf32, #tpu.memory_space<hbm>>
    tpu.enqueue_indirect_dma source(%dma_start3A_1650 : memref<1024x1536xf32, #tpu.memory_space<hbm>>) target(%dma_start3A_1645 : memref<16x1536xf32, #tpu.memory_space<vmem>>) offsets(%dma_start3A_1647 : memref<16xi32, #tpu.memory_space<vmem>>) semaphore(%arg7 : memref<!tpu.dma_semaphore, #tpu.memory_space<semaphore_mem>>)
    %add3A_1651 = arith.constant 464 : i32
    %add3A_1652 = arith.addi %mul3A_2, %add3A_1651 : i32
    %dma_start3A_1653 = arith.constant 2 : i32
    %dma_start3A_1654 = arith.constant 0 : i32
    %dma_start3A_1655 = arith.constant 0 : i32
    %dma_start3A_1656 = tpu.memref_slice %arg6[%dma_start3A_1653, %dma_start3A_1654, %dma_start3A_1655] : memref<3x16x1536xf32, #tpu.memory_space<vmem>> -> memref<1x16x1536xf32, #tpu.memory_space<vmem>>
    %dma_start3A_1657 = tpu.memref_squeeze %dma_start3A_1656 : memref<1x16x1536xf32, #tpu.memory_space<vmem>> -> memref<16x1536xf32, #tpu.memory_space<vmem>>
    %dma_start3A_1658 = arith.constant 0 : i32
    %dma_start3A_1659 = tpu.memref_slice %arg4[%add3A_1652, %dma_start3A_1658] : memref<16384x1536xf32, #tpu.memory_space<hbm>> -> memref<16x1536xf32, #tpu.memory_space<hbm>>
    %dma_start3A_1660 = arith.constant 0 : i32
    %dma_start3A_1661 = tpu.memref_slice %arg4[%add3A_1652, %dma_start3A_1660] : memref<16384x1536xf32, #tpu.memory_space<hbm>> -> memref<16x1536xf32, #tpu.memory_space<hbm>>
    %dma_start3A_1662 = arith.constant 0 : i32
    %dma_start3A_1663 = arith.constant 0 : i32
    %dma_start3A_1664 = tpu.memref_slice %arg6[%dma_start3A_1653, %dma_start3A_1662, %dma_start3A_1663] : memref<3x16x1536xf32, #tpu.memory_space<vmem>> -> memref<1x16x1536xf32, #tpu.memory_space<vmem>>
    %dma_start3A_1665 = tpu.memref_squeeze %dma_start3A_1664 : memref<1x16x1536xf32, #tpu.memory_space<vmem>> -> memref<16x1536xf32, #tpu.memory_space<vmem>>
    tpu.enqueue_dma source(%dma_start3A_1665 : memref<16x1536xf32, #tpu.memory_space<vmem>>) target(%dma_start3A_1661 : memref<16x1536xf32, #tpu.memory_space<hbm>>) target_semaphore(%arg8 : memref<!tpu.dma_semaphore, #tpu.memory_space<semaphore_mem>>)
    %dma_wait3A_1666 = arith.constant 0 : i32
    %dma_wait3A_1667 = arith.constant 0 : i32
    %dma_wait3A_1668 = arith.constant 0 : i32
    %dma_wait3A_1669 = tpu.memref_slice %arg6[%dma_wait3A_1666, %dma_wait3A_1667, %dma_wait3A_1668] : memref<3x16x1536xf32, #tpu.memory_space<vmem>> -> memref<1x16x1536xf32, #tpu.memory_space<vmem>>
    %dma_wait3A_1670 = tpu.memref_squeeze %dma_wait3A_1669 : memref<1x16x1536xf32, #tpu.memory_space<vmem>> -> memref<16x1536xf32, #tpu.memory_space<vmem>>
    %dma_wait3A_1671 = arith.constant 480 : i32
    %dma_wait3A_1672 = tpu.memref_slice %arg5[%dma_wait3A_1671] : memref<512xi32, #tpu.memory_space<vmem>> -> memref<16xi32, #tpu.memory_space<vmem>>
    %dma_wait3A_1673 = arith.constant 0 : i32
    %dma_wait3A_1674 = arith.constant 0 : i32
    %dma_wait3A_1675 = tpu.memref_slice %arg2[%dma_wait3A_1673, %dma_wait3A_1674] : memref<1024x1536xf32, #tpu.memory_space<hbm>> -> memref<1024x1536xf32, #tpu.memory_space<hbm>>
    tpu.wait_indirect_dma semaphore(%arg7 : memref<!tpu.dma_semaphore, #tpu.memory_space<semaphore_mem>>) src(%dma_wait3A_1675 : memref<1024x1536xf32, #tpu.memory_space<hbm>>) dst(%dma_wait3A_1670 : memref<16x1536xf32, #tpu.memory_space<vmem>>)
    %add3A_1676 = arith.constant 464 : i32
    %add3A_1677 = arith.addi %mul3A_2, %add3A_1676 : i32
    %dma_wait3A_1678 = arith.constant 2 : i32
    %dma_wait3A_1679 = arith.constant 0 : i32
    %dma_wait3A_1680 = arith.constant 0 : i32
    %dma_wait3A_1681 = tpu.memref_slice %arg6[%dma_wait3A_1678, %dma_wait3A_1679, %dma_wait3A_1680] : memref<3x16x1536xf32, #tpu.memory_space<vmem>> -> memref<1x16x1536xf32, #tpu.memory_space<vmem>>
    %dma_wait3A_1682 = tpu.memref_squeeze %dma_wait3A_1681 : memref<1x16x1536xf32, #tpu.memory_space<vmem>> -> memref<16x1536xf32, #tpu.memory_space<vmem>>
    %dma_wait3A_1683 = arith.constant 0 : i32
    %dma_wait3A_1684 = tpu.memref_slice %arg4[%add3A_1677, %dma_wait3A_1683] : memref<16384x1536xf32, #tpu.memory_space<hbm>> -> memref<16x1536xf32, #tpu.memory_space<hbm>>
    %dma_wait3A_1685 = arith.constant 0 : i32
    %dma_wait3A_1686 = tpu.memref_slice %arg4[%add3A_1677, %dma_wait3A_1685] : memref<16384x1536xf32, #tpu.memory_space<hbm>> -> memref<16x1536xf32, #tpu.memory_space<hbm>>
    %dma_wait3A_1687 = arith.constant 0 : i32
    %dma_wait3A_1688 = arith.constant 0 : i32
    %dma_wait3A_1689 = tpu.memref_slice %arg6[%dma_wait3A_1678, %dma_wait3A_1687, %dma_wait3A_1688] : memref<3x16x1536xf32, #tpu.memory_space<vmem>> -> memref<1x16x1536xf32, #tpu.memory_space<vmem>>
    %dma_wait3A_1690 = tpu.memref_squeeze %dma_wait3A_1689 : memref<1x16x1536xf32, #tpu.memory_space<vmem>> -> memref<16x1536xf32, #tpu.memory_space<vmem>>
    tpu.wait_dma2 semaphore(%arg8 : memref<!tpu.dma_semaphore, #tpu.memory_space<semaphore_mem>>) src(%dma_wait3A_1690 : memref<16x1536xf32, #tpu.memory_space<vmem>>) dst(%dma_wait3A_1686 : memref<16x1536xf32, #tpu.memory_space<hbm>>)
    %add3A_1691 = arith.constant 480 : i32
    %add3A_1692 = arith.addi %mul3A_2, %add3A_1691 : i32
    %dma_start3A_1693 = arith.constant 0 : i32
    %dma_start3A_1694 = arith.constant 0 : i32
    %dma_start3A_1695 = arith.constant 0 : i32
    %dma_start3A_1696 = tpu.memref_slice %arg6[%dma_start3A_1693, %dma_start3A_1694, %dma_start3A_1695] : memref<3x16x1536xf32, #tpu.memory_space<vmem>> -> memref<1x16x1536xf32, #tpu.memory_space<vmem>>
    %dma_start3A_1697 = tpu.memref_squeeze %dma_start3A_1696 : memref<1x16x1536xf32, #tpu.memory_space<vmem>> -> memref<16x1536xf32, #tpu.memory_space<vmem>>
    %dma_start3A_1698 = arith.constant 0 : i32
    %dma_start3A_1699 = tpu.memref_slice %arg4[%add3A_1692, %dma_start3A_1698] : memref<16384x1536xf32, #tpu.memory_space<hbm>> -> memref<16x1536xf32, #tpu.memory_space<hbm>>
    %dma_start3A_1700 = arith.constant 0 : i32
    %dma_start3A_1701 = tpu.memref_slice %arg4[%add3A_1692, %dma_start3A_1700] : memref<16384x1536xf32, #tpu.memory_space<hbm>> -> memref<16x1536xf32, #tpu.memory_space<hbm>>
    %dma_start3A_1702 = arith.constant 0 : i32
    %dma_start3A_1703 = arith.constant 0 : i32
    %dma_start3A_1704 = tpu.memref_slice %arg6[%dma_start3A_1693, %dma_start3A_1702, %dma_start3A_1703] : memref<3x16x1536xf32, #tpu.memory_space<vmem>> -> memref<1x16x1536xf32, #tpu.memory_space<vmem>>
    %dma_start3A_1705 = tpu.memref_squeeze %dma_start3A_1704 : memref<1x16x1536xf32, #tpu.memory_space<vmem>> -> memref<16x1536xf32, #tpu.memory_space<vmem>>
    tpu.enqueue_dma source(%dma_start3A_1705 : memref<16x1536xf32, #tpu.memory_space<vmem>>) target(%dma_start3A_1701 : memref<16x1536xf32, #tpu.memory_space<hbm>>) target_semaphore(%arg8 : memref<!tpu.dma_semaphore, #tpu.memory_space<semaphore_mem>>)
    %dma_wait3A_1706 = arith.constant 1 : i32
    %dma_wait3A_1707 = arith.constant 0 : i32
    %dma_wait3A_1708 = arith.constant 0 : i32
    %dma_wait3A_1709 = tpu.memref_slice %arg6[%dma_wait3A_1706, %dma_wait3A_1707, %dma_wait3A_1708] : memref<3x16x1536xf32, #tpu.memory_space<vmem>> -> memref<1x16x1536xf32, #tpu.memory_space<vmem>>
    %dma_wait3A_1710 = tpu.memref_squeeze %dma_wait3A_1709 : memref<1x16x1536xf32, #tpu.memory_space<vmem>> -> memref<16x1536xf32, #tpu.memory_space<vmem>>
    %dma_wait3A_1711 = arith.constant 496 : i32
    %dma_wait3A_1712 = tpu.memref_slice %arg5[%dma_wait3A_1711] : memref<512xi32, #tpu.memory_space<vmem>> -> memref<16xi32, #tpu.memory_space<vmem>>
    %dma_wait3A_1713 = arith.constant 0 : i32
    %dma_wait3A_1714 = arith.constant 0 : i32
    %dma_wait3A_1715 = tpu.memref_slice %arg2[%dma_wait3A_1713, %dma_wait3A_1714] : memref<1024x1536xf32, #tpu.memory_space<hbm>> -> memref<1024x1536xf32, #tpu.memory_space<hbm>>
    tpu.wait_indirect_dma semaphore(%arg7 : memref<!tpu.dma_semaphore, #tpu.memory_space<semaphore_mem>>) src(%dma_wait3A_1715 : memref<1024x1536xf32, #tpu.memory_space<hbm>>) dst(%dma_wait3A_1710 : memref<16x1536xf32, #tpu.memory_space<vmem>>)
    %add3A_1716 = arith.constant 480 : i32
    %add3A_1717 = arith.addi %mul3A_2, %add3A_1716 : i32
    %dma_wait3A_1718 = arith.constant 0 : i32
    %dma_wait3A_1719 = arith.constant 0 : i32
    %dma_wait3A_1720 = arith.constant 0 : i32
    %dma_wait3A_1721 = tpu.memref_slice %arg6[%dma_wait3A_1718, %dma_wait3A_1719, %dma_wait3A_1720] : memref<3x16x1536xf32, #tpu.memory_space<vmem>> -> memref<1x16x1536xf32, #tpu.memory_space<vmem>>
    %dma_wait3A_1722 = tpu.memref_squeeze %dma_wait3A_1721 : memref<1x16x1536xf32, #tpu.memory_space<vmem>> -> memref<16x1536xf32, #tpu.memory_space<vmem>>
    %dma_wait3A_1723 = arith.constant 0 : i32
    %dma_wait3A_1724 = tpu.memref_slice %arg4[%add3A_1717, %dma_wait3A_1723] : memref<16384x1536xf32, #tpu.memory_space<hbm>> -> memref<16x1536xf32, #tpu.memory_space<hbm>>
    %dma_wait3A_1725 = arith.constant 0 : i32
    %dma_wait3A_1726 = tpu.memref_slice %arg4[%add3A_1717, %dma_wait3A_1725] : memref<16384x1536xf32, #tpu.memory_space<hbm>> -> memref<16x1536xf32, #tpu.memory_space<hbm>>
    %dma_wait3A_1727 = arith.constant 0 : i32
    %dma_wait3A_1728 = arith.constant 0 : i32
    %dma_wait3A_1729 = tpu.memref_slice %arg6[%dma_wait3A_1718, %dma_wait3A_1727, %dma_wait3A_1728] : memref<3x16x1536xf32, #tpu.memory_space<vmem>> -> memref<1x16x1536xf32, #tpu.memory_space<vmem>>
    %dma_wait3A_1730 = tpu.memref_squeeze %dma_wait3A_1729 : memref<1x16x1536xf32, #tpu.memory_space<vmem>> -> memref<16x1536xf32, #tpu.memory_space<vmem>>
    tpu.wait_dma2 semaphore(%arg8 : memref<!tpu.dma_semaphore, #tpu.memory_space<semaphore_mem>>) src(%dma_wait3A_1730 : memref<16x1536xf32, #tpu.memory_space<vmem>>) dst(%dma_wait3A_1726 : memref<16x1536xf32, #tpu.memory_space<hbm>>)
    %add3A_1731 = arith.constant 496 : i32
    %add3A_1732 = arith.addi %mul3A_2, %add3A_1731 : i32
    %dma_start3A_1733 = arith.constant 1 : i32
    %dma_start3A_1734 = arith.constant 0 : i32
    %dma_start3A_1735 = arith.constant 0 : i32
    %dma_start3A_1736 = tpu.memref_slice %arg6[%dma_start3A_1733, %dma_start3A_1734, %dma_start3A_1735] : memref<3x16x1536xf32, #tpu.memory_space<vmem>> -> memref<1x16x1536xf32, #tpu.memory_space<vmem>>
    %dma_start3A_1737 = tpu.memref_squeeze %dma_start3A_1736 : memref<1x16x1536xf32, #tpu.memory_space<vmem>> -> memref<16x1536xf32, #tpu.memory_space<vmem>>
    %dma_start3A_1738 = arith.constant 0 : i32
    %dma_start3A_1739 = tpu.memref_slice %arg4[%add3A_1732, %dma_start3A_1738] : memref<16384x1536xf32, #tpu.memory_space<hbm>> -> memref<16x1536xf32, #tpu.memory_space<hbm>>
    %dma_start3A_1740 = arith.constant 0 : i32
    %dma_start3A_1741 = tpu.memref_slice %arg4[%add3A_1732, %dma_start3A_1740] : memref<16384x1536xf32, #tpu.memory_space<hbm>> -> memref<16x1536xf32, #tpu.memory_space<hbm>>
    %dma_start3A_1742 = arith.constant 0 : i32
    %dma_start3A_1743 = arith.constant 0 : i32
    %dma_start3A_1744 = tpu.memref_slice %arg6[%dma_start3A_1733, %dma_start3A_1742, %dma_start3A_1743] : memref<3x16x1536xf32, #tpu.memory_space<vmem>> -> memref<1x16x1536xf32, #tpu.memory_space<vmem>>
    %dma_start3A_1745 = tpu.memref_squeeze %dma_start3A_1744 : memref<1x16x1536xf32, #tpu.memory_space<vmem>> -> memref<16x1536xf32, #tpu.memory_space<vmem>>
    tpu.enqueue_dma source(%dma_start3A_1745 : memref<16x1536xf32, #tpu.memory_space<vmem>>) target(%dma_start3A_1741 : memref<16x1536xf32, #tpu.memory_space<hbm>>) target_semaphore(%arg8 : memref<!tpu.dma_semaphore, #tpu.memory_space<semaphore_mem>>)
    %add3A_1746 = arith.constant 496 : i32
    %add3A_1747 = arith.addi %mul3A_2, %add3A_1746 : i32
    %dma_wait3A_1748 = arith.constant 1 : i32
    %dma_wait3A_1749 = arith.constant 0 : i32
    %dma_wait3A_1750 = arith.constant 0 : i32
    %dma_wait3A_1751 = tpu.memref_slice %arg6[%dma_wait3A_1748, %dma_wait3A_1749, %dma_wait3A_1750] : memref<3x16x1536xf32, #tpu.memory_space<vmem>> -> memref<1x16x1536xf32, #tpu.memory_space<vmem>>
    %dma_wait3A_1752 = tpu.memref_squeeze %dma_wait3A_1751 : memref<1x16x1536xf32, #tpu.memory_space<vmem>> -> memref<16x1536xf32, #tpu.memory_space<vmem>>
    %dma_wait3A_1753 = arith.constant 0 : i32
    %dma_wait3A_1754 = tpu.memref_slice %arg4[%add3A_1747, %dma_wait3A_1753] : memref<16384x1536xf32, #tpu.memory_space<hbm>> -> memref<16x1536xf32, #tpu.memory_space<hbm>>
    %dma_wait3A_1755 = arith.constant 0 : i32
    %dma_wait3A_1756 = tpu.memref_slice %arg4[%add3A_1747, %dma_wait3A_1755] : memref<16384x1536xf32, #tpu.memory_space<hbm>> -> memref<16x1536xf32, #tpu.memory_space<hbm>>
    %dma_wait3A_1757 = arith.constant 0 : i32
    %dma_wait3A_1758 = arith.constant 0 : i32
    %dma_wait3A_1759 = tpu.memref_slice %arg6[%dma_wait3A_1748, %dma_wait3A_1757, %dma_wait3A_1758] : memref<3x16x1536xf32, #tpu.memory_space<vmem>> -> memref<1x16x1536xf32, #tpu.memory_space<vmem>>
    %dma_wait3A_1760 = tpu.memref_squeeze %dma_wait3A_1759 : memref<1x16x1536xf32, #tpu.memory_space<vmem>> -> memref<16x1536xf32, #tpu.memory_space<vmem>>
    tpu.wait_dma2 semaphore(%arg8 : memref<!tpu.dma_semaphore, #tpu.memory_space<semaphore_mem>>) src(%dma_wait3A_1760 : memref<16x1536xf32, #tpu.memory_space<vmem>>) dst(%dma_wait3A_1756 : memref<16x1536xf32, #tpu.memory_space<hbm>>)
    return
  }
}

</mosaic_0001>

<sc_bundles>
// kernel: kernel.3.cloned.1.call-start
scs
__scs_entry_jumppad:
0x0: {  	(pc) =	sbr.rel $0x88, $3  }
0x1: {  	(tag) =	ssettag $0x0;
	lr =	simm.s32 $0x1  }
0x2: {  	[smem:$0x3F9F] =	sst lr;
	_ =	strace $0xD0000000  }
0x3: {  	_ = 	snop  }
0x4: {  	_ = 	snop  }
0x5: {  	_ = 	snop  }
0x6: {  	_ = 	snop  }
0x7: {  	_ = 	snop  }
__scs_overlays_trampoline_lowered:
0x8: {  	[smem:$0x3FAE] =	sst s0  }
0x9: {  	[smem:$0x3FAF] =	sst s1  }
0xa: {  	[smem:$0x3FB0] =	sst s2  }
0xb: {  	[smem:$0x3FB1] =	sst s3  }
0xc: {  	[smem:$0x3FB2] =	sst s4  }
0xd: {  	[smem:$0x3FB3] =	sst s5  }
0xe: {  	[smem:$0x3FB4] =	sst s6  }
0xf: {  	[smem:$0x3FB5] =	sst s7  }
0x10: {  	[smem:$0x3FB6] =	sst s8  }
0x11: {  	[smem:$0x3FB7] =	sst s9;
	s0 =	simm.s32 @!p0 $0x0  }
0x12: {  	s1 =	sld [smem:$0x3F9D];
	s0 =	simm.s32 @p0 $0x1  }
0x13: {  	[smem:$0x3FB8] =	sst s0;
	s0 =	simm.s32 @!p1 $0x0  }
0x14: {  	s2 =	sld [smem:$0x3F9C];
	s0 =	simm.s32 @p1 $0x1  }
0x15: {  	[smem:$0x3FB9] =	sst s0;
	s0 =	simm.s32 @!p2 $0x0  }
0x16: {  	s3 =	sld [smem:$0x3FDB];
	s0 =	simm.s32 @p2 $0x1  }
0x17: {  	s4 =	simm.s32 $0x1BF5;
	[smem:$0x3FBB] =	sst s0  }
0x18: {  	s0 =	sld [smem:$0x3F9E];
	_ =	swait.ge [sflag:s4], $0x0  }
0x19: {  	s7 =	sld [smem:$0x3F9F]  }
0x1a: {  	s8 =	sadd.s32 $0xFFFFE003, lr  }
0x1b: {  	s9 =	sadd.s32 $0xFFFFFEF7, lr;
	s5 =	simm.s32 $0xFFFFFFFF;
	p2 =	slt.u32 s8, $0xFFFFF086  }
0x1c: {  	p1 =	slt.u32 s9, $0xF7A;
	s5 =	simm.s32 @!p2 $0x0  }
0x1d: {  	s5 =	simm.s32 @p1 $0x1;
	p0 =	seq.s32 s7, s2  }
0x1e: {  	s7 =	smul.u32 @!p0 $0xF7A, s2;
	p2 =	seq.s32 @!p0 s5, $0x0  }
0x1f: {  	s9 =	smul.u32 $0xF7A, s1;
	s8 =	simm.s32 @!p0 $0x1BF5;
	p2 =	por !p2, p0  }
0x20: {  	[sflag:s8] =	ssyncset.s32 @!p0 $0xFFFFF086;
	s6 =	sadd.s32 @!p0 s3, s7;
	s7 =	simm.s32 @!p0 $0x108  }
0x21: {  	s3 =	sadd.s32 s3, s9;
	s6 =	sadd.s32 @!p0 $0x88, s6;
	s7 =	simm.s32 @p2 $0x1082  }
0x22: {  	[simem:s7], [sflag:s8] =	dma.local @!p0 [hbm:s6], $0xF7A  }
0x23: {  	s9 =	sor.u32 $0xD0000000, s2;
	s6 =	simm.s32 $0x108;
	_ =	swait.ge @!p0 [sflag:s8], $0x0  }
0x24: {  	s3 =	sadd.s32 $0x88, s3;
	s6 =	simm.s32 @!p1 $0x1082;
	[sflag:s4] =	ssyncset.s32 $0xFFFFF086  }
0x25: {  	[simem:s6], [sflag:s4] =	dma.local [hbm:s3], $0xF7A  }
0x26: {  	[smem:$0x3F9F] =	sst s1;
	(tag) =	ssettag s2;
	_ =	strace s9  }
0x27: {  	s1 =	sld [smem:$0x3FAF]  }
0x28: {  	s2 =	sld [smem:$0x3FB0]  }
0x29: {  	s4 =	sld [smem:$0x3FB2]  }
0x2a: {  	p0 =	seq.s32 s5, $0x0;
	s5 =	sld [smem:$0x3FB3]  }
0x2b: {  	s6 =	sld [smem:$0x3FB4]  }
0x2c: {  	s7 =	sld [smem:$0x3FB5]  }
0x2d: {  	s3 =	simm.s32 $0x108;
	s8 =	sld [smem:$0x3FB6]  }
0x2e: {  	s3 =	simm.s32 @!p0 $0x1082;
	s9 =	sld [smem:$0x3FB7]  }
0x2f: {  	lr =	sadd.s32 s0, s3;
	s0 =	sld [smem:$0x3FAE]  }
0x30: {  	s3 =	sld [smem:$0x3FB1]  }
0x31: {  	[smem:$0x3FBA] =	sst s10  }
0x32: {  	s10 =	sld [smem:$0x3FB8];
	_ =	sdelay $0x3  }
0x33: {  	p0 =	seq.s32 s10, $0x1;
	s10 =	sld [smem:$0x3FBA];
	_ =	sdelay $0x3  }
0x34: {  	[smem:$0x3FBA] =	sst s10  }
0x35: {  	s10 =	sld [smem:$0x3FB9];
	_ =	sdelay $0x3  }
0x36: {  	p1 =	seq.s32 s10, $0x1;
	s10 =	sld [smem:$0x3FBA];
	_ =	sdelay $0x3  }
0x37: {  	[smem:$0x3FBA] =	sst s10  }
0x38: {  	s10 =	sld [smem:$0x3FBB]  }
0x39: {  	_ = 	snop;
	(pc) =	sbr.ind lr, $3  }
0x3a: {  	_ = 	snop  }
0x3b: {  	_ = 	snop  }
0x3c: {  	p2 =	seq.s32 s10, $0x1;
	s10 =	sld [smem:$0x3FBA]  }
0x3d: {  	_ =	shalt  }
0x3e: {  	_ =	shalt  }
0x3f: {  	_ =	shalt  }
0x40: {  	_ =	shalt  }
0x41: {  	_ =	shalt  }
0x42: {  	_ =	shalt  }
0x43: {  	_ =	shalt  }
0x44: {  	_ =	shalt  }
0x45: {  	_ =	shalt  }
0x46: {  	_ =	shalt  }
0x47: {  	_ =	shalt  }
0x48: {  	_ =	shalt  }
0x49: {  	_ =	shalt  }
0x4a: {  	_ =	shalt  }
0x4b: {  	_ =	shalt  }
0x4c: {  	_ =	shalt  }
0x4d: {  	_ =	shalt  }
0x4e: {  	_ =	shalt  }
0x4f: {  	_ =	shalt  }
0x50: {  	_ =	shalt  }
0x51: {  	_ =	shalt  }
0x52: {  	_ =	shalt  }
0x53: {  	_ =	shalt  }
0x54: {  	_ =	shalt  }
0x55: {  	_ =	shalt  }
0x56: {  	_ =	shalt  }
0x57: {  	_ =	shalt  }
0x58: {  	_ =	shalt  }
0x59: {  	_ =	shalt  }
0x5a: {  	_ =	shalt  }
0x5b: {  	_ =	shalt  }
0x5c: {  	_ =	shalt  }
0x5d: {  	_ =	shalt  }
0x5e: {  	_ =	shalt  }
0x5f: {  	_ =	shalt  }
0x60: {  	_ =	shalt  }
0x61: {  	_ =	shalt  }
0x62: {  	_ =	shalt  }
0x63: {  	_ =	shalt  }
0x64: {  	_ =	shalt  }
0x65: {  	_ =	shalt  }
0x66: {  	_ =	shalt  }
0x67: {  	_ =	shalt  }
0x68: {  	_ =	shalt  }
0x69: {  	_ =	shalt  }
0x6a: {  	_ =	shalt  }
0x6b: {  	_ =	shalt  }
0x6c: {  	_ =	shalt  }
0x6d: {  	_ =	shalt  }
0x6e: {  	_ =	shalt  }
0x6f: {  	_ =	shalt  }
0x70: {  	_ =	shalt  }
0x71: {  	_ =	shalt  }
0x72: {  	_ =	shalt  }
0x73: {  	_ =	shalt  }
0x74: {  	_ =	shalt  }
0x75: {  	_ =	shalt  }
0x76: {  	_ =	shalt  }
0x77: {  	_ =	shalt  }
0x78: {  	_ =	shalt  }
0x79: {  	_ =	shalt  }
0x7a: {  	_ =	shalt  }
0x7b: {  	_ =	shalt  }
0x7c: {  	_ =	shalt  }
0x7d: {  	_ =	shalt  }
0x7e: {  	_ =	shalt  }
0x7f: {  	_ =	shalt  }
0x80: {  	_ =	shalt  }
0x81: {  	_ =	shalt  }
0x82: {  	_ =	shalt  }
0x83: {  	_ =	shalt  }
0x84: {  	_ =	shalt  }
0x85: {  	_ =	shalt  }
0x86: {  	_ =	shalt  }
0x87: {  	_ =	shalt  }
.Lfunc_end0:
.L_simem_size_0:
called_computation_lowered:
.L_overlay_start_0:
0x88: {  	s2 =	sld [smem:$0x3FD9]  }
0x89: {  	s3 =	sld [smem:$0x3FFE];
	_ =	sdelay $0x1  }
0x8a: {  	s1 =	srdreg.scid  }
0x8b: {  	s0 =	sand.u32 $0x1, s1  }
0x8c: {  	s17 =	sshll.u32 s0, $0xA;
	s2 =	sadd.s32 s3, s2  }
0x8d: {  	s2 =	sadd.s32 s2, s17  }
0x8e: {  	[smem:$0x3FC6] =	sst s2  }
0x8f: {  	_ = 	snop  }
0x90: {  	s2 =	sld [smem:$0x3FC8]  }
0x91: {  	s18 =	sld [smem:$0x3FD0];
	(tm) =	ssettm $0x1  }
0x92: {  	s4 =	sld [smem:$0x3FFB];
	_ =	sdelay $0x3  }
0x93: {  	_ =	strace s4  }
0x94: {  	s4 =	sld [smem:$0x3FFC];
	_ =	sdelay $0x3  }
0x95: {  	_ =	strace s4  }
0x96: {  	s4 =	sld [smem:$0x3FFD];
	_ =	sdelay $0x3  }
0x97: {  	_ =	strace s4  }
0x98: {  	_ =	strace $0x8FFFFFFF  }
0x99: {  	s19 =	sld [smem:$0x3FDB];
	_ =	sdelay $0x1  }
0x9a: {  	s5 =	simm.s32 $_scs_section_size  }
0x9b: {  	s6 =	simm.s32 $_size__tile_overlayer_lowered;
	s7 =	simm.s32 $_tile_overlayer_lowered  }
0x9c: {  	s22 =	simm.s32 $0x1BFF;
	s21 =	sshll.u32 s7, $0x1;
	s4 =	sadd.s32 s5, s19  }
0x9d: {  	s8 =	simm.s32 $0x0;
	s20 =	sshll.u32 s6, $0x1;
	s6 =	sadd.s32 s21, s4  }
0x9e: {  	[timem:s8], [sflag:s22] =	dma.local [hbm:s6], s20  }
0x9f: {  	_ =	swait.ge [sflag:s22], s20  }
0xa0: {  	s5 =	ssub.s32 $0x0, s20;
	[sflag:s22] =	ssyncset.done $0x0  }
0xa1: {  	[sflag:s22] =	ssyncadd.s32 s5;
	_ =	sdelay $0x1  }
0xa2: {  	s23 =	simm.s32 $0x1B8B  }
0xa3: {  	_ =	swait.ge [sflag:s23], $0x1  }
0xa4: {  	[sflag:s23] =	ssyncset.done $0x0  }
0xa5: {  	s25 =	simm.s32 $0x1B8E;
	s24 =	sld [smem:$0x3FFE];
	[sflag:s23] =	ssyncadd.s32 $0xFFFFFFFF  }
0xa6: {  	s26 =	simm.s32 $execute0_lowered;
	[smem:$0x3FD2] =	sst s25  }
0xa7: {  	s6 =	sshll.u32 s26, $0x1;
	_ =	strace $0x80000046;
	[dreg:$0x1] =	wrdreg $0xFFFFFFFF  }
0xa8: {  	s28 =	simm.s32 $_size_execute0_lowered;
	s4 =	sadd.s32 s4, s6;
	[dreg:$0x0] =	wrdreg $0x0  }
0xa9: {  	s6 =	sshll.u32 s28, $0x1;
	[dreg:$0x2] =	wrdreg s4  }
0xaa: {  	[dreg:$0x3] =	wrdreg s6  }
0xab: {  	[dreg:$0x4] =	wrdreg $0xC0  }
0xac: {  	_ =	task [dreg:s8], $0x5FFFF  }
0xad: {  	[dreg:$0x1] =	wrdreg $0xFFFFFFFF  }
0xae: {  	[dreg:$0x0] =	wrdreg $0x60  }
0xaf: {  	[dreg:$0x2] =	wrdreg s24  }
0xb0: {  	[dreg:$0x3] =	wrdreg s2  }
0xb1: {  	[dreg:$0x4] =	wrdreg s18  }
0xb2: {  	[dreg:$0x5] =	wrdreg $0x9  }
0xb3: {  	_ =	task.clear_ibuf [dreg:s8], $0x6FFFF;
	_ =	strace $0x90000046  }
0xb4: {  	s29 =	simm.s32 $0x9;
	_ =	strace $0x80000048  }
0xb5: {  	_ =	swait.ge [sflag:s29], $0x1  }
0xb6: {  	[sflag:s29] =	ssyncadd.s32 $0xFFFFFFFF  }
0xb7: {  	_ =	strace $0x90000048  }
0xb8: {  	_ =	sfence  }
0xb9: {  	s30 =	sld [smem:$0x0];
	_ =	sdelay $0x2  }
0xba: {  	s31 =	sshll.u32 s1, $0xD;
	s1 =	sshrl.u32 s1, $0x2  }
0xbb: {  	s3 =	sand.u32 $0x4000, s31;
	s1 =	sadd.s32 s1, s30  }
0xbc: {  	s0 =	sor.u32 s3, s0;
	s1 =	sshll.u32 s1, $0x11  }
0xbd: {  	s0 =	sor.u32 s1, s0  }
0xbe: {  	s0 =	sadd.s32 $0x8F2B, s0  }
0xbf: {  	[sflag:s0] =	ssyncadd.remote.s32 $0x1  }
0xc0: {  	_ =	sfence.sel $0xFFFF  }
0xc1: {  	[dreg:$0x0] =	wrdreg $0xFFFFFFFF;
	(pc) =	sbr.abs _section_cstart, $3  }
0xc2: {  	[dreg:$0x1] =	wrdreg $0xFFFFFFFF  }
0xc3: {  	_ =	task.clear_ibuf [dreg:s8], $0x2FFFF;
	_ =	strace $0x9FFFFFFF  }
0xc4: {  	(tm) =	ssettm $0x7FFFFFFF  }
0xc5: {  	_ =	shalt  }
tec
execute0_lowered:
.L_overlay_start_1:
0x0: {  	(tag) =	ssettag $0x1  }
0x1: {  	s0 =	rddreg [dreg:$0x0]  }
0x2: {  	s1 =	srdreg.scid;
	s2 =	stileid.u32  }
0x3: {  	s3 =	rddreg [dreg:$0x1];
	s5 =	sand.u32 $0x1, s1;
	s19 =	sshll.u32 s2, $0x1  }
0x4: {  	s4 =	rddreg [dreg:$0x2];
	s1 =	sor.u32 s5, s19  }
0x5: {  	s2 =	simm.s32 $0x0;
	s6 =	smul.u32 $0x18000, s1;
	s7 =	sshll.u32 s1, $0x6  }
0x6: {  	[smem:$0x7FF] =	sst s2;
	s3 =	sadd.s32 s3, s7  }
0x7: {  	_ =	strace $0x80000047;
	s20 =	sadd.s32 s4, s6;
	[dreg:$0x4] =	wrdreg s3  }
0x8: {  	s21 =	sadd.s32 $0xC00, s20;
	[smem:$0x7F9] =	sst s20  }
0x9: {  	s22 =	sadd.s32 $0x1800, s20;
	[dreg:$0x5] =	wrdreg s21  }
0xa: {  	s23 =	sadd.s32 $0x2400, s20;
	[dreg:$0x6] =	wrdreg s22  }
0xb: {  	s24 =	sadd.s32 $0x3000, s20;
	[dreg:$0x7] =	wrdreg s23  }
0xc: {  	s25 =	sadd.s32 $0x3C00, s20;
	[dreg:$0x8] =	wrdreg s24  }
0xd: {  	s26 =	sadd.s32 $0x4800, s20;
	[dreg:$0x9] =	wrdreg s25  }
0xe: {  	s29 =	smul.u32 $0xC0000, s1;
	s28 =	sadd.s32 $0x5400, s20;
	[dreg:$0xa] =	wrdreg s26  }
0xf: {  	s30 =	sadd.s32 $0x6000, s20;
	[dreg:$0xb] =	wrdreg s28  }
0x10: {  	s6 =	sshrl.u32 s29, $0x3;
	s31 =	sadd.s32 $0x6C00, s20;
	[dreg:$0xc] =	wrdreg s30  }
0x11: {  	s7 =	sadd.s32 $0x7800, s20;
	s9 =	sadd.s32 s4, s6;
	[dreg:$0xd] =	wrdreg s31  }
0x12: {  	[dreg:$0xe] =	wrdreg s7;
	s8 =	sadd.s32 $0x8400, s9  }
0x13: {  	s10 =	sadd.s32 $0x9000, s9;
	[dreg:$0xf] =	wrdreg s8  }
0x14: {  	s11 =	sadd.s32 $0x9C00, s9;
	[dreg:$0x10] =	wrdreg s10  }
0x15: {  	s12 =	sadd.s32 $0xA800, s9;
	[dreg:$0x11] =	wrdreg s11  }
0x16: {  	s13 =	sadd.s32 $0xB400, s9;
	[dreg:$0x12] =	wrdreg s12  }
0x17: {  	s14 =	sadd.s32 $0xC000, s9;
	[dreg:$0x13] =	wrdreg s13  }
0x18: {  	s15 =	sadd.s32 $0xCC00, s9;
	[dreg:$0x14] =	wrdreg s14  }
0x19: {  	s16 =	sadd.s32 $0xD800, s9;
	[dreg:$0x15] =	wrdreg s15  }
0x1a: {  	s17 =	sadd.s32 $0xE400, s9;
	[dreg:$0x16] =	wrdreg s16  }
0x1b: {  	s18 =	sadd.s32 $0xF000, s9;
	[dreg:$0x17] =	wrdreg s17  }
0x1c: {  	s19 =	sadd.s32 $0xFC00, s9;
	[dreg:$0x18] =	wrdreg s18  }
0x1d: {  	s5 =	ssub.s32 $0x2, s5;
	s20 =	sadd.s32 $0x10800, s9;
	[dreg:$0x19] =	wrdreg s19  }
0x1e: {  	s4 =	sadd.s32 $0x400, s0;
	s21 =	sadd.s32 $0x11400, s9;
	[dreg:$0x1a] =	wrdreg s20  }
0x1f: {  	s6 =	sadd.s32 $0x600, s0;
	s22 =	sadd.s32 $0x12000, s9;
	[dreg:$0x1b] =	wrdreg s21  }
0x20: {  	s23 =	sshrl.u32 s5, $0x1;
	s24 =	sadd.s32 $0x12C00, s9;
	[dreg:$0x1c] =	wrdreg s22  }
0x21: {  	s25 =	sadd.s32 $0x13800, s9;
	s26 =	sadd.s32 $0x14400, s9;
	[dreg:$0x1d] =	wrdreg s24  }
0x22: {  	s28 =	sadd.s32 $0x15000, s9;
	s29 =	sadd.s32 $0x15C00, s9;
	[dreg:$0x1e] =	wrdreg s25  }
0x23: {  	s7 =	sadd.s32 $0x700, s0;
	s30 =	sadd.s32 $0x16800, s9;
	[dreg:$0x1f] =	wrdreg s26  }
0x24: {  	s31 =	sadd.s32 $0x17400, s9;
	s9 =	sadd.s32 $0x900, s0;
	[smem:$0x7FA] =	sst s28  }
0x25: {  	s10 =	ssub.s32 s5, s23;
	s16 =	sshll.u32 s1, $0x5;
	[smem:$0x7FB] =	sst s29  }
0x26: {  	v3 =	vlaneseq.u32;
	s5 =	sadd.s32 $0x500, s0;
	s8 =	sadd.s32 $0x800, s0;
	[smem:$0x7FC] =	sst s30  }
0x27: {  	vm0 =	vmmov $0xffff;
	v1 =	vand.u32 $0x7, v3;
	v2 =	vshrl.u32 v3, $0x3;
	[smem:$0x7FD] =	sst s31;
	s14 =	simm.s32 $0x1;
	s24 =	simm.s32 $0x200  }
0x28: {  	v3 =	vor.u32 $0x8, v3;
	v2 =	vmul.u32 $0x8, v2;
	s12 =	simm.s32 $0x6200;
	s0 =	smax.u32 s10, $0x1;
	v0 =	vmov s16;
	s16 =	simm.s32 $0x2  }
.LBB2_1:
0x29: {  	[smem:$0x7F8] =	sst s0  }
0x2a: {  	s17 =	rddreg [dreg:$0x4];
	s22 =	simm.s32 $0x3  }
0x2b: {  	[tilespmem:s2], [sflag:$0x3] =	stream.linear.gather [hbm4b:s17+s2], $0x200, $0x38;
	[tilespmem:$0x12200] =	vst v63  }
0x2c: {  	_ =	swait.ge [sflag:s22], $0x200  }
0x2d: {  	[sflag:s22] =	ssyncset.done $0x0  }
0x2e: {  	[sflag:s22] =	ssyncadd.s32 $0xFFFFFE00  }
0x2f: {  	v4 =	vld [tilespmem:$0x0]  }
0x30: {  	v5 =	vld [tilespmem:$0x10]  }
0x31: {  	v6 =	vld [tilespmem:$0x20]  }
0x32: {  	v7 =	vld [tilespmem:$0x30]  }
0x33: {  	v8 =	vld [tilespmem:$0x40]  }
0x34: {  	v10 =	vld [tilespmem:$0x50];
	v9 =	vadd.s32 v0, v4  }
0x35: {  	v11 =	vld [tilespmem:$0x60];
	v5 =	vadd.s32 v0, v5;
	[tilespmem:$0x0] =	vst v9  }
0x36: {  	v37 =	vld [tilespmem:$0x70];
	[tilespmem:$0x10] =	vst v5;
	v5 =	vadd.s32 v0, v6  }
0x37: {  	v38 =	vld [tilespmem:$0x80];
	[tilespmem:$0x20] =	vst v5;
	v5 =	vadd.s32 v0, v7  }
0x38: {  	v39 =	vld [tilespmem:$0x90];
	[tilespmem:$0x30] =	vst v5;
	v5 =	vadd.s32 v0, v8  }
0x39: {  	v40 =	vld [tilespmem:$0xA0];
	[tilespmem:$0x40] =	vst v5;
	v5 =	vadd.s32 v0, v10  }
0x3a: {  	v41 =	vld [tilespmem:$0xB0];
	[tilespmem:$0x50] =	vst v5;
	v5 =	vadd.s32 v0, v11  }
0x3b: {  	v42 =	vld [tilespmem:$0xC0];
	[tilespmem:$0x60] =	vst v5;
	v5 =	vadd.s32 v0, v37  }
0x3c: {  	v43 =	vld [tilespmem:$0xD0];
	[tilespmem:$0x70] =	vst v5;
	v5 =	vadd.s32 v0, v38  }
0x3d: {  	v44 =	vld [tilespmem:$0xE0];
	[tilespmem:$0x80] =	vst v5;
	v5 =	vadd.s32 v0, v39  }
0x3e: {  	v45 =	vld [tilespmem:$0xF0];
	[tilespmem:$0x90] =	vst v5;
	v5 =	vadd.s32 v0, v40  }
0x3f: {  	v46 =	vld [tilespmem:$0x100];
	[tilespmem:$0xA0] =	vst v5;
	v5 =	vadd.s32 v0, v41  }
0x40: {  	v47 =	vld [tilespmem:$0x110];
	[tilespmem:$0xB0] =	vst v5;
	v5 =	vadd.s32 v0, v42  }
0x41: {  	v48 =	vld [tilespmem:$0x120];
	[tilespmem:$0xC0] =	vst v5;
	v5 =	vadd.s32 v0, v43  }
0x42: {  	v49 =	vld [tilespmem:$0x130];
	[tilespmem:$0xD0] =	vst v5;
	v5 =	vadd.s32 v0, v44  }
0x43: {  	v50 =	vld [tilespmem:$0x140];
	[tilespmem:$0xE0] =	vst v5;
	v5 =	vadd.s32 v0, v45  }
0x44: {  	v51 =	vld [tilespmem:$0x150];
	[tilespmem:$0xF0] =	vst v5;
	v5 =	vadd.s32 v0, v46  }
0x45: {  	v52 =	vld [tilespmem:$0x160];
	[tilespmem:$0x100] =	vst v5;
	v5 =	vadd.s32 v0, v47  }
0x46: {  	v53 =	vld [tilespmem:$0x170];
	[tilespmem:$0x110] =	vst v5;
	v5 =	vadd.s32 v0, v48  }
0x47: {  	v54 =	vld [tilespmem:$0x180];
	[tilespmem:$0x120] =	vst v5;
	v5 =	vadd.s32 v0, v49  }
0x48: {  	v55 =	vld [tilespmem:$0x190];
	[tilespmem:$0x130] =	vst v5;
	v5 =	vadd.s32 v0, v50  }
0x49: {  	v56 =	vld [tilespmem:$0x1A0];
	[tilespmem:$0x140] =	vst v5;
	v5 =	vadd.s32 v0, v51  }
0x4a: {  	v57 =	vld [tilespmem:$0x1B0];
	v9 =	vshrl.u32 v9, $0x3;
	[tilespmem:$0x150] =	vst v5;
	v5 =	vadd.s32 v0, v52  }
0x4b: {  	v58 =	vld [tilespmem:$0x1C0];
	v9 =	vmul.u32 $0x60, v9;
	[tilespmem:$0x160] =	vst v5;
	v5 =	vadd.s32 v0, v53  }
0x4c: {  	v59 =	vld [tilespmem:$0x1D0];
	v4 =	vand.u32 $0x7, v4;
	[tilespmem:$0x170] =	vst v5;
	v5 =	vadd.s32 v0, v54  }
0x4d: {  	v60 =	vld [tilespmem:$0x1E0];
	v4 =	vor.u32 v4, v9;
	[tilespmem:$0x180] =	vst v5;
	v5 =	vadd.s32 v0, v55  }
0x4e: {  	v61 =	vld [tilespmem:$0x1F0];
	v62 =	vperm.xlane v4, v1;
	[tilespmem:$0x190] =	vst v5;
	v5 =	vadd.s32 v0, v56  }
0x4f: {  	[tilespmem:$0x1A0] =	vst v5;
	v5 =	vadd.s32 v0, v57  }
0x50: {  	v63 =	vadd.s32 v2, v62;
	[tilespmem:$0x1B0] =	vst v5;
	v5 =	vadd.s32 v0, v58  }
0x51: {  	[tilespmem:$0x1C0] =	vst v5;
	v5 =	vadd.s32 v0, v59  }
0x52: {  	[tilespmem:$0x1D0] =	vst v5;
	v5 =	vadd.s32 v0, v60  }
0x53: {  	[tilespmem:$0x1E0] =	vst v5;
	v5 =	vadd.s32 v0, v61  }
0x54: {  	[tilespmem:$0x1F0] =	vst v5  }
0x55: {  	[tilespmem:s24], [sflag:$0x1] =	stream.indirect_vreg.gather [hbm4b:s4+s2], $0x80, v63, vm0, $0xb8;
	[tilespmem:$0x12200] =	vst v63  }
0x56: {  	s23 =	simm.s32 $0xA00  }
0x57: {  	[tilespmem:s23], [sflag:$0x1] =	stream.indirect_vreg.gather [hbm4b:s5+s2], $0x80, v63, vm0, $0xb8;
	[tilespmem:$0x12200] =	vst v63  }
0x58: {  	s25 =	simm.s32 $0x1200  }
0x59: {  	[tilespmem:s25], [sflag:$0x1] =	stream.indirect_vreg.gather [hbm4b:s6+s2], $0x80, v63, vm0, $0xb8;
	[tilespmem:$0x12200] =	vst v63  }
0x5a: {  	s28 =	simm.s32 $0x1A00;
	v4 =	vperm.xlane v4, v3  }
0x5b: {  	[tilespmem:s28], [sflag:$0x1] =	stream.indirect_vreg.gather [hbm4b:s7+s2], $0x80, v63, vm0, $0xb8;
	[tilespmem:$0x12200] =	vst v63  }
0x5c: {  	s29 =	simm.s32 $0x2200;
	v4 =	vadd.s32 v2, v4  }
0x5d: {  	[tilespmem:s29], [sflag:$0x1] =	stream.indirect_vreg.gather [hbm4b:s8+s2], $0x80, v63, vm0, $0xb8;
	[tilespmem:$0x12200] =	vst v63  }
0x5e: {  	s30 =	simm.s32 $0x2A00  }
0x5f: {  	[tilespmem:s30], [sflag:$0x1] =	stream.indirect_vreg.gather [hbm4b:s9+s2], $0x80, v63, vm0, $0xb8;
	[tilespmem:$0x12200] =	vst v63  }
0x60: {  	s31 =	simm.s32 $0x3200  }
0x61: {  	[tilespmem:s31], [sflag:$0x1] =	stream.indirect_vreg.gather [hbm4b:s4+s2], $0x80, v4, vm0, $0xb8;
	[tilespmem:$0x12200] =	vst v63  }
0x62: {  	s10 =	simm.s32 $0x3A00  }
0x63: {  	[tilespmem:s10], [sflag:$0x1] =	stream.indirect_vreg.gather [hbm4b:s5+s2], $0x80, v4, vm0, $0xb8;
	[tilespmem:$0x12200] =	vst v63  }
0x64: {  	s11 =	simm.s32 $0x4200  }
0x65: {  	[tilespmem:s11], [sflag:$0x1] =	stream.indirect_vreg.gather [hbm4b:s6+s2], $0x80, v4, vm0, $0xb8;
	[tilespmem:$0x12200] =	vst v63  }
0x66: {  	s13 =	simm.s32 $0x4A00  }
0x67: {  	[tilespmem:s13], [sflag:$0x1] =	stream.indirect_vreg.gather [hbm4b:s7+s2], $0x80, v4, vm0, $0xb8;
	[tilespmem:$0x12200] =	vst v63  }
0x68: {  	s15 =	simm.s32 $0x5200  }
0x69: {  	[tilespmem:s15], [sflag:$0x1] =	stream.indirect_vreg.gather [hbm4b:s8+s2], $0x80, v4, vm0, $0xb8;
	[tilespmem:$0x12200] =	vst v63  }
0x6a: {  	s17 =	simm.s32 $0x5A00  }
0x6b: {  	[tilespmem:s17], [sflag:$0x1] =	stream.indirect_vreg.gather [hbm4b:s9+s2], $0x80, v4, vm0, $0xb8;
	[tilespmem:$0x12200] =	vst v63  }
0x6c: {  	v4 =	vld [tilespmem:$0x10];
	_ =	sdelay $0x4  }
0x6d: {  	v5 =	vshrl.u32 v4, $0x3  }
0x6e: {  	v5 =	vmul.u32 $0x60, v5  }
0x6f: {  	v4 =	vand.u32 $0x7, v4  }
0x70: {  	v4 =	vor.u32 v4, v5  }
0x71: {  	v5 =	vperm.xlane v4, v1;
	_ =	sdelay $0x1  }
0x72: {  	v5 =	vadd.s32 v2, v5;
	_ =	sdelay $0x4  }
0x73: {  	[tilespmem:s12], [sflag:$0x1] =	stream.indirect_vreg.gather [hbm4b:s4+s2], $0x80, v5, vm0, $0xb8;
	[tilespmem:$0x12200] =	vst v63  }
0x74: {  	s18 =	simm.s32 $0x6A00  }
0x75: {  	[tilespmem:s18], [sflag:$0x1] =	stream.indirect_vreg.gather [hbm4b:s5+s2], $0x80, v5, vm0, $0xb8;
	[tilespmem:$0x12200] =	vst v63  }
0x76: {  	s19 =	simm.s32 $0x7200  }
0x77: {  	[tilespmem:s19], [sflag:$0x1] =	stream.indirect_vreg.gather [hbm4b:s6+s2], $0x80, v5, vm0, $0xb8;
	[tilespmem:$0x12200] =	vst v63  }
0x78: {  	s20 =	simm.s32 $0x7A00;
	v4 =	vperm.xlane v4, v3  }
0x79: {  	[tilespmem:s20], [sflag:$0x1] =	stream.indirect_vreg.gather [hbm4b:s7+s2], $0x80, v5, vm0, $0xb8;
	[tilespmem:$0x12200] =	vst v63  }
0x7a: {  	s21 =	simm.s32 $0x8200;
	v4 =	vadd.s32 v2, v4  }
0x7b: {  	[tilespmem:s21], [sflag:$0x1] =	stream.indirect_vreg.gather [hbm4b:s8+s2], $0x80, v5, vm0, $0xb8;
	[tilespmem:$0x12200] =	vst v63  }
0x7c: {  	s22 =	simm.s32 $0x8A00  }
0x7d: {  	[tilespmem:s22], [sflag:$0x1] =	stream.indirect_vreg.gather [hbm4b:s9+s2], $0x80, v5, vm0, $0xb8;
	[tilespmem:$0x12200] =	vst v63  }
0x7e: {  	s10 =	simm.s32 $0x9200  }
0x7f: {  	[tilespmem:s10], [sflag:$0x1] =	stream.indirect_vreg.gather [hbm4b:s4+s2], $0x80, v4, vm0, $0xb8;
	[tilespmem:$0x12200] =	vst v63  }
0x80: {  	s11 =	simm.s32 $0x9A00  }
0x81: {  	[tilespmem:s11], [sflag:$0x1] =	stream.indirect_vreg.gather [hbm4b:s5+s2], $0x80, v4, vm0, $0xb8;
	[tilespmem:$0x12200] =	vst v63  }
0x82: {  	s13 =	simm.s32 $0xA200  }
0x83: {  	[tilespmem:s13], [sflag:$0x1] =	stream.indirect_vreg.gather [hbm4b:s6+s2], $0x80, v4, vm0, $0xb8;
	[tilespmem:$0x12200] =	vst v63  }
0x84: {  	s17 =	simm.s32 $0xAA00  }
0x85: {  	[tilespmem:s17], [sflag:$0x1] =	stream.indirect_vreg.gather [hbm4b:s7+s2], $0x80, v4, vm0, $0xb8;
	[tilespmem:$0x12200] =	vst v63  }
0x86: {  	s18 =	simm.s32 $0xB200  }
0x87: {  	[tilespmem:s18], [sflag:$0x1] =	stream.indirect_vreg.gather [hbm4b:s8+s2], $0x80, v4, vm0, $0xb8;
	[tilespmem:$0x12200] =	vst v63  }
0x88: {  	s19 =	simm.s32 $0xBA00  }
0x89: {  	[tilespmem:s19], [sflag:$0x1] =	stream.indirect_vreg.gather [hbm4b:s9+s2], $0x80, v4, vm0, $0xb8;
	[tilespmem:$0x12200] =	vst v63  }
0x8a: {  	_ =	swait.ge [sflag:s14], $0x6000  }
0x8b: {  	[sflag:s14] =	ssyncset.done $0x0  }
0x8c: {  	[sflag:s14] =	ssyncadd.s32 $0xFFFFA000  }
0x8d: {  	v4 =	vld [tilespmem:$0x20];
	_ =	sdelay $0x4  }
0x8e: {  	v5 =	vshrl.u32 v4, $0x3  }
0x8f: {  	v5 =	vmul.u32 $0x60, v5  }
0x90: {  	v4 =	vand.u32 $0x7, v4  }
0x91: {  	v4 =	vor.u32 v4, v5  }
0x92: {  	v5 =	vperm.xlane v4, v1;
	_ =	sdelay $0x1  }
0x93: {  	v5 =	vadd.s32 v2, v5;
	_ =	sdelay $0x3  }
0x94: {  	s10 =	simm.s32 $0xC200  }
0x95: {  	[tilespmem:s10], [sflag:$0x1] =	stream.indirect_vreg.gather [hbm4b:s4+s2], $0x80, v5, vm0, $0xb8;
	[tilespmem:$0x12200] =	vst v63  }
0x96: {  	s20 =	simm.s32 $0xCA00  }
0x97: {  	[tilespmem:s20], [sflag:$0x1] =	stream.indirect_vreg.gather [hbm4b:s5+s2], $0x80, v5, vm0, $0xb8;
	[tilespmem:$0x12200] =	vst v63  }
0x98: {  	s21 =	simm.s32 $0xD200  }
0x99: {  	[tilespmem:s21], [sflag:$0x1] =	stream.indirect_vreg.gather [hbm4b:s6+s2], $0x80, v5, vm0, $0xb8;
	[tilespmem:$0x12200] =	vst v63  }
0x9a: {  	s22 =	simm.s32 $0xDA00;
	v4 =	vperm.xlane v4, v3  }
0x9b: {  	[tilespmem:s22], [sflag:$0x1] =	stream.indirect_vreg.gather [hbm4b:s7+s2], $0x80, v5, vm0, $0xb8;
	[tilespmem:$0x12200] =	vst v63  }
0x9c: {  	s17 =	simm.s32 $0xE200;
	v4 =	vadd.s32 v2, v4  }
0x9d: {  	[tilespmem:s17], [sflag:$0x1] =	stream.indirect_vreg.gather [hbm4b:s8+s2], $0x80, v5, vm0, $0xb8;
	[tilespmem:$0x12200] =	vst v63  }
0x9e: {  	s20 =	simm.s32 $0xEA00  }
0x9f: {  	[tilespmem:s20], [sflag:$0x1] =	stream.indirect_vreg.gather [hbm4b:s9+s2], $0x80, v5, vm0, $0xb8;
	[tilespmem:$0x12200] =	vst v63  }
0xa0: {  	s21 =	simm.s32 $0xF200  }
0xa1: {  	[tilespmem:s21], [sflag:$0x1] =	stream.indirect_vreg.gather [hbm4b:s4+s2], $0x80, v4, vm0, $0xb8;
	[tilespmem:$0x12200] =	vst v63  }
0xa2: {  	s22 =	simm.s32 $0xFA00  }
0xa3: {  	[tilespmem:s22], [sflag:$0x1] =	stream.indirect_vreg.gather [hbm4b:s5+s2], $0x80, v4, vm0, $0xb8;
	[tilespmem:$0x12200] =	vst v63  }
0xa4: {  	s17 =	simm.s32 $0x10200  }
0xa5: {  	[tilespmem:s17], [sflag:$0x1] =	stream.indirect_vreg.gather [hbm4b:s6+s2], $0x80, v4, vm0, $0xb8;
	[tilespmem:$0x12200] =	vst v63  }
0xa6: {  	s20 =	simm.s32 $0x10A00  }
0xa7: {  	[tilespmem:s20], [sflag:$0x1] =	stream.indirect_vreg.gather [hbm4b:s7+s2], $0x80, v4, vm0, $0xb8;
	[tilespmem:$0x12200] =	vst v63  }
0xa8: {  	s21 =	simm.s32 $0x11200  }
0xa9: {  	[tilespmem:s21], [sflag:$0x1] =	stream.indirect_vreg.gather [hbm4b:s8+s2], $0x80, v4, vm0, $0xb8;
	[tilespmem:$0x12200] =	vst v63  }
0xaa: {  	s10 =	sld [smem:$0x7F9];
	s22 =	simm.s32 $0x11A00  }
0xab: {  	[tilespmem:s22], [sflag:$0x1] =	stream.indirect_vreg.gather [hbm4b:s9+s2], $0x80, v4, vm0, $0xb8;
	[tilespmem:$0x12200] =	vst v63  }
0xac: {  	_ = 	snop  }
0xad: {  	[hbm4b:s10+s2] =	stream.linear.scatter [tilespmem:s24], [sflag:$0x2], $0x6000, $0x38;
	[tilespmem:$0x12200] =	vst v63  }
0xae: {  	_ =	swait.ge [sflag:s14], $0x6000  }
0xaf: {  	[sflag:s14] =	ssyncset.done $0x0  }
0xb0: {  	[sflag:s14] =	ssyncadd.s32 $0xFFFFA000  }
0xb1: {  	_ =	swait.ge [sflag:s16], $0x6000  }
0xb2: {  	[sflag:s16] =	ssyncset.done $0x0  }
0xb3: {  	[sflag:s16] =	ssyncadd.s32 $0xFFFFA000  }
0xb4: {  	v4 =	vld [tilespmem:$0x30];
	_ =	sdelay $0x4  }
0xb5: {  	v5 =	vshrl.u32 v4, $0x3  }
0xb6: {  	v5 =	vmul.u32 $0x60, v5  }
0xb7: {  	v4 =	vand.u32 $0x7, v4  }
0xb8: {  	v4 =	vor.u32 v4, v5  }
0xb9: {  	v5 =	vperm.xlane v4, v1;
	_ =	sdelay $0x1  }
0xba: {  	v5 =	vadd.s32 v2, v5;
	_ =	sdelay $0x4  }
0xbb: {  	[tilespmem:s24], [sflag:$0x1] =	stream.indirect_vreg.gather [hbm4b:s4+s2], $0x80, v5, vm0, $0xb8;
	[tilespmem:$0x12200] =	vst v63  }
0xbc: {  	s26 =	simm.s32 $0xA00  }
0xbd: {  	[tilespmem:s26], [sflag:$0x1] =	stream.indirect_vreg.gather [hbm4b:s5+s2], $0x80, v5, vm0, $0xb8;
	[tilespmem:$0x12200] =	vst v63  }
0xbe: {  	s1 =	simm.s32 $0x1200  }
0xbf: {  	[tilespmem:s1], [sflag:$0x1] =	stream.indirect_vreg.gather [hbm4b:s6+s2], $0x80, v5, vm0, $0xb8;
	[tilespmem:$0x12200] =	vst v63  }
0xc0: {  	s3 =	simm.s32 $0x1A00;
	v4 =	vperm.xlane v4, v3  }
0xc1: {  	[tilespmem:s3], [sflag:$0x1] =	stream.indirect_vreg.gather [hbm4b:s7+s2], $0x80, v5, vm0, $0xb8;
	[tilespmem:$0x12200] =	vst v63  }
0xc2: {  	s28 =	simm.s32 $0x2200;
	v4 =	vadd.s32 v2, v4  }
0xc3: {  	[tilespmem:s28], [sflag:$0x1] =	stream.indirect_vreg.gather [hbm4b:s8+s2], $0x80, v5, vm0, $0xb8;
	[tilespmem:$0x12200] =	vst v63  }
0xc4: {  	s29 =	simm.s32 $0x2A00  }
0xc5: {  	[tilespmem:s29], [sflag:$0x1] =	stream.indirect_vreg.gather [hbm4b:s9+s2], $0x80, v5, vm0, $0xb8;
	[tilespmem:$0x12200] =	vst v63  }
0xc6: {  	s30 =	simm.s32 $0x3200  }
0xc7: {  	[tilespmem:s30], [sflag:$0x1] =	stream.indirect_vreg.gather [hbm4b:s4+s2], $0x80, v4, vm0, $0xb8;
	[tilespmem:$0x12200] =	vst v63  }
0xc8: {  	s31 =	simm.s32 $0x3A00  }
0xc9: {  	[tilespmem:s31], [sflag:$0x1] =	stream.indirect_vreg.gather [hbm4b:s5+s2], $0x80, v4, vm0, $0xb8;
	[tilespmem:$0x12200] =	vst v63  }
0xca: {  	s1 =	simm.s32 $0x4200  }
0xcb: {  	[tilespmem:s1], [sflag:$0x1] =	stream.indirect_vreg.gather [hbm4b:s6+s2], $0x80, v4, vm0, $0xb8;
	[tilespmem:$0x12200] =	vst v63  }
0xcc: {  	s3 =	simm.s32 $0x4A00  }
0xcd: {  	[tilespmem:s3], [sflag:$0x1] =	stream.indirect_vreg.gather [hbm4b:s7+s2], $0x80, v4, vm0, $0xb8;
	[tilespmem:$0x12200] =	vst v63  }
0xce: {  	s10 =	simm.s32 $0x5200  }
0xcf: {  	[tilespmem:s10], [sflag:$0x1] =	stream.indirect_vreg.gather [hbm4b:s8+s2], $0x80, v4, vm0, $0xb8;
	[tilespmem:$0x12200] =	vst v63  }
0xd0: {  	s15 =	simm.s32 $0x5A00  }
0xd1: {  	[tilespmem:s15], [sflag:$0x1] =	stream.indirect_vreg.gather [hbm4b:s9+s2], $0x80, v4, vm0, $0xb8;
	[tilespmem:$0x12200] =	vst v63  }
0xd2: {  	s20 =	rddreg [dreg:$0x5]  }
0xd3: {  	[hbm4b:s20+s2] =	stream.linear.scatter [tilespmem:s12], [sflag:$0x2], $0x6000, $0x38;
	[tilespmem:$0x12200] =	vst v63  }
0xd4: {  	_ =	swait.ge [sflag:s14], $0x6000  }
0xd5: {  	[sflag:s14] =	ssyncset.done $0x0  }
0xd6: {  	[sflag:s14] =	ssyncadd.s32 $0xFFFFA000  }
0xd7: {  	_ =	swait.ge [sflag:s16], $0x6000  }
0xd8: {  	[sflag:s16] =	ssyncset.done $0x0  }
0xd9: {  	[sflag:s16] =	ssyncadd.s32 $0xFFFFA000  }
0xda: {  	v4 =	vld [tilespmem:$0x40];
	_ =	sdelay $0x4  }
0xdb: {  	v5 =	vshrl.u32 v4, $0x3  }
0xdc: {  	v5 =	vmul.u32 $0x60, v5  }
0xdd: {  	v4 =	vand.u32 $0x7, v4  }
0xde: {  	v4 =	vor.u32 v4, v5  }
0xdf: {  	v5 =	vperm.xlane v4, v1;
	_ =	sdelay $0x1  }
0xe0: {  	v5 =	vadd.s32 v2, v5;
	_ =	sdelay $0x4  }
0xe1: {  	[tilespmem:s12], [sflag:$0x1] =	stream.indirect_vreg.gather [hbm4b:s4+s2], $0x80, v5, vm0, $0xb8;
	[tilespmem:$0x12200] =	vst v63  }
0xe2: {  	s15 =	simm.s32 $0x6A00  }
0xe3: {  	[tilespmem:s15], [sflag:$0x1] =	stream.indirect_vreg.gather [hbm4b:s5+s2], $0x80, v5, vm0, $0xb8;
	[tilespmem:$0x12200] =	vst v63  }
0xe4: {  	s23 =	simm.s32 $0x7200  }
0xe5: {  	[tilespmem:s23], [sflag:$0x1] =	stream.indirect_vreg.gather [hbm4b:s6+s2], $0x80, v5, vm0, $0xb8;
	[tilespmem:$0x12200] =	vst v63  }
0xe6: {  	s25 =	simm.s32 $0x7A00;
	v4 =	vperm.xlane v4, v3  }
0xe7: {  	[tilespmem:s25], [sflag:$0x1] =	stream.indirect_vreg.gather [hbm4b:s7+s2], $0x80, v5, vm0, $0xb8;
	[tilespmem:$0x12200] =	vst v63  }
0xe8: {  	v4 =	vadd.s32 v2, v4;
	s23 =	simm.s32 $0x8200  }
0xe9: {  	[tilespmem:s23], [sflag:$0x1] =	stream.indirect_vreg.gather [hbm4b:s8+s2], $0x80, v5, vm0, $0xb8;
	[tilespmem:$0x12200] =	vst v63  }
0xea: {  	s25 =	simm.s32 $0x8A00  }
0xeb: {  	[tilespmem:s25], [sflag:$0x1] =	stream.indirect_vreg.gather [hbm4b:s9+s2], $0x80, v5, vm0, $0xb8;
	[tilespmem:$0x12200] =	vst v63  }
0xec: {  	s26 =	simm.s32 $0x9200  }
0xed: {  	[tilespmem:s26], [sflag:$0x1] =	stream.indirect_vreg.gather [hbm4b:s4+s2], $0x80, v4, vm0, $0xb8;
	[tilespmem:$0x12200] =	vst v63  }
0xee: {  	s28 =	simm.s32 $0x9A00  }
0xef: {  	[tilespmem:s28], [sflag:$0x1] =	stream.indirect_vreg.gather [hbm4b:s5+s2], $0x80, v4, vm0, $0xb8;
	[tilespmem:$0x12200] =	vst v63  }
0xf0: {  	s29 =	simm.s32 $0xA200  }
0xf1: {  	[tilespmem:s29], [sflag:$0x1] =	stream.indirect_vreg.gather [hbm4b:s6+s2], $0x80, v4, vm0, $0xb8;
	[tilespmem:$0x12200] =	vst v63  }
0xf2: {  	s30 =	simm.s32 $0xAA00  }
0xf3: {  	[tilespmem:s30], [sflag:$0x1] =	stream.indirect_vreg.gather [hbm4b:s7+s2], $0x80, v4, vm0, $0xb8;
	[tilespmem:$0x12200] =	vst v63  }
0xf4: {  	s31 =	simm.s32 $0xB200  }
0xf5: {  	[tilespmem:s31], [sflag:$0x1] =	stream.indirect_vreg.gather [hbm4b:s8+s2], $0x80, v4, vm0, $0xb8;
	[tilespmem:$0x12200] =	vst v63  }
0xf6: {  	s0 =	simm.s32 $0xBA00  }
0xf7: {  	[tilespmem:s0], [sflag:$0x1] =	stream.indirect_vreg.gather [hbm4b:s9+s2], $0x80, v4, vm0, $0xb8;
	[tilespmem:$0x12200] =	vst v63  }
0xf8: {  	s19 =	simm.s32 $0xC200;
	s21 =	rddreg [dreg:$0x6]  }
0xf9: {  	[hbm4b:s21+s2] =	stream.linear.scatter [tilespmem:s19], [sflag:$0x2], $0x6000, $0x38;
	[tilespmem:$0x12200] =	vst v63  }
0xfa: {  	_ =	swait.ge [sflag:s14], $0x6000  }
0xfb: {  	[sflag:s14] =	ssyncset.done $0x0  }
0xfc: {  	[sflag:s14] =	ssyncadd.s32 $0xFFFFA000  }
0xfd: {  	_ =	swait.ge [sflag:s16], $0x6000  }
0xfe: {  	[sflag:s16] =	ssyncset.done $0x0  }
0xff: {  	[sflag:s16] =	ssyncadd.s32 $0xFFFFA000  }
0x100: {  	v4 =	vld [tilespmem:$0x50];
	_ =	sdelay $0x4  }
0x101: {  	v5 =	vshrl.u32 v4, $0x3  }
0x102: {  	v5 =	vmul.u32 $0x60, v5  }
0x103: {  	v4 =	vand.u32 $0x7, v4  }
0x104: {  	v4 =	vor.u32 v4, v5  }
0x105: {  	v5 =	vperm.xlane v4, v1;
	_ =	sdelay $0x1  }
0x106: {  	v5 =	vadd.s32 v2, v5;
	_ =	sdelay $0x4  }
0x107: {  	[tilespmem:s19], [sflag:$0x1] =	stream.indirect_vreg.gather [hbm4b:s4+s2], $0x80, v5, vm0, $0xb8;
	[tilespmem:$0x12200] =	vst v63  }
0x108: {  	s11 =	simm.s32 $0xCA00  }
0x109: {  	[tilespmem:s11], [sflag:$0x1] =	stream.indirect_vreg.gather [hbm4b:s5+s2], $0x80, v5, vm0, $0xb8;
	[tilespmem:$0x12200] =	vst v63  }
0x10a: {  	s13 =	simm.s32 $0xD200  }
0x10b: {  	[tilespmem:s13], [sflag:$0x1] =	stream.indirect_vreg.gather [hbm4b:s6+s2], $0x80, v5, vm0, $0xb8;
	[tilespmem:$0x12200] =	vst v63  }
0x10c: {  	s18 =	simm.s32 $0xDA00;
	v4 =	vperm.xlane v4, v3  }
0x10d: {  	[tilespmem:s18], [sflag:$0x1] =	stream.indirect_vreg.gather [hbm4b:s7+s2], $0x80, v5, vm0, $0xb8;
	[tilespmem:$0x12200] =	vst v63  }
0x10e: {  	s0 =	simm.s32 $0xE200;
	v4 =	vadd.s32 v2, v4  }
0x10f: {  	[tilespmem:s0], [sflag:$0x1] =	stream.indirect_vreg.gather [hbm4b:s8+s2], $0x80, v5, vm0, $0xb8;
	[tilespmem:$0x12200] =	vst v63  }
0x110: {  	s11 =	simm.s32 $0xEA00  }
0x111: {  	[tilespmem:s11], [sflag:$0x1] =	stream.indirect_vreg.gather [hbm4b:s9+s2], $0x80, v5, vm0, $0xb8;
	[tilespmem:$0x12200] =	vst v63  }
0x112: {  	s13 =	simm.s32 $0xF200  }
0x113: {  	[tilespmem:s13], [sflag:$0x1] =	stream.indirect_vreg.gather [hbm4b:s4+s2], $0x80, v4, vm0, $0xb8;
	[tilespmem:$0x12200] =	vst v63  }
0x114: {  	s18 =	simm.s32 $0xFA00  }
0x115: {  	[tilespmem:s18], [sflag:$0x1] =	stream.indirect_vreg.gather [hbm4b:s5+s2], $0x80, v4, vm0, $0xb8;
	[tilespmem:$0x12200] =	vst v63  }
0x116: {  	s19 =	simm.s32 $0x10200  }
0x117: {  	[tilespmem:s19], [sflag:$0x1] =	stream.indirect_vreg.gather [hbm4b:s6+s2], $0x80, v4, vm0, $0xb8;
	[tilespmem:$0x12200] =	vst v63  }
0x118: {  	s20 =	simm.s32 $0x10A00  }
0x119: {  	[tilespmem:s20], [sflag:$0x1] =	stream.indirect_vreg.gather [hbm4b:s7+s2], $0x80, v4, vm0, $0xb8;
	[tilespmem:$0x12200] =	vst v63  }
0x11a: {  	s21 =	simm.s32 $0x11200  }
0x11b: {  	[tilespmem:s21], [sflag:$0x1] =	stream.indirect_vreg.gather [hbm4b:s8+s2], $0x80, v4, vm0, $0xb8;
	[tilespmem:$0x12200] =	vst v63  }
0x11c: {  	s22 =	simm.s32 $0x11A00  }
0x11d: {  	[tilespmem:s22], [sflag:$0x1] =	stream.indirect_vreg.gather [hbm4b:s9+s2], $0x80, v4, vm0, $0xb8;
	[tilespmem:$0x12200] =	vst v63  }
0x11e: {  	s17 =	rddreg [dreg:$0x7]  }
0x11f: {  	[hbm4b:s17+s2] =	stream.linear.scatter [tilespmem:s24], [sflag:$0x2], $0x6000, $0x38;
	[tilespmem:$0x12200] =	vst v63  }
0x120: {  	_ =	swait.ge [sflag:s14], $0x6000  }
0x121: {  	[sflag:s14] =	ssyncset.done $0x0  }
0x122: {  	[sflag:s14] =	ssyncadd.s32 $0xFFFFA000  }
0x123: {  	_ =	swait.ge [sflag:s16], $0x6000  }
0x124: {  	[sflag:s16] =	ssyncset.done $0x0  }
0x125: {  	[sflag:s16] =	ssyncadd.s32 $0xFFFFA000  }
0x126: {  	v4 =	vld [tilespmem:$0x60];
	_ =	sdelay $0x4  }
0x127: {  	v5 =	vshrl.u32 v4, $0x3  }
0x128: {  	v5 =	vmul.u32 $0x60, v5  }
0x129: {  	v4 =	vand.u32 $0x7, v4  }
0x12a: {  	v4 =	vor.u32 v4, v5  }
0x12b: {  	v5 =	vperm.xlane v4, v1;
	_ =	sdelay $0x1  }
0x12c: {  	v5 =	vadd.s32 v2, v5;
	_ =	sdelay $0x4  }
0x12d: {  	[tilespmem:s24], [sflag:$0x1] =	stream.indirect_vreg.gather [hbm4b:s4+s2], $0x80, v5, vm0, $0xb8;
	[tilespmem:$0x12200] =	vst v63  }
0x12e: {  	s22 =	simm.s32 $0xA00  }
0x12f: {  	[tilespmem:s22], [sflag:$0x1] =	stream.indirect_vreg.gather [hbm4b:s5+s2], $0x80, v5, vm0, $0xb8;
	[tilespmem:$0x12200] =	vst v63  }
0x130: {  	s22 =	simm.s32 $0x1200  }
0x131: {  	[tilespmem:s22], [sflag:$0x1] =	stream.indirect_vreg.gather [hbm4b:s6+s2], $0x80, v5, vm0, $0xb8;
	[tilespmem:$0x12200] =	vst v63  }
0x132: {  	v4 =	vperm.xlane v4, v3;
	s22 =	simm.s32 $0x1A00  }
0x133: {  	[tilespmem:s22], [sflag:$0x1] =	stream.indirect_vreg.gather [hbm4b:s7+s2], $0x80, v5, vm0, $0xb8;
	[tilespmem:$0x12200] =	vst v63  }
0x134: {  	v4 =	vadd.s32 v2, v4;
	s22 =	simm.s32 $0x2200  }
0x135: {  	[tilespmem:s22], [sflag:$0x1] =	stream.indirect_vreg.gather [hbm4b:s8+s2], $0x80, v5, vm0, $0xb8;
	[tilespmem:$0x12200] =	vst v63  }
0x136: {  	s22 =	simm.s32 $0x2A00  }
0x137: {  	[tilespmem:s22], [sflag:$0x1] =	stream.indirect_vreg.gather [hbm4b:s9+s2], $0x80, v5, vm0, $0xb8;
	[tilespmem:$0x12200] =	vst v63  }
0x138: {  	s22 =	simm.s32 $0x3200  }
0x139: {  	[tilespmem:s22], [sflag:$0x1] =	stream.indirect_vreg.gather [hbm4b:s4+s2], $0x80, v4, vm0, $0xb8;
	[tilespmem:$0x12200] =	vst v63  }
0x13a: {  	s22 =	simm.s32 $0x3A00  }
0x13b: {  	[tilespmem:s22], [sflag:$0x1] =	stream.indirect_vreg.gather [hbm4b:s5+s2], $0x80, v4, vm0, $0xb8;
	[tilespmem:$0x12200] =	vst v63  }
0x13c: {  	_ = 	snop  }
0x13d: {  	[tilespmem:s1], [sflag:$0x1] =	stream.indirect_vreg.gather [hbm4b:s6+s2], $0x80, v4, vm0, $0xb8;
	[tilespmem:$0x12200] =	vst v63  }
0x13e: {  	_ = 	snop  }
0x13f: {  	[tilespmem:s3], [sflag:$0x1] =	stream.indirect_vreg.gather [hbm4b:s7+s2], $0x80, v4, vm0, $0xb8;
	[tilespmem:$0x12200] =	vst v63  }
0x140: {  	_ = 	snop  }
0x141: {  	[tilespmem:s10], [sflag:$0x1] =	stream.indirect_vreg.gather [hbm4b:s8+s2], $0x80, v4, vm0, $0xb8;
	[tilespmem:$0x12200] =	vst v63  }
0x142: {  	s10 =	simm.s32 $0x5A00  }
0x143: {  	[tilespmem:s10], [sflag:$0x1] =	stream.indirect_vreg.gather [hbm4b:s9+s2], $0x80, v4, vm0, $0xb8;
	[tilespmem:$0x12200] =	vst v63  }
0x144: {  	s22 =	rddreg [dreg:$0x8]  }
0x145: {  	[hbm4b:s22+s2] =	stream.linear.scatter [tilespmem:s12], [sflag:$0x2], $0x6000, $0x38;
	[tilespmem:$0x12200] =	vst v63  }
0x146: {  	_ =	swait.ge [sflag:s14], $0x6000  }
0x147: {  	[sflag:s14] =	ssyncset.done $0x0  }
0x148: {  	[sflag:s14] =	ssyncadd.s32 $0xFFFFA000  }
0x149: {  	_ =	swait.ge [sflag:s16], $0x6000  }
0x14a: {  	[sflag:s16] =	ssyncset.done $0x0  }
0x14b: {  	[sflag:s16] =	ssyncadd.s32 $0xFFFFA000  }
0x14c: {  	v4 =	vld [tilespmem:$0x70];
	_ =	sdelay $0x4  }
0x14d: {  	v5 =	vshrl.u32 v4, $0x3  }
0x14e: {  	v5 =	vmul.u32 $0x60, v5  }
0x14f: {  	v4 =	vand.u32 $0x7, v4  }
0x150: {  	v4 =	vor.u32 v4, v5  }
0x151: {  	v5 =	vperm.xlane v4, v1;
	_ =	sdelay $0x1  }
0x152: {  	v5 =	vadd.s32 v2, v5;
	_ =	sdelay $0x4  }
0x153: {  	[tilespmem:s12], [sflag:$0x1] =	stream.indirect_vreg.gather [hbm4b:s4+s2], $0x80, v5, vm0, $0xb8;
	[tilespmem:$0x12200] =	vst v63  }
0x154: {  	_ = 	snop  }
0x155: {  	[tilespmem:s15], [sflag:$0x1] =	stream.indirect_vreg.gather [hbm4b:s5+s2], $0x80, v5, vm0, $0xb8;
	[tilespmem:$0x12200] =	vst v63  }
0x156: {  	s17 =	simm.s32 $0x7200  }
0x157: {  	[tilespmem:s17], [sflag:$0x1] =	stream.indirect_vreg.gather [hbm4b:s6+s2], $0x80, v5, vm0, $0xb8;
	[tilespmem:$0x12200] =	vst v63  }
0x158: {  	s22 =	simm.s32 $0x7A00;
	v4 =	vperm.xlane v4, v3  }
0x159: {  	[tilespmem:s22], [sflag:$0x1] =	stream.indirect_vreg.gather [hbm4b:s7+s2], $0x80, v5, vm0, $0xb8;
	[tilespmem:$0x12200] =	vst v63  }
0x15a: {  	v4 =	vadd.s32 v2, v4  }
0x15b: {  	[tilespmem:s23], [sflag:$0x1] =	stream.indirect_vreg.gather [hbm4b:s8+s2], $0x80, v5, vm0, $0xb8;
	[tilespmem:$0x12200] =	vst v63  }
0x15c: {  	_ = 	snop  }
0x15d: {  	[tilespmem:s25], [sflag:$0x1] =	stream.indirect_vreg.gather [hbm4b:s9+s2], $0x80, v5, vm0, $0xb8;
	[tilespmem:$0x12200] =	vst v63  }
0x15e: {  	_ = 	snop  }
0x15f: {  	[tilespmem:s26], [sflag:$0x1] =	stream.indirect_vreg.gather [hbm4b:s4+s2], $0x80, v4, vm0, $0xb8;
	[tilespmem:$0x12200] =	vst v63  }
0x160: {  	_ = 	snop  }
0x161: {  	[tilespmem:s28], [sflag:$0x1] =	stream.indirect_vreg.gather [hbm4b:s5+s2], $0x80, v4, vm0, $0xb8;
	[tilespmem:$0x12200] =	vst v63  }
0x162: {  	_ = 	snop  }
0x163: {  	[tilespmem:s29], [sflag:$0x1] =	stream.indirect_vreg.gather [hbm4b:s6+s2], $0x80, v4, vm0, $0xb8;
	[tilespmem:$0x12200] =	vst v63  }
0x164: {  	_ = 	snop  }
0x165: {  	[tilespmem:s30], [sflag:$0x1] =	stream.indirect_vreg.gather [hbm4b:s7+s2], $0x80, v4, vm0, $0xb8;
	[tilespmem:$0x12200] =	vst v63  }
0x166: {  	_ = 	snop  }
0x167: {  	[tilespmem:s31], [sflag:$0x1] =	stream.indirect_vreg.gather [hbm4b:s8+s2], $0x80, v4, vm0, $0xb8;
	[tilespmem:$0x12200] =	vst v63  }
0x168: {  	s30 =	simm.s32 $0xBA00  }
0x169: {  	[tilespmem:s30], [sflag:$0x1] =	stream.indirect_vreg.gather [hbm4b:s9+s2], $0x80, v4, vm0, $0xb8;
	[tilespmem:$0x12200] =	vst v63  }
0x16a: {  	s17 =	rddreg [dreg:$0x9];
	s31 =	simm.s32 $0xC200  }
0x16b: {  	[hbm4b:s17+s2] =	stream.linear.scatter [tilespmem:s31], [sflag:$0x2], $0x6000, $0x38;
	[tilespmem:$0x12200] =	vst v63  }
0x16c: {  	_ =	swait.ge [sflag:s14], $0x6000  }
0x16d: {  	[sflag:s14] =	ssyncset.done $0x0  }
0x16e: {  	[sflag:s14] =	ssyncadd.s32 $0xFFFFA000  }
0x16f: {  	_ =	swait.ge [sflag:s16], $0x6000  }
0x170: {  	[sflag:s16] =	ssyncset.done $0x0  }
0x171: {  	[sflag:s16] =	ssyncadd.s32 $0xFFFFA000  }
0x172: {  	v4 =	vld [tilespmem:$0x80];
	_ =	sdelay $0x4  }
0x173: {  	v5 =	vshrl.u32 v4, $0x3  }
0x174: {  	v5 =	vmul.u32 $0x60, v5  }
0x175: {  	v4 =	vand.u32 $0x7, v4  }
0x176: {  	v4 =	vor.u32 v4, v5  }
0x177: {  	v5 =	vperm.xlane v4, v1;
	_ =	sdelay $0x1  }
0x178: {  	v5 =	vadd.s32 v2, v5;
	_ =	sdelay $0x4  }
0x179: {  	[tilespmem:s31], [sflag:$0x1] =	stream.indirect_vreg.gather [hbm4b:s4+s2], $0x80, v5, vm0, $0xb8;
	[tilespmem:$0x12200] =	vst v63  }
0x17a: {  	s31 =	simm.s32 $0xCA00  }
0x17b: {  	[tilespmem:s31], [sflag:$0x1] =	stream.indirect_vreg.gather [hbm4b:s5+s2], $0x80, v5, vm0, $0xb8;
	[tilespmem:$0x12200] =	vst v63  }
0x17c: {  	s31 =	simm.s32 $0xD200  }
0x17d: {  	[tilespmem:s31], [sflag:$0x1] =	stream.indirect_vreg.gather [hbm4b:s6+s2], $0x80, v5, vm0, $0xb8;
	[tilespmem:$0x12200] =	vst v63  }
0x17e: {  	v4 =	vperm.xlane v4, v3;
	s31 =	simm.s32 $0xDA00  }
0x17f: {  	[tilespmem:s31], [sflag:$0x1] =	stream.indirect_vreg.gather [hbm4b:s7+s2], $0x80, v5, vm0, $0xb8;
	[tilespmem:$0x12200] =	vst v63  }
0x180: {  	v4 =	vadd.s32 v2, v4  }
0x181: {  	[tilespmem:s0], [sflag:$0x1] =	stream.indirect_vreg.gather [hbm4b:s8+s2], $0x80, v5, vm0, $0xb8;
	[tilespmem:$0x12200] =	vst v63  }
0x182: {  	_ = 	snop  }
0x183: {  	[tilespmem:s11], [sflag:$0x1] =	stream.indirect_vreg.gather [hbm4b:s9+s2], $0x80, v5, vm0, $0xb8;
	[tilespmem:$0x12200] =	vst v63  }
0x184: {  	_ = 	snop  }
0x185: {  	[tilespmem:s13], [sflag:$0x1] =	stream.indirect_vreg.gather [hbm4b:s4+s2], $0x80, v4, vm0, $0xb8;
	[tilespmem:$0x12200] =	vst v63  }
0x186: {  	_ = 	snop  }
0x187: {  	[tilespmem:s18], [sflag:$0x1] =	stream.indirect_vreg.gather [hbm4b:s5+s2], $0x80, v4, vm0, $0xb8;
	[tilespmem:$0x12200] =	vst v63  }
0x188: {  	_ = 	snop  }
0x189: {  	[tilespmem:s19], [sflag:$0x1] =	stream.indirect_vreg.gather [hbm4b:s6+s2], $0x80, v4, vm0, $0xb8;
	[tilespmem:$0x12200] =	vst v63  }
0x18a: {  	_ = 	snop  }
0x18b: {  	[tilespmem:s20], [sflag:$0x1] =	stream.indirect_vreg.gather [hbm4b:s7+s2], $0x80, v4, vm0, $0xb8;
	[tilespmem:$0x12200] =	vst v63  }
0x18c: {  	_ = 	snop  }
0x18d: {  	[tilespmem:s21], [sflag:$0x1] =	stream.indirect_vreg.gather [hbm4b:s8+s2], $0x80, v4, vm0, $0xb8;
	[tilespmem:$0x12200] =	vst v63  }
0x18e: {  	s0 =	simm.s32 $0x11A00  }
0x18f: {  	[tilespmem:s0], [sflag:$0x1] =	stream.indirect_vreg.gather [hbm4b:s9+s2], $0x80, v4, vm0, $0xb8;
	[tilespmem:$0x12200] =	vst v63  }
0x190: {  	s17 =	rddreg [dreg:$0xa]  }
0x191: {  	[hbm4b:s17+s2] =	stream.linear.scatter [tilespmem:s24], [sflag:$0x2], $0x6000, $0x38;
	[tilespmem:$0x12200] =	vst v63  }
0x192: {  	_ =	swait.ge [sflag:s14], $0x6000  }
0x193: {  	[sflag:s14] =	ssyncset.done $0x0  }
0x194: {  	[sflag:s14] =	ssyncadd.s32 $0xFFFFA000  }
0x195: {  	_ =	swait.ge [sflag:s16], $0x6000  }
0x196: {  	[sflag:s16] =	ssyncset.done $0x0  }
0x197: {  	[sflag:s16] =	ssyncadd.s32 $0xFFFFA000  }
0x198: {  	v4 =	vld [tilespmem:$0x90];
	_ =	sdelay $0x4  }
0x199: {  	v5 =	vshrl.u32 v4, $0x3  }
0x19a: {  	v5 =	vmul.u32 $0x60, v5  }
0x19b: {  	v4 =	vand.u32 $0x7, v4  }
0x19c: {  	v4 =	vor.u32 v4, v5  }
0x19d: {  	v5 =	vperm.xlane v4, v1;
	_ =	sdelay $0x1  }
0x19e: {  	v5 =	vadd.s32 v2, v5;
	_ =	sdelay $0x4  }
0x19f: {  	[tilespmem:s24], [sflag:$0x1] =	stream.indirect_vreg.gather [hbm4b:s4+s2], $0x80, v5, vm0, $0xb8;
	[tilespmem:$0x12200] =	vst v63  }
0x1a0: {  	s17 =	simm.s32 $0xA00  }
0x1a1: {  	[tilespmem:s17], [sflag:$0x1] =	stream.indirect_vreg.gather [hbm4b:s5+s2], $0x80, v5, vm0, $0xb8;
	[tilespmem:$0x12200] =	vst v63  }
0x1a2: {  	s17 =	simm.s32 $0x1200  }
0x1a3: {  	[tilespmem:s17], [sflag:$0x1] =	stream.indirect_vreg.gather [hbm4b:s6+s2], $0x80, v5, vm0, $0xb8;
	[tilespmem:$0x12200] =	vst v63  }
0x1a4: {  	v4 =	vperm.xlane v4, v3;
	s17 =	simm.s32 $0x1A00  }
0x1a5: {  	[tilespmem:s17], [sflag:$0x1] =	stream.indirect_vreg.gather [hbm4b:s7+s2], $0x80, v5, vm0, $0xb8;
	[tilespmem:$0x12200] =	vst v63  }
0x1a6: {  	v4 =	vadd.s32 v2, v4;
	s17 =	simm.s32 $0x2200  }
0x1a7: {  	[tilespmem:s17], [sflag:$0x1] =	stream.indirect_vreg.gather [hbm4b:s8+s2], $0x80, v5, vm0, $0xb8;
	[tilespmem:$0x12200] =	vst v63  }
0x1a8: {  	s17 =	simm.s32 $0x2A00  }
0x1a9: {  	[tilespmem:s17], [sflag:$0x1] =	stream.indirect_vreg.gather [hbm4b:s9+s2], $0x80, v5, vm0, $0xb8;
	[tilespmem:$0x12200] =	vst v63  }
0x1aa: {  	s17 =	simm.s32 $0x3200  }
0x1ab: {  	[tilespmem:s17], [sflag:$0x1] =	stream.indirect_vreg.gather [hbm4b:s4+s2], $0x80, v4, vm0, $0xb8;
	[tilespmem:$0x12200] =	vst v63  }
0x1ac: {  	s17 =	simm.s32 $0x3A00  }
0x1ad: {  	[tilespmem:s17], [sflag:$0x1] =	stream.indirect_vreg.gather [hbm4b:s5+s2], $0x80, v4, vm0, $0xb8;
	[tilespmem:$0x12200] =	vst v63  }
0x1ae: {  	s17 =	simm.s32 $0x4200  }
0x1af: {  	[tilespmem:s17], [sflag:$0x1] =	stream.indirect_vreg.gather [hbm4b:s6+s2], $0x80, v4, vm0, $0xb8;
	[tilespmem:$0x12200] =	vst v63  }
0x1b0: {  	s3 =	simm.s32 $0x4A00  }
0x1b1: {  	[tilespmem:s3], [sflag:$0x1] =	stream.indirect_vreg.gather [hbm4b:s7+s2], $0x80, v4, vm0, $0xb8;
	[tilespmem:$0x12200] =	vst v63  }
0x1b2: {  	s0 =	simm.s32 $0x5200  }
0x1b3: {  	[tilespmem:s0], [sflag:$0x1] =	stream.indirect_vreg.gather [hbm4b:s8+s2], $0x80, v4, vm0, $0xb8;
	[tilespmem:$0x12200] =	vst v63  }
0x1b4: {  	s0 =	simm.s32 $0x5A00  }
0x1b5: {  	[tilespmem:s0], [sflag:$0x1] =	stream.indirect_vreg.gather [hbm4b:s9+s2], $0x80, v4, vm0, $0xb8;
	[tilespmem:$0x12200] =	vst v63  }
0x1b6: {  	s17 =	rddreg [dreg:$0xb]  }
0x1b7: {  	[hbm4b:s17+s2] =	stream.linear.scatter [tilespmem:s12], [sflag:$0x2], $0x6000, $0x38;
	[tilespmem:$0x12200] =	vst v63  }
0x1b8: {  	_ =	swait.ge [sflag:s14], $0x6000  }
0x1b9: {  	[sflag:s14] =	ssyncset.done $0x0  }
0x1ba: {  	[sflag:s14] =	ssyncadd.s32 $0xFFFFA000  }
0x1bb: {  	_ =	swait.ge [sflag:s16], $0x6000  }
0x1bc: {  	[sflag:s16] =	ssyncset.done $0x0  }
0x1bd: {  	[sflag:s16] =	ssyncadd.s32 $0xFFFFA000  }
0x1be: {  	v4 =	vld [tilespmem:$0xA0];
	_ =	sdelay $0x4  }
0x1bf: {  	v5 =	vshrl.u32 v4, $0x3  }
0x1c0: {  	v5 =	vmul.u32 $0x60, v5  }
0x1c1: {  	v4 =	vand.u32 $0x7, v4  }
0x1c2: {  	v4 =	vor.u32 v4, v5  }
0x1c3: {  	v5 =	vperm.xlane v4, v1;
	_ =	sdelay $0x1  }
0x1c4: {  	v5 =	vadd.s32 v2, v5;
	_ =	sdelay $0x4  }
0x1c5: {  	[tilespmem:s12], [sflag:$0x1] =	stream.indirect_vreg.gather [hbm4b:s4+s2], $0x80, v5, vm0, $0xb8;
	[tilespmem:$0x12200] =	vst v63  }
0x1c6: {  	s1 =	simm.s32 $0x6A00  }
0x1c7: {  	[tilespmem:s1], [sflag:$0x1] =	stream.indirect_vreg.gather [hbm4b:s5+s2], $0x80, v5, vm0, $0xb8;
	[tilespmem:$0x12200] =	vst v63  }
0x1c8: {  	s0 =	simm.s32 $0x7200  }
0x1c9: {  	[tilespmem:s0], [sflag:$0x1] =	stream.indirect_vreg.gather [hbm4b:s6+s2], $0x80, v5, vm0, $0xb8;
	[tilespmem:$0x12200] =	vst v63  }
0x1ca: {  	v4 =	vperm.xlane v4, v3;
	s0 =	simm.s32 $0x7A00  }
0x1cb: {  	[tilespmem:s0], [sflag:$0x1] =	stream.indirect_vreg.gather [hbm4b:s7+s2], $0x80, v5, vm0, $0xb8;
	[tilespmem:$0x12200] =	vst v63  }
0x1cc: {  	s10 =	simm.s32 $0x8200;
	v4 =	vadd.s32 v2, v4  }
0x1cd: {  	[tilespmem:s10], [sflag:$0x1] =	stream.indirect_vreg.gather [hbm4b:s8+s2], $0x80, v5, vm0, $0xb8;
	[tilespmem:$0x12200] =	vst v63  }
0x1ce: {  	s15 =	simm.s32 $0x8A00  }
0x1cf: {  	[tilespmem:s15], [sflag:$0x1] =	stream.indirect_vreg.gather [hbm4b:s9+s2], $0x80, v5, vm0, $0xb8;
	[tilespmem:$0x12200] =	vst v63  }
0x1d0: {  	s23 =	simm.s32 $0x9200  }
0x1d1: {  	[tilespmem:s23], [sflag:$0x1] =	stream.indirect_vreg.gather [hbm4b:s4+s2], $0x80, v4, vm0, $0xb8;
	[tilespmem:$0x12200] =	vst v63  }
0x1d2: {  	s25 =	simm.s32 $0x9A00  }
0x1d3: {  	[tilespmem:s25], [sflag:$0x1] =	stream.indirect_vreg.gather [hbm4b:s5+s2], $0x80, v4, vm0, $0xb8;
	[tilespmem:$0x12200] =	vst v63  }
0x1d4: {  	s26 =	simm.s32 $0xA200  }
0x1d5: {  	[tilespmem:s26], [sflag:$0x1] =	stream.indirect_vreg.gather [hbm4b:s6+s2], $0x80, v4, vm0, $0xb8;
	[tilespmem:$0x12200] =	vst v63  }
0x1d6: {  	s28 =	simm.s32 $0xAA00  }
0x1d7: {  	[tilespmem:s28], [sflag:$0x1] =	stream.indirect_vreg.gather [hbm4b:s7+s2], $0x80, v4, vm0, $0xb8;
	[tilespmem:$0x12200] =	vst v63  }
0x1d8: {  	s29 =	simm.s32 $0xB200  }
0x1d9: {  	[tilespmem:s29], [sflag:$0x1] =	stream.indirect_vreg.gather [hbm4b:s8+s2], $0x80, v4, vm0, $0xb8;
	[tilespmem:$0x12200] =	vst v63  }
0x1da: {  	s30 =	simm.s32 $0xBA00  }
0x1db: {  	[tilespmem:s30], [sflag:$0x1] =	stream.indirect_vreg.gather [hbm4b:s9+s2], $0x80, v4, vm0, $0xb8;
	[tilespmem:$0x12200] =	vst v63  }
0x1dc: {  	s22 =	simm.s32 $0xC200;
	s0 =	rddreg [dreg:$0xc]  }
0x1dd: {  	[hbm4b:s0+s2] =	stream.linear.scatter [tilespmem:s22], [sflag:$0x2], $0x6000, $0x38;
	[tilespmem:$0x12200] =	vst v63  }
0x1de: {  	_ =	swait.ge [sflag:s14], $0x6000  }
0x1df: {  	[sflag:s14] =	ssyncset.done $0x0  }
0x1e0: {  	[sflag:s14] =	ssyncadd.s32 $0xFFFFA000  }
0x1e1: {  	_ =	swait.ge [sflag:s16], $0x6000  }
0x1e2: {  	[sflag:s16] =	ssyncset.done $0x0  }
0x1e3: {  	[sflag:s16] =	ssyncadd.s32 $0xFFFFA000  }
0x1e4: {  	v4 =	vld [tilespmem:$0xB0];
	_ =	sdelay $0x4  }
0x1e5: {  	v5 =	vshrl.u32 v4, $0x3  }
0x1e6: {  	v5 =	vmul.u32 $0x60, v5  }
0x1e7: {  	v4 =	vand.u32 $0x7, v4  }
0x1e8: {  	v4 =	vor.u32 v4, v5  }
0x1e9: {  	v5 =	vperm.xlane v4, v1;
	_ =	sdelay $0x1  }
0x1ea: {  	v5 =	vadd.s32 v2, v5;
	_ =	sdelay $0x4  }
0x1eb: {  	[tilespmem:s22], [sflag:$0x1] =	stream.indirect_vreg.gather [hbm4b:s4+s2], $0x80, v5, vm0, $0xb8;
	[tilespmem:$0x12200] =	vst v63  }
0x1ec: {  	s17 =	simm.s32 $0xCA00  }
0x1ed: {  	[tilespmem:s17], [sflag:$0x1] =	stream.indirect_vreg.gather [hbm4b:s5+s2], $0x80, v5, vm0, $0xb8;
	[tilespmem:$0x12200] =	vst v63  }
0x1ee: {  	s17 =	simm.s32 $0xD200  }
0x1ef: {  	[tilespmem:s17], [sflag:$0x1] =	stream.indirect_vreg.gather [hbm4b:s6+s2], $0x80, v5, vm0, $0xb8;
	[tilespmem:$0x12200] =	vst v63  }
0x1f0: {  	v4 =	vperm.xlane v4, v3;
	s17 =	simm.s32 $0xDA00  }
0x1f1: {  	[tilespmem:s17], [sflag:$0x1] =	stream.indirect_vreg.gather [hbm4b:s7+s2], $0x80, v5, vm0, $0xb8;
	[tilespmem:$0x12200] =	vst v63  }
0x1f2: {  	s31 =	simm.s32 $0xE200;
	v4 =	vadd.s32 v2, v4  }
0x1f3: {  	[tilespmem:s31], [sflag:$0x1] =	stream.indirect_vreg.gather [hbm4b:s8+s2], $0x80, v5, vm0, $0xb8;
	[tilespmem:$0x12200] =	vst v63  }
0x1f4: {  	s11 =	simm.s32 $0xEA00  }
0x1f5: {  	[tilespmem:s11], [sflag:$0x1] =	stream.indirect_vreg.gather [hbm4b:s9+s2], $0x80, v5, vm0, $0xb8;
	[tilespmem:$0x12200] =	vst v63  }
0x1f6: {  	s13 =	simm.s32 $0xF200  }
0x1f7: {  	[tilespmem:s13], [sflag:$0x1] =	stream.indirect_vreg.gather [hbm4b:s4+s2], $0x80, v4, vm0, $0xb8;
	[tilespmem:$0x12200] =	vst v63  }
0x1f8: {  	s18 =	simm.s32 $0xFA00  }
0x1f9: {  	[tilespmem:s18], [sflag:$0x1] =	stream.indirect_vreg.gather [hbm4b:s5+s2], $0x80, v4, vm0, $0xb8;
	[tilespmem:$0x12200] =	vst v63  }
0x1fa: {  	s19 =	simm.s32 $0x10200  }
0x1fb: {  	[tilespmem:s19], [sflag:$0x1] =	stream.indirect_vreg.gather [hbm4b:s6+s2], $0x80, v4, vm0, $0xb8;
	[tilespmem:$0x12200] =	vst v63  }
0x1fc: {  	s20 =	simm.s32 $0x10A00  }
0x1fd: {  	[tilespmem:s20], [sflag:$0x1] =	stream.indirect_vreg.gather [hbm4b:s7+s2], $0x80, v4, vm0, $0xb8;
	[tilespmem:$0x12200] =	vst v63  }
0x1fe: {  	s21 =	simm.s32 $0x11200  }
0x1ff: {  	[tilespmem:s21], [sflag:$0x1] =	stream.indirect_vreg.gather [hbm4b:s8+s2], $0x80, v4, vm0, $0xb8;
	[tilespmem:$0x12200] =	vst v63  }
0x200: {  	s0 =	simm.s32 $0x11A00  }
0x201: {  	[tilespmem:s0], [sflag:$0x1] =	stream.indirect_vreg.gather [hbm4b:s9+s2], $0x80, v4, vm0, $0xb8;
	[tilespmem:$0x12200] =	vst v63  }
0x202: {  	s17 =	rddreg [dreg:$0xd]  }
0x203: {  	[hbm4b:s17+s2] =	stream.linear.scatter [tilespmem:s24], [sflag:$0x2], $0x6000, $0x38;
	[tilespmem:$0x12200] =	vst v63  }
0x204: {  	_ =	swait.ge [sflag:s14], $0x6000  }
0x205: {  	[sflag:s14] =	ssyncset.done $0x0  }
0x206: {  	[sflag:s14] =	ssyncadd.s32 $0xFFFFA000  }
0x207: {  	_ =	swait.ge [sflag:s16], $0x6000  }
0x208: {  	[sflag:s16] =	ssyncset.done $0x0  }
0x209: {  	[sflag:s16] =	ssyncadd.s32 $0xFFFFA000  }
0x20a: {  	v4 =	vld [tilespmem:$0xC0];
	_ =	sdelay $0x4  }
0x20b: {  	v5 =	vshrl.u32 v4, $0x3  }
0x20c: {  	v5 =	vmul.u32 $0x60, v5  }
0x20d: {  	v4 =	vand.u32 $0x7, v4  }
0x20e: {  	v4 =	vor.u32 v4, v5  }
0x20f: {  	v5 =	vperm.xlane v4, v1;
	_ =	sdelay $0x1  }
0x210: {  	v5 =	vadd.s32 v2, v5;
	_ =	sdelay $0x4  }
0x211: {  	[tilespmem:s24], [sflag:$0x1] =	stream.indirect_vreg.gather [hbm4b:s4+s2], $0x80, v5, vm0, $0xb8;
	[tilespmem:$0x12200] =	vst v63  }
0x212: {  	s17 =	simm.s32 $0xA00  }
0x213: {  	[tilespmem:s17], [sflag:$0x1] =	stream.indirect_vreg.gather [hbm4b:s5+s2], $0x80, v5, vm0, $0xb8;
	[tilespmem:$0x12200] =	vst v63  }
0x214: {  	s17 =	simm.s32 $0x1200  }
0x215: {  	[tilespmem:s17], [sflag:$0x1] =	stream.indirect_vreg.gather [hbm4b:s6+s2], $0x80, v5, vm0, $0xb8;
	[tilespmem:$0x12200] =	vst v63  }
0x216: {  	v4 =	vperm.xlane v4, v3;
	s17 =	simm.s32 $0x1A00  }
0x217: {  	[tilespmem:s17], [sflag:$0x1] =	stream.indirect_vreg.gather [hbm4b:s7+s2], $0x80, v5, vm0, $0xb8;
	[tilespmem:$0x12200] =	vst v63  }
0x218: {  	v4 =	vadd.s32 v2, v4;
	s17 =	simm.s32 $0x2200  }
0x219: {  	[tilespmem:s17], [sflag:$0x1] =	stream.indirect_vreg.gather [hbm4b:s8+s2], $0x80, v5, vm0, $0xb8;
	[tilespmem:$0x12200] =	vst v63  }
0x21a: {  	s17 =	simm.s32 $0x2A00  }
0x21b: {  	[tilespmem:s17], [sflag:$0x1] =	stream.indirect_vreg.gather [hbm4b:s9+s2], $0x80, v5, vm0, $0xb8;
	[tilespmem:$0x12200] =	vst v63  }
0x21c: {  	s17 =	simm.s32 $0x3200  }
0x21d: {  	[tilespmem:s17], [sflag:$0x1] =	stream.indirect_vreg.gather [hbm4b:s4+s2], $0x80, v4, vm0, $0xb8;
	[tilespmem:$0x12200] =	vst v63  }
0x21e: {  	s17 =	simm.s32 $0x3A00  }
0x21f: {  	[tilespmem:s17], [sflag:$0x1] =	stream.indirect_vreg.gather [hbm4b:s5+s2], $0x80, v4, vm0, $0xb8;
	[tilespmem:$0x12200] =	vst v63  }
0x220: {  	s17 =	simm.s32 $0x4200  }
0x221: {  	[tilespmem:s17], [sflag:$0x1] =	stream.indirect_vreg.gather [hbm4b:s6+s2], $0x80, v4, vm0, $0xb8;
	[tilespmem:$0x12200] =	vst v63  }
0x222: {  	s3 =	simm.s32 $0x4A00  }
0x223: {  	[tilespmem:s3], [sflag:$0x1] =	stream.indirect_vreg.gather [hbm4b:s7+s2], $0x80, v4, vm0, $0xb8;
	[tilespmem:$0x12200] =	vst v63  }
0x224: {  	s0 =	simm.s32 $0x5200  }
0x225: {  	[tilespmem:s0], [sflag:$0x1] =	stream.indirect_vreg.gather [hbm4b:s8+s2], $0x80, v4, vm0, $0xb8;
	[tilespmem:$0x12200] =	vst v63  }
0x226: {  	s0 =	simm.s32 $0x5A00  }
0x227: {  	[tilespmem:s0], [sflag:$0x1] =	stream.indirect_vreg.gather [hbm4b:s9+s2], $0x80, v4, vm0, $0xb8;
	[tilespmem:$0x12200] =	vst v63  }
0x228: {  	s17 =	rddreg [dreg:$0xe]  }
0x229: {  	[hbm4b:s17+s2] =	stream.linear.scatter [tilespmem:s12], [sflag:$0x2], $0x6000, $0x38;
	[tilespmem:$0x12200] =	vst v63  }
0x22a: {  	_ =	swait.ge [sflag:s14], $0x6000  }
0x22b: {  	[sflag:s14] =	ssyncset.done $0x0  }
0x22c: {  	[sflag:s14] =	ssyncadd.s32 $0xFFFFA000  }
0x22d: {  	_ =	swait.ge [sflag:s16], $0x6000  }
0x22e: {  	[sflag:s16] =	ssyncset.done $0x0  }
0x22f: {  	[sflag:s16] =	ssyncadd.s32 $0xFFFFA000  }
0x230: {  	v4 =	vld [tilespmem:$0xD0];
	_ =	sdelay $0x4  }
0x231: {  	v5 =	vshrl.u32 v4, $0x3  }
0x232: {  	v5 =	vmul.u32 $0x60, v5  }
0x233: {  	v4 =	vand.u32 $0x7, v4  }
0x234: {  	v4 =	vor.u32 v4, v5  }
0x235: {  	v5 =	vperm.xlane v4, v1;
	_ =	sdelay $0x1  }
0x236: {  	v5 =	vadd.s32 v2, v5;
	_ =	sdelay $0x4  }
0x237: {  	[tilespmem:s12], [sflag:$0x1] =	stream.indirect_vreg.gather [hbm4b:s4+s2], $0x80, v5, vm0, $0xb8;
	[tilespmem:$0x12200] =	vst v63  }
0x238: {  	s1 =	simm.s32 $0x6A00  }
0x239: {  	[tilespmem:s1], [sflag:$0x1] =	stream.indirect_vreg.gather [hbm4b:s5+s2], $0x80, v5, vm0, $0xb8;
	[tilespmem:$0x12200] =	vst v63  }
0x23a: {  	s0 =	simm.s32 $0x7200  }
0x23b: {  	[tilespmem:s0], [sflag:$0x1] =	stream.indirect_vreg.gather [hbm4b:s6+s2], $0x80, v5, vm0, $0xb8;
	[tilespmem:$0x12200] =	vst v63  }
0x23c: {  	v4 =	vperm.xlane v4, v3;
	s0 =	simm.s32 $0x7A00  }
0x23d: {  	[tilespmem:s0], [sflag:$0x1] =	stream.indirect_vreg.gather [hbm4b:s7+s2], $0x80, v5, vm0, $0xb8;
	[tilespmem:$0x12200] =	vst v63  }
0x23e: {  	s10 =	simm.s32 $0x8200;
	v4 =	vadd.s32 v2, v4  }
0x23f: {  	[tilespmem:s10], [sflag:$0x1] =	stream.indirect_vreg.gather [hbm4b:s8+s2], $0x80, v5, vm0, $0xb8;
	[tilespmem:$0x12200] =	vst v63  }
0x240: {  	s15 =	simm.s32 $0x8A00  }
0x241: {  	[tilespmem:s15], [sflag:$0x1] =	stream.indirect_vreg.gather [hbm4b:s9+s2], $0x80, v5, vm0, $0xb8;
	[tilespmem:$0x12200] =	vst v63  }
0x242: {  	s23 =	simm.s32 $0x9200  }
0x243: {  	[tilespmem:s23], [sflag:$0x1] =	stream.indirect_vreg.gather [hbm4b:s4+s2], $0x80, v4, vm0, $0xb8;
	[tilespmem:$0x12200] =	vst v63  }
0x244: {  	s25 =	simm.s32 $0x9A00  }
0x245: {  	[tilespmem:s25], [sflag:$0x1] =	stream.indirect_vreg.gather [hbm4b:s5+s2], $0x80, v4, vm0, $0xb8;
	[tilespmem:$0x12200] =	vst v63  }
0x246: {  	s26 =	simm.s32 $0xA200  }
0x247: {  	[tilespmem:s26], [sflag:$0x1] =	stream.indirect_vreg.gather [hbm4b:s6+s2], $0x80, v4, vm0, $0xb8;
	[tilespmem:$0x12200] =	vst v63  }
0x248: {  	s28 =	simm.s32 $0xAA00  }
0x249: {  	[tilespmem:s28], [sflag:$0x1] =	stream.indirect_vreg.gather [hbm4b:s7+s2], $0x80, v4, vm0, $0xb8;
	[tilespmem:$0x12200] =	vst v63  }
0x24a: {  	s29 =	simm.s32 $0xB200  }
0x24b: {  	[tilespmem:s29], [sflag:$0x1] =	stream.indirect_vreg.gather [hbm4b:s8+s2], $0x80, v4, vm0, $0xb8;
	[tilespmem:$0x12200] =	vst v63  }
0x24c: {  	s30 =	simm.s32 $0xBA00  }
0x24d: {  	[tilespmem:s30], [sflag:$0x1] =	stream.indirect_vreg.gather [hbm4b:s9+s2], $0x80, v4, vm0, $0xb8;
	[tilespmem:$0x12200] =	vst v63  }
0x24e: {  	s0 =	rddreg [dreg:$0xf]  }
0x24f: {  	[hbm4b:s0+s2] =	stream.linear.scatter [tilespmem:s22], [sflag:$0x2], $0x6000, $0x38;
	[tilespmem:$0x12200] =	vst v63  }
0x250: {  	_ =	swait.ge [sflag:s14], $0x6000  }
0x251: {  	[sflag:s14] =	ssyncset.done $0x0  }
0x252: {  	[sflag:s14] =	ssyncadd.s32 $0xFFFFA000  }
0x253: {  	_ =	swait.ge [sflag:s16], $0x6000  }
0x254: {  	[sflag:s16] =	ssyncset.done $0x0  }
0x255: {  	[sflag:s16] =	ssyncadd.s32 $0xFFFFA000  }
0x256: {  	v4 =	vld [tilespmem:$0xE0];
	_ =	sdelay $0x4  }
0x257: {  	v5 =	vshrl.u32 v4, $0x3  }
0x258: {  	v5 =	vmul.u32 $0x60, v5  }
0x259: {  	v4 =	vand.u32 $0x7, v4  }
0x25a: {  	v4 =	vor.u32 v4, v5  }
0x25b: {  	v5 =	vperm.xlane v4, v1;
	_ =	sdelay $0x1  }
0x25c: {  	v5 =	vadd.s32 v2, v5;
	_ =	sdelay $0x4  }
0x25d: {  	[tilespmem:s22], [sflag:$0x1] =	stream.indirect_vreg.gather [hbm4b:s4+s2], $0x80, v5, vm0, $0xb8;
	[tilespmem:$0x12200] =	vst v63  }
0x25e: {  	s17 =	simm.s32 $0xCA00  }
0x25f: {  	[tilespmem:s17], [sflag:$0x1] =	stream.indirect_vreg.gather [hbm4b:s5+s2], $0x80, v5, vm0, $0xb8;
	[tilespmem:$0x12200] =	vst v63  }
0x260: {  	s17 =	simm.s32 $0xD200  }
0x261: {  	[tilespmem:s17], [sflag:$0x1] =	stream.indirect_vreg.gather [hbm4b:s6+s2], $0x80, v5, vm0, $0xb8;
	[tilespmem:$0x12200] =	vst v63  }
0x262: {  	v4 =	vperm.xlane v4, v3;
	s17 =	simm.s32 $0xDA00  }
0x263: {  	[tilespmem:s17], [sflag:$0x1] =	stream.indirect_vreg.gather [hbm4b:s7+s2], $0x80, v5, vm0, $0xb8;
	[tilespmem:$0x12200] =	vst v63  }
0x264: {  	s31 =	simm.s32 $0xE200;
	v4 =	vadd.s32 v2, v4  }
0x265: {  	[tilespmem:s31], [sflag:$0x1] =	stream.indirect_vreg.gather [hbm4b:s8+s2], $0x80, v5, vm0, $0xb8;
	[tilespmem:$0x12200] =	vst v63  }
0x266: {  	s11 =	simm.s32 $0xEA00  }
0x267: {  	[tilespmem:s11], [sflag:$0x1] =	stream.indirect_vreg.gather [hbm4b:s9+s2], $0x80, v5, vm0, $0xb8;
	[tilespmem:$0x12200] =	vst v63  }
0x268: {  	s13 =	simm.s32 $0xF200  }
0x269: {  	[tilespmem:s13], [sflag:$0x1] =	stream.indirect_vreg.gather [hbm4b:s4+s2], $0x80, v4, vm0, $0xb8;
	[tilespmem:$0x12200] =	vst v63  }
0x26a: {  	s18 =	simm.s32 $0xFA00  }
0x26b: {  	[tilespmem:s18], [sflag:$0x1] =	stream.indirect_vreg.gather [hbm4b:s5+s2], $0x80, v4, vm0, $0xb8;
	[tilespmem:$0x12200] =	vst v63  }
0x26c: {  	s19 =	simm.s32 $0x10200  }
0x26d: {  	[tilespmem:s19], [sflag:$0x1] =	stream.indirect_vreg.gather [hbm4b:s6+s2], $0x80, v4, vm0, $0xb8;
	[tilespmem:$0x12200] =	vst v63  }
0x26e: {  	s20 =	simm.s32 $0x10A00  }
0x26f: {  	[tilespmem:s20], [sflag:$0x1] =	stream.indirect_vreg.gather [hbm4b:s7+s2], $0x80, v4, vm0, $0xb8;
	[tilespmem:$0x12200] =	vst v63  }
0x270: {  	s21 =	simm.s32 $0x11200  }
0x271: {  	[tilespmem:s21], [sflag:$0x1] =	stream.indirect_vreg.gather [hbm4b:s8+s2], $0x80, v4, vm0, $0xb8;
	[tilespmem:$0x12200] =	vst v63  }
0x272: {  	s0 =	simm.s32 $0x11A00  }
0x273: {  	[tilespmem:s0], [sflag:$0x1] =	stream.indirect_vreg.gather [hbm4b:s9+s2], $0x80, v4, vm0, $0xb8;
	[tilespmem:$0x12200] =	vst v63  }
0x274: {  	s17 =	rddreg [dreg:$0x10]  }
0x275: {  	[hbm4b:s17+s2] =	stream.linear.scatter [tilespmem:s24], [sflag:$0x2], $0x6000, $0x38;
	[tilespmem:$0x12200] =	vst v63  }
0x276: {  	_ =	swait.ge [sflag:s14], $0x6000  }
0x277: {  	[sflag:s14] =	ssyncset.done $0x0  }
0x278: {  	[sflag:s14] =	ssyncadd.s32 $0xFFFFA000  }
0x279: {  	_ =	swait.ge [sflag:s16], $0x6000  }
0x27a: {  	[sflag:s16] =	ssyncset.done $0x0  }
0x27b: {  	[sflag:s16] =	ssyncadd.s32 $0xFFFFA000  }
0x27c: {  	v4 =	vld [tilespmem:$0xF0];
	_ =	sdelay $0x4  }
0x27d: {  	v5 =	vshrl.u32 v4, $0x3  }
0x27e: {  	v5 =	vmul.u32 $0x60, v5  }
0x27f: {  	v4 =	vand.u32 $0x7, v4  }
0x280: {  	v4 =	vor.u32 v4, v5  }
0x281: {  	v5 =	vperm.xlane v4, v1;
	_ =	sdelay $0x1  }
0x282: {  	v5 =	vadd.s32 v2, v5;
	_ =	sdelay $0x4  }
0x283: {  	[tilespmem:s24], [sflag:$0x1] =	stream.indirect_vreg.gather [hbm4b:s4+s2], $0x80, v5, vm0, $0xb8;
	[tilespmem:$0x12200] =	vst v63  }
0x284: {  	s17 =	simm.s32 $0xA00  }
0x285: {  	[tilespmem:s17], [sflag:$0x1] =	stream.indirect_vreg.gather [hbm4b:s5+s2], $0x80, v5, vm0, $0xb8;
	[tilespmem:$0x12200] =	vst v63  }
0x286: {  	s17 =	simm.s32 $0x1200  }
0x287: {  	[tilespmem:s17], [sflag:$0x1] =	stream.indirect_vreg.gather [hbm4b:s6+s2], $0x80, v5, vm0, $0xb8;
	[tilespmem:$0x12200] =	vst v63  }
0x288: {  	v4 =	vperm.xlane v4, v3;
	s17 =	simm.s32 $0x1A00  }
0x289: {  	[tilespmem:s17], [sflag:$0x1] =	stream.indirect_vreg.gather [hbm4b:s7+s2], $0x80, v5, vm0, $0xb8;
	[tilespmem:$0x12200] =	vst v63  }
0x28a: {  	v4 =	vadd.s32 v2, v4;
	s17 =	simm.s32 $0x2200  }
0x28b: {  	[tilespmem:s17], [sflag:$0x1] =	stream.indirect_vreg.gather [hbm4b:s8+s2], $0x80, v5, vm0, $0xb8;
	[tilespmem:$0x12200] =	vst v63  }
0x28c: {  	s17 =	simm.s32 $0x2A00  }
0x28d: {  	[tilespmem:s17], [sflag:$0x1] =	stream.indirect_vreg.gather [hbm4b:s9+s2], $0x80, v5, vm0, $0xb8;
	[tilespmem:$0x12200] =	vst v63  }
0x28e: {  	s17 =	simm.s32 $0x3200  }
0x28f: {  	[tilespmem:s17], [sflag:$0x1] =	stream.indirect_vreg.gather [hbm4b:s4+s2], $0x80, v4, vm0, $0xb8;
	[tilespmem:$0x12200] =	vst v63  }
0x290: {  	s17 =	simm.s32 $0x3A00  }
0x291: {  	[tilespmem:s17], [sflag:$0x1] =	stream.indirect_vreg.gather [hbm4b:s5+s2], $0x80, v4, vm0, $0xb8;
	[tilespmem:$0x12200] =	vst v63  }
0x292: {  	s17 =	simm.s32 $0x4200  }
0x293: {  	[tilespmem:s17], [sflag:$0x1] =	stream.indirect_vreg.gather [hbm4b:s6+s2], $0x80, v4, vm0, $0xb8;
	[tilespmem:$0x12200] =	vst v63  }
0x294: {  	s3 =	simm.s32 $0x4A00  }
0x295: {  	[tilespmem:s3], [sflag:$0x1] =	stream.indirect_vreg.gather [hbm4b:s7+s2], $0x80, v4, vm0, $0xb8;
	[tilespmem:$0x12200] =	vst v63  }
0x296: {  	s0 =	simm.s32 $0x5200  }
0x297: {  	[tilespmem:s0], [sflag:$0x1] =	stream.indirect_vreg.gather [hbm4b:s8+s2], $0x80, v4, vm0, $0xb8;
	[tilespmem:$0x12200] =	vst v63  }
0x298: {  	s0 =	simm.s32 $0x5A00  }
0x299: {  	[tilespmem:s0], [sflag:$0x1] =	stream.indirect_vreg.gather [hbm4b:s9+s2], $0x80, v4, vm0, $0xb8;
	[tilespmem:$0x12200] =	vst v63  }
0x29a: {  	s17 =	rddreg [dreg:$0x11]  }
0x29b: {  	[hbm4b:s17+s2] =	stream.linear.scatter [tilespmem:s12], [sflag:$0x2], $0x6000, $0x38;
	[tilespmem:$0x12200] =	vst v63  }
0x29c: {  	_ =	swait.ge [sflag:s14], $0x6000  }
0x29d: {  	[sflag:s14] =	ssyncset.done $0x0  }
0x29e: {  	[sflag:s14] =	ssyncadd.s32 $0xFFFFA000  }
0x29f: {  	_ =	swait.ge [sflag:s16], $0x6000  }
0x2a0: {  	[sflag:s16] =	ssyncset.done $0x0  }
0x2a1: {  	[sflag:s16] =	ssyncadd.s32 $0xFFFFA000  }
0x2a2: {  	v4 =	vld [tilespmem:$0x100];
	_ =	sdelay $0x4  }
0x2a3: {  	v5 =	vshrl.u32 v4, $0x3  }
0x2a4: {  	v5 =	vmul.u32 $0x60, v5  }
0x2a5: {  	v4 =	vand.u32 $0x7, v4  }
0x2a6: {  	v4 =	vor.u32 v4, v5  }
0x2a7: {  	v5 =	vperm.xlane v4, v1;
	_ =	sdelay $0x1  }
0x2a8: {  	v5 =	vadd.s32 v2, v5;
	_ =	sdelay $0x4  }
0x2a9: {  	[tilespmem:s12], [sflag:$0x1] =	stream.indirect_vreg.gather [hbm4b:s4+s2], $0x80, v5, vm0, $0xb8;
	[tilespmem:$0x12200] =	vst v63  }
0x2aa: {  	s1 =	simm.s32 $0x6A00  }
0x2ab: {  	[tilespmem:s1], [sflag:$0x1] =	stream.indirect_vreg.gather [hbm4b:s5+s2], $0x80, v5, vm0, $0xb8;
	[tilespmem:$0x12200] =	vst v63  }
0x2ac: {  	s0 =	simm.s32 $0x7200  }
0x2ad: {  	[tilespmem:s0], [sflag:$0x1] =	stream.indirect_vreg.gather [hbm4b:s6+s2], $0x80, v5, vm0, $0xb8;
	[tilespmem:$0x12200] =	vst v63  }
0x2ae: {  	v4 =	vperm.xlane v4, v3;
	s0 =	simm.s32 $0x7A00  }
0x2af: {  	[tilespmem:s0], [sflag:$0x1] =	stream.indirect_vreg.gather [hbm4b:s7+s2], $0x80, v5, vm0, $0xb8;
	[tilespmem:$0x12200] =	vst v63  }
0x2b0: {  	s10 =	simm.s32 $0x8200;
	v4 =	vadd.s32 v2, v4  }
0x2b1: {  	[tilespmem:s10], [sflag:$0x1] =	stream.indirect_vreg.gather [hbm4b:s8+s2], $0x80, v5, vm0, $0xb8;
	[tilespmem:$0x12200] =	vst v63  }
0x2b2: {  	s15 =	simm.s32 $0x8A00  }
0x2b3: {  	[tilespmem:s15], [sflag:$0x1] =	stream.indirect_vreg.gather [hbm4b:s9+s2], $0x80, v5, vm0, $0xb8;
	[tilespmem:$0x12200] =	vst v63  }
0x2b4: {  	s23 =	simm.s32 $0x9200  }
0x2b5: {  	[tilespmem:s23], [sflag:$0x1] =	stream.indirect_vreg.gather [hbm4b:s4+s2], $0x80, v4, vm0, $0xb8;
	[tilespmem:$0x12200] =	vst v63  }
0x2b6: {  	s25 =	simm.s32 $0x9A00  }
0x2b7: {  	[tilespmem:s25], [sflag:$0x1] =	stream.indirect_vreg.gather [hbm4b:s5+s2], $0x80, v4, vm0, $0xb8;
	[tilespmem:$0x12200] =	vst v63  }
0x2b8: {  	s26 =	simm.s32 $0xA200  }
0x2b9: {  	[tilespmem:s26], [sflag:$0x1] =	stream.indirect_vreg.gather [hbm4b:s6+s2], $0x80, v4, vm0, $0xb8;
	[tilespmem:$0x12200] =	vst v63  }
0x2ba: {  	s28 =	simm.s32 $0xAA00  }
0x2bb: {  	[tilespmem:s28], [sflag:$0x1] =	stream.indirect_vreg.gather [hbm4b:s7+s2], $0x80, v4, vm0, $0xb8;
	[tilespmem:$0x12200] =	vst v63  }
0x2bc: {  	s29 =	simm.s32 $0xB200  }
0x2bd: {  	[tilespmem:s29], [sflag:$0x1] =	stream.indirect_vreg.gather [hbm4b:s8+s2], $0x80, v4, vm0, $0xb8;
	[tilespmem:$0x12200] =	vst v63  }
0x2be: {  	s30 =	simm.s32 $0xBA00  }
0x2bf: {  	[tilespmem:s30], [sflag:$0x1] =	stream.indirect_vreg.gather [hbm4b:s9+s2], $0x80, v4, vm0, $0xb8;
	[tilespmem:$0x12200] =	vst v63  }
0x2c0: {  	s0 =	rddreg [dreg:$0x12]  }
0x2c1: {  	[hbm4b:s0+s2] =	stream.linear.scatter [tilespmem:s22], [sflag:$0x2], $0x6000, $0x38;
	[tilespmem:$0x12200] =	vst v63  }
0x2c2: {  	_ =	swait.ge [sflag:s14], $0x6000  }
0x2c3: {  	[sflag:s14] =	ssyncset.done $0x0  }
0x2c4: {  	[sflag:s14] =	ssyncadd.s32 $0xFFFFA000  }
0x2c5: {  	_ =	swait.ge [sflag:s16], $0x6000  }
0x2c6: {  	[sflag:s16] =	ssyncset.done $0x0  }
0x2c7: {  	[sflag:s16] =	ssyncadd.s32 $0xFFFFA000  }
0x2c8: {  	v4 =	vld [tilespmem:$0x110];
	_ =	sdelay $0x4  }
0x2c9: {  	v5 =	vshrl.u32 v4, $0x3  }
0x2ca: {  	v5 =	vmul.u32 $0x60, v5  }
0x2cb: {  	v4 =	vand.u32 $0x7, v4  }
0x2cc: {  	v4 =	vor.u32 v4, v5  }
0x2cd: {  	v5 =	vperm.xlane v4, v1;
	_ =	sdelay $0x1  }
0x2ce: {  	v5 =	vadd.s32 v2, v5;
	_ =	sdelay $0x4  }
0x2cf: {  	[tilespmem:s22], [sflag:$0x1] =	stream.indirect_vreg.gather [hbm4b:s4+s2], $0x80, v5, vm0, $0xb8;
	[tilespmem:$0x12200] =	vst v63  }
0x2d0: {  	s17 =	simm.s32 $0xCA00  }
0x2d1: {  	[tilespmem:s17], [sflag:$0x1] =	stream.indirect_vreg.gather [hbm4b:s5+s2], $0x80, v5, vm0, $0xb8;
	[tilespmem:$0x12200] =	vst v63  }
0x2d2: {  	s17 =	simm.s32 $0xD200  }
0x2d3: {  	[tilespmem:s17], [sflag:$0x1] =	stream.indirect_vreg.gather [hbm4b:s6+s2], $0x80, v5, vm0, $0xb8;
	[tilespmem:$0x12200] =	vst v63  }
0x2d4: {  	v4 =	vperm.xlane v4, v3;
	s17 =	simm.s32 $0xDA00  }
0x2d5: {  	[tilespmem:s17], [sflag:$0x1] =	stream.indirect_vreg.gather [hbm4b:s7+s2], $0x80, v5, vm0, $0xb8;
	[tilespmem:$0x12200] =	vst v63  }
0x2d6: {  	s31 =	simm.s32 $0xE200;
	v4 =	vadd.s32 v2, v4  }
0x2d7: {  	[tilespmem:s31], [sflag:$0x1] =	stream.indirect_vreg.gather [hbm4b:s8+s2], $0x80, v5, vm0, $0xb8;
	[tilespmem:$0x12200] =	vst v63  }
0x2d8: {  	s11 =	simm.s32 $0xEA00  }
0x2d9: {  	[tilespmem:s11], [sflag:$0x1] =	stream.indirect_vreg.gather [hbm4b:s9+s2], $0x80, v5, vm0, $0xb8;
	[tilespmem:$0x12200] =	vst v63  }
0x2da: {  	s13 =	simm.s32 $0xF200  }
0x2db: {  	[tilespmem:s13], [sflag:$0x1] =	stream.indirect_vreg.gather [hbm4b:s4+s2], $0x80, v4, vm0, $0xb8;
	[tilespmem:$0x12200] =	vst v63  }
0x2dc: {  	s18 =	simm.s32 $0xFA00  }
0x2dd: {  	[tilespmem:s18], [sflag:$0x1] =	stream.indirect_vreg.gather [hbm4b:s5+s2], $0x80, v4, vm0, $0xb8;
	[tilespmem:$0x12200] =	vst v63  }
0x2de: {  	s19 =	simm.s32 $0x10200  }
0x2df: {  	[tilespmem:s19], [sflag:$0x1] =	stream.indirect_vreg.gather [hbm4b:s6+s2], $0x80, v4, vm0, $0xb8;
	[tilespmem:$0x12200] =	vst v63  }
0x2e0: {  	s20 =	simm.s32 $0x10A00  }
0x2e1: {  	[tilespmem:s20], [sflag:$0x1] =	stream.indirect_vreg.gather [hbm4b:s7+s2], $0x80, v4, vm0, $0xb8;
	[tilespmem:$0x12200] =	vst v63  }
0x2e2: {  	s21 =	simm.s32 $0x11200  }
0x2e3: {  	[tilespmem:s21], [sflag:$0x1] =	stream.indirect_vreg.gather [hbm4b:s8+s2], $0x80, v4, vm0, $0xb8;
	[tilespmem:$0x12200] =	vst v63  }
0x2e4: {  	s0 =	simm.s32 $0x11A00  }
0x2e5: {  	[tilespmem:s0], [sflag:$0x1] =	stream.indirect_vreg.gather [hbm4b:s9+s2], $0x80, v4, vm0, $0xb8;
	[tilespmem:$0x12200] =	vst v63  }
0x2e6: {  	s17 =	rddreg [dreg:$0x13]  }
0x2e7: {  	[hbm4b:s17+s2] =	stream.linear.scatter [tilespmem:s24], [sflag:$0x2], $0x6000, $0x38;
	[tilespmem:$0x12200] =	vst v63  }
0x2e8: {  	_ =	swait.ge [sflag:s14], $0x6000  }
0x2e9: {  	[sflag:s14] =	ssyncset.done $0x0  }
0x2ea: {  	[sflag:s14] =	ssyncadd.s32 $0xFFFFA000  }
0x2eb: {  	_ =	swait.ge [sflag:s16], $0x6000  }
0x2ec: {  	[sflag:s16] =	ssyncset.done $0x0  }
0x2ed: {  	[sflag:s16] =	ssyncadd.s32 $0xFFFFA000  }
0x2ee: {  	v4 =	vld [tilespmem:$0x120];
	_ =	sdelay $0x4  }
0x2ef: {  	v5 =	vshrl.u32 v4, $0x3  }
0x2f0: {  	v5 =	vmul.u32 $0x60, v5  }
0x2f1: {  	v4 =	vand.u32 $0x7, v4  }
0x2f2: {  	v4 =	vor.u32 v4, v5  }
0x2f3: {  	v5 =	vperm.xlane v4, v1;
	_ =	sdelay $0x1  }
0x2f4: {  	v5 =	vadd.s32 v2, v5;
	_ =	sdelay $0x4  }
0x2f5: {  	[tilespmem:s24], [sflag:$0x1] =	stream.indirect_vreg.gather [hbm4b:s4+s2], $0x80, v5, vm0, $0xb8;
	[tilespmem:$0x12200] =	vst v63  }
0x2f6: {  	s17 =	simm.s32 $0xA00  }
0x2f7: {  	[tilespmem:s17], [sflag:$0x1] =	stream.indirect_vreg.gather [hbm4b:s5+s2], $0x80, v5, vm0, $0xb8;
	[tilespmem:$0x12200] =	vst v63  }
0x2f8: {  	s17 =	simm.s32 $0x1200  }
0x2f9: {  	[tilespmem:s17], [sflag:$0x1] =	stream.indirect_vreg.gather [hbm4b:s6+s2], $0x80, v5, vm0, $0xb8;
	[tilespmem:$0x12200] =	vst v63  }
0x2fa: {  	v4 =	vperm.xlane v4, v3;
	s17 =	simm.s32 $0x1A00  }
0x2fb: {  	[tilespmem:s17], [sflag:$0x1] =	stream.indirect_vreg.gather [hbm4b:s7+s2], $0x80, v5, vm0, $0xb8;
	[tilespmem:$0x12200] =	vst v63  }
0x2fc: {  	v4 =	vadd.s32 v2, v4;
	s17 =	simm.s32 $0x2200  }
0x2fd: {  	[tilespmem:s17], [sflag:$0x1] =	stream.indirect_vreg.gather [hbm4b:s8+s2], $0x80, v5, vm0, $0xb8;
	[tilespmem:$0x12200] =	vst v63  }
0x2fe: {  	s17 =	simm.s32 $0x2A00  }
0x2ff: {  	[tilespmem:s17], [sflag:$0x1] =	stream.indirect_vreg.gather [hbm4b:s9+s2], $0x80, v5, vm0, $0xb8;
	[tilespmem:$0x12200] =	vst v63  }
0x300: {  	s17 =	simm.s32 $0x3200  }
0x301: {  	[tilespmem:s17], [sflag:$0x1] =	stream.indirect_vreg.gather [hbm4b:s4+s2], $0x80, v4, vm0, $0xb8;
	[tilespmem:$0x12200] =	vst v63  }
0x302: {  	s17 =	simm.s32 $0x3A00  }
0x303: {  	[tilespmem:s17], [sflag:$0x1] =	stream.indirect_vreg.gather [hbm4b:s5+s2], $0x80, v4, vm0, $0xb8;
	[tilespmem:$0x12200] =	vst v63  }
0x304: {  	s17 =	simm.s32 $0x4200  }
0x305: {  	[tilespmem:s17], [sflag:$0x1] =	stream.indirect_vreg.gather [hbm4b:s6+s2], $0x80, v4, vm0, $0xb8;
	[tilespmem:$0x12200] =	vst v63  }
0x306: {  	s3 =	simm.s32 $0x4A00  }
0x307: {  	[tilespmem:s3], [sflag:$0x1] =	stream.indirect_vreg.gather [hbm4b:s7+s2], $0x80, v4, vm0, $0xb8;
	[tilespmem:$0x12200] =	vst v63  }
0x308: {  	s0 =	simm.s32 $0x5200  }
0x309: {  	[tilespmem:s0], [sflag:$0x1] =	stream.indirect_vreg.gather [hbm4b:s8+s2], $0x80, v4, vm0, $0xb8;
	[tilespmem:$0x12200] =	vst v63  }
0x30a: {  	s0 =	simm.s32 $0x5A00  }
0x30b: {  	[tilespmem:s0], [sflag:$0x1] =	stream.indirect_vreg.gather [hbm4b:s9+s2], $0x80, v4, vm0, $0xb8;
	[tilespmem:$0x12200] =	vst v63  }
0x30c: {  	s17 =	rddreg [dreg:$0x14]  }
0x30d: {  	[hbm4b:s17+s2] =	stream.linear.scatter [tilespmem:s12], [sflag:$0x2], $0x6000, $0x38;
	[tilespmem:$0x12200] =	vst v63  }
0x30e: {  	_ =	swait.ge [sflag:s14], $0x6000  }
0x30f: {  	[sflag:s14] =	ssyncset.done $0x0  }
0x310: {  	[sflag:s14] =	ssyncadd.s32 $0xFFFFA000  }
0x311: {  	_ =	swait.ge [sflag:s16], $0x6000  }
0x312: {  	[sflag:s16] =	ssyncset.done $0x0  }
0x313: {  	[sflag:s16] =	ssyncadd.s32 $0xFFFFA000  }
0x314: {  	v4 =	vld [tilespmem:$0x130];
	_ =	sdelay $0x4  }
0x315: {  	v5 =	vshrl.u32 v4, $0x3  }
0x316: {  	v5 =	vmul.u32 $0x60, v5  }
0x317: {  	v4 =	vand.u32 $0x7, v4  }
0x318: {  	v4 =	vor.u32 v4, v5  }
0x319: {  	v5 =	vperm.xlane v4, v1;
	_ =	sdelay $0x1  }
0x31a: {  	v5 =	vadd.s32 v2, v5;
	_ =	sdelay $0x4  }
0x31b: {  	[tilespmem:s12], [sflag:$0x1] =	stream.indirect_vreg.gather [hbm4b:s4+s2], $0x80, v5, vm0, $0xb8;
	[tilespmem:$0x12200] =	vst v63  }
0x31c: {  	s1 =	simm.s32 $0x6A00  }
0x31d: {  	[tilespmem:s1], [sflag:$0x1] =	stream.indirect_vreg.gather [hbm4b:s5+s2], $0x80, v5, vm0, $0xb8;
	[tilespmem:$0x12200] =	vst v63  }
0x31e: {  	s0 =	simm.s32 $0x7200  }
0x31f: {  	[tilespmem:s0], [sflag:$0x1] =	stream.indirect_vreg.gather [hbm4b:s6+s2], $0x80, v5, vm0, $0xb8;
	[tilespmem:$0x12200] =	vst v63  }
0x320: {  	v4 =	vperm.xlane v4, v3;
	s0 =	simm.s32 $0x7A00  }
0x321: {  	[tilespmem:s0], [sflag:$0x1] =	stream.indirect_vreg.gather [hbm4b:s7+s2], $0x80, v5, vm0, $0xb8;
	[tilespmem:$0x12200] =	vst v63  }
0x322: {  	s10 =	simm.s32 $0x8200;
	v4 =	vadd.s32 v2, v4  }
0x323: {  	[tilespmem:s10], [sflag:$0x1] =	stream.indirect_vreg.gather [hbm4b:s8+s2], $0x80, v5, vm0, $0xb8;
	[tilespmem:$0x12200] =	vst v63  }
0x324: {  	s15 =	simm.s32 $0x8A00  }
0x325: {  	[tilespmem:s15], [sflag:$0x1] =	stream.indirect_vreg.gather [hbm4b:s9+s2], $0x80, v5, vm0, $0xb8;
	[tilespmem:$0x12200] =	vst v63  }
0x326: {  	s23 =	simm.s32 $0x9200  }
0x327: {  	[tilespmem:s23], [sflag:$0x1] =	stream.indirect_vreg.gather [hbm4b:s4+s2], $0x80, v4, vm0, $0xb8;
	[tilespmem:$0x12200] =	vst v63  }
0x328: {  	s25 =	simm.s32 $0x9A00  }
0x329: {  	[tilespmem:s25], [sflag:$0x1] =	stream.indirect_vreg.gather [hbm4b:s5+s2], $0x80, v4, vm0, $0xb8;
	[tilespmem:$0x12200] =	vst v63  }
0x32a: {  	s26 =	simm.s32 $0xA200  }
0x32b: {  	[tilespmem:s26], [sflag:$0x1] =	stream.indirect_vreg.gather [hbm4b:s6+s2], $0x80, v4, vm0, $0xb8;
	[tilespmem:$0x12200] =	vst v63  }
0x32c: {  	s28 =	simm.s32 $0xAA00  }
0x32d: {  	[tilespmem:s28], [sflag:$0x1] =	stream.indirect_vreg.gather [hbm4b:s7+s2], $0x80, v4, vm0, $0xb8;
	[tilespmem:$0x12200] =	vst v63  }
0x32e: {  	s29 =	simm.s32 $0xB200  }
0x32f: {  	[tilespmem:s29], [sflag:$0x1] =	stream.indirect_vreg.gather [hbm4b:s8+s2], $0x80, v4, vm0, $0xb8;
	[tilespmem:$0x12200] =	vst v63  }
0x330: {  	s30 =	simm.s32 $0xBA00  }
0x331: {  	[tilespmem:s30], [sflag:$0x1] =	stream.indirect_vreg.gather [hbm4b:s9+s2], $0x80, v4, vm0, $0xb8;
	[tilespmem:$0x12200] =	vst v63  }
0x332: {  	s0 =	rddreg [dreg:$0x15]  }
0x333: {  	[hbm4b:s0+s2] =	stream.linear.scatter [tilespmem:s22], [sflag:$0x2], $0x6000, $0x38;
	[tilespmem:$0x12200] =	vst v63  }
0x334: {  	_ =	swait.ge [sflag:s14], $0x6000  }
0x335: {  	[sflag:s14] =	ssyncset.done $0x0  }
0x336: {  	[sflag:s14] =	ssyncadd.s32 $0xFFFFA000  }
0x337: {  	_ =	swait.ge [sflag:s16], $0x6000  }
0x338: {  	[sflag:s16] =	ssyncset.done $0x0  }
0x339: {  	[sflag:s16] =	ssyncadd.s32 $0xFFFFA000  }
0x33a: {  	v4 =	vld [tilespmem:$0x140];
	_ =	sdelay $0x4  }
0x33b: {  	v5 =	vshrl.u32 v4, $0x3  }
0x33c: {  	v5 =	vmul.u32 $0x60, v5  }
0x33d: {  	v4 =	vand.u32 $0x7, v4  }
0x33e: {  	v4 =	vor.u32 v4, v5  }
0x33f: {  	v5 =	vperm.xlane v4, v1;
	_ =	sdelay $0x1  }
0x340: {  	v5 =	vadd.s32 v2, v5;
	_ =	sdelay $0x4  }
0x341: {  	[tilespmem:s22], [sflag:$0x1] =	stream.indirect_vreg.gather [hbm4b:s4+s2], $0x80, v5, vm0, $0xb8;
	[tilespmem:$0x12200] =	vst v63  }
0x342: {  	s17 =	simm.s32 $0xCA00  }
0x343: {  	[tilespmem:s17], [sflag:$0x1] =	stream.indirect_vreg.gather [hbm4b:s5+s2], $0x80, v5, vm0, $0xb8;
	[tilespmem:$0x12200] =	vst v63  }
0x344: {  	s17 =	simm.s32 $0xD200  }
0x345: {  	[tilespmem:s17], [sflag:$0x1] =	stream.indirect_vreg.gather [hbm4b:s6+s2], $0x80, v5, vm0, $0xb8;
	[tilespmem:$0x12200] =	vst v63  }
0x346: {  	v4 =	vperm.xlane v4, v3;
	s17 =	simm.s32 $0xDA00  }
0x347: {  	[tilespmem:s17], [sflag:$0x1] =	stream.indirect_vreg.gather [hbm4b:s7+s2], $0x80, v5, vm0, $0xb8;
	[tilespmem:$0x12200] =	vst v63  }
0x348: {  	s31 =	simm.s32 $0xE200;
	v4 =	vadd.s32 v2, v4  }
0x349: {  	[tilespmem:s31], [sflag:$0x1] =	stream.indirect_vreg.gather [hbm4b:s8+s2], $0x80, v5, vm0, $0xb8;
	[tilespmem:$0x12200] =	vst v63  }
0x34a: {  	s11 =	simm.s32 $0xEA00  }
0x34b: {  	[tilespmem:s11], [sflag:$0x1] =	stream.indirect_vreg.gather [hbm4b:s9+s2], $0x80, v5, vm0, $0xb8;
	[tilespmem:$0x12200] =	vst v63  }
0x34c: {  	s13 =	simm.s32 $0xF200  }
0x34d: {  	[tilespmem:s13], [sflag:$0x1] =	stream.indirect_vreg.gather [hbm4b:s4+s2], $0x80, v4, vm0, $0xb8;
	[tilespmem:$0x12200] =	vst v63  }
0x34e: {  	s18 =	simm.s32 $0xFA00  }
0x34f: {  	[tilespmem:s18], [sflag:$0x1] =	stream.indirect_vreg.gather [hbm4b:s5+s2], $0x80, v4, vm0, $0xb8;
	[tilespmem:$0x12200] =	vst v63  }
0x350: {  	s19 =	simm.s32 $0x10200  }
0x351: {  	[tilespmem:s19], [sflag:$0x1] =	stream.indirect_vreg.gather [hbm4b:s6+s2], $0x80, v4, vm0, $0xb8;
	[tilespmem:$0x12200] =	vst v63  }
0x352: {  	s20 =	simm.s32 $0x10A00  }
0x353: {  	[tilespmem:s20], [sflag:$0x1] =	stream.indirect_vreg.gather [hbm4b:s7+s2], $0x80, v4, vm0, $0xb8;
	[tilespmem:$0x12200] =	vst v63  }
0x354: {  	s21 =	simm.s32 $0x11200  }
0x355: {  	[tilespmem:s21], [sflag:$0x1] =	stream.indirect_vreg.gather [hbm4b:s8+s2], $0x80, v4, vm0, $0xb8;
	[tilespmem:$0x12200] =	vst v63  }
0x356: {  	s0 =	simm.s32 $0x11A00  }
0x357: {  	[tilespmem:s0], [sflag:$0x1] =	stream.indirect_vreg.gather [hbm4b:s9+s2], $0x80, v4, vm0, $0xb8;
	[tilespmem:$0x12200] =	vst v63  }
0x358: {  	s17 =	rddreg [dreg:$0x16]  }
0x359: {  	[hbm4b:s17+s2] =	stream.linear.scatter [tilespmem:s24], [sflag:$0x2], $0x6000, $0x38;
	[tilespmem:$0x12200] =	vst v63  }
0x35a: {  	_ =	swait.ge [sflag:s14], $0x6000  }
0x35b: {  	[sflag:s14] =	ssyncset.done $0x0  }
0x35c: {  	[sflag:s14] =	ssyncadd.s32 $0xFFFFA000  }
0x35d: {  	_ =	swait.ge [sflag:s16], $0x6000  }
0x35e: {  	[sflag:s16] =	ssyncset.done $0x0  }
0x35f: {  	[sflag:s16] =	ssyncadd.s32 $0xFFFFA000  }
0x360: {  	v4 =	vld [tilespmem:$0x150];
	_ =	sdelay $0x4  }
0x361: {  	v5 =	vshrl.u32 v4, $0x3  }
0x362: {  	v5 =	vmul.u32 $0x60, v5  }
0x363: {  	v4 =	vand.u32 $0x7, v4  }
0x364: {  	v4 =	vor.u32 v4, v5  }
0x365: {  	v5 =	vperm.xlane v4, v1;
	_ =	sdelay $0x1  }
0x366: {  	v5 =	vadd.s32 v2, v5;
	_ =	sdelay $0x4  }
0x367: {  	[tilespmem:s24], [sflag:$0x1] =	stream.indirect_vreg.gather [hbm4b:s4+s2], $0x80, v5, vm0, $0xb8;
	[tilespmem:$0x12200] =	vst v63  }
0x368: {  	s17 =	simm.s32 $0xA00  }
0x369: {  	[tilespmem:s17], [sflag:$0x1] =	stream.indirect_vreg.gather [hbm4b:s5+s2], $0x80, v5, vm0, $0xb8;
	[tilespmem:$0x12200] =	vst v63  }
0x36a: {  	s17 =	simm.s32 $0x1200  }
0x36b: {  	[tilespmem:s17], [sflag:$0x1] =	stream.indirect_vreg.gather [hbm4b:s6+s2], $0x80, v5, vm0, $0xb8;
	[tilespmem:$0x12200] =	vst v63  }
0x36c: {  	v4 =	vperm.xlane v4, v3;
	s17 =	simm.s32 $0x1A00  }
0x36d: {  	[tilespmem:s17], [sflag:$0x1] =	stream.indirect_vreg.gather [hbm4b:s7+s2], $0x80, v5, vm0, $0xb8;
	[tilespmem:$0x12200] =	vst v63  }
0x36e: {  	v4 =	vadd.s32 v2, v4;
	s17 =	simm.s32 $0x2200  }
0x36f: {  	[tilespmem:s17], [sflag:$0x1] =	stream.indirect_vreg.gather [hbm4b:s8+s2], $0x80, v5, vm0, $0xb8;
	[tilespmem:$0x12200] =	vst v63  }
0x370: {  	s17 =	simm.s32 $0x2A00  }
0x371: {  	[tilespmem:s17], [sflag:$0x1] =	stream.indirect_vreg.gather [hbm4b:s9+s2], $0x80, v5, vm0, $0xb8;
	[tilespmem:$0x12200] =	vst v63  }
0x372: {  	s17 =	simm.s32 $0x3200  }
0x373: {  	[tilespmem:s17], [sflag:$0x1] =	stream.indirect_vreg.gather [hbm4b:s4+s2], $0x80, v4, vm0, $0xb8;
	[tilespmem:$0x12200] =	vst v63  }
0x374: {  	s17 =	simm.s32 $0x3A00  }
0x375: {  	[tilespmem:s17], [sflag:$0x1] =	stream.indirect_vreg.gather [hbm4b:s5+s2], $0x80, v4, vm0, $0xb8;
	[tilespmem:$0x12200] =	vst v63  }
0x376: {  	s17 =	simm.s32 $0x4200  }
0x377: {  	[tilespmem:s17], [sflag:$0x1] =	stream.indirect_vreg.gather [hbm4b:s6+s2], $0x80, v4, vm0, $0xb8;
	[tilespmem:$0x12200] =	vst v63  }
0x378: {  	s3 =	simm.s32 $0x4A00  }
0x379: {  	[tilespmem:s3], [sflag:$0x1] =	stream.indirect_vreg.gather [hbm4b:s7+s2], $0x80, v4, vm0, $0xb8;
	[tilespmem:$0x12200] =	vst v63  }
0x37a: {  	s0 =	simm.s32 $0x5200  }
0x37b: {  	[tilespmem:s0], [sflag:$0x1] =	stream.indirect_vreg.gather [hbm4b:s8+s2], $0x80, v4, vm0, $0xb8;
	[tilespmem:$0x12200] =	vst v63  }
0x37c: {  	s0 =	simm.s32 $0x5A00  }
0x37d: {  	[tilespmem:s0], [sflag:$0x1] =	stream.indirect_vreg.gather [hbm4b:s9+s2], $0x80, v4, vm0, $0xb8;
	[tilespmem:$0x12200] =	vst v63  }
0x37e: {  	s17 =	rddreg [dreg:$0x17]  }
0x37f: {  	[hbm4b:s17+s2] =	stream.linear.scatter [tilespmem:s12], [sflag:$0x2], $0x6000, $0x38;
	[tilespmem:$0x12200] =	vst v63  }
0x380: {  	_ =	swait.ge [sflag:s14], $0x6000  }
0x381: {  	[sflag:s14] =	ssyncset.done $0x0  }
0x382: {  	[sflag:s14] =	ssyncadd.s32 $0xFFFFA000  }
0x383: {  	_ =	swait.ge [sflag:s16], $0x6000  }
0x384: {  	[sflag:s16] =	ssyncset.done $0x0  }
0x385: {  	[sflag:s16] =	ssyncadd.s32 $0xFFFFA000  }
0x386: {  	v4 =	vld [tilespmem:$0x160];
	_ =	sdelay $0x4  }
0x387: {  	v5 =	vshrl.u32 v4, $0x3  }
0x388: {  	v5 =	vmul.u32 $0x60, v5  }
0x389: {  	v4 =	vand.u32 $0x7, v4  }
0x38a: {  	v4 =	vor.u32 v4, v5  }
0x38b: {  	v5 =	vperm.xlane v4, v1;
	_ =	sdelay $0x1  }
0x38c: {  	v5 =	vadd.s32 v2, v5;
	_ =	sdelay $0x4  }
0x38d: {  	[tilespmem:s12], [sflag:$0x1] =	stream.indirect_vreg.gather [hbm4b:s4+s2], $0x80, v5, vm0, $0xb8;
	[tilespmem:$0x12200] =	vst v63  }
0x38e: {  	s1 =	simm.s32 $0x6A00  }
0x38f: {  	[tilespmem:s1], [sflag:$0x1] =	stream.indirect_vreg.gather [hbm4b:s5+s2], $0x80, v5, vm0, $0xb8;
	[tilespmem:$0x12200] =	vst v63  }
0x390: {  	s0 =	simm.s32 $0x7200  }
0x391: {  	[tilespmem:s0], [sflag:$0x1] =	stream.indirect_vreg.gather [hbm4b:s6+s2], $0x80, v5, vm0, $0xb8;
	[tilespmem:$0x12200] =	vst v63  }
0x392: {  	v4 =	vperm.xlane v4, v3;
	s0 =	simm.s32 $0x7A00  }
0x393: {  	[tilespmem:s0], [sflag:$0x1] =	stream.indirect_vreg.gather [hbm4b:s7+s2], $0x80, v5, vm0, $0xb8;
	[tilespmem:$0x12200] =	vst v63  }
0x394: {  	s10 =	simm.s32 $0x8200;
	v4 =	vadd.s32 v2, v4  }
0x395: {  	[tilespmem:s10], [sflag:$0x1] =	stream.indirect_vreg.gather [hbm4b:s8+s2], $0x80, v5, vm0, $0xb8;
	[tilespmem:$0x12200] =	vst v63  }
0x396: {  	s15 =	simm.s32 $0x8A00  }
0x397: {  	[tilespmem:s15], [sflag:$0x1] =	stream.indirect_vreg.gather [hbm4b:s9+s2], $0x80, v5, vm0, $0xb8;
	[tilespmem:$0x12200] =	vst v63  }
0x398: {  	s23 =	simm.s32 $0x9200  }
0x399: {  	[tilespmem:s23], [sflag:$0x1] =	stream.indirect_vreg.gather [hbm4b:s4+s2], $0x80, v4, vm0, $0xb8;
	[tilespmem:$0x12200] =	vst v63  }
0x39a: {  	s25 =	simm.s32 $0x9A00  }
0x39b: {  	[tilespmem:s25], [sflag:$0x1] =	stream.indirect_vreg.gather [hbm4b:s5+s2], $0x80, v4, vm0, $0xb8;
	[tilespmem:$0x12200] =	vst v63  }
0x39c: {  	s26 =	simm.s32 $0xA200  }
0x39d: {  	[tilespmem:s26], [sflag:$0x1] =	stream.indirect_vreg.gather [hbm4b:s6+s2], $0x80, v4, vm0, $0xb8;
	[tilespmem:$0x12200] =	vst v63  }
0x39e: {  	s28 =	simm.s32 $0xAA00  }
0x39f: {  	[tilespmem:s28], [sflag:$0x1] =	stream.indirect_vreg.gather [hbm4b:s7+s2], $0x80, v4, vm0, $0xb8;
	[tilespmem:$0x12200] =	vst v63  }
0x3a0: {  	s29 =	simm.s32 $0xB200  }
0x3a1: {  	[tilespmem:s29], [sflag:$0x1] =	stream.indirect_vreg.gather [hbm4b:s8+s2], $0x80, v4, vm0, $0xb8;
	[tilespmem:$0x12200] =	vst v63  }
0x3a2: {  	s30 =	simm.s32 $0xBA00  }
0x3a3: {  	[tilespmem:s30], [sflag:$0x1] =	stream.indirect_vreg.gather [hbm4b:s9+s2], $0x80, v4, vm0, $0xb8;
	[tilespmem:$0x12200] =	vst v63  }
0x3a4: {  	s0 =	rddreg [dreg:$0x18]  }
0x3a5: {  	[hbm4b:s0+s2] =	stream.linear.scatter [tilespmem:s22], [sflag:$0x2], $0x6000, $0x38;
	[tilespmem:$0x12200] =	vst v63  }
0x3a6: {  	_ =	swait.ge [sflag:s14], $0x6000  }
0x3a7: {  	[sflag:s14] =	ssyncset.done $0x0  }
0x3a8: {  	[sflag:s14] =	ssyncadd.s32 $0xFFFFA000  }
0x3a9: {  	_ =	swait.ge [sflag:s16], $0x6000  }
0x3aa: {  	[sflag:s16] =	ssyncset.done $0x0  }
0x3ab: {  	[sflag:s16] =	ssyncadd.s32 $0xFFFFA000  }
0x3ac: {  	v4 =	vld [tilespmem:$0x170];
	_ =	sdelay $0x4  }
0x3ad: {  	v5 =	vshrl.u32 v4, $0x3  }
0x3ae: {  	v5 =	vmul.u32 $0x60, v5  }
0x3af: {  	v4 =	vand.u32 $0x7, v4  }
0x3b0: {  	v4 =	vor.u32 v4, v5  }
0x3b1: {  	v5 =	vperm.xlane v4, v1;
	_ =	sdelay $0x1  }
0x3b2: {  	v5 =	vadd.s32 v2, v5;
	_ =	sdelay $0x4  }
0x3b3: {  	[tilespmem:s22], [sflag:$0x1] =	stream.indirect_vreg.gather [hbm4b:s4+s2], $0x80, v5, vm0, $0xb8;
	[tilespmem:$0x12200] =	vst v63  }
0x3b4: {  	s17 =	simm.s32 $0xCA00  }
0x3b5: {  	[tilespmem:s17], [sflag:$0x1] =	stream.indirect_vreg.gather [hbm4b:s5+s2], $0x80, v5, vm0, $0xb8;
	[tilespmem:$0x12200] =	vst v63  }
0x3b6: {  	s17 =	simm.s32 $0xD200  }
0x3b7: {  	[tilespmem:s17], [sflag:$0x1] =	stream.indirect_vreg.gather [hbm4b:s6+s2], $0x80, v5, vm0, $0xb8;
	[tilespmem:$0x12200] =	vst v63  }
0x3b8: {  	v4 =	vperm.xlane v4, v3;
	s17 =	simm.s32 $0xDA00  }
0x3b9: {  	[tilespmem:s17], [sflag:$0x1] =	stream.indirect_vreg.gather [hbm4b:s7+s2], $0x80, v5, vm0, $0xb8;
	[tilespmem:$0x12200] =	vst v63  }
0x3ba: {  	s31 =	simm.s32 $0xE200;
	v4 =	vadd.s32 v2, v4  }
0x3bb: {  	[tilespmem:s31], [sflag:$0x1] =	stream.indirect_vreg.gather [hbm4b:s8+s2], $0x80, v5, vm0, $0xb8;
	[tilespmem:$0x12200] =	vst v63  }
0x3bc: {  	s11 =	simm.s32 $0xEA00  }
0x3bd: {  	[tilespmem:s11], [sflag:$0x1] =	stream.indirect_vreg.gather [hbm4b:s9+s2], $0x80, v5, vm0, $0xb8;
	[tilespmem:$0x12200] =	vst v63  }
0x3be: {  	s13 =	simm.s32 $0xF200  }
0x3bf: {  	[tilespmem:s13], [sflag:$0x1] =	stream.indirect_vreg.gather [hbm4b:s4+s2], $0x80, v4, vm0, $0xb8;
	[tilespmem:$0x12200] =	vst v63  }
0x3c0: {  	s18 =	simm.s32 $0xFA00  }
0x3c1: {  	[tilespmem:s18], [sflag:$0x1] =	stream.indirect_vreg.gather [hbm4b:s5+s2], $0x80, v4, vm0, $0xb8;
	[tilespmem:$0x12200] =	vst v63  }
0x3c2: {  	s19 =	simm.s32 $0x10200  }
0x3c3: {  	[tilespmem:s19], [sflag:$0x1] =	stream.indirect_vreg.gather [hbm4b:s6+s2], $0x80, v4, vm0, $0xb8;
	[tilespmem:$0x12200] =	vst v63  }
0x3c4: {  	s20 =	simm.s32 $0x10A00  }
0x3c5: {  	[tilespmem:s20], [sflag:$0x1] =	stream.indirect_vreg.gather [hbm4b:s7+s2], $0x80, v4, vm0, $0xb8;
	[tilespmem:$0x12200] =	vst v63  }
0x3c6: {  	s21 =	simm.s32 $0x11200  }
0x3c7: {  	[tilespmem:s21], [sflag:$0x1] =	stream.indirect_vreg.gather [hbm4b:s8+s2], $0x80, v4, vm0, $0xb8;
	[tilespmem:$0x12200] =	vst v63  }
0x3c8: {  	s0 =	simm.s32 $0x11A00  }
0x3c9: {  	[tilespmem:s0], [sflag:$0x1] =	stream.indirect_vreg.gather [hbm4b:s9+s2], $0x80, v4, vm0, $0xb8;
	[tilespmem:$0x12200] =	vst v63  }
0x3ca: {  	s17 =	rddreg [dreg:$0x19]  }
0x3cb: {  	[hbm4b:s17+s2] =	stream.linear.scatter [tilespmem:s24], [sflag:$0x2], $0x6000, $0x38;
	[tilespmem:$0x12200] =	vst v63  }
0x3cc: {  	_ =	swait.ge [sflag:s14], $0x6000  }
0x3cd: {  	[sflag:s14] =	ssyncset.done $0x0  }
0x3ce: {  	[sflag:s14] =	ssyncadd.s32 $0xFFFFA000  }
0x3cf: {  	_ =	swait.ge [sflag:s16], $0x6000  }
0x3d0: {  	[sflag:s16] =	ssyncset.done $0x0  }
0x3d1: {  	[sflag:s16] =	ssyncadd.s32 $0xFFFFA000  }
0x3d2: {  	v4 =	vld [tilespmem:$0x180];
	_ =	sdelay $0x4  }
0x3d3: {  	v5 =	vshrl.u32 v4, $0x3  }
0x3d4: {  	v5 =	vmul.u32 $0x60, v5  }
0x3d5: {  	v4 =	vand.u32 $0x7, v4  }
0x3d6: {  	v4 =	vor.u32 v4, v5  }
0x3d7: {  	v5 =	vperm.xlane v4, v1;
	_ =	sdelay $0x1  }
0x3d8: {  	v5 =	vadd.s32 v2, v5;
	_ =	sdelay $0x4  }
0x3d9: {  	[tilespmem:s24], [sflag:$0x1] =	stream.indirect_vreg.gather [hbm4b:s4+s2], $0x80, v5, vm0, $0xb8;
	[tilespmem:$0x12200] =	vst v63  }
0x3da: {  	s17 =	simm.s32 $0xA00  }
0x3db: {  	[tilespmem:s17], [sflag:$0x1] =	stream.indirect_vreg.gather [hbm4b:s5+s2], $0x80, v5, vm0, $0xb8;
	[tilespmem:$0x12200] =	vst v63  }
0x3dc: {  	s17 =	simm.s32 $0x1200  }
0x3dd: {  	[tilespmem:s17], [sflag:$0x1] =	stream.indirect_vreg.gather [hbm4b:s6+s2], $0x80, v5, vm0, $0xb8;
	[tilespmem:$0x12200] =	vst v63  }
0x3de: {  	v4 =	vperm.xlane v4, v3;
	s17 =	simm.s32 $0x1A00  }
0x3df: {  	[tilespmem:s17], [sflag:$0x1] =	stream.indirect_vreg.gather [hbm4b:s7+s2], $0x80, v5, vm0, $0xb8;
	[tilespmem:$0x12200] =	vst v63  }
0x3e0: {  	v4 =	vadd.s32 v2, v4;
	s17 =	simm.s32 $0x2200  }
0x3e1: {  	[tilespmem:s17], [sflag:$0x1] =	stream.indirect_vreg.gather [hbm4b:s8+s2], $0x80, v5, vm0, $0xb8;
	[tilespmem:$0x12200] =	vst v63  }
0x3e2: {  	s17 =	simm.s32 $0x2A00  }
0x3e3: {  	[tilespmem:s17], [sflag:$0x1] =	stream.indirect_vreg.gather [hbm4b:s9+s2], $0x80, v5, vm0, $0xb8;
	[tilespmem:$0x12200] =	vst v63  }
0x3e4: {  	s17 =	simm.s32 $0x3200  }
0x3e5: {  	[tilespmem:s17], [sflag:$0x1] =	stream.indirect_vreg.gather [hbm4b:s4+s2], $0x80, v4, vm0, $0xb8;
	[tilespmem:$0x12200] =	vst v63  }
0x3e6: {  	s17 =	simm.s32 $0x3A00  }
0x3e7: {  	[tilespmem:s17], [sflag:$0x1] =	stream.indirect_vreg.gather [hbm4b:s5+s2], $0x80, v4, vm0, $0xb8;
	[tilespmem:$0x12200] =	vst v63  }
0x3e8: {  	s17 =	simm.s32 $0x4200  }
0x3e9: {  	[tilespmem:s17], [sflag:$0x1] =	stream.indirect_vreg.gather [hbm4b:s6+s2], $0x80, v4, vm0, $0xb8;
	[tilespmem:$0x12200] =	vst v63  }
0x3ea: {  	s3 =	simm.s32 $0x4A00  }
0x3eb: {  	[tilespmem:s3], [sflag:$0x1] =	stream.indirect_vreg.gather [hbm4b:s7+s2], $0x80, v4, vm0, $0xb8;
	[tilespmem:$0x12200] =	vst v63  }
0x3ec: {  	s17 =	simm.s32 $0x5200  }
0x3ed: {  	[tilespmem:s17], [sflag:$0x1] =	stream.indirect_vreg.gather [hbm4b:s8+s2], $0x80, v4, vm0, $0xb8;
	[tilespmem:$0x12200] =	vst v63  }
0x3ee: {  	s3 =	simm.s32 $0x5A00  }
0x3ef: {  	[tilespmem:s3], [sflag:$0x1] =	stream.indirect_vreg.gather [hbm4b:s9+s2], $0x80, v4, vm0, $0xb8;
	[tilespmem:$0x12200] =	vst v63  }
0x3f0: {  	s17 =	rddreg [dreg:$0x1a]  }
0x3f1: {  	[hbm4b:s17+s2] =	stream.linear.scatter [tilespmem:s12], [sflag:$0x2], $0x6000, $0x38;
	[tilespmem:$0x12200] =	vst v63  }
0x3f2: {  	_ =	swait.ge [sflag:s14], $0x6000  }
0x3f3: {  	[sflag:s14] =	ssyncset.done $0x0  }
0x3f4: {  	[sflag:s14] =	ssyncadd.s32 $0xFFFFA000  }
0x3f5: {  	_ =	swait.ge [sflag:s16], $0x6000  }
0x3f6: {  	[sflag:s16] =	ssyncset.done $0x0  }
0x3f7: {  	[sflag:s16] =	ssyncadd.s32 $0xFFFFA000  }
0x3f8: {  	v4 =	vld [tilespmem:$0x190];
	_ =	sdelay $0x4  }
0x3f9: {  	v5 =	vshrl.u32 v4, $0x3  }
0x3fa: {  	v5 =	vmul.u32 $0x60, v5  }
0x3fb: {  	v4 =	vand.u32 $0x7, v4  }
0x3fc: {  	v4 =	vor.u32 v4, v5  }
0x3fd: {  	v5 =	vperm.xlane v4, v1;
	_ =	sdelay $0x1  }
0x3fe: {  	v5 =	vadd.s32 v2, v5;
	_ =	sdelay $0x4  }
0x3ff: {  	[tilespmem:s12], [sflag:$0x1] =	stream.indirect_vreg.gather [hbm4b:s4+s2], $0x80, v5, vm0, $0xb8;
	[tilespmem:$0x12200] =	vst v63  }
0x400: {  	s1 =	simm.s32 $0x6A00  }
0x401: {  	[tilespmem:s1], [sflag:$0x1] =	stream.indirect_vreg.gather [hbm4b:s5+s2], $0x80, v5, vm0, $0xb8;
	[tilespmem:$0x12200] =	vst v63  }
0x402: {  	s17 =	simm.s32 $0x7200  }
0x403: {  	[tilespmem:s17], [sflag:$0x1] =	stream.indirect_vreg.gather [hbm4b:s6+s2], $0x80, v5, vm0, $0xb8;
	[tilespmem:$0x12200] =	vst v63  }
0x404: {  	v4 =	vperm.xlane v4, v3;
	s17 =	simm.s32 $0x7A00  }
0x405: {  	[tilespmem:s17], [sflag:$0x1] =	stream.indirect_vreg.gather [hbm4b:s7+s2], $0x80, v5, vm0, $0xb8;
	[tilespmem:$0x12200] =	vst v63  }
0x406: {  	s10 =	simm.s32 $0x8200;
	v4 =	vadd.s32 v2, v4  }
0x407: {  	[tilespmem:s10], [sflag:$0x1] =	stream.indirect_vreg.gather [hbm4b:s8+s2], $0x80, v5, vm0, $0xb8;
	[tilespmem:$0x12200] =	vst v63  }
0x408: {  	s15 =	simm.s32 $0x8A00  }
0x409: {  	[tilespmem:s15], [sflag:$0x1] =	stream.indirect_vreg.gather [hbm4b:s9+s2], $0x80, v5, vm0, $0xb8;
	[tilespmem:$0x12200] =	vst v63  }
0x40a: {  	s23 =	simm.s32 $0x9200  }
0x40b: {  	[tilespmem:s23], [sflag:$0x1] =	stream.indirect_vreg.gather [hbm4b:s4+s2], $0x80, v4, vm0, $0xb8;
	[tilespmem:$0x12200] =	vst v63  }
0x40c: {  	s25 =	simm.s32 $0x9A00  }
0x40d: {  	[tilespmem:s25], [sflag:$0x1] =	stream.indirect_vreg.gather [hbm4b:s5+s2], $0x80, v4, vm0, $0xb8;
	[tilespmem:$0x12200] =	vst v63  }
0x40e: {  	s26 =	simm.s32 $0xA200  }
0x40f: {  	[tilespmem:s26], [sflag:$0x1] =	stream.indirect_vreg.gather [hbm4b:s6+s2], $0x80, v4, vm0, $0xb8;
	[tilespmem:$0x12200] =	vst v63  }
0x410: {  	s28 =	simm.s32 $0xAA00  }
0x411: {  	[tilespmem:s28], [sflag:$0x1] =	stream.indirect_vreg.gather [hbm4b:s7+s2], $0x80, v4, vm0, $0xb8;
	[tilespmem:$0x12200] =	vst v63  }
0x412: {  	s29 =	simm.s32 $0xB200  }
0x413: {  	[tilespmem:s29], [sflag:$0x1] =	stream.indirect_vreg.gather [hbm4b:s8+s2], $0x80, v4, vm0, $0xb8;
	[tilespmem:$0x12200] =	vst v63  }
0x414: {  	s30 =	simm.s32 $0xBA00  }
0x415: {  	[tilespmem:s30], [sflag:$0x1] =	stream.indirect_vreg.gather [hbm4b:s9+s2], $0x80, v4, vm0, $0xb8;
	[tilespmem:$0x12200] =	vst v63  }
0x416: {  	s15 =	rddreg [dreg:$0x1b]  }
0x417: {  	[hbm4b:s15+s2] =	stream.linear.scatter [tilespmem:s22], [sflag:$0x2], $0x6000, $0x38;
	[tilespmem:$0x12200] =	vst v63  }
0x418: {  	_ =	swait.ge [sflag:s14], $0x6000  }
0x419: {  	[sflag:s14] =	ssyncset.done $0x0  }
0x41a: {  	[sflag:s14] =	ssyncadd.s32 $0xFFFFA000  }
0x41b: {  	_ =	swait.ge [sflag:s16], $0x6000  }
0x41c: {  	[sflag:s16] =	ssyncset.done $0x0  }
0x41d: {  	[sflag:s16] =	ssyncadd.s32 $0xFFFFA000  }
0x41e: {  	v4 =	vld [tilespmem:$0x1A0];
	_ =	sdelay $0x4  }
0x41f: {  	v5 =	vshrl.u32 v4, $0x3  }
0x420: {  	v5 =	vmul.u32 $0x60, v5  }
0x421: {  	v4 =	vand.u32 $0x7, v4  }
0x422: {  	v4 =	vor.u32 v4, v5  }
0x423: {  	v5 =	vperm.xlane v4, v1;
	_ =	sdelay $0x1  }
0x424: {  	v5 =	vadd.s32 v2, v5;
	_ =	sdelay $0x4  }
0x425: {  	[tilespmem:s22], [sflag:$0x1] =	stream.indirect_vreg.gather [hbm4b:s4+s2], $0x80, v5, vm0, $0xb8;
	[tilespmem:$0x12200] =	vst v63  }
0x426: {  	s30 =	simm.s32 $0xCA00  }
0x427: {  	[tilespmem:s30], [sflag:$0x1] =	stream.indirect_vreg.gather [hbm4b:s5+s2], $0x80, v5, vm0, $0xb8;
	[tilespmem:$0x12200] =	vst v63  }
0x428: {  	s15 =	simm.s32 $0xD200  }
0x429: {  	[tilespmem:s15], [sflag:$0x1] =	stream.indirect_vreg.gather [hbm4b:s6+s2], $0x80, v5, vm0, $0xb8;
	[tilespmem:$0x12200] =	vst v63  }
0x42a: {  	s17 =	simm.s32 $0xDA00;
	v4 =	vperm.xlane v4, v3  }
0x42b: {  	[tilespmem:s17], [sflag:$0x1] =	stream.indirect_vreg.gather [hbm4b:s7+s2], $0x80, v5, vm0, $0xb8;
	[tilespmem:$0x12200] =	vst v63  }
0x42c: {  	s31 =	simm.s32 $0xE200;
	v4 =	vadd.s32 v2, v4  }
0x42d: {  	[tilespmem:s31], [sflag:$0x1] =	stream.indirect_vreg.gather [hbm4b:s8+s2], $0x80, v5, vm0, $0xb8;
	[tilespmem:$0x12200] =	vst v63  }
0x42e: {  	s11 =	simm.s32 $0xEA00  }
0x42f: {  	[tilespmem:s11], [sflag:$0x1] =	stream.indirect_vreg.gather [hbm4b:s9+s2], $0x80, v5, vm0, $0xb8;
	[tilespmem:$0x12200] =	vst v63  }
0x430: {  	s13 =	simm.s32 $0xF200  }
0x431: {  	[tilespmem:s13], [sflag:$0x1] =	stream.indirect_vreg.gather [hbm4b:s4+s2], $0x80, v4, vm0, $0xb8;
	[tilespmem:$0x12200] =	vst v63  }
0x432: {  	s18 =	simm.s32 $0xFA00  }
0x433: {  	[tilespmem:s18], [sflag:$0x1] =	stream.indirect_vreg.gather [hbm4b:s5+s2], $0x80, v4, vm0, $0xb8;
	[tilespmem:$0x12200] =	vst v63  }
0x434: {  	s19 =	simm.s32 $0x10200  }
0x435: {  	[tilespmem:s19], [sflag:$0x1] =	stream.indirect_vreg.gather [hbm4b:s6+s2], $0x80, v4, vm0, $0xb8;
	[tilespmem:$0x12200] =	vst v63  }
0x436: {  	s20 =	simm.s32 $0x10A00  }
0x437: {  	[tilespmem:s20], [sflag:$0x1] =	stream.indirect_vreg.gather [hbm4b:s7+s2], $0x80, v4, vm0, $0xb8;
	[tilespmem:$0x12200] =	vst v63  }
0x438: {  	s21 =	simm.s32 $0x11200  }
0x439: {  	[tilespmem:s21], [sflag:$0x1] =	stream.indirect_vreg.gather [hbm4b:s8+s2], $0x80, v4, vm0, $0xb8;
	[tilespmem:$0x12200] =	vst v63  }
0x43a: {  	s21 =	simm.s32 $0x11A00  }
0x43b: {  	[tilespmem:s21], [sflag:$0x1] =	stream.indirect_vreg.gather [hbm4b:s9+s2], $0x80, v4, vm0, $0xb8;
	[tilespmem:$0x12200] =	vst v63  }
0x43c: {  	s30 =	rddreg [dreg:$0x1c]  }
0x43d: {  	[hbm4b:s30+s2] =	stream.linear.scatter [tilespmem:s24], [sflag:$0x2], $0x6000, $0x38;
	[tilespmem:$0x12200] =	vst v63  }
0x43e: {  	_ =	swait.ge [sflag:s14], $0x6000  }
0x43f: {  	[sflag:s14] =	ssyncset.done $0x0  }
0x440: {  	[sflag:s14] =	ssyncadd.s32 $0xFFFFA000  }
0x441: {  	_ =	swait.ge [sflag:s16], $0x6000  }
0x442: {  	[sflag:s16] =	ssyncset.done $0x0  }
0x443: {  	[sflag:s16] =	ssyncadd.s32 $0xFFFFA000  }
0x444: {  	v4 =	vld [tilespmem:$0x1B0];
	_ =	sdelay $0x4  }
0x445: {  	v5 =	vshrl.u32 v4, $0x3  }
0x446: {  	v5 =	vmul.u32 $0x60, v5  }
0x447: {  	v4 =	vand.u32 $0x7, v4  }
0x448: {  	v4 =	vor.u32 v4, v5  }
0x449: {  	v5 =	vperm.xlane v4, v1;
	_ =	sdelay $0x1  }
0x44a: {  	v5 =	vadd.s32 v2, v5;
	_ =	sdelay $0x4  }
0x44b: {  	[tilespmem:s24], [sflag:$0x1] =	stream.indirect_vreg.gather [hbm4b:s4+s2], $0x80, v5, vm0, $0xb8;
	[tilespmem:$0x12200] =	vst v63  }
0x44c: {  	s30 =	simm.s32 $0xA00  }
0x44d: {  	[tilespmem:s30], [sflag:$0x1] =	stream.indirect_vreg.gather [hbm4b:s5+s2], $0x80, v5, vm0, $0xb8;
	[tilespmem:$0x12200] =	vst v63  }
0x44e: {  	s17 =	simm.s32 $0x1200  }
0x44f: {  	[tilespmem:s17], [sflag:$0x1] =	stream.indirect_vreg.gather [hbm4b:s6+s2], $0x80, v5, vm0, $0xb8;
	[tilespmem:$0x12200] =	vst v63  }
0x450: {  	s21 =	simm.s32 $0x1A00;
	v4 =	vperm.xlane v4, v3  }
0x451: {  	[tilespmem:s21], [sflag:$0x1] =	stream.indirect_vreg.gather [hbm4b:s7+s2], $0x80, v5, vm0, $0xb8;
	[tilespmem:$0x12200] =	vst v63  }
0x452: {  	v4 =	vadd.s32 v2, v4;
	s30 =	simm.s32 $0x2200  }
0x453: {  	[tilespmem:s30], [sflag:$0x1] =	stream.indirect_vreg.gather [hbm4b:s8+s2], $0x80, v5, vm0, $0xb8;
	[tilespmem:$0x12200] =	vst v63  }
0x454: {  	s17 =	simm.s32 $0x2A00  }
0x455: {  	[tilespmem:s17], [sflag:$0x1] =	stream.indirect_vreg.gather [hbm4b:s9+s2], $0x80, v5, vm0, $0xb8;
	[tilespmem:$0x12200] =	vst v63  }
0x456: {  	s21 =	simm.s32 $0x3200  }
0x457: {  	[tilespmem:s21], [sflag:$0x1] =	stream.indirect_vreg.gather [hbm4b:s4+s2], $0x80, v4, vm0, $0xb8;
	[tilespmem:$0x12200] =	vst v63  }
0x458: {  	s30 =	simm.s32 $0x3A00  }
0x459: {  	[tilespmem:s30], [sflag:$0x1] =	stream.indirect_vreg.gather [hbm4b:s5+s2], $0x80, v4, vm0, $0xb8;
	[tilespmem:$0x12200] =	vst v63  }
0x45a: {  	s0 =	simm.s32 $0x4200  }
0x45b: {  	[tilespmem:s0], [sflag:$0x1] =	stream.indirect_vreg.gather [hbm4b:s6+s2], $0x80, v4, vm0, $0xb8;
	[tilespmem:$0x12200] =	vst v63  }
0x45c: {  	s15 =	simm.s32 $0x4A00  }
0x45d: {  	[tilespmem:s15], [sflag:$0x1] =	stream.indirect_vreg.gather [hbm4b:s7+s2], $0x80, v4, vm0, $0xb8;
	[tilespmem:$0x12200] =	vst v63  }
0x45e: {  	s17 =	simm.s32 $0x5200  }
0x45f: {  	[tilespmem:s17], [sflag:$0x1] =	stream.indirect_vreg.gather [hbm4b:s8+s2], $0x80, v4, vm0, $0xb8;
	[tilespmem:$0x12200] =	vst v63  }
0x460: {  	s0 =	simm.s32 $0x5A00  }
0x461: {  	[tilespmem:s0], [sflag:$0x1] =	stream.indirect_vreg.gather [hbm4b:s9+s2], $0x80, v4, vm0, $0xb8;
	[tilespmem:$0x12200] =	vst v63  }
0x462: {  	s17 =	rddreg [dreg:$0x1d]  }
0x463: {  	[hbm4b:s17+s2] =	stream.linear.scatter [tilespmem:s12], [sflag:$0x2], $0x6000, $0x38;
	[tilespmem:$0x12200] =	vst v63  }
0x464: {  	_ =	swait.ge [sflag:s14], $0x6000  }
0x465: {  	[sflag:s14] =	ssyncset.done $0x0  }
0x466: {  	[sflag:s14] =	ssyncadd.s32 $0xFFFFA000  }
0x467: {  	_ =	swait.ge [sflag:s16], $0x6000  }
0x468: {  	[sflag:s16] =	ssyncset.done $0x0  }
0x469: {  	[sflag:s16] =	ssyncadd.s32 $0xFFFFA000  }
0x46a: {  	v4 =	vld [tilespmem:$0x1C0];
	_ =	sdelay $0x4  }
0x46b: {  	v5 =	vshrl.u32 v4, $0x3  }
0x46c: {  	v5 =	vmul.u32 $0x60, v5  }
0x46d: {  	v4 =	vand.u32 $0x7, v4  }
0x46e: {  	v4 =	vor.u32 v4, v5  }
0x46f: {  	v5 =	vperm.xlane v4, v1;
	_ =	sdelay $0x1  }
0x470: {  	v5 =	vadd.s32 v2, v5;
	_ =	sdelay $0x4  }
0x471: {  	[tilespmem:s12], [sflag:$0x1] =	stream.indirect_vreg.gather [hbm4b:s4+s2], $0x80, v5, vm0, $0xb8;
	[tilespmem:$0x12200] =	vst v63  }
0x472: {  	s3 =	simm.s32 $0x6A00  }
0x473: {  	[tilespmem:s3], [sflag:$0x1] =	stream.indirect_vreg.gather [hbm4b:s5+s2], $0x80, v5, vm0, $0xb8;
	[tilespmem:$0x12200] =	vst v63  }
0x474: {  	s3 =	simm.s32 $0x7200  }
0x475: {  	[tilespmem:s3], [sflag:$0x1] =	stream.indirect_vreg.gather [hbm4b:s6+s2], $0x80, v5, vm0, $0xb8;
	[tilespmem:$0x12200] =	vst v63  }
0x476: {  	s17 =	simm.s32 $0x7A00;
	v4 =	vperm.xlane v4, v3  }
0x477: {  	[tilespmem:s17], [sflag:$0x1] =	stream.indirect_vreg.gather [hbm4b:s7+s2], $0x80, v5, vm0, $0xb8;
	[tilespmem:$0x12200] =	vst v63  }
0x478: {  	s10 =	simm.s32 $0x8200;
	v4 =	vadd.s32 v2, v4  }
0x479: {  	[tilespmem:s10], [sflag:$0x1] =	stream.indirect_vreg.gather [hbm4b:s8+s2], $0x80, v5, vm0, $0xb8;
	[tilespmem:$0x12200] =	vst v63  }
0x47a: {  	s0 =	simm.s32 $0x8A00  }
0x47b: {  	[tilespmem:s0], [sflag:$0x1] =	stream.indirect_vreg.gather [hbm4b:s9+s2], $0x80, v5, vm0, $0xb8;
	[tilespmem:$0x12200] =	vst v63  }
0x47c: {  	s23 =	simm.s32 $0x9200  }
0x47d: {  	[tilespmem:s23], [sflag:$0x1] =	stream.indirect_vreg.gather [hbm4b:s4+s2], $0x80, v4, vm0, $0xb8;
	[tilespmem:$0x12200] =	vst v63  }
0x47e: {  	s25 =	simm.s32 $0x9A00  }
0x47f: {  	[tilespmem:s25], [sflag:$0x1] =	stream.indirect_vreg.gather [hbm4b:s5+s2], $0x80, v4, vm0, $0xb8;
	[tilespmem:$0x12200] =	vst v63  }
0x480: {  	s26 =	simm.s32 $0xA200  }
0x481: {  	[tilespmem:s26], [sflag:$0x1] =	stream.indirect_vreg.gather [hbm4b:s6+s2], $0x80, v4, vm0, $0xb8;
	[tilespmem:$0x12200] =	vst v63  }
0x482: {  	s28 =	simm.s32 $0xAA00  }
0x483: {  	[tilespmem:s28], [sflag:$0x1] =	stream.indirect_vreg.gather [hbm4b:s7+s2], $0x80, v4, vm0, $0xb8;
	[tilespmem:$0x12200] =	vst v63  }
0x484: {  	s29 =	simm.s32 $0xB200  }
0x485: {  	[tilespmem:s29], [sflag:$0x1] =	stream.indirect_vreg.gather [hbm4b:s8+s2], $0x80, v4, vm0, $0xb8;
	[tilespmem:$0x12200] =	vst v63  }
0x486: {  	s0 =	simm.s32 $0xBA00  }
0x487: {  	[tilespmem:s0], [sflag:$0x1] =	stream.indirect_vreg.gather [hbm4b:s9+s2], $0x80, v4, vm0, $0xb8;
	[tilespmem:$0x12200] =	vst v63  }
0x488: {  	s17 =	rddreg [dreg:$0x1e]  }
0x489: {  	[hbm4b:s17+s2] =	stream.linear.scatter [tilespmem:s22], [sflag:$0x2], $0x6000, $0x38;
	[tilespmem:$0x12200] =	vst v63  }
0x48a: {  	_ =	swait.ge [sflag:s14], $0x6000  }
0x48b: {  	[sflag:s14] =	ssyncset.done $0x0  }
0x48c: {  	[sflag:s14] =	ssyncadd.s32 $0xFFFFA000  }
0x48d: {  	_ =	swait.ge [sflag:s16], $0x6000  }
0x48e: {  	[sflag:s16] =	ssyncset.done $0x0  }
0x48f: {  	[sflag:s16] =	ssyncadd.s32 $0xFFFFA000  }
0x490: {  	v4 =	vld [tilespmem:$0x1D0];
	_ =	sdelay $0x4  }
0x491: {  	v5 =	vshrl.u32 v4, $0x3  }
0x492: {  	v5 =	vmul.u32 $0x60, v5  }
0x493: {  	v4 =	vand.u32 $0x7, v4  }
0x494: {  	v4 =	vor.u32 v4, v5  }
0x495: {  	v5 =	vperm.xlane v4, v1;
	_ =	sdelay $0x1  }
0x496: {  	v5 =	vadd.s32 v2, v5;
	_ =	sdelay $0x4  }
0x497: {  	[tilespmem:s22], [sflag:$0x1] =	stream.indirect_vreg.gather [hbm4b:s4+s2], $0x80, v5, vm0, $0xb8;
	[tilespmem:$0x12200] =	vst v63  }
0x498: {  	s17 =	simm.s32 $0xCA00  }
0x499: {  	[tilespmem:s17], [sflag:$0x1] =	stream.indirect_vreg.gather [hbm4b:s5+s2], $0x80, v5, vm0, $0xb8;
	[tilespmem:$0x12200] =	vst v63  }
0x49a: {  	s17 =	simm.s32 $0xD200  }
0x49b: {  	[tilespmem:s17], [sflag:$0x1] =	stream.indirect_vreg.gather [hbm4b:s6+s2], $0x80, v5, vm0, $0xb8;
	[tilespmem:$0x12200] =	vst v63  }
0x49c: {  	v4 =	vperm.xlane v4, v3;
	s17 =	simm.s32 $0xDA00  }
0x49d: {  	[tilespmem:s17], [sflag:$0x1] =	stream.indirect_vreg.gather [hbm4b:s7+s2], $0x80, v5, vm0, $0xb8;
	[tilespmem:$0x12200] =	vst v63  }
0x49e: {  	s1 =	simm.s32 $0xE200;
	v4 =	vadd.s32 v2, v4  }
0x49f: {  	[tilespmem:s1], [sflag:$0x1] =	stream.indirect_vreg.gather [hbm4b:s8+s2], $0x80, v5, vm0, $0xb8;
	[tilespmem:$0x12200] =	vst v63  }
0x4a0: {  	s31 =	simm.s32 $0xEA00  }
0x4a1: {  	[tilespmem:s31], [sflag:$0x1] =	stream.indirect_vreg.gather [hbm4b:s9+s2], $0x80, v5, vm0, $0xb8;
	[tilespmem:$0x12200] =	vst v63  }
0x4a2: {  	s11 =	simm.s32 $0xF200  }
0x4a3: {  	[tilespmem:s11], [sflag:$0x1] =	stream.indirect_vreg.gather [hbm4b:s4+s2], $0x80, v4, vm0, $0xb8;
	[tilespmem:$0x12200] =	vst v63  }
0x4a4: {  	s13 =	simm.s32 $0xFA00  }
0x4a5: {  	[tilespmem:s13], [sflag:$0x1] =	stream.indirect_vreg.gather [hbm4b:s5+s2], $0x80, v4, vm0, $0xb8;
	[tilespmem:$0x12200] =	vst v63  }
0x4a6: {  	s18 =	simm.s32 $0x10200  }
0x4a7: {  	[tilespmem:s18], [sflag:$0x1] =	stream.indirect_vreg.gather [hbm4b:s6+s2], $0x80, v4, vm0, $0xb8;
	[tilespmem:$0x12200] =	vst v63  }
0x4a8: {  	s19 =	simm.s32 $0x10A00  }
0x4a9: {  	[tilespmem:s19], [sflag:$0x1] =	stream.indirect_vreg.gather [hbm4b:s7+s2], $0x80, v4, vm0, $0xb8;
	[tilespmem:$0x12200] =	vst v63  }
0x4aa: {  	s20 =	simm.s32 $0x11200  }
0x4ab: {  	[tilespmem:s20], [sflag:$0x1] =	stream.indirect_vreg.gather [hbm4b:s8+s2], $0x80, v4, vm0, $0xb8;
	[tilespmem:$0x12200] =	vst v63  }
0x4ac: {  	s13 =	simm.s32 $0x11A00  }
0x4ad: {  	[tilespmem:s13], [sflag:$0x1] =	stream.indirect_vreg.gather [hbm4b:s9+s2], $0x80, v4, vm0, $0xb8;
	[tilespmem:$0x12200] =	vst v63  }
0x4ae: {  	s11 =	rddreg [dreg:$0x1f]  }
0x4af: {  	[hbm4b:s11+s2] =	stream.linear.scatter [tilespmem:s24], [sflag:$0x2], $0x6000, $0x38;
	[tilespmem:$0x12200] =	vst v63  }
0x4b0: {  	_ =	swait.ge [sflag:s14], $0x6000  }
0x4b1: {  	[sflag:s14] =	ssyncset.done $0x0  }
0x4b2: {  	[sflag:s14] =	ssyncadd.s32 $0xFFFFA000  }
0x4b3: {  	_ =	swait.ge [sflag:s16], $0x6000  }
0x4b4: {  	[sflag:s16] =	ssyncset.done $0x0  }
0x4b5: {  	[sflag:s16] =	ssyncadd.s32 $0xFFFFA000  }
0x4b6: {  	v4 =	vld [tilespmem:$0x1E0];
	_ =	sdelay $0x4  }
0x4b7: {  	v5 =	vshrl.u32 v4, $0x3  }
0x4b8: {  	v5 =	vmul.u32 $0x60, v5  }
0x4b9: {  	v4 =	vand.u32 $0x7, v4  }
0x4ba: {  	v4 =	vor.u32 v4, v5  }
0x4bb: {  	v5 =	vperm.xlane v4, v1;
	_ =	sdelay $0x1  }
0x4bc: {  	v5 =	vadd.s32 v2, v5;
	_ =	sdelay $0x4  }
0x4bd: {  	[tilespmem:s24], [sflag:$0x1] =	stream.indirect_vreg.gather [hbm4b:s4+s2], $0x80, v5, vm0, $0xb8;
	[tilespmem:$0x12200] =	vst v63  }
0x4be: {  	s17 =	simm.s32 $0xA00  }
0x4bf: {  	[tilespmem:s17], [sflag:$0x1] =	stream.indirect_vreg.gather [hbm4b:s5+s2], $0x80, v5, vm0, $0xb8;
	[tilespmem:$0x12200] =	vst v63  }
0x4c0: {  	s18 =	simm.s32 $0x1200  }
0x4c1: {  	[tilespmem:s18], [sflag:$0x1] =	stream.indirect_vreg.gather [hbm4b:s6+s2], $0x80, v5, vm0, $0xb8;
	[tilespmem:$0x12200] =	vst v63  }
0x4c2: {  	s19 =	simm.s32 $0x1A00;
	v4 =	vperm.xlane v4, v3  }
0x4c3: {  	[tilespmem:s19], [sflag:$0x1] =	stream.indirect_vreg.gather [hbm4b:s7+s2], $0x80, v5, vm0, $0xb8;
	[tilespmem:$0x12200] =	vst v63  }
0x4c4: {  	s20 =	simm.s32 $0x2200;
	v4 =	vadd.s32 v2, v4  }
0x4c5: {  	[tilespmem:s20], [sflag:$0x1] =	stream.indirect_vreg.gather [hbm4b:s8+s2], $0x80, v5, vm0, $0xb8;
	[tilespmem:$0x12200] =	vst v63  }
0x4c6: {  	s31 =	simm.s32 $0x2A00  }
0x4c7: {  	[tilespmem:s31], [sflag:$0x1] =	stream.indirect_vreg.gather [hbm4b:s9+s2], $0x80, v5, vm0, $0xb8;
	[tilespmem:$0x12200] =	vst v63  }
0x4c8: {  	s1 =	simm.s32 $0x3200  }
0x4c9: {  	[tilespmem:s1], [sflag:$0x1] =	stream.indirect_vreg.gather [hbm4b:s4+s2], $0x80, v4, vm0, $0xb8;
	[tilespmem:$0x12200] =	vst v63  }
0x4ca: {  	s11 =	simm.s32 $0x3A00  }
0x4cb: {  	[tilespmem:s11], [sflag:$0x1] =	stream.indirect_vreg.gather [hbm4b:s5+s2], $0x80, v4, vm0, $0xb8;
	[tilespmem:$0x12200] =	vst v63  }
0x4cc: {  	s30 =	simm.s32 $0x4200  }
0x4cd: {  	[tilespmem:s30], [sflag:$0x1] =	stream.indirect_vreg.gather [hbm4b:s6+s2], $0x80, v4, vm0, $0xb8;
	[tilespmem:$0x12200] =	vst v63  }
0x4ce: {  	s21 =	simm.s32 $0x4A00  }
0x4cf: {  	[tilespmem:s21], [sflag:$0x1] =	stream.indirect_vreg.gather [hbm4b:s7+s2], $0x80, v4, vm0, $0xb8;
	[tilespmem:$0x12200] =	vst v63  }
0x4d0: {  	s15 =	simm.s32 $0x5200  }
0x4d1: {  	[tilespmem:s15], [sflag:$0x1] =	stream.indirect_vreg.gather [hbm4b:s8+s2], $0x80, v4, vm0, $0xb8;
	[tilespmem:$0x12200] =	vst v63  }
0x4d2: {  	s13 =	sld [smem:$0x7FA];
	s15 =	simm.s32 $0x5A00  }
0x4d3: {  	[tilespmem:s15], [sflag:$0x1] =	stream.indirect_vreg.gather [hbm4b:s9+s2], $0x80, v4, vm0, $0xb8;
	[tilespmem:$0x12200] =	vst v63  }
0x4d4: {  	_ = 	snop  }
0x4d5: {  	[hbm4b:s13+s2] =	stream.linear.scatter [tilespmem:s12], [sflag:$0x2], $0x6000, $0x38;
	[tilespmem:$0x12200] =	vst v63  }
0x4d6: {  	_ =	swait.ge [sflag:s14], $0x6000  }
0x4d7: {  	[sflag:s14] =	ssyncset.done $0x0  }
0x4d8: {  	[sflag:s14] =	ssyncadd.s32 $0xFFFFA000  }
0x4d9: {  	_ =	swait.ge [sflag:s16], $0x6000  }
0x4da: {  	[sflag:s16] =	ssyncset.done $0x0  }
0x4db: {  	[sflag:s16] =	ssyncadd.s32 $0xFFFFA000  }
0x4dc: {  	v4 =	vld [tilespmem:$0x1F0];
	_ =	sdelay $0x4  }
0x4dd: {  	v5 =	vshrl.u32 v4, $0x3  }
0x4de: {  	v5 =	vmul.u32 $0x60, v5  }
0x4df: {  	v4 =	vand.u32 $0x7, v4  }
0x4e0: {  	v4 =	vor.u32 v4, v5  }
0x4e1: {  	v5 =	vperm.xlane v4, v1;
	_ =	sdelay $0x1  }
0x4e2: {  	v5 =	vadd.s32 v2, v5;
	_ =	sdelay $0x4  }
0x4e3: {  	[tilespmem:s12], [sflag:$0x1] =	stream.indirect_vreg.gather [hbm4b:s4+s2], $0x80, v5, vm0, $0xb8;
	[tilespmem:$0x12200] =	vst v63  }
0x4e4: {  	s18 =	simm.s32 $0x6A00  }
0x4e5: {  	[tilespmem:s18], [sflag:$0x1] =	stream.indirect_vreg.gather [hbm4b:s5+s2], $0x80, v5, vm0, $0xb8;
	[tilespmem:$0x12200] =	vst v63  }
0x4e6: {  	s19 =	simm.s32 $0x7200  }
0x4e7: {  	[tilespmem:s19], [sflag:$0x1] =	stream.indirect_vreg.gather [hbm4b:s6+s2], $0x80, v5, vm0, $0xb8;
	[tilespmem:$0x12200] =	vst v63  }
0x4e8: {  	s20 =	simm.s32 $0x7A00;
	v4 =	vperm.xlane v4, v3  }
0x4e9: {  	[tilespmem:s20], [sflag:$0x1] =	stream.indirect_vreg.gather [hbm4b:s7+s2], $0x80, v5, vm0, $0xb8;
	[tilespmem:$0x12200] =	vst v63  }
0x4ea: {  	s3 =	simm.s32 $0x8200;
	v4 =	vadd.s32 v2, v4  }
0x4eb: {  	[tilespmem:s3], [sflag:$0x1] =	stream.indirect_vreg.gather [hbm4b:s8+s2], $0x80, v5, vm0, $0xb8;
	[tilespmem:$0x12200] =	vst v63  }
0x4ec: {  	s10 =	simm.s32 $0x8A00  }
0x4ed: {  	[tilespmem:s10], [sflag:$0x1] =	stream.indirect_vreg.gather [hbm4b:s9+s2], $0x80, v5, vm0, $0xb8;
	[tilespmem:$0x12200] =	vst v63  }
0x4ee: {  	s23 =	simm.s32 $0x9200  }
0x4ef: {  	[tilespmem:s23], [sflag:$0x1] =	stream.indirect_vreg.gather [hbm4b:s4+s2], $0x80, v4, vm0, $0xb8;
	[tilespmem:$0x12200] =	vst v63  }
0x4f0: {  	s25 =	simm.s32 $0x9A00  }
0x4f1: {  	[tilespmem:s25], [sflag:$0x1] =	stream.indirect_vreg.gather [hbm4b:s5+s2], $0x80, v4, vm0, $0xb8;
	[tilespmem:$0x12200] =	vst v63  }
0x4f2: {  	s26 =	simm.s32 $0xA200  }
0x4f3: {  	[tilespmem:s26], [sflag:$0x1] =	stream.indirect_vreg.gather [hbm4b:s6+s2], $0x80, v4, vm0, $0xb8;
	[tilespmem:$0x12200] =	vst v63  }
0x4f4: {  	s28 =	simm.s32 $0xAA00  }
0x4f5: {  	[tilespmem:s28], [sflag:$0x1] =	stream.indirect_vreg.gather [hbm4b:s7+s2], $0x80, v4, vm0, $0xb8;
	[tilespmem:$0x12200] =	vst v63  }
0x4f6: {  	s29 =	simm.s32 $0xB200  }
0x4f7: {  	[tilespmem:s29], [sflag:$0x1] =	stream.indirect_vreg.gather [hbm4b:s8+s2], $0x80, v4, vm0, $0xb8;
	[tilespmem:$0x12200] =	vst v63  }
0x4f8: {  	s28 =	sld [smem:$0x7FB];
	s29 =	simm.s32 $0xBA00  }
0x4f9: {  	[tilespmem:s29], [sflag:$0x1] =	stream.indirect_vreg.gather [hbm4b:s9+s2], $0x80, v4, vm0, $0xb8;
	[tilespmem:$0x12200] =	vst v63  }
0x4fa: {  	_ = 	snop  }
0x4fb: {  	[hbm4b:s28+s2] =	stream.linear.scatter [tilespmem:s22], [sflag:$0x2], $0x6000, $0x38;
	[tilespmem:$0x12200] =	vst v63  }
0x4fc: {  	s21 =	sld [smem:$0x7F8];
	_ =	swait.ge [sflag:s14], $0x6000  }
0x4fd: {  	[sflag:s14] =	ssyncset.done $0x0  }
0x4fe: {  	[sflag:s14] =	ssyncadd.s32 $0xFFFFA000  }
0x4ff: {  	_ =	swait.ge [sflag:s16], $0x6000  }
0x500: {  	s30 =	sld [smem:$0x7FC]  }
0x501: {  	[sflag:s16] =	ssyncset.done $0x0  }
0x502: {  	[sflag:s16] =	ssyncadd.s32 $0xFFFFA000  }
0x503: {  	[hbm4b:s30+s2] =	stream.linear.scatter [tilespmem:s24], [sflag:$0x2], $0x6000, $0x38;
	[tilespmem:$0x12200] =	vst v63  }
0x504: {  	_ =	swait.ge [sflag:s14], $0x6000  }
0x505: {  	[sflag:s14] =	ssyncset.done $0x0  }
0x506: {  	[sflag:s14] =	ssyncadd.s32 $0xFFFFA000  }
0x507: {  	_ =	swait.ge [sflag:s16], $0x6000  }
0x508: {  	s31 =	sld [smem:$0x7FD]  }
0x509: {  	p0 =	sne.s32 s21, $0x1;
	[sflag:s16] =	ssyncset.done $0x0  }
.Ltmp0:
0x50a: {  	[sflag:s16] =	ssyncadd.s32 $0xFFFFA000;
	(pc) =	sbr.rel @p0 .LBB2_1-.Ltmp0, $4  }
0x50b: {  	[hbm4b:s31+s2] =	stream.linear.scatter [tilespmem:s12], [sflag:$0x2], $0x6000, $0x38;
	[tilespmem:$0x12200] =	vst v63  }
0x50c: {  	_ =	swait.ge [sflag:s16], $0x6000  }
0x50d: {  	[sflag:s16] =	ssyncset.done $0x0  }
0x50e: {  	s0 =	sadd.s32 $0xFFFFFFFF, s21;
	[sflag:s16] =	ssyncadd.s32 $0xFFFFA000  }
0x50f: {  	_ =	sfence.sel $0x180000  }
0x510: {  	[bflag:$0x0] =	sbarrier.arrive $0xFFFF  }
0x511: {  	_ =	strace $0x90000047  }
0x512: {  	s0 =	stileid.u32;
	[bflag:$0x2] =	sbarrier.arrive $0xFFFF  }
0x513: {  	p0 =	sne.s32 s0, $0x0;
	s0 =	rddreg [dreg:$0x3]  }
0x514: {  	s0 =	sadd.s32 @!p0 $0x100000, s0  }
0x515: {  	[sflag:s0] =	ssyncadd.tile.s32 @!p0 $0x1;
	_ =	shalt  }
.Lfunc_end2:
_tile_overlayer_lowered:
.L_overlay_start_2:
0x516: {  	(tag) =	ssettag $0x2  }
0x517: {  	s0 =	rddreg [dreg:$0x0];
	s2 =	stileid.u32  }
0x518: {  	s1 =	rddreg [dreg:$0x1];
	p0 =	sne.s32 s2, $0x0  }
0x519: {  	s3 =	rddreg [dreg:$0x2];
	[bflag:$0x3] =	sbarrier.arrive $0xFFFF;
	s2 =	simm.s32 @!p0 $0x1C03  }
0x51a: {  	[timem:s3], [sflag:s2] =	dma.local @!p0 [hbm:s0], s1  }
0x51b: {  	s0 =	simm.s32 @!p0 $0x3  }
0x51c: {  	_ =	swait.ge @!p0 [sflag:s0], s1  }
0x51d: {  	s1 =	ssub.s32 @!p0 $0x0, s1;
	[sflag:s0] =	ssyncset.done @!p0 $0x0  }
0x51e: {  	[sflag:s0] =	ssyncadd.s32 @!p0 s1  }
0x51f: {  	[bflag:$0x3] =	sbarrier.arrive $0xFFFF  }
0x520: {  	_ =	shalt  }

</sc_bundles>
